<compile_context>
chip_gen: v7x
topology: tpu7x:2x2x1
jax: 0.10.2.dev20260603
libtpu: 0.0.44.dev20260713+nightly
codegen_flags: <defaults>
</compile_context>

<pallas_src>
import functools

import jax
import jax.numpy as jnp
from jax import lax
from jax.experimental import pallas as pl
from jax.experimental.pallas import tpu as pltpu
from jax.experimental.pallas import tpu_sc as plsc

N = 10000
NPAD = 10240
E = 320000
F = 128
NC = 2
NS = 16
NW = NC * NS
L = 16
ROWS = F // NW
COLS = NPAD // L
SLICE = NPAD // NS
EC = 6400
NCHUNK = E // EC
EPT = E // NW

_mesh = plsc.VectorSubcoreMesh(
    core_axis_name="c", subcore_axis_name="s", num_cores=NC, num_subcores=NS)


def _rsqrt16(x):
    i = plsc.bitcast(x, jnp.int32)
    i = jnp.int32(0x5F3759DF) - lax.shift_right_arithmetic(i, 1)
    y = plsc.bitcast(i, jnp.float32)
    for _ in range(3):
        y = y * (jnp.float32(1.5) - jnp.float32(0.5) * x * y * y)
    return y


def _deg_body(dst_hbm, part_hbm, dst_v, hist_v, tmp_v, shared):
    c = lax.axis_index("c")
    s = lax.axis_index("s")
    w = s * NC + c

    @plsc.parallel_loop(0, COLS, unroll=4)
    def _zero(i):
        hist_v[pl.ds(i * L, L)] = jnp.zeros((L,), jnp.float32)

    pltpu.sync_copy(dst_hbm.at[pl.ds(w * EPT, EPT)], dst_v)
    ones = jnp.ones((L,), jnp.float32)

    @plsc.parallel_loop(0, EPT // L, unroll=8)
    def _acc(g):
        idx = dst_v[pl.ds(g * L, L)]
        plsc.addupdate_scatter(hist_v, [idx], ones)

    pltpu.sync_copy(hist_v, shared.at[s])
    plsc.subcore_barrier()
    pltpu.sync_copy(shared.at[:, pl.ds(s * SLICE, SLICE)], tmp_v)

    @plsc.parallel_loop(0, SLICE // L, unroll=2)
    def _red(j):
        sl = pl.ds(j * L, L)
        v = tmp_v[0, sl]
        for r in range(1, NS):
            v = v + tmp_v[r, sl]
        tmp_v[0, sl] = v

    pltpu.sync_copy(tmp_v.at[0], part_hbm.at[c, pl.ds(s * SLICE, SLICE)])


_DEG_KW = dict(
    mesh=_mesh,
    compiler_params=pltpu.CompilerParams(needs_layout_passes=False),
    out_type=jax.ShapeDtypeStruct((NC, NPAD), jnp.float32),
    scratch_types=[
        pltpu.VMEM((EPT,), jnp.int32),
        pltpu.VMEM((NPAD,), jnp.float32),
        pltpu.VMEM((NS, SLICE), jnp.float32),
        pltpu.VMEM_SHARED((NS, NPAD), jnp.float32),
    ],
)

_deg_kernel = pl.kernel(_deg_body, **_DEG_KW)


def _agg_body(u_hbm, part_hbm, src_hbm, dst_hbm, b_hbm, out_hbm,
              u_v, acc_v, dis_v, tmp_v, src_v, dst_v, b_v, sem_s, sem_d,
              sem_u, *, final):
    c = lax.axis_index("c")
    s = lax.axis_index("s")
    w = s * NC + c
    row0 = w * ROWS

    u_copy = pltpu.async_copy(u_hbm.at[pl.ds(row0, ROWS)], u_v, sem_u)

    pltpu.sync_copy(part_hbm.at[0], dis_v)
    pltpu.sync_copy(b_hbm.at[pl.ds(row0, ROWS)], b_v)

    pltpu.sync_copy(part_hbm.at[1], tmp_v)

    @plsc.parallel_loop(0, COLS, unroll=4)
    def _dis(j):
        sl = pl.ds(j * L, L)
        d = dis_v[sl] + tmp_v[sl] + jnp.float32(1.0)
        dis_v[sl] = _rsqrt16(d)

    u_copy.wait()

    @plsc.parallel_loop(0, COLS, unroll=4)
    def _scale(j):
        sl = pl.ds(j * L, L)
        d = dis_v[sl]
        for r in range(ROWS):
            t = u_v[r, sl] * d
            u_v[r, sl] = t
            acc_v[r, sl] = t

    def _start(k, b):
        off = k * EC
        pltpu.async_copy(src_hbm.at[pl.ds(off, EC)], src_v.at[b], sem_s.at[b])
        pltpu.async_copy(dst_hbm.at[pl.ds(off, EC)], dst_v.at[b], sem_d.at[b])

    def _wait(b):
        pltpu.make_async_copy(src_hbm.at[pl.ds(0, EC)], src_v.at[b],
                              sem_s.at[b]).wait()
        pltpu.make_async_copy(dst_hbm.at[pl.ds(0, EC)], dst_v.at[b],
                              sem_d.at[b]).wait()

    def _process(b):
        @plsc.parallel_loop(0, EC // L, unroll=8)
        def _edges(g):
            bb = g * L
            si = src_v[b, pl.ds(bb, L)]
            di = dst_v[b, pl.ds(bb, L)]
            for r in range(ROWS):
                rr = jnp.full((L,), r, jnp.int32)
                vals = plsc.load_gather(u_v, [rr, si])
                plsc.addupdate_scatter(acc_v, [rr, di], vals)

    _start(0, 0)

    @pl.loop(0, NCHUNK // 2)
    def _chunk(j):
        k = j * 2
        _wait(0)
        _start(k + 1, 1)
        _process(0)
        _wait(1)

        @pl.when(k + 2 < NCHUNK)
        def _():
            _start(k + 2, 0)

        _process(1)

    @plsc.parallel_loop(0, COLS, unroll=4)
    def _post(j):
        sl = pl.ds(j * L, L)
        d = dis_v[sl]
        for r in range(ROWS):
            t = acc_v[r, sl] * d
            if final:
                t = jnp.maximum(t + b_v[r, :], jnp.float32(0.0))
            acc_v[r, sl] = t

    pltpu.sync_copy(acc_v, out_hbm.at[pl.ds(row0, ROWS)])


_AGG_KW = dict(
    mesh=_mesh,
    compiler_params=pltpu.CompilerParams(needs_layout_passes=False),
    out_type=jax.ShapeDtypeStruct((F, NPAD), jnp.float32),
    scratch_types=[
        pltpu.VMEM((ROWS, NPAD), jnp.float32),
        pltpu.VMEM((ROWS, NPAD), jnp.float32),
        pltpu.VMEM((NPAD,), jnp.float32),
        pltpu.VMEM((NPAD,), jnp.float32),
        pltpu.VMEM((2, EC), jnp.int32),
        pltpu.VMEM((2, EC), jnp.int32),
        pltpu.VMEM((ROWS, L), jnp.float32),
        pltpu.SemaphoreType.DMA((2,)),
        pltpu.SemaphoreType.DMA((2,)),
        pltpu.SemaphoreType.DMA,
    ],
)

_agg_mid = pl.kernel(functools.partial(_agg_body, final=False), **_AGG_KW)
_agg_final = pl.kernel(functools.partial(_agg_body, final=True), **_AGG_KW)


def _dense_body(y_ref, w1t_ref, b1_ref, w2t_ref, out_ref):
    h = jnp.dot(w1t_ref[...], y_ref[...], preferred_element_type=jnp.float32)
    h = jnp.maximum(h + b1_ref[...], 0.0)
    out_ref[...] = jnp.dot(w2t_ref[...], h, preferred_element_type=jnp.float32)


def _dense(y, w1t, b1c, w2t):
    return pl.pallas_call(
        _dense_body,
        out_shape=jax.ShapeDtypeStruct((F, NPAD), jnp.float32),
    )(y, w1t, b1c, w2t)


def kernel(x, edge_index, W1, b1, W2, b2):
    src = edge_index[0].astype(jnp.int32)
    dst = edge_index[1].astype(jnp.int32)
    xT = jnp.zeros((F, NPAD), jnp.float32).at[:, :N].set(x.T)
    b2_bcast = jnp.tile(b2[:, None], (1, L)).astype(jnp.float32)
    zeros_b = jnp.zeros((F, L), jnp.float32)

    part = _deg_kernel(dst)
    acc1 = _agg_mid(xT, part, src, dst, zeros_b)
    g = _dense(acc1, W1.T, b1[:, None], W2.T)
    acc2 = _agg_final(g, part, src, dst, b2_bcast)
    return acc2[:, :N].T

# --- scband reference (transcript-rebuilt; emitter-appended) ---
"""Pipeline reference for scband-encoder-15461882265790 (READ-ONLY COPY).

The authoritative reference and input builder live on the scoring server;
editing this copy changes nothing except your own understanding.
"""

import jax, jax.numpy as jnp
import numpy as np

N = 10000
E = 320000
D_IN = 128
D_HID = 256
D_OUT = 128


def setup_inputs(seed: int = 0) -> dict:
    key = jax.random.key(seed)
    ks = jax.random.split(key, 6)
    x = jax.random.normal(ks[0], (N, D_IN), dtype=jnp.float32)
    edge_index = jax.random.randint(ks[1], (2, E), 0, N)
    W1 = jax.random.normal(ks[2], (D_IN, D_HID), dtype=jnp.float32) * 0.05
    b1 = jnp.zeros((D_HID,), dtype=jnp.float32)
    W2 = jax.random.normal(ks[3], (D_HID, D_OUT), dtype=jnp.float32) * 0.05
    b2 = jnp.zeros((D_OUT,), dtype=jnp.float32)
    return {"x": x, "edge_index": edge_index, "W1": W1, "b1": b1, "W2": W2, "b2": b2}


def gcn_conv(x, edge_index, W, b):
    # GCNConv: x' = D^{-1/2} (A + I) D^{-1/2} X W + b
    n = x.shape[0]
    loop = jnp.arange(n, dtype=edge_index.dtype)
    src = jnp.concatenate([edge_index[0], loop])
    dst = jnp.concatenate([edge_index[1], loop])
    h = x @ W
    deg = jnp.zeros((n,), dtype=h.dtype).at[dst].add(1.0)
    dis = jnp.where(deg > 0, jax.lax.rsqrt(jnp.maximum(deg, 1e-12)), 0.0)
    norm = dis[src] * dis[dst]
    msg = h[src] * norm[:, None]
    out = jnp.zeros((n, h.shape[1]), dtype=h.dtype).at[dst].add(msg)
    return out + b


def reference(x, edge_index, W1, b1, W2, b2):
    # Encoder with skip=False, k=2: relu(conv2(relu(conv1(x))))
    h = jax.nn.relu(gcn_conv(x, edge_index, W1, b1))
    out = jax.nn.relu(gcn_conv(h, edge_index, W2, b2))
    return out

if __name__ == "__main__":
    import jax
    _d = setup_inputs()
    print(jax.jit(kernel)(*tuple(_d.values())))

</pallas_src>

<mosaic_0001>
#map = affine_map<(d0, d1) -> (0)>
#map1 = affine_map<(d0, d1) -> (0, 0)>
module attributes {stable_mosaic.version = 14 : i64} {
  func.func @_deg_body(%arg0: i32, %arg1: i32, %arg2: memref<320000xi32, #tpu.memory_space<hbm>>, %arg3: memref<2x10240xf32, #tpu.memory_space<hbm>>, %arg4: memref<10000xi32, #tpu.memory_space<vmem>>, %arg5: memref<10240xf32, #tpu.memory_space<vmem>>, %arg6: memref<16x640xf32, #tpu.memory_space<vmem>>, %arg7: memref<16x10240xf32, #tpu.memory_space<vmem_shared>>) attributes {dimension_semantics = [#tpu.dimension_semantics<core_parallel>, #tpu.dimension_semantics<subcore_parallel>], iteration_bounds = array<i64: 2, 16>, scalar_prefetch = 0 : i64, scratch_operands = 4 : i64, tpu.core_type = #tpu.core_type<sc_vector_subcore>, window_params = [{transform_indices = #map}, {transform_indices = #map1}]} {
    %mul3A = arith.constant 2 : i32
    %mul3A_0 = arith.muli %arg1, %mul3A : i32
    %add3A = arith.addi %mul3A_0, %arg0 : i32
    %parallel_loop3A = arith.constant 0 : i32
    %parallel_loop3A_1 = arith.constant 640 : i32
    %parallel_loop3A_2 = arith.constant 1 : i32
    scf.for %parallel_loop3A_16 = %parallel_loop3A to %parallel_loop3A_1 step %parallel_loop3A_2  : i32 {
      %parallel_loop3A_17 = arith.constant 0.000000e+00 : f32
      %parallel_loop3A_18 = vector.broadcast %parallel_loop3A_17 : f32 to vector<16xf32>
      %parallel_loop3A_19 = arith.constant 16 : i32
      %parallel_loop3A_20 = arith.muli %parallel_loop3A_16, %parallel_loop3A_19 : i32
      %parallel_loop3A_21 = arith.index_cast %parallel_loop3A_20 : i32 to index
      %parallel_loop3A_22 = tpu.vector_load %arg5[%parallel_loop3A_21] {strides = array<i32>} : memref<10240xf32, #tpu.memory_space<vmem>>, vector<16xf32>,
      tpu.vector_store %arg5[%parallel_loop3A_21], %parallel_loop3A_18 {strides = array<i32>} : memref<10240xf32, #tpu.memory_space<vmem>>, vector<16xf32>,
    } {sc.loop_unroll_factor = 4 : i64, sc.parallel_access}
    %mul3A_3 = arith.constant 10000 : i32
    %mul3A_4 = arith.muli %add3A, %mul3A_3 : i32
    "tpu.region"() ({
      %run_scoped3A_16 = tpu.sem_alloc : memref<!tpu.dma_semaphore, #tpu.memory_space<semaphore_mem>>
      %dma_start3A = tpu.memref_slice %arg2[%mul3A_4] : memref<320000xi32, #tpu.memory_space<hbm>> -> memref<10000xi32, #tpu.memory_space<hbm>>
      %dma_start3A_17 = tpu.memref_slice %arg2[%mul3A_4] : memref<320000xi32, #tpu.memory_space<hbm>> -> memref<10000xi32, #tpu.memory_space<hbm>>
      tpu.enqueue_dma source(%dma_start3A_17 : memref<10000xi32, #tpu.memory_space<hbm>>) target(%arg4 : memref<10000xi32, #tpu.memory_space<vmem>>) target_semaphore(%run_scoped3A_16 : memref<!tpu.dma_semaphore, #tpu.memory_space<semaphore_mem>>)
      %dma_wait3A = tpu.memref_slice %arg2[%mul3A_4] : memref<320000xi32, #tpu.memory_space<hbm>> -> memref<10000xi32, #tpu.memory_space<hbm>>
      %dma_wait3A_18 = tpu.memref_slice %arg2[%mul3A_4] : memref<320000xi32, #tpu.memory_space<hbm>> -> memref<10000xi32, #tpu.memory_space<hbm>>
      tpu.wait_dma2 semaphore(%run_scoped3A_16 : memref<!tpu.dma_semaphore, #tpu.memory_space<semaphore_mem>>) src(%dma_wait3A_18 : memref<10000xi32, #tpu.memory_space<hbm>>) dst(%arg4 : memref<10000xi32, #tpu.memory_space<vmem>>)
      tpu.yield
    }) : () -> ()
    %broadcast_in_dim3A = arith.constant 1.000000e+00 : f32
    %broadcast_in_dim3A_5 = vector.broadcast %broadcast_in_dim3A : f32 to vector<16xf32>
    %parallel_loop3A_6 = arith.constant 0 : i32
    %parallel_loop3A_7 = arith.constant 625 : i32
    %parallel_loop3A_8 = arith.constant 1 : i32
    scf.for %parallel_loop3A_16 = %parallel_loop3A_6 to %parallel_loop3A_7 step %parallel_loop3A_8  : i32 {
      %parallel_loop3A_17 = arith.constant 16 : i32
      %parallel_loop3A_18 = arith.muli %parallel_loop3A_16, %parallel_loop3A_17 : i32
      %parallel_loop3A_19 = arith.index_cast %parallel_loop3A_18 : i32 to index
      %parallel_loop3A_20 = tpu.vector_load %arg4[%parallel_loop3A_19] {strides = array<i32>} : memref<10000xi32, #tpu.memory_space<vmem>>, vector<16xi32>,
      tpu.vector_store_idx %arg5[%parallel_loop3A_20], %broadcast_in_dim3A_5 {add = true} : memref<10240xf32, #tpu.memory_space<vmem>>[vector<16xi32>], vector<16xf32>,
    } {sc.loop_unroll_factor = 8 : i64, sc.parallel_access}
    "tpu.region"() ({
      %run_scoped3A_16 = tpu.sem_alloc : memref<!tpu.dma_semaphore, #tpu.memory_space<semaphore_mem>>
      %dma_start3A = arith.constant 0 : i32
      %dma_start3A_17 = tpu.memref_slice %arg7[%arg1, %dma_start3A] : memref<16x10240xf32, #tpu.memory_space<vmem_shared>> -> memref<1x10240xf32, #tpu.memory_space<vmem_shared>>
      %dma_start3A_18 = tpu.memref_squeeze %dma_start3A_17 : memref<1x10240xf32, #tpu.memory_space<vmem_shared>> -> memref<10240xf32, #tpu.memory_space<vmem_shared>>
      %dma_start3A_19 = arith.constant 0 : i32
      %dma_start3A_20 = tpu.memref_slice %arg7[%arg1, %dma_start3A_19] : memref<16x10240xf32, #tpu.memory_space<vmem_shared>> -> memref<1x10240xf32, #tpu.memory_space<vmem_shared>>
      %dma_start3A_21 = tpu.memref_squeeze %dma_start3A_20 : memref<1x10240xf32, #tpu.memory_space<vmem_shared>> -> memref<10240xf32, #tpu.memory_space<vmem_shared>>
      tpu.enqueue_dma source(%arg5 : memref<10240xf32, #tpu.memory_space<vmem>>) target(%dma_start3A_21 : memref<10240xf32, #tpu.memory_space<vmem_shared>>) target_semaphore(%run_scoped3A_16 : memref<!tpu.dma_semaphore, #tpu.memory_space<semaphore_mem>>)
      %dma_wait3A = arith.constant 0 : i32
      %dma_wait3A_22 = tpu.memref_slice %arg7[%arg1, %dma_wait3A] : memref<16x10240xf32, #tpu.memory_space<vmem_shared>> -> memref<1x10240xf32, #tpu.memory_space<vmem_shared>>
      %dma_wait3A_23 = tpu.memref_squeeze %dma_wait3A_22 : memref<1x10240xf32, #tpu.memory_space<vmem_shared>> -> memref<10240xf32, #tpu.memory_space<vmem_shared>>
      %dma_wait3A_24 = arith.constant 0 : i32
      %dma_wait3A_25 = tpu.memref_slice %arg7[%arg1, %dma_wait3A_24] : memref<16x10240xf32, #tpu.memory_space<vmem_shared>> -> memref<1x10240xf32, #tpu.memory_space<vmem_shared>>
      %dma_wait3A_26 = tpu.memref_squeeze %dma_wait3A_25 : memref<1x10240xf32, #tpu.memory_space<vmem_shared>> -> memref<10240xf32, #tpu.memory_space<vmem_shared>>
      tpu.wait_dma2 semaphore(%run_scoped3A_16 : memref<!tpu.dma_semaphore, #tpu.memory_space<semaphore_mem>>) src(%arg5 : memref<10240xf32, #tpu.memory_space<vmem>>) dst(%dma_wait3A_26 : memref<10240xf32, #tpu.memory_space<vmem_shared>>)
      tpu.yield
    }) : () -> ()
    %barrier3A = arith.constant 0 : index
    tpu.barrier barrier_id(%barrier3A)
    %mul3A_9 = arith.constant 640 : i32
    %mul3A_10 = arith.muli %arg1, %mul3A_9 : i32
    "tpu.region"() ({
      %run_scoped3A_16 = tpu.sem_alloc : memref<!tpu.dma_semaphore, #tpu.memory_space<semaphore_mem>>
      %dma_start3A = arith.constant 0 : i32
      %dma_start3A_17 = tpu.memref_slice %arg7[%dma_start3A, %mul3A_10] : memref<16x10240xf32, #tpu.memory_space<vmem_shared>> -> memref<16x640xf32, #tpu.memory_space<vmem_shared>>
      %dma_start3A_18 = arith.constant 0 : i32
      %dma_start3A_19 = tpu.memref_slice %arg7[%dma_start3A_18, %mul3A_10] : memref<16x10240xf32, #tpu.memory_space<vmem_shared>> -> memref<16x640xf32, #tpu.memory_space<vmem_shared>>
      tpu.enqueue_dma source(%dma_start3A_19 : memref<16x640xf32, #tpu.memory_space<vmem_shared>>) target(%arg6 : memref<16x640xf32, #tpu.memory_space<vmem>>) target_semaphore(%run_scoped3A_16 : memref<!tpu.dma_semaphore, #tpu.memory_space<semaphore_mem>>)
      %dma_wait3A = arith.constant 0 : i32
      %dma_wait3A_20 = tpu.memref_slice %arg7[%dma_wait3A, %mul3A_10] : memref<16x10240xf32, #tpu.memory_space<vmem_shared>> -> memref<16x640xf32, #tpu.memory_space<vmem_shared>>
      %dma_wait3A_21 = arith.constant 0 : i32
      %dma_wait3A_22 = tpu.memref_slice %arg7[%dma_wait3A_21, %mul3A_10] : memref<16x10240xf32, #tpu.memory_space<vmem_shared>> -> memref<16x640xf32, #tpu.memory_space<vmem_shared>>
      tpu.wait_dma2 semaphore(%run_scoped3A_16 : memref<!tpu.dma_semaphore, #tpu.memory_space<semaphore_mem>>) src(%dma_wait3A_22 : memref<16x640xf32, #tpu.memory_space<vmem_shared>>) dst(%arg6 : memref<16x640xf32, #tpu.memory_space<vmem>>)
      tpu.yield
    }) : () -> ()
    %parallel_loop3A_11 = arith.constant 0 : i32
    %parallel_loop3A_12 = arith.constant 40 : i32
    %parallel_loop3A_13 = arith.constant 1 : i32
    scf.for %parallel_loop3A_16 = %parallel_loop3A_11 to %parallel_loop3A_12 step %parallel_loop3A_13  : i32 {
      %parallel_loop3A_17 = arith.constant 16 : i32
      %parallel_loop3A_18 = arith.muli %parallel_loop3A_16, %parallel_loop3A_17 : i32
      %parallel_loop3A_19 = arith.constant 0 : i32
      %parallel_loop3A_20 = arith.index_cast %parallel_loop3A_19 : i32 to index
      %parallel_loop3A_21 = arith.index_cast %parallel_loop3A_18 : i32 to index
      %parallel_loop3A_22 = tpu.vector_load %arg6[%parallel_loop3A_20, %parallel_loop3A_21] {strides = array<i32>} : memref<16x640xf32, #tpu.memory_space<vmem>>, vector<16xf32>,
      %parallel_loop3A_23 = arith.constant 1 : i32
      %parallel_loop3A_24 = arith.index_cast %parallel_loop3A_23 : i32 to index
      %parallel_loop3A_25 = arith.index_cast %parallel_loop3A_18 : i32 to index
      %parallel_loop3A_26 = tpu.vector_load %arg6[%parallel_loop3A_24, %parallel_loop3A_25] {strides = array<i32>} : memref<16x640xf32, #tpu.memory_space<vmem>>, vector<16xf32>,
      %parallel_loop3A_27 = arith.addf %parallel_loop3A_22, %parallel_loop3A_26 : vector<16xf32>
      %parallel_loop3A_28 = arith.constant 2 : i32
      %parallel_loop3A_29 = arith.index_cast %parallel_loop3A_28 : i32 to index
      %parallel_loop3A_30 = arith.index_cast %parallel_loop3A_18 : i32 to index
      %parallel_loop3A_31 = tpu.vector_load %arg6[%parallel_loop3A_29, %parallel_loop3A_30] {strides = array<i32>} : memref<16x640xf32, #tpu.memory_space<vmem>>, vector<16xf32>,
      %parallel_loop3A_32 = arith.addf %parallel_loop3A_27, %parallel_loop3A_31 : vector<16xf32>
      %parallel_loop3A_33 = arith.constant 3 : i32
      %parallel_loop3A_34 = arith.index_cast %parallel_loop3A_33 : i32 to index
      %parallel_loop3A_35 = arith.index_cast %parallel_loop3A_18 : i32 to index
      %parallel_loop3A_36 = tpu.vector_load %arg6[%parallel_loop3A_34, %parallel_loop3A_35] {strides = array<i32>} : memref<16x640xf32, #tpu.memory_space<vmem>>, vector<16xf32>,
      %parallel_loop3A_37 = arith.addf %parallel_loop3A_32, %parallel_loop3A_36 : vector<16xf32>
      %parallel_loop3A_38 = arith.constant 4 : i32
      %parallel_loop3A_39 = arith.index_cast %parallel_loop3A_38 : i32 to index
      %parallel_loop3A_40 = arith.index_cast %parallel_loop3A_18 : i32 to index
      %parallel_loop3A_41 = tpu.vector_load %arg6[%parallel_loop3A_39, %parallel_loop3A_40] {strides = array<i32>} : memref<16x640xf32, #tpu.memory_space<vmem>>, vector<16xf32>,
      %parallel_loop3A_42 = arith.addf %parallel_loop3A_37, %parallel_loop3A_41 : vector<16xf32>
      %parallel_loop3A_43 = arith.constant 5 : i32
      %parallel_loop3A_44 = arith.index_cast %parallel_loop3A_43 : i32 to index
      %parallel_loop3A_45 = arith.index_cast %parallel_loop3A_18 : i32 to index
      %parallel_loop3A_46 = tpu.vector_load %arg6[%parallel_loop3A_44, %parallel_loop3A_45] {strides = array<i32>} : memref<16x640xf32, #tpu.memory_space<vmem>>, vector<16xf32>,
      %parallel_loop3A_47 = arith.addf %parallel_loop3A_42, %parallel_loop3A_46 : vector<16xf32>
      %parallel_loop3A_48 = arith.constant 6 : i32
      %parallel_loop3A_49 = arith.index_cast %parallel_loop3A_48 : i32 to index
      %parallel_loop3A_50 = arith.index_cast %parallel_loop3A_18 : i32 to index
      %parallel_loop3A_51 = tpu.vector_load %arg6[%parallel_loop3A_49, %parallel_loop3A_50] {strides = array<i32>} : memref<16x640xf32, #tpu.memory_space<vmem>>, vector<16xf32>,
      %parallel_loop3A_52 = arith.addf %parallel_loop3A_47, %parallel_loop3A_51 : vector<16xf32>
      %parallel_loop3A_53 = arith.constant 7 : i32
      %parallel_loop3A_54 = arith.index_cast %parallel_loop3A_53 : i32 to index
      %parallel_loop3A_55 = arith.index_cast %parallel_loop3A_18 : i32 to index
      %parallel_loop3A_56 = tpu.vector_load %arg6[%parallel_loop3A_54, %parallel_loop3A_55] {strides = array<i32>} : memref<16x640xf32, #tpu.memory_space<vmem>>, vector<16xf32>,
      %parallel_loop3A_57 = arith.addf %parallel_loop3A_52, %parallel_loop3A_56 : vector<16xf32>
      %parallel_loop3A_58 = arith.constant 8 : i32
      %parallel_loop3A_59 = arith.index_cast %parallel_loop3A_58 : i32 to index
      %parallel_loop3A_60 = arith.index_cast %parallel_loop3A_18 : i32 to index
      %parallel_loop3A_61 = tpu.vector_load %arg6[%parallel_loop3A_59, %parallel_loop3A_60] {strides = array<i32>} : memref<16x640xf32, #tpu.memory_space<vmem>>, vector<16xf32>,
      %parallel_loop3A_62 = arith.addf %parallel_loop3A_57, %parallel_loop3A_61 : vector<16xf32>
      %parallel_loop3A_63 = arith.constant 9 : i32
      %parallel_loop3A_64 = arith.index_cast %parallel_loop3A_63 : i32 to index
      %parallel_loop3A_65 = arith.index_cast %parallel_loop3A_18 : i32 to index
      %parallel_loop3A_66 = tpu.vector_load %arg6[%parallel_loop3A_64, %parallel_loop3A_65] {strides = array<i32>} : memref<16x640xf32, #tpu.memory_space<vmem>>, vector<16xf32>,
      %parallel_loop3A_67 = arith.addf %parallel_loop3A_62, %parallel_loop3A_66 : vector<16xf32>
      %parallel_loop3A_68 = arith.constant 10 : i32
      %parallel_loop3A_69 = arith.index_cast %parallel_loop3A_68 : i32 to index
      %parallel_loop3A_70 = arith.index_cast %parallel_loop3A_18 : i32 to index
      %parallel_loop3A_71 = tpu.vector_load %arg6[%parallel_loop3A_69, %parallel_loop3A_70] {strides = array<i32>} : memref<16x640xf32, #tpu.memory_space<vmem>>, vector<16xf32>,
      %parallel_loop3A_72 = arith.addf %parallel_loop3A_67, %parallel_loop3A_71 : vector<16xf32>
      %parallel_loop3A_73 = arith.constant 11 : i32
      %parallel_loop3A_74 = arith.index_cast %parallel_loop3A_73 : i32 to index
      %parallel_loop3A_75 = arith.index_cast %parallel_loop3A_18 : i32 to index
      %parallel_loop3A_76 = tpu.vector_load %arg6[%parallel_loop3A_74, %parallel_loop3A_75] {strides = array<i32>} : memref<16x640xf32, #tpu.memory_space<vmem>>, vector<16xf32>,
      %parallel_loop3A_77 = arith.addf %parallel_loop3A_72, %parallel_loop3A_76 : vector<16xf32>
      %parallel_loop3A_78 = arith.constant 12 : i32
      %parallel_loop3A_79 = arith.index_cast %parallel_loop3A_78 : i32 to index
      %parallel_loop3A_80 = arith.index_cast %parallel_loop3A_18 : i32 to index
      %parallel_loop3A_81 = tpu.vector_load %arg6[%parallel_loop3A_79, %parallel_loop3A_80] {strides = array<i32>} : memref<16x640xf32, #tpu.memory_space<vmem>>, vector<16xf32>,
      %parallel_loop3A_82 = arith.addf %parallel_loop3A_77, %parallel_loop3A_81 : vector<16xf32>
      %parallel_loop3A_83 = arith.constant 13 : i32
      %parallel_loop3A_84 = arith.index_cast %parallel_loop3A_83 : i32 to index
      %parallel_loop3A_85 = arith.index_cast %parallel_loop3A_18 : i32 to index
      %parallel_loop3A_86 = tpu.vector_load %arg6[%parallel_loop3A_84, %parallel_loop3A_85] {strides = array<i32>} : memref<16x640xf32, #tpu.memory_space<vmem>>, vector<16xf32>,
      %parallel_loop3A_87 = arith.addf %parallel_loop3A_82, %parallel_loop3A_86 : vector<16xf32>
      %parallel_loop3A_88 = arith.constant 14 : i32
      %parallel_loop3A_89 = arith.index_cast %parallel_loop3A_88 : i32 to index
      %parallel_loop3A_90 = arith.index_cast %parallel_loop3A_18 : i32 to index
      %parallel_loop3A_91 = tpu.vector_load %arg6[%parallel_loop3A_89, %parallel_loop3A_90] {strides = array<i32>} : memref<16x640xf32, #tpu.memory_space<vmem>>, vector<16xf32>,
      %parallel_loop3A_92 = arith.addf %parallel_loop3A_87, %parallel_loop3A_91 : vector<16xf32>
      %parallel_loop3A_93 = arith.constant 15 : i32
      %parallel_loop3A_94 = arith.index_cast %parallel_loop3A_93 : i32 to index
      %parallel_loop3A_95 = arith.index_cast %parallel_loop3A_18 : i32 to index
      %parallel_loop3A_96 = tpu.vector_load %arg6[%parallel_loop3A_94, %parallel_loop3A_95] {strides = array<i32>} : memref<16x640xf32, #tpu.memory_space<vmem>>, vector<16xf32>,
      %parallel_loop3A_97 = arith.addf %parallel_loop3A_92, %parallel_loop3A_96 : vector<16xf32>
      %parallel_loop3A_98 = arith.constant 0 : i32
      %parallel_loop3A_99 = arith.index_cast %parallel_loop3A_98 : i32 to index
      %parallel_loop3A_100 = arith.index_cast %parallel_loop3A_18 : i32 to index
      %parallel_loop3A_101 = tpu.vector_load %arg6[%parallel_loop3A_99, %parallel_loop3A_100] {strides = array<i32>} : memref<16x640xf32, #tpu.memory_space<vmem>>, vector<16xf32>,
      tpu.vector_store %arg6[%parallel_loop3A_99, %parallel_loop3A_100], %parallel_loop3A_97 {strides = array<i32>} : memref<16x640xf32, #tpu.memory_space<vmem>>, vector<16xf32>,
    } {sc.loop_unroll_factor = 2 : i64, sc.parallel_access}
    %mul3A_14 = arith.constant 640 : i32
    %mul3A_15 = arith.muli %arg1, %mul3A_14 : i32
    %run_scoped3A = arith.constant 0 : i32
    "tpu.region"() ({
      %run_scoped3A_16 = tpu.sem_alloc : memref<!tpu.dma_semaphore, #tpu.memory_space<semaphore_mem>>
      %dma_start3A = arith.constant 0 : i32
      %dma_start3A_17 = tpu.memref_slice %arg6[%run_scoped3A, %dma_start3A] : memref<16x640xf32, #tpu.memory_space<vmem>> -> memref<1x640xf32, #tpu.memory_space<vmem>>
      %dma_start3A_18 = tpu.memref_squeeze %dma_start3A_17 : memref<1x640xf32, #tpu.memory_space<vmem>> -> memref<640xf32, #tpu.memory_space<vmem>>
      %dma_start3A_19 = tpu.memref_slice %arg3[%arg0, %mul3A_15] : memref<2x10240xf32, #tpu.memory_space<hbm>> -> memref<1x640xf32, #tpu.memory_space<hbm>>
      %dma_start3A_20 = tpu.memref_squeeze %dma_start3A_19 : memref<1x640xf32, #tpu.memory_space<hbm>> -> memref<640xf32, #tpu.memory_space<hbm>>
      %dma_start3A_21 = tpu.memref_slice %arg3[%arg0, %mul3A_15] : memref<2x10240xf32, #tpu.memory_space<hbm>> -> memref<1x640xf32, #tpu.memory_space<hbm>>
      %dma_start3A_22 = tpu.memref_squeeze %dma_start3A_21 : memref<1x640xf32, #tpu.memory_space<hbm>> -> memref<640xf32, #tpu.memory_space<hbm>>
      %dma_start3A_23 = arith.constant 0 : i32
      %dma_start3A_24 = tpu.memref_slice %arg6[%run_scoped3A, %dma_start3A_23] : memref<16x640xf32, #tpu.memory_space<vmem>> -> memref<1x640xf32, #tpu.memory_space<vmem>>
      %dma_start3A_25 = tpu.memref_squeeze %dma_start3A_24 : memref<1x640xf32, #tpu.memory_space<vmem>> -> memref<640xf32, #tpu.memory_space<vmem>>
      tpu.enqueue_dma source(%dma_start3A_25 : memref<640xf32, #tpu.memory_space<vmem>>) target(%dma_start3A_22 : memref<640xf32, #tpu.memory_space<hbm>>) target_semaphore(%run_scoped3A_16 : memref<!tpu.dma_semaphore, #tpu.memory_space<semaphore_mem>>)
      %dma_wait3A = arith.constant 0 : i32
      %dma_wait3A_26 = tpu.memref_slice %arg6[%run_scoped3A, %dma_wait3A] : memref<16x640xf32, #tpu.memory_space<vmem>> -> memref<1x640xf32, #tpu.memory_space<vmem>>
      %dma_wait3A_27 = tpu.memref_squeeze %dma_wait3A_26 : memref<1x640xf32, #tpu.memory_space<vmem>> -> memref<640xf32, #tpu.memory_space<vmem>>
      %dma_wait3A_28 = tpu.memref_slice %arg3[%arg0, %mul3A_15] : memref<2x10240xf32, #tpu.memory_space<hbm>> -> memref<1x640xf32, #tpu.memory_space<hbm>>
      %dma_wait3A_29 = tpu.memref_squeeze %dma_wait3A_28 : memref<1x640xf32, #tpu.memory_space<hbm>> -> memref<640xf32, #tpu.memory_space<hbm>>
      %dma_wait3A_30 = tpu.memref_slice %arg3[%arg0, %mul3A_15] : memref<2x10240xf32, #tpu.memory_space<hbm>> -> memref<1x640xf32, #tpu.memory_space<hbm>>
      %dma_wait3A_31 = tpu.memref_squeeze %dma_wait3A_30 : memref<1x640xf32, #tpu.memory_space<hbm>> -> memref<640xf32, #tpu.memory_space<hbm>>
      %dma_wait3A_32 = arith.constant 0 : i32
      %dma_wait3A_33 = tpu.memref_slice %arg6[%run_scoped3A, %dma_wait3A_32] : memref<16x640xf32, #tpu.memory_space<vmem>> -> memref<1x640xf32, #tpu.memory_space<vmem>>
      %dma_wait3A_34 = tpu.memref_squeeze %dma_wait3A_33 : memref<1x640xf32, #tpu.memory_space<vmem>> -> memref<640xf32, #tpu.memory_space<vmem>>
      tpu.wait_dma2 semaphore(%run_scoped3A_16 : memref<!tpu.dma_semaphore, #tpu.memory_space<semaphore_mem>>) src(%dma_wait3A_34 : memref<640xf32, #tpu.memory_space<vmem>>) dst(%dma_wait3A_31 : memref<640xf32, #tpu.memory_space<hbm>>)
      tpu.yield
    }) : () -> ()
    return
  }
}

#map = affine_map<(d0, d1) -> (0, 0)>
#map1 = affine_map<(d0, d1) -> (0)>
module attributes {stable_mosaic.version = 14 : i64} {
  func.func @_agg_body(%arg0: i32, %arg1: i32, %arg2: memref<128x10240xf32, #tpu.memory_space<hbm>>, %arg3: memref<2x10240xf32, #tpu.memory_space<hbm>>, %arg4: memref<320000xi32, #tpu.memory_space<hbm>>, %arg5: memref<320000xi32, #tpu.memory_space<hbm>>, %arg6: memref<128x16xf32, #tpu.memory_space<hbm>>, %arg7: memref<128x10240xf32, #tpu.memory_space<hbm>>, %arg8: memref<4x10240xf32, #tpu.memory_space<vmem>>, %arg9: memref<4x10240xf32, #tpu.memory_space<vmem>>, %arg10: memref<10240xf32, #tpu.memory_space<vmem>>, %arg11: memref<10240xf32, #tpu.memory_space<vmem>>, %arg12: memref<2x6400xi32, #tpu.memory_space<vmem>>, %arg13: memref<2x6400xi32, #tpu.memory_space<vmem>>, %arg14: memref<4x16xf32, #tpu.memory_space<vmem>>, %arg15: memref<2x!tpu.dma_semaphore, #tpu.memory_space<semaphore_mem>>, %arg16: memref<2x!tpu.dma_semaphore, #tpu.memory_space<semaphore_mem>>, %arg17: memref<!tpu.dma_semaphore, #tpu.memory_space<semaphore_mem>>) attributes {dimension_semantics = [#tpu.dimension_semantics<core_parallel>, #tpu.dimension_semantics<subcore_parallel>], iteration_bounds = array<i64: 2, 16>, scalar_prefetch = 0 : i64, scratch_operands = 10 : i64, tpu.core_type = #tpu.core_type<sc_vector_subcore>, window_params = [{transform_indices = #map}, {transform_indices = #map}, {transform_indices = #map1}, {transform_indices = #map1}, {transform_indices = #map}, {transform_indices = #map}]} {
    %mul3A = arith.constant 2 : i32
    %mul3A_0 = arith.muli %arg1, %mul3A : i32
    %add3A = arith.addi %mul3A_0, %arg0 : i32
    %mul3A_1 = arith.constant 4 : i32
    %mul3A_2 = arith.muli %add3A, %mul3A_1 : i32
    %dma_start3A = arith.constant 0 : i32
    %dma_start3A_3 = tpu.memref_slice %arg2[%mul3A_2, %dma_start3A] : memref<128x10240xf32, #tpu.memory_space<hbm>> -> memref<4x10240xf32, #tpu.memory_space<hbm>>
    %dma_start3A_4 = arith.constant 0 : i32
    %dma_start3A_5 = tpu.memref_slice %arg2[%mul3A_2, %dma_start3A_4] : memref<128x10240xf32, #tpu.memory_space<hbm>> -> memref<4x10240xf32, #tpu.memory_space<hbm>>
    tpu.enqueue_dma source(%dma_start3A_5 : memref<4x10240xf32, #tpu.memory_space<hbm>>) target(%arg8 : memref<4x10240xf32, #tpu.memory_space<vmem>>) target_semaphore(%arg17 : memref<!tpu.dma_semaphore, #tpu.memory_space<semaphore_mem>>)
    %run_scoped3A = arith.constant 0 : i32
    "tpu.region"() ({
      %run_scoped3A_50 = tpu.sem_alloc : memref<!tpu.dma_semaphore, #tpu.memory_space<semaphore_mem>>
      %dma_start3A_51 = arith.constant 0 : i32
      %dma_start3A_52 = tpu.memref_slice %arg3[%run_scoped3A, %dma_start3A_51] : memref<2x10240xf32, #tpu.memory_space<hbm>> -> memref<1x10240xf32, #tpu.memory_space<hbm>>
      %dma_start3A_53 = tpu.memref_squeeze %dma_start3A_52 : memref<1x10240xf32, #tpu.memory_space<hbm>> -> memref<10240xf32, #tpu.memory_space<hbm>>
      %dma_start3A_54 = arith.constant 0 : i32
      %dma_start3A_55 = tpu.memref_slice %arg3[%run_scoped3A, %dma_start3A_54] : memref<2x10240xf32, #tpu.memory_space<hbm>> -> memref<1x10240xf32, #tpu.memory_space<hbm>>
      %dma_start3A_56 = tpu.memref_squeeze %dma_start3A_55 : memref<1x10240xf32, #tpu.memory_space<hbm>> -> memref<10240xf32, #tpu.memory_space<hbm>>
      tpu.enqueue_dma source(%dma_start3A_56 : memref<10240xf32, #tpu.memory_space<hbm>>) target(%arg10 : memref<10240xf32, #tpu.memory_space<vmem>>) target_semaphore(%run_scoped3A_50 : memref<!tpu.dma_semaphore, #tpu.memory_space<semaphore_mem>>)
      %dma_wait3A_57 = arith.constant 0 : i32
      %dma_wait3A_58 = tpu.memref_slice %arg3[%run_scoped3A, %dma_wait3A_57] : memref<2x10240xf32, #tpu.memory_space<hbm>> -> memref<1x10240xf32, #tpu.memory_space<hbm>>
      %dma_wait3A_59 = tpu.memref_squeeze %dma_wait3A_58 : memref<1x10240xf32, #tpu.memory_space<hbm>> -> memref<10240xf32, #tpu.memory_space<hbm>>
      %dma_wait3A_60 = arith.constant 0 : i32
      %dma_wait3A_61 = tpu.memref_slice %arg3[%run_scoped3A, %dma_wait3A_60] : memref<2x10240xf32, #tpu.memory_space<hbm>> -> memref<1x10240xf32, #tpu.memory_space<hbm>>
      %dma_wait3A_62 = tpu.memref_squeeze %dma_wait3A_61 : memref<1x10240xf32, #tpu.memory_space<hbm>> -> memref<10240xf32, #tpu.memory_space<hbm>>
      tpu.wait_dma2 semaphore(%run_scoped3A_50 : memref<!tpu.dma_semaphore, #tpu.memory_space<semaphore_mem>>) src(%dma_wait3A_62 : memref<10240xf32, #tpu.memory_space<hbm>>) dst(%arg10 : memref<10240xf32, #tpu.memory_space<vmem>>)
      tpu.yield
    }) : () -> ()
    "tpu.region"() ({
      %run_scoped3A_50 = tpu.sem_alloc : memref<!tpu.dma_semaphore, #tpu.memory_space<semaphore_mem>>
      %dma_start3A_51 = arith.constant 0 : i32
      %dma_start3A_52 = tpu.memref_slice %arg6[%mul3A_2, %dma_start3A_51] : memref<128x16xf32, #tpu.memory_space<hbm>> -> memref<4x16xf32, #tpu.memory_space<hbm>>
      %dma_start3A_53 = arith.constant 0 : i32
      %dma_start3A_54 = tpu.memref_slice %arg6[%mul3A_2, %dma_start3A_53] : memref<128x16xf32, #tpu.memory_space<hbm>> -> memref<4x16xf32, #tpu.memory_space<hbm>>
      tpu.enqueue_dma source(%dma_start3A_54 : memref<4x16xf32, #tpu.memory_space<hbm>>) target(%arg14 : memref<4x16xf32, #tpu.memory_space<vmem>>) target_semaphore(%run_scoped3A_50 : memref<!tpu.dma_semaphore, #tpu.memory_space<semaphore_mem>>)
      %dma_wait3A_55 = arith.constant 0 : i32
      %dma_wait3A_56 = tpu.memref_slice %arg6[%mul3A_2, %dma_wait3A_55] : memref<128x16xf32, #tpu.memory_space<hbm>> -> memref<4x16xf32, #tpu.memory_space<hbm>>
      %dma_wait3A_57 = arith.constant 0 : i32
      %dma_wait3A_58 = tpu.memref_slice %arg6[%mul3A_2, %dma_wait3A_57] : memref<128x16xf32, #tpu.memory_space<hbm>> -> memref<4x16xf32, #tpu.memory_space<hbm>>
      tpu.wait_dma2 semaphore(%run_scoped3A_50 : memref<!tpu.dma_semaphore, #tpu.memory_space<semaphore_mem>>) src(%dma_wait3A_58 : memref<4x16xf32, #tpu.memory_space<hbm>>) dst(%arg14 : memref<4x16xf32, #tpu.memory_space<vmem>>)
      tpu.yield
    }) : () -> ()
    %run_scoped3A_6 = arith.constant 1 : i32
    "tpu.region"() ({
      %run_scoped3A_50 = tpu.sem_alloc : memref<!tpu.dma_semaphore, #tpu.memory_space<semaphore_mem>>
      %dma_start3A_51 = arith.constant 0 : i32
      %dma_start3A_52 = tpu.memref_slice %arg3[%run_scoped3A_6, %dma_start3A_51] : memref<2x10240xf32, #tpu.memory_space<hbm>> -> memref<1x10240xf32, #tpu.memory_space<hbm>>
      %dma_start3A_53 = tpu.memref_squeeze %dma_start3A_52 : memref<1x10240xf32, #tpu.memory_space<hbm>> -> memref<10240xf32, #tpu.memory_space<hbm>>
      %dma_start3A_54 = arith.constant 0 : i32
      %dma_start3A_55 = tpu.memref_slice %arg3[%run_scoped3A_6, %dma_start3A_54] : memref<2x10240xf32, #tpu.memory_space<hbm>> -> memref<1x10240xf32, #tpu.memory_space<hbm>>
      %dma_start3A_56 = tpu.memref_squeeze %dma_start3A_55 : memref<1x10240xf32, #tpu.memory_space<hbm>> -> memref<10240xf32, #tpu.memory_space<hbm>>
      tpu.enqueue_dma source(%dma_start3A_56 : memref<10240xf32, #tpu.memory_space<hbm>>) target(%arg11 : memref<10240xf32, #tpu.memory_space<vmem>>) target_semaphore(%run_scoped3A_50 : memref<!tpu.dma_semaphore, #tpu.memory_space<semaphore_mem>>)
      %dma_wait3A_57 = arith.constant 0 : i32
      %dma_wait3A_58 = tpu.memref_slice %arg3[%run_scoped3A_6, %dma_wait3A_57] : memref<2x10240xf32, #tpu.memory_space<hbm>> -> memref<1x10240xf32, #tpu.memory_space<hbm>>
      %dma_wait3A_59 = tpu.memref_squeeze %dma_wait3A_58 : memref<1x10240xf32, #tpu.memory_space<hbm>> -> memref<10240xf32, #tpu.memory_space<hbm>>
      %dma_wait3A_60 = arith.constant 0 : i32
      %dma_wait3A_61 = tpu.memref_slice %arg3[%run_scoped3A_6, %dma_wait3A_60] : memref<2x10240xf32, #tpu.memory_space<hbm>> -> memref<1x10240xf32, #tpu.memory_space<hbm>>
      %dma_wait3A_62 = tpu.memref_squeeze %dma_wait3A_61 : memref<1x10240xf32, #tpu.memory_space<hbm>> -> memref<10240xf32, #tpu.memory_space<hbm>>
      tpu.wait_dma2 semaphore(%run_scoped3A_50 : memref<!tpu.dma_semaphore, #tpu.memory_space<semaphore_mem>>) src(%dma_wait3A_62 : memref<10240xf32, #tpu.memory_space<hbm>>) dst(%arg11 : memref<10240xf32, #tpu.memory_space<vmem>>)
      tpu.yield
    }) : () -> ()
    %parallel_loop3A = arith.constant 0 : i32
    %parallel_loop3A_7 = arith.constant 640 : i32
    %parallel_loop3A_8 = arith.constant 1 : i32
    scf.for %parallel_loop3A_50 = %parallel_loop3A to %parallel_loop3A_7 step %parallel_loop3A_8  : i32 {
      %parallel_loop3A_51 = arith.constant 16 : i32
      %parallel_loop3A_52 = arith.muli %parallel_loop3A_50, %parallel_loop3A_51 : i32
      %parallel_loop3A_53 = arith.index_cast %parallel_loop3A_52 : i32 to index
      %parallel_loop3A_54 = tpu.vector_load %arg10[%parallel_loop3A_53] {strides = array<i32>} : memref<10240xf32, #tpu.memory_space<vmem>>, vector<16xf32>,
      %parallel_loop3A_55 = arith.index_cast %parallel_loop3A_52 : i32 to index
      %parallel_loop3A_56 = tpu.vector_load %arg11[%parallel_loop3A_55] {strides = array<i32>} : memref<10240xf32, #tpu.memory_space<vmem>>, vector<16xf32>,
      %parallel_loop3A_57 = arith.addf %parallel_loop3A_54, %parallel_loop3A_56 : vector<16xf32>
      %parallel_loop3A_58 = arith.constant 1.000000e+00 : f32
      %parallel_loop3A_59 = vector.broadcast %parallel_loop3A_58 : f32 to vector<16xf32>
      %parallel_loop3A_60 = arith.addf %parallel_loop3A_57, %parallel_loop3A_59 : vector<16xf32>
      %parallel_loop3A_61 = vector.bitcast %parallel_loop3A_60 : vector<16xf32> to vector<16xi32>
      %parallel_loop3A_62 = arith.constant 1 : i32
      %parallel_loop3A_63 = vector.broadcast %parallel_loop3A_62 : i32 to vector<16xi32>
      %parallel_loop3A_64 = arith.shrsi %parallel_loop3A_61, %parallel_loop3A_63 : vector<16xi32>
      %parallel_loop3A_65 = arith.constant 1597463007 : i32
      %parallel_loop3A_66 = vector.broadcast %parallel_loop3A_65 : i32 to vector<16xi32>
      %parallel_loop3A_67 = arith.subi %parallel_loop3A_66, %parallel_loop3A_64 : vector<16xi32>
      %parallel_loop3A_68 = vector.bitcast %parallel_loop3A_67 : vector<16xi32> to vector<16xf32>
      %parallel_loop3A_69 = arith.constant 5.000000e-01 : f32
      %parallel_loop3A_70 = vector.broadcast %parallel_loop3A_69 : f32 to vector<16xf32>
      %parallel_loop3A_71 = arith.mulf %parallel_loop3A_70, %parallel_loop3A_60 : vector<16xf32>
      %parallel_loop3A_72 = arith.mulf %parallel_loop3A_71, %parallel_loop3A_68 : vector<16xf32>
      %parallel_loop3A_73 = arith.mulf %parallel_loop3A_72, %parallel_loop3A_68 : vector<16xf32>
      %parallel_loop3A_74 = arith.constant 1.500000e+00 : f32
      %parallel_loop3A_75 = vector.broadcast %parallel_loop3A_74 : f32 to vector<16xf32>
      %parallel_loop3A_76 = arith.subf %parallel_loop3A_75, %parallel_loop3A_73 : vector<16xf32>
      %parallel_loop3A_77 = arith.mulf %parallel_loop3A_68, %parallel_loop3A_76 : vector<16xf32>
      %parallel_loop3A_78 = arith.constant 5.000000e-01 : f32
      %parallel_loop3A_79 = vector.broadcast %parallel_loop3A_78 : f32 to vector<16xf32>
      %parallel_loop3A_80 = arith.mulf %parallel_loop3A_79, %parallel_loop3A_60 : vector<16xf32>
      %parallel_loop3A_81 = arith.mulf %parallel_loop3A_80, %parallel_loop3A_77 : vector<16xf32>
      %parallel_loop3A_82 = arith.mulf %parallel_loop3A_81, %parallel_loop3A_77 : vector<16xf32>
      %parallel_loop3A_83 = arith.constant 1.500000e+00 : f32
      %parallel_loop3A_84 = vector.broadcast %parallel_loop3A_83 : f32 to vector<16xf32>
      %parallel_loop3A_85 = arith.subf %parallel_loop3A_84, %parallel_loop3A_82 : vector<16xf32>
      %parallel_loop3A_86 = arith.mulf %parallel_loop3A_77, %parallel_loop3A_85 : vector<16xf32>
      %parallel_loop3A_87 = arith.constant 5.000000e-01 : f32
      %parallel_loop3A_88 = vector.broadcast %parallel_loop3A_87 : f32 to vector<16xf32>
      %parallel_loop3A_89 = arith.mulf %parallel_loop3A_88, %parallel_loop3A_60 : vector<16xf32>
      %parallel_loop3A_90 = arith.mulf %parallel_loop3A_89, %parallel_loop3A_86 : vector<16xf32>
      %parallel_loop3A_91 = arith.mulf %parallel_loop3A_90, %parallel_loop3A_86 : vector<16xf32>
      %parallel_loop3A_92 = arith.constant 1.500000e+00 : f32
      %parallel_loop3A_93 = vector.broadcast %parallel_loop3A_92 : f32 to vector<16xf32>
      %parallel_loop3A_94 = arith.subf %parallel_loop3A_93, %parallel_loop3A_91 : vector<16xf32>
      %parallel_loop3A_95 = arith.mulf %parallel_loop3A_86, %parallel_loop3A_94 : vector<16xf32>
      %parallel_loop3A_96 = arith.index_cast %parallel_loop3A_52 : i32 to index
      %parallel_loop3A_97 = tpu.vector_load %arg10[%parallel_loop3A_96] {strides = array<i32>} : memref<10240xf32, #tpu.memory_space<vmem>>, vector<16xf32>,
      tpu.vector_store %arg10[%parallel_loop3A_96], %parallel_loop3A_95 {strides = array<i32>} : memref<10240xf32, #tpu.memory_space<vmem>>, vector<16xf32>,
    } {sc.loop_unroll_factor = 4 : i64, sc.parallel_access}
    %dma_wait3A = arith.constant 0 : i32
    %dma_wait3A_9 = tpu.memref_slice %arg2[%mul3A_2, %dma_wait3A] : memref<128x10240xf32, #tpu.memory_space<hbm>> -> memref<4x10240xf32, #tpu.memory_space<hbm>>
    %dma_wait3A_10 = arith.constant 0 : i32
    %dma_wait3A_11 = tpu.memref_slice %arg2[%mul3A_2, %dma_wait3A_10] : memref<128x10240xf32, #tpu.memory_space<hbm>> -> memref<4x10240xf32, #tpu.memory_space<hbm>>
    tpu.wait_dma2 semaphore(%arg17 : memref<!tpu.dma_semaphore, #tpu.memory_space<semaphore_mem>>) src(%dma_wait3A_11 : memref<4x10240xf32, #tpu.memory_space<hbm>>) dst(%arg8 : memref<4x10240xf32, #tpu.memory_space<vmem>>)
    %parallel_loop3A_12 = arith.constant 0 : i32
    %parallel_loop3A_13 = arith.constant 640 : i32
    %parallel_loop3A_14 = arith.constant 1 : i32
    scf.for %parallel_loop3A_50 = %parallel_loop3A_12 to %parallel_loop3A_13 step %parallel_loop3A_14  : i32 {
      %parallel_loop3A_51 = arith.constant 16 : i32
      %parallel_loop3A_52 = arith.muli %parallel_loop3A_50, %parallel_loop3A_51 : i32
      %parallel_loop3A_53 = arith.index_cast %parallel_loop3A_52 : i32 to index
      %parallel_loop3A_54 = tpu.vector_load %arg10[%parallel_loop3A_53] {strides = array<i32>} : memref<10240xf32, #tpu.memory_space<vmem>>, vector<16xf32>,
      %parallel_loop3A_55 = arith.constant 0 : i32
      %parallel_loop3A_56 = arith.index_cast %parallel_loop3A_55 : i32 to index
      %parallel_loop3A_57 = arith.index_cast %parallel_loop3A_52 : i32 to index
      %parallel_loop3A_58 = tpu.vector_load %arg8[%parallel_loop3A_56, %parallel_loop3A_57] {strides = array<i32>} : memref<4x10240xf32, #tpu.memory_space<vmem>>, vector<16xf32>,
      %parallel_loop3A_59 = arith.mulf %parallel_loop3A_58, %parallel_loop3A_54 : vector<16xf32>
      %parallel_loop3A_60 = arith.constant 0 : i32
      %parallel_loop3A_61 = arith.index_cast %parallel_loop3A_60 : i32 to index
      %parallel_loop3A_62 = arith.index_cast %parallel_loop3A_52 : i32 to index
      %parallel_loop3A_63 = tpu.vector_load %arg8[%parallel_loop3A_61, %parallel_loop3A_62] {strides = array<i32>} : memref<4x10240xf32, #tpu.memory_space<vmem>>, vector<16xf32>,
      tpu.vector_store %arg8[%parallel_loop3A_61, %parallel_loop3A_62], %parallel_loop3A_59 {strides = array<i32>} : memref<4x10240xf32, #tpu.memory_space<vmem>>, vector<16xf32>,
      %parallel_loop3A_64 = arith.constant 0 : i32
      %parallel_loop3A_65 = arith.index_cast %parallel_loop3A_64 : i32 to index
      %parallel_loop3A_66 = arith.index_cast %parallel_loop3A_52 : i32 to index
      %parallel_loop3A_67 = tpu.vector_load %arg9[%parallel_loop3A_65, %parallel_loop3A_66] {strides = array<i32>} : memref<4x10240xf32, #tpu.memory_space<vmem>>, vector<16xf32>,
      tpu.vector_store %arg9[%parallel_loop3A_65, %parallel_loop3A_66], %parallel_loop3A_59 {strides = array<i32>} : memref<4x10240xf32, #tpu.memory_space<vmem>>, vector<16xf32>,
      %parallel_loop3A_68 = arith.constant 1 : i32
      %parallel_loop3A_69 = arith.index_cast %parallel_loop3A_68 : i32 to index
      %parallel_loop3A_70 = arith.index_cast %parallel_loop3A_52 : i32 to index
      %parallel_loop3A_71 = tpu.vector_load %arg8[%parallel_loop3A_69, %parallel_loop3A_70] {strides = array<i32>} : memref<4x10240xf32, #tpu.memory_space<vmem>>, vector<16xf32>,
      %parallel_loop3A_72 = arith.mulf %parallel_loop3A_71, %parallel_loop3A_54 : vector<16xf32>
      %parallel_loop3A_73 = arith.constant 1 : i32
      %parallel_loop3A_74 = arith.index_cast %parallel_loop3A_73 : i32 to index
      %parallel_loop3A_75 = arith.index_cast %parallel_loop3A_52 : i32 to index
      %parallel_loop3A_76 = tpu.vector_load %arg8[%parallel_loop3A_74, %parallel_loop3A_75] {strides = array<i32>} : memref<4x10240xf32, #tpu.memory_space<vmem>>, vector<16xf32>,
      tpu.vector_store %arg8[%parallel_loop3A_74, %parallel_loop3A_75], %parallel_loop3A_72 {strides = array<i32>} : memref<4x10240xf32, #tpu.memory_space<vmem>>, vector<16xf32>,
      %parallel_loop3A_77 = arith.constant 1 : i32
      %parallel_loop3A_78 = arith.index_cast %parallel_loop3A_77 : i32 to index
      %parallel_loop3A_79 = arith.index_cast %parallel_loop3A_52 : i32 to index
      %parallel_loop3A_80 = tpu.vector_load %arg9[%parallel_loop3A_78, %parallel_loop3A_79] {strides = array<i32>} : memref<4x10240xf32, #tpu.memory_space<vmem>>, vector<16xf32>,
      tpu.vector_store %arg9[%parallel_loop3A_78, %parallel_loop3A_79], %parallel_loop3A_72 {strides = array<i32>} : memref<4x10240xf32, #tpu.memory_space<vmem>>, vector<16xf32>,
      %parallel_loop3A_81 = arith.constant 2 : i32
      %parallel_loop3A_82 = arith.index_cast %parallel_loop3A_81 : i32 to index
      %parallel_loop3A_83 = arith.index_cast %parallel_loop3A_52 : i32 to index
      %parallel_loop3A_84 = tpu.vector_load %arg8[%parallel_loop3A_82, %parallel_loop3A_83] {strides = array<i32>} : memref<4x10240xf32, #tpu.memory_space<vmem>>, vector<16xf32>,
      %parallel_loop3A_85 = arith.mulf %parallel_loop3A_84, %parallel_loop3A_54 : vector<16xf32>
      %parallel_loop3A_86 = arith.constant 2 : i32
      %parallel_loop3A_87 = arith.index_cast %parallel_loop3A_86 : i32 to index
      %parallel_loop3A_88 = arith.index_cast %parallel_loop3A_52 : i32 to index
      %parallel_loop3A_89 = tpu.vector_load %arg8[%parallel_loop3A_87, %parallel_loop3A_88] {strides = array<i32>} : memref<4x10240xf32, #tpu.memory_space<vmem>>, vector<16xf32>,
      tpu.vector_store %arg8[%parallel_loop3A_87, %parallel_loop3A_88], %parallel_loop3A_85 {strides = array<i32>} : memref<4x10240xf32, #tpu.memory_space<vmem>>, vector<16xf32>,
      %parallel_loop3A_90 = arith.constant 2 : i32
      %parallel_loop3A_91 = arith.index_cast %parallel_loop3A_90 : i32 to index
      %parallel_loop3A_92 = arith.index_cast %parallel_loop3A_52 : i32 to index
      %parallel_loop3A_93 = tpu.vector_load %arg9[%parallel_loop3A_91, %parallel_loop3A_92] {strides = array<i32>} : memref<4x10240xf32, #tpu.memory_space<vmem>>, vector<16xf32>,
      tpu.vector_store %arg9[%parallel_loop3A_91, %parallel_loop3A_92], %parallel_loop3A_85 {strides = array<i32>} : memref<4x10240xf32, #tpu.memory_space<vmem>>, vector<16xf32>,
      %parallel_loop3A_94 = arith.constant 3 : i32
      %parallel_loop3A_95 = arith.index_cast %parallel_loop3A_94 : i32 to index
      %parallel_loop3A_96 = arith.index_cast %parallel_loop3A_52 : i32 to index
      %parallel_loop3A_97 = tpu.vector_load %arg8[%parallel_loop3A_95, %parallel_loop3A_96] {strides = array<i32>} : memref<4x10240xf32, #tpu.memory_space<vmem>>, vector<16xf32>,
      %parallel_loop3A_98 = arith.mulf %parallel_loop3A_97, %parallel_loop3A_54 : vector<16xf32>
      %parallel_loop3A_99 = arith.constant 3 : i32
      %parallel_loop3A_100 = arith.index_cast %parallel_loop3A_99 : i32 to index
      %parallel_loop3A_101 = arith.index_cast %parallel_loop3A_52 : i32 to index
      %parallel_loop3A_102 = tpu.vector_load %arg8[%parallel_loop3A_100, %parallel_loop3A_101] {strides = array<i32>} : memref<4x10240xf32, #tpu.memory_space<vmem>>, vector<16xf32>,
      tpu.vector_store %arg8[%parallel_loop3A_100, %parallel_loop3A_101], %parallel_loop3A_98 {strides = array<i32>} : memref<4x10240xf32, #tpu.memory_space<vmem>>, vector<16xf32>,
      %parallel_loop3A_103 = arith.constant 3 : i32
      %parallel_loop3A_104 = arith.index_cast %parallel_loop3A_103 : i32 to index
      %parallel_loop3A_105 = arith.index_cast %parallel_loop3A_52 : i32 to index
      %parallel_loop3A_106 = tpu.vector_load %arg9[%parallel_loop3A_104, %parallel_loop3A_105] {strides = array<i32>} : memref<4x10240xf32, #tpu.memory_space<vmem>>, vector<16xf32>,
      tpu.vector_store %arg9[%parallel_loop3A_104, %parallel_loop3A_105], %parallel_loop3A_98 {strides = array<i32>} : memref<4x10240xf32, #tpu.memory_space<vmem>>, vector<16xf32>,
    } {sc.loop_unroll_factor = 4 : i64, sc.parallel_access}
    %dma_start3A_15 = arith.constant 0 : i32
    %dma_start3A_16 = arith.constant 0 : i32
    %dma_start3A_17 = arith.constant 0 : i32
    %dma_start3A_18 = tpu.memref_slice %arg12[%dma_start3A_15, %dma_start3A_17] : memref<2x6400xi32, #tpu.memory_space<vmem>> -> memref<1x6400xi32, #tpu.memory_space<vmem>>
    %dma_start3A_19 = tpu.memref_squeeze %dma_start3A_18 : memref<1x6400xi32, #tpu.memory_space<vmem>> -> memref<6400xi32, #tpu.memory_space<vmem>>
    %dma_start3A_20 = arith.constant 0 : i32
    %dma_start3A_21 = tpu.memref_slice %arg4[%dma_start3A_20] : memref<320000xi32, #tpu.memory_space<hbm>> -> memref<6400xi32, #tpu.memory_space<hbm>>
    %dma_start3A_22 = tpu.memref_slice %arg15[%dma_start3A_16] : memref<2x!tpu.dma_semaphore, #tpu.memory_space<semaphore_mem>> -> memref<1x!tpu.dma_semaphore, #tpu.memory_space<semaphore_mem>>
    %dma_start3A_23 = tpu.memref_squeeze %dma_start3A_22 : memref<1x!tpu.dma_semaphore, #tpu.memory_space<semaphore_mem>> -> memref<!tpu.dma_semaphore, #tpu.memory_space<semaphore_mem>>
    %dma_start3A_24 = arith.constant 0 : i32
    %dma_start3A_25 = tpu.memref_slice %arg12[%dma_start3A_15, %dma_start3A_24] : memref<2x6400xi32, #tpu.memory_space<vmem>> -> memref<1x6400xi32, #tpu.memory_space<vmem>>
    %dma_start3A_26 = tpu.memref_squeeze %dma_start3A_25 : memref<1x6400xi32, #tpu.memory_space<vmem>> -> memref<6400xi32, #tpu.memory_space<vmem>>
    %dma_start3A_27 = arith.constant 0 : i32
    %dma_start3A_28 = tpu.memref_slice %arg4[%dma_start3A_27] : memref<320000xi32, #tpu.memory_space<hbm>> -> memref<6400xi32, #tpu.memory_space<hbm>>
    tpu.enqueue_dma source(%dma_start3A_28 : memref<6400xi32, #tpu.memory_space<hbm>>) target(%dma_start3A_26 : memref<6400xi32, #tpu.memory_space<vmem>>) target_semaphore(%dma_start3A_23 : memref<!tpu.dma_semaphore, #tpu.memory_space<semaphore_mem>>)
    %dma_start3A_29 = arith.constant 0 : i32
    %dma_start3A_30 = arith.constant 0 : i32
    %dma_start3A_31 = arith.constant 0 : i32
    %dma_start3A_32 = tpu.memref_slice %arg13[%dma_start3A_29, %dma_start3A_31] : memref<2x6400xi32, #tpu.memory_space<vmem>> -> memref<1x6400xi32, #tpu.memory_space<vmem>>
    %dma_start3A_33 = tpu.memref_squeeze %dma_start3A_32 : memref<1x6400xi32, #tpu.memory_space<vmem>> -> memref<6400xi32, #tpu.memory_space<vmem>>
    %dma_start3A_34 = arith.constant 0 : i32
    %dma_start3A_35 = tpu.memref_slice %arg5[%dma_start3A_34] : memref<320000xi32, #tpu.memory_space<hbm>> -> memref<6400xi32, #tpu.memory_space<hbm>>
    %dma_start3A_36 = tpu.memref_slice %arg16[%dma_start3A_30] : memref<2x!tpu.dma_semaphore, #tpu.memory_space<semaphore_mem>> -> memref<1x!tpu.dma_semaphore, #tpu.memory_space<semaphore_mem>>
    %dma_start3A_37 = tpu.memref_squeeze %dma_start3A_36 : memref<1x!tpu.dma_semaphore, #tpu.memory_space<semaphore_mem>> -> memref<!tpu.dma_semaphore, #tpu.memory_space<semaphore_mem>>
    %dma_start3A_38 = arith.constant 0 : i32
    %dma_start3A_39 = tpu.memref_slice %arg13[%dma_start3A_29, %dma_start3A_38] : memref<2x6400xi32, #tpu.memory_space<vmem>> -> memref<1x6400xi32, #tpu.memory_space<vmem>>
    %dma_start3A_40 = tpu.memref_squeeze %dma_start3A_39 : memref<1x6400xi32, #tpu.memory_space<vmem>> -> memref<6400xi32, #tpu.memory_space<vmem>>
    %dma_start3A_41 = arith.constant 0 : i32
    %dma_start3A_42 = tpu.memref_slice %arg5[%dma_start3A_41] : memref<320000xi32, #tpu.memory_space<hbm>> -> memref<6400xi32, #tpu.memory_space<hbm>>
    tpu.enqueue_dma source(%dma_start3A_42 : memref<6400xi32, #tpu.memory_space<hbm>>) target(%dma_start3A_40 : memref<6400xi32, #tpu.memory_space<vmem>>) target_semaphore(%dma_start3A_37 : memref<!tpu.dma_semaphore, #tpu.memory_space<semaphore_mem>>)
    %scan3A = arith.constant 0 : i32
    %scan3A_43 = arith.constant 25 : i32
    %scan3A_44 = arith.addi %scan3A, %scan3A_43 : i32
    %scan3A_45 = arith.constant 1 : i32
    scf.for %scan3A_50 = %scan3A to %scan3A_44 step %scan3A_45  : i32 {
      %mul3A_51 = arith.constant 1 : i32
      %mul3A_52 = arith.muli %scan3A_50, %mul3A_51 : i32
      %add3A_53 = arith.constant 0 : i32
      %add3A_54 = arith.addi %add3A_53, %mul3A_52 : i32
      %mul3A_55 = arith.constant 2 : i32
      %mul3A_56 = arith.muli %add3A_54, %mul3A_55 : i32
      %dma_wait3A_57 = arith.constant 0 : i32
      %dma_wait3A_58 = arith.constant 0 : i32
      %dma_wait3A_59 = arith.constant 0 : i32
      %dma_wait3A_60 = tpu.memref_slice %arg12[%dma_wait3A_57, %dma_wait3A_59] : memref<2x6400xi32, #tpu.memory_space<vmem>> -> memref<1x6400xi32, #tpu.memory_space<vmem>>
      %dma_wait3A_61 = tpu.memref_squeeze %dma_wait3A_60 : memref<1x6400xi32, #tpu.memory_space<vmem>> -> memref<6400xi32, #tpu.memory_space<vmem>>
      %dma_wait3A_62 = arith.constant 0 : i32
      %dma_wait3A_63 = tpu.memref_slice %arg4[%dma_wait3A_62] : memref<320000xi32, #tpu.memory_space<hbm>> -> memref<6400xi32, #tpu.memory_space<hbm>>
      %dma_wait3A_64 = tpu.memref_slice %arg15[%dma_wait3A_58] : memref<2x!tpu.dma_semaphore, #tpu.memory_space<semaphore_mem>> -> memref<1x!tpu.dma_semaphore, #tpu.memory_space<semaphore_mem>>
      %dma_wait3A_65 = tpu.memref_squeeze %dma_wait3A_64 : memref<1x!tpu.dma_semaphore, #tpu.memory_space<semaphore_mem>> -> memref<!tpu.dma_semaphore, #tpu.memory_space<semaphore_mem>>
      %dma_wait3A_66 = arith.constant 0 : i32
      %dma_wait3A_67 = tpu.memref_slice %arg12[%dma_wait3A_57, %dma_wait3A_66] : memref<2x6400xi32, #tpu.memory_space<vmem>> -> memref<1x6400xi32, #tpu.memory_space<vmem>>
      %dma_wait3A_68 = tpu.memref_squeeze %dma_wait3A_67 : memref<1x6400xi32, #tpu.memory_space<vmem>> -> memref<6400xi32, #tpu.memory_space<vmem>>
      %dma_wait3A_69 = arith.constant 0 : i32
      %dma_wait3A_70 = tpu.memref_slice %arg4[%dma_wait3A_69] : memref<320000xi32, #tpu.memory_space<hbm>> -> memref<6400xi32, #tpu.memory_space<hbm>>
      tpu.wait_dma2 semaphore(%dma_wait3A_65 : memref<!tpu.dma_semaphore, #tpu.memory_space<semaphore_mem>>) src(%dma_wait3A_70 : memref<6400xi32, #tpu.memory_space<hbm>>) dst(%dma_wait3A_68 : memref<6400xi32, #tpu.memory_space<vmem>>)
      %dma_wait3A_71 = arith.constant 0 : i32
      %dma_wait3A_72 = arith.constant 0 : i32
      %dma_wait3A_73 = arith.constant 0 : i32
      %dma_wait3A_74 = tpu.memref_slice %arg13[%dma_wait3A_71, %dma_wait3A_73] : memref<2x6400xi32, #tpu.memory_space<vmem>> -> memref<1x6400xi32, #tpu.memory_space<vmem>>
      %dma_wait3A_75 = tpu.memref_squeeze %dma_wait3A_74 : memref<1x6400xi32, #tpu.memory_space<vmem>> -> memref<6400xi32, #tpu.memory_space<vmem>>
      %dma_wait3A_76 = arith.constant 0 : i32
      %dma_wait3A_77 = tpu.memref_slice %arg5[%dma_wait3A_76] : memref<320000xi32, #tpu.memory_space<hbm>> -> memref<6400xi32, #tpu.memory_space<hbm>>
      %dma_wait3A_78 = tpu.memref_slice %arg16[%dma_wait3A_72] : memref<2x!tpu.dma_semaphore, #tpu.memory_space<semaphore_mem>> -> memref<1x!tpu.dma_semaphore, #tpu.memory_space<semaphore_mem>>
      %dma_wait3A_79 = tpu.memref_squeeze %dma_wait3A_78 : memref<1x!tpu.dma_semaphore, #tpu.memory_space<semaphore_mem>> -> memref<!tpu.dma_semaphore, #tpu.memory_space<semaphore_mem>>
      %dma_wait3A_80 = arith.constant 0 : i32
      %dma_wait3A_81 = tpu.memref_slice %arg13[%dma_wait3A_71, %dma_wait3A_80] : memref<2x6400xi32, #tpu.memory_space<vmem>> -> memref<1x6400xi32, #tpu.memory_space<vmem>>
      %dma_wait3A_82 = tpu.memref_squeeze %dma_wait3A_81 : memref<1x6400xi32, #tpu.memory_space<vmem>> -> memref<6400xi32, #tpu.memory_space<vmem>>
      %dma_wait3A_83 = arith.constant 0 : i32
      %dma_wait3A_84 = tpu.memref_slice %arg5[%dma_wait3A_83] : memref<320000xi32, #tpu.memory_space<hbm>> -> memref<6400xi32, #tpu.memory_space<hbm>>
      tpu.wait_dma2 semaphore(%dma_wait3A_79 : memref<!tpu.dma_semaphore, #tpu.memory_space<semaphore_mem>>) src(%dma_wait3A_84 : memref<6400xi32, #tpu.memory_space<hbm>>) dst(%dma_wait3A_82 : memref<6400xi32, #tpu.memory_space<vmem>>)
      %add3A_85 = arith.constant 1 : i32
      %add3A_86 = arith.addi %mul3A_56, %add3A_85 : i32
      %mul3A_87 = arith.constant 6400 : i32
      %mul3A_88 = arith.muli %add3A_86, %mul3A_87 : i32
      %dma_start3A_89 = arith.constant 1 : i32
      %dma_start3A_90 = arith.constant 1 : i32
      %dma_start3A_91 = arith.constant 0 : i32
      %dma_start3A_92 = tpu.memref_slice %arg12[%dma_start3A_89, %dma_start3A_91] : memref<2x6400xi32, #tpu.memory_space<vmem>> -> memref<1x6400xi32, #tpu.memory_space<vmem>>
      %dma_start3A_93 = tpu.memref_squeeze %dma_start3A_92 : memref<1x6400xi32, #tpu.memory_space<vmem>> -> memref<6400xi32, #tpu.memory_space<vmem>>
      %dma_start3A_94 = tpu.memref_slice %arg4[%mul3A_88] : memref<320000xi32, #tpu.memory_space<hbm>> -> memref<6400xi32, #tpu.memory_space<hbm>>
      %dma_start3A_95 = tpu.memref_slice %arg15[%dma_start3A_90] : memref<2x!tpu.dma_semaphore, #tpu.memory_space<semaphore_mem>> -> memref<1x!tpu.dma_semaphore, #tpu.memory_space<semaphore_mem>>
      %dma_start3A_96 = tpu.memref_squeeze %dma_start3A_95 : memref<1x!tpu.dma_semaphore, #tpu.memory_space<semaphore_mem>> -> memref<!tpu.dma_semaphore, #tpu.memory_space<semaphore_mem>>
      %dma_start3A_97 = arith.constant 0 : i32
      %dma_start3A_98 = tpu.memref_slice %arg12[%dma_start3A_89, %dma_start3A_97] : memref<2x6400xi32, #tpu.memory_space<vmem>> -> memref<1x6400xi32, #tpu.memory_space<vmem>>
      %dma_start3A_99 = tpu.memref_squeeze %dma_start3A_98 : memref<1x6400xi32, #tpu.memory_space<vmem>> -> memref<6400xi32, #tpu.memory_space<vmem>>
      %dma_start3A_100 = tpu.memref_slice %arg4[%mul3A_88] : memref<320000xi32, #tpu.memory_space<hbm>> -> memref<6400xi32, #tpu.memory_space<hbm>>
      tpu.enqueue_dma source(%dma_start3A_100 : memref<6400xi32, #tpu.memory_space<hbm>>) target(%dma_start3A_99 : memref<6400xi32, #tpu.memory_space<vmem>>) target_semaphore(%dma_start3A_96 : memref<!tpu.dma_semaphore, #tpu.memory_space<semaphore_mem>>)
      %dma_start3A_101 = arith.constant 1 : i32
      %dma_start3A_102 = arith.constant 1 : i32
      %dma_start3A_103 = arith.constant 0 : i32
      %dma_start3A_104 = tpu.memref_slice %arg13[%dma_start3A_101, %dma_start3A_103] : memref<2x6400xi32, #tpu.memory_space<vmem>> -> memref<1x6400xi32, #tpu.memory_space<vmem>>
      %dma_start3A_105 = tpu.memref_squeeze %dma_start3A_104 : memref<1x6400xi32, #tpu.memory_space<vmem>> -> memref<6400xi32, #tpu.memory_space<vmem>>
      %dma_start3A_106 = tpu.memref_slice %arg5[%mul3A_88] : memref<320000xi32, #tpu.memory_space<hbm>> -> memref<6400xi32, #tpu.memory_space<hbm>>
      %dma_start3A_107 = tpu.memref_slice %arg16[%dma_start3A_102] : memref<2x!tpu.dma_semaphore, #tpu.memory_space<semaphore_mem>> -> memref<1x!tpu.dma_semaphore, #tpu.memory_space<semaphore_mem>>
      %dma_start3A_108 = tpu.memref_squeeze %dma_start3A_107 : memref<1x!tpu.dma_semaphore, #tpu.memory_space<semaphore_mem>> -> memref<!tpu.dma_semaphore, #tpu.memory_space<semaphore_mem>>
      %dma_start3A_109 = arith.constant 0 : i32
      %dma_start3A_110 = tpu.memref_slice %arg13[%dma_start3A_101, %dma_start3A_109] : memref<2x6400xi32, #tpu.memory_space<vmem>> -> memref<1x6400xi32, #tpu.memory_space<vmem>>
      %dma_start3A_111 = tpu.memref_squeeze %dma_start3A_110 : memref<1x6400xi32, #tpu.memory_space<vmem>> -> memref<6400xi32, #tpu.memory_space<vmem>>
      %dma_start3A_112 = tpu.memref_slice %arg5[%mul3A_88] : memref<320000xi32, #tpu.memory_space<hbm>> -> memref<6400xi32, #tpu.memory_space<hbm>>
      tpu.enqueue_dma source(%dma_start3A_112 : memref<6400xi32, #tpu.memory_space<hbm>>) target(%dma_start3A_111 : memref<6400xi32, #tpu.memory_space<vmem>>) target_semaphore(%dma_start3A_108 : memref<!tpu.dma_semaphore, #tpu.memory_space<semaphore_mem>>)
      %parallel_loop3A_113 = arith.constant 0 : i32
      %parallel_loop3A_114 = arith.constant 400 : i32
      %parallel_loop3A_115 = arith.constant 1 : i32
      scf.for %parallel_loop3A_151 = %parallel_loop3A_113 to %parallel_loop3A_114 step %parallel_loop3A_115  : i32 {
        %parallel_loop3A_152 = arith.constant 16 : i32
        %parallel_loop3A_153 = arith.muli %parallel_loop3A_151, %parallel_loop3A_152 : i32
        %parallel_loop3A_154 = arith.constant 0 : i32
        %parallel_loop3A_155 = arith.index_cast %parallel_loop3A_154 : i32 to index
        %parallel_loop3A_156 = arith.index_cast %parallel_loop3A_153 : i32 to index
        %parallel_loop3A_157 = tpu.vector_load %arg12[%parallel_loop3A_155, %parallel_loop3A_156] {strides = array<i32>} : memref<2x6400xi32, #tpu.memory_space<vmem>>, vector<16xi32>,
        %parallel_loop3A_158 = arith.constant 0 : i32
        %parallel_loop3A_159 = arith.index_cast %parallel_loop3A_158 : i32 to index
        %parallel_loop3A_160 = arith.index_cast %parallel_loop3A_153 : i32 to index
        %parallel_loop3A_161 = tpu.vector_load %arg13[%parallel_loop3A_159, %parallel_loop3A_160] {strides = array<i32>} : memref<2x6400xi32, #tpu.memory_space<vmem>>, vector<16xi32>,
        %parallel_loop3A_162 = arith.constant 0 : i32
        %parallel_loop3A_163 = vector.broadcast %parallel_loop3A_162 : i32 to vector<16xi32>
        %parallel_loop3A_164 = tpu.vector_load_idx %arg8[%parallel_loop3A_163, %parallel_loop3A_157] : memref<4x10240xf32, #tpu.memory_space<vmem>>[vector<16xi32>, vector<16xi32>], vector<16xf32>,
        tpu.vector_store_idx %arg9[%parallel_loop3A_163, %parallel_loop3A_161], %parallel_loop3A_164 {add = true} : memref<4x10240xf32, #tpu.memory_space<vmem>>[vector<16xi32>, vector<16xi32>], vector<16xf32>,
        %parallel_loop3A_165 = arith.constant 1 : i32
        %parallel_loop3A_166 = vector.broadcast %parallel_loop3A_165 : i32 to vector<16xi32>
        %parallel_loop3A_167 = tpu.vector_load_idx %arg8[%parallel_loop3A_166, %parallel_loop3A_157] : memref<4x10240xf32, #tpu.memory_space<vmem>>[vector<16xi32>, vector<16xi32>], vector<16xf32>,
        tpu.vector_store_idx %arg9[%parallel_loop3A_166, %parallel_loop3A_161], %parallel_loop3A_167 {add = true} : memref<4x10240xf32, #tpu.memory_space<vmem>>[vector<16xi32>, vector<16xi32>], vector<16xf32>,
        %parallel_loop3A_168 = arith.constant 2 : i32
        %parallel_loop3A_169 = vector.broadcast %parallel_loop3A_168 : i32 to vector<16xi32>
        %parallel_loop3A_170 = tpu.vector_load_idx %arg8[%parallel_loop3A_169, %parallel_loop3A_157] : memref<4x10240xf32, #tpu.memory_space<vmem>>[vector<16xi32>, vector<16xi32>], vector<16xf32>,
        tpu.vector_store_idx %arg9[%parallel_loop3A_169, %parallel_loop3A_161], %parallel_loop3A_170 {add = true} : memref<4x10240xf32, #tpu.memory_space<vmem>>[vector<16xi32>, vector<16xi32>], vector<16xf32>,
        %parallel_loop3A_171 = arith.constant 3 : i32
        %parallel_loop3A_172 = vector.broadcast %parallel_loop3A_171 : i32 to vector<16xi32>
        %parallel_loop3A_173 = tpu.vector_load_idx %arg8[%parallel_loop3A_172, %parallel_loop3A_157] : memref<4x10240xf32, #tpu.memory_space<vmem>>[vector<16xi32>, vector<16xi32>], vector<16xf32>,
        tpu.vector_store_idx %arg9[%parallel_loop3A_172, %parallel_loop3A_161], %parallel_loop3A_173 {add = true} : memref<4x10240xf32, #tpu.memory_space<vmem>>[vector<16xi32>, vector<16xi32>], vector<16xf32>,
      } {sc.loop_unroll_factor = 8 : i64, sc.parallel_access}
      %dma_wait3A_116 = arith.constant 1 : i32
      %dma_wait3A_117 = arith.constant 1 : i32
      %dma_wait3A_118 = arith.constant 0 : i32
      %dma_wait3A_119 = tpu.memref_slice %arg12[%dma_wait3A_116, %dma_wait3A_118] : memref<2x6400xi32, #tpu.memory_space<vmem>> -> memref<1x6400xi32, #tpu.memory_space<vmem>>
      %dma_wait3A_120 = tpu.memref_squeeze %dma_wait3A_119 : memref<1x6400xi32, #tpu.memory_space<vmem>> -> memref<6400xi32, #tpu.memory_space<vmem>>
      %dma_wait3A_121 = arith.constant 0 : i32
      %dma_wait3A_122 = tpu.memref_slice %arg4[%dma_wait3A_121] : memref<320000xi32, #tpu.memory_space<hbm>> -> memref<6400xi32, #tpu.memory_space<hbm>>
      %dma_wait3A_123 = tpu.memref_slice %arg15[%dma_wait3A_117] : memref<2x!tpu.dma_semaphore, #tpu.memory_space<semaphore_mem>> -> memref<1x!tpu.dma_semaphore, #tpu.memory_space<semaphore_mem>>
      %dma_wait3A_124 = tpu.memref_squeeze %dma_wait3A_123 : memref<1x!tpu.dma_semaphore, #tpu.memory_space<semaphore_mem>> -> memref<!tpu.dma_semaphore, #tpu.memory_space<semaphore_mem>>
      %dma_wait3A_125 = arith.constant 0 : i32
      %dma_wait3A_126 = tpu.memref_slice %arg12[%dma_wait3A_116, %dma_wait3A_125] : memref<2x6400xi32, #tpu.memory_space<vmem>> -> memref<1x6400xi32, #tpu.memory_space<vmem>>
      %dma_wait3A_127 = tpu.memref_squeeze %dma_wait3A_126 : memref<1x6400xi32, #tpu.memory_space<vmem>> -> memref<6400xi32, #tpu.memory_space<vmem>>
      %dma_wait3A_128 = arith.constant 0 : i32
      %dma_wait3A_129 = tpu.memref_slice %arg4[%dma_wait3A_128] : memref<320000xi32, #tpu.memory_space<hbm>> -> memref<6400xi32, #tpu.memory_space<hbm>>
      tpu.wait_dma2 semaphore(%dma_wait3A_124 : memref<!tpu.dma_semaphore, #tpu.memory_space<semaphore_mem>>) src(%dma_wait3A_129 : memref<6400xi32, #tpu.memory_space<hbm>>) dst(%dma_wait3A_127 : memref<6400xi32, #tpu.memory_space<vmem>>)
      %dma_wait3A_130 = arith.constant 1 : i32
      %dma_wait3A_131 = arith.constant 1 : i32
      %dma_wait3A_132 = arith.constant 0 : i32
      %dma_wait3A_133 = tpu.memref_slice %arg13[%dma_wait3A_130, %dma_wait3A_132] : memref<2x6400xi32, #tpu.memory_space<vmem>> -> memref<1x6400xi32, #tpu.memory_space<vmem>>
      %dma_wait3A_134 = tpu.memref_squeeze %dma_wait3A_133 : memref<1x6400xi32, #tpu.memory_space<vmem>> -> memref<6400xi32, #tpu.memory_space<vmem>>
      %dma_wait3A_135 = arith.constant 0 : i32
      %dma_wait3A_136 = tpu.memref_slice %arg5[%dma_wait3A_135] : memref<320000xi32, #tpu.memory_space<hbm>> -> memref<6400xi32, #tpu.memory_space<hbm>>
      %dma_wait3A_137 = tpu.memref_slice %arg16[%dma_wait3A_131] : memref<2x!tpu.dma_semaphore, #tpu.memory_space<semaphore_mem>> -> memref<1x!tpu.dma_semaphore, #tpu.memory_space<semaphore_mem>>
      %dma_wait3A_138 = tpu.memref_squeeze %dma_wait3A_137 : memref<1x!tpu.dma_semaphore, #tpu.memory_space<semaphore_mem>> -> memref<!tpu.dma_semaphore, #tpu.memory_space<semaphore_mem>>
      %dma_wait3A_139 = arith.constant 0 : i32
      %dma_wait3A_140 = tpu.memref_slice %arg13[%dma_wait3A_130, %dma_wait3A_139] : memref<2x6400xi32, #tpu.memory_space<vmem>> -> memref<1x6400xi32, #tpu.memory_space<vmem>>
      %dma_wait3A_141 = tpu.memref_squeeze %dma_wait3A_140 : memref<1x6400xi32, #tpu.memory_space<vmem>> -> memref<6400xi32, #tpu.memory_space<vmem>>
      %dma_wait3A_142 = arith.constant 0 : i32
      %dma_wait3A_143 = tpu.memref_slice %arg5[%dma_wait3A_142] : memref<320000xi32, #tpu.memory_space<hbm>> -> memref<6400xi32, #tpu.memory_space<hbm>>
      tpu.wait_dma2 semaphore(%dma_wait3A_138 : memref<!tpu.dma_semaphore, #tpu.memory_space<semaphore_mem>>) src(%dma_wait3A_143 : memref<6400xi32, #tpu.memory_space<hbm>>) dst(%dma_wait3A_141 : memref<6400xi32, #tpu.memory_space<vmem>>)
      %add3A_144 = arith.constant 2 : i32
      %add3A_145 = arith.addi %mul3A_56, %add3A_144 : i32
      %lt3A = arith.constant 50 : i32
      %lt3A_146 = arith.cmpi slt, %add3A_145, %lt3A : i32
      %convert_element_type3A = arith.extui %lt3A_146 : i1 to i32
      %cond3A = arith.constant 0 : i32
      %cond3A_147 = arith.cmpi ne, %convert_element_type3A, %cond3A : i32
      scf.if %cond3A_147 {
        %add3A_151 = arith.constant 2 : i32
        %add3A_152 = arith.addi %mul3A_56, %add3A_151 : i32
        %mul3A_153 = arith.constant 6400 : i32
        %mul3A_154 = arith.muli %add3A_152, %mul3A_153 : i32
        %dma_start3A_155 = arith.constant 0 : i32
        %dma_start3A_156 = arith.constant 0 : i32
        %dma_start3A_157 = arith.constant 0 : i32
        %dma_start3A_158 = tpu.memref_slice %arg12[%dma_start3A_155, %dma_start3A_157] : memref<2x6400xi32, #tpu.memory_space<vmem>> -> memref<1x6400xi32, #tpu.memory_space<vmem>>
        %dma_start3A_159 = tpu.memref_squeeze %dma_start3A_158 : memref<1x6400xi32, #tpu.memory_space<vmem>> -> memref<6400xi32, #tpu.memory_space<vmem>>
        %dma_start3A_160 = tpu.memref_slice %arg4[%mul3A_154] : memref<320000xi32, #tpu.memory_space<hbm>> -> memref<6400xi32, #tpu.memory_space<hbm>>
        %dma_start3A_161 = tpu.memref_slice %arg15[%dma_start3A_156] : memref<2x!tpu.dma_semaphore, #tpu.memory_space<semaphore_mem>> -> memref<1x!tpu.dma_semaphore, #tpu.memory_space<semaphore_mem>>
        %dma_start3A_162 = tpu.memref_squeeze %dma_start3A_161 : memref<1x!tpu.dma_semaphore, #tpu.memory_space<semaphore_mem>> -> memref<!tpu.dma_semaphore, #tpu.memory_space<semaphore_mem>>
        %dma_start3A_163 = arith.constant 0 : i32
        %dma_start3A_164 = tpu.memref_slice %arg12[%dma_start3A_155, %dma_start3A_163] : memref<2x6400xi32, #tpu.memory_space<vmem>> -> memref<1x6400xi32, #tpu.memory_space<vmem>>
        %dma_start3A_165 = tpu.memref_squeeze %dma_start3A_164 : memref<1x6400xi32, #tpu.memory_space<vmem>> -> memref<6400xi32, #tpu.memory_space<vmem>>
        %dma_start3A_166 = tpu.memref_slice %arg4[%mul3A_154] : memref<320000xi32, #tpu.memory_space<hbm>> -> memref<6400xi32, #tpu.memory_space<hbm>>
        tpu.enqueue_dma source(%dma_start3A_166 : memref<6400xi32, #tpu.memory_space<hbm>>) target(%dma_start3A_165 : memref<6400xi32, #tpu.memory_space<vmem>>) target_semaphore(%dma_start3A_162 : memref<!tpu.dma_semaphore, #tpu.memory_space<semaphore_mem>>)
        %dma_start3A_167 = arith.constant 0 : i32
        %dma_start3A_168 = arith.constant 0 : i32
        %dma_start3A_169 = arith.constant 0 : i32
        %dma_start3A_170 = tpu.memref_slice %arg13[%dma_start3A_167, %dma_start3A_169] : memref<2x6400xi32, #tpu.memory_space<vmem>> -> memref<1x6400xi32, #tpu.memory_space<vmem>>
        %dma_start3A_171 = tpu.memref_squeeze %dma_start3A_170 : memref<1x6400xi32, #tpu.memory_space<vmem>> -> memref<6400xi32, #tpu.memory_space<vmem>>
        %dma_start3A_172 = tpu.memref_slice %arg5[%mul3A_154] : memref<320000xi32, #tpu.memory_space<hbm>> -> memref<6400xi32, #tpu.memory_space<hbm>>
        %dma_start3A_173 = tpu.memref_slice %arg16[%dma_start3A_168] : memref<2x!tpu.dma_semaphore, #tpu.memory_space<semaphore_mem>> -> memref<1x!tpu.dma_semaphore, #tpu.memory_space<semaphore_mem>>
        %dma_start3A_174 = tpu.memref_squeeze %dma_start3A_173 : memref<1x!tpu.dma_semaphore, #tpu.memory_space<semaphore_mem>> -> memref<!tpu.dma_semaphore, #tpu.memory_space<semaphore_mem>>
        %dma_start3A_175 = arith.constant 0 : i32
        %dma_start3A_176 = tpu.memref_slice %arg13[%dma_start3A_167, %dma_start3A_175] : memref<2x6400xi32, #tpu.memory_space<vmem>> -> memref<1x6400xi32, #tpu.memory_space<vmem>>
        %dma_start3A_177 = tpu.memref_squeeze %dma_start3A_176 : memref<1x6400xi32, #tpu.memory_space<vmem>> -> memref<6400xi32, #tpu.memory_space<vmem>>
        %dma_start3A_178 = tpu.memref_slice %arg5[%mul3A_154] : memref<320000xi32, #tpu.memory_space<hbm>> -> memref<6400xi32, #tpu.memory_space<hbm>>
        tpu.enqueue_dma source(%dma_start3A_178 : memref<6400xi32, #tpu.memory_space<hbm>>) target(%dma_start3A_177 : memref<6400xi32, #tpu.memory_space<vmem>>) target_semaphore(%dma_start3A_174 : memref<!tpu.dma_semaphore, #tpu.memory_space<semaphore_mem>>)
      } else {
      }
      %parallel_loop3A_148 = arith.constant 0 : i32
      %parallel_loop3A_149 = arith.constant 400 : i32
      %parallel_loop3A_150 = arith.constant 1 : i32
      scf.for %parallel_loop3A_151 = %parallel_loop3A_148 to %parallel_loop3A_149 step %parallel_loop3A_150  : i32 {
        %parallel_loop3A_152 = arith.constant 16 : i32
        %parallel_loop3A_153 = arith.muli %parallel_loop3A_151, %parallel_loop3A_152 : i32
        %parallel_loop3A_154 = arith.constant 1 : i32
        %parallel_loop3A_155 = arith.index_cast %parallel_loop3A_154 : i32 to index
        %parallel_loop3A_156 = arith.index_cast %parallel_loop3A_153 : i32 to index
        %parallel_loop3A_157 = tpu.vector_load %arg12[%parallel_loop3A_155, %parallel_loop3A_156] {strides = array<i32>} : memref<2x6400xi32, #tpu.memory_space<vmem>>, vector<16xi32>,
        %parallel_loop3A_158 = arith.constant 1 : i32
        %parallel_loop3A_159 = arith.index_cast %parallel_loop3A_158 : i32 to index
        %parallel_loop3A_160 = arith.index_cast %parallel_loop3A_153 : i32 to index
        %parallel_loop3A_161 = tpu.vector_load %arg13[%parallel_loop3A_159, %parallel_loop3A_160] {strides = array<i32>} : memref<2x6400xi32, #tpu.memory_space<vmem>>, vector<16xi32>,
        %parallel_loop3A_162 = arith.constant 0 : i32
        %parallel_loop3A_163 = vector.broadcast %parallel_loop3A_162 : i32 to vector<16xi32>
        %parallel_loop3A_164 = tpu.vector_load_idx %arg8[%parallel_loop3A_163, %parallel_loop3A_157] : memref<4x10240xf32, #tpu.memory_space<vmem>>[vector<16xi32>, vector<16xi32>], vector<16xf32>,
        tpu.vector_store_idx %arg9[%parallel_loop3A_163, %parallel_loop3A_161], %parallel_loop3A_164 {add = true} : memref<4x10240xf32, #tpu.memory_space<vmem>>[vector<16xi32>, vector<16xi32>], vector<16xf32>,
        %parallel_loop3A_165 = arith.constant 1 : i32
        %parallel_loop3A_166 = vector.broadcast %parallel_loop3A_165 : i32 to vector<16xi32>
        %parallel_loop3A_167 = tpu.vector_load_idx %arg8[%parallel_loop3A_166, %parallel_loop3A_157] : memref<4x10240xf32, #tpu.memory_space<vmem>>[vector<16xi32>, vector<16xi32>], vector<16xf32>,
        tpu.vector_store_idx %arg9[%parallel_loop3A_166, %parallel_loop3A_161], %parallel_loop3A_167 {add = true} : memref<4x10240xf32, #tpu.memory_space<vmem>>[vector<16xi32>, vector<16xi32>], vector<16xf32>,
        %parallel_loop3A_168 = arith.constant 2 : i32
        %parallel_loop3A_169 = vector.broadcast %parallel_loop3A_168 : i32 to vector<16xi32>
        %parallel_loop3A_170 = tpu.vector_load_idx %arg8[%parallel_loop3A_169, %parallel_loop3A_157] : memref<4x10240xf32, #tpu.memory_space<vmem>>[vector<16xi32>, vector<16xi32>], vector<16xf32>,
        tpu.vector_store_idx %arg9[%parallel_loop3A_169, %parallel_loop3A_161], %parallel_loop3A_170 {add = true} : memref<4x10240xf32, #tpu.memory_space<vmem>>[vector<16xi32>, vector<16xi32>], vector<16xf32>,
        %parallel_loop3A_171 = arith.constant 3 : i32
        %parallel_loop3A_172 = vector.broadcast %parallel_loop3A_171 : i32 to vector<16xi32>
        %parallel_loop3A_173 = tpu.vector_load_idx %arg8[%parallel_loop3A_172, %parallel_loop3A_157] : memref<4x10240xf32, #tpu.memory_space<vmem>>[vector<16xi32>, vector<16xi32>], vector<16xf32>,
        tpu.vector_store_idx %arg9[%parallel_loop3A_172, %parallel_loop3A_161], %parallel_loop3A_173 {add = true} : memref<4x10240xf32, #tpu.memory_space<vmem>>[vector<16xi32>, vector<16xi32>], vector<16xf32>,
      } {sc.loop_unroll_factor = 8 : i64, sc.parallel_access}
    }
    %scan3A_46 = arith.constant 25 : i32
    %parallel_loop3A_47 = arith.constant 0 : i32
    %parallel_loop3A_48 = arith.constant 640 : i32
    %parallel_loop3A_49 = arith.constant 1 : i32
    scf.for %parallel_loop3A_50 = %parallel_loop3A_47 to %parallel_loop3A_48 step %parallel_loop3A_49  : i32 {
      %parallel_loop3A_51 = arith.constant 16 : i32
      %parallel_loop3A_52 = arith.muli %parallel_loop3A_50, %parallel_loop3A_51 : i32
      %parallel_loop3A_53 = arith.index_cast %parallel_loop3A_52 : i32 to index
      %parallel_loop3A_54 = tpu.vector_load %arg10[%parallel_loop3A_53] {strides = array<i32>} : memref<10240xf32, #tpu.memory_space<vmem>>, vector<16xf32>,
      %parallel_loop3A_55 = arith.constant 0 : i32
      %parallel_loop3A_56 = arith.index_cast %parallel_loop3A_55 : i32 to index
      %parallel_loop3A_57 = arith.index_cast %parallel_loop3A_52 : i32 to index
      %parallel_loop3A_58 = tpu.vector_load %arg9[%parallel_loop3A_56, %parallel_loop3A_57] {strides = array<i32>} : memref<4x10240xf32, #tpu.memory_space<vmem>>, vector<16xf32>,
      %parallel_loop3A_59 = arith.mulf %parallel_loop3A_58, %parallel_loop3A_54 : vector<16xf32>
      %parallel_loop3A_60 = arith.constant 0 : i32
      %parallel_loop3A_61 = arith.index_cast %parallel_loop3A_60 : i32 to index
      %parallel_loop3A_62 = arith.constant 0 : index
      %parallel_loop3A_63 = tpu.vector_load %arg14[%parallel_loop3A_61, %parallel_loop3A_62] {strides = array<i32>} : memref<4x16xf32, #tpu.memory_space<vmem>>, vector<16xf32>,
      %parallel_loop3A_64 = arith.addf %parallel_loop3A_59, %parallel_loop3A_63 : vector<16xf32>
      %parallel_loop3A_65 = arith.constant 0.000000e+00 : f32
      %parallel_loop3A_66 = vector.broadcast %parallel_loop3A_65 : f32 to vector<16xf32>
      %parallel_loop3A_67 = arith.maximumf %parallel_loop3A_64, %parallel_loop3A_66 : vector<16xf32>
      %parallel_loop3A_68 = arith.constant 0 : i32
      %parallel_loop3A_69 = arith.index_cast %parallel_loop3A_68 : i32 to index
      %parallel_loop3A_70 = arith.index_cast %parallel_loop3A_52 : i32 to index
      %parallel_loop3A_71 = tpu.vector_load %arg9[%parallel_loop3A_69, %parallel_loop3A_70] {strides = array<i32>} : memref<4x10240xf32, #tpu.memory_space<vmem>>, vector<16xf32>,
      tpu.vector_store %arg9[%parallel_loop3A_69, %parallel_loop3A_70], %parallel_loop3A_67 {strides = array<i32>} : memref<4x10240xf32, #tpu.memory_space<vmem>>, vector<16xf32>,
      %parallel_loop3A_72 = arith.constant 1 : i32
      %parallel_loop3A_73 = arith.index_cast %parallel_loop3A_72 : i32 to index
      %parallel_loop3A_74 = arith.index_cast %parallel_loop3A_52 : i32 to index
      %parallel_loop3A_75 = tpu.vector_load %arg9[%parallel_loop3A_73, %parallel_loop3A_74] {strides = array<i32>} : memref<4x10240xf32, #tpu.memory_space<vmem>>, vector<16xf32>,
      %parallel_loop3A_76 = arith.mulf %parallel_loop3A_75, %parallel_loop3A_54 : vector<16xf32>
      %parallel_loop3A_77 = arith.constant 1 : i32
      %parallel_loop3A_78 = arith.index_cast %parallel_loop3A_77 : i32 to index
      %parallel_loop3A_79 = arith.constant 0 : index
      %parallel_loop3A_80 = tpu.vector_load %arg14[%parallel_loop3A_78, %parallel_loop3A_79] {strides = array<i32>} : memref<4x16xf32, #tpu.memory_space<vmem>>, vector<16xf32>,
      %parallel_loop3A_81 = arith.addf %parallel_loop3A_76, %parallel_loop3A_80 : vector<16xf32>
      %parallel_loop3A_82 = arith.constant 0.000000e+00 : f32
      %parallel_loop3A_83 = vector.broadcast %parallel_loop3A_82 : f32 to vector<16xf32>
      %parallel_loop3A_84 = arith.maximumf %parallel_loop3A_81, %parallel_loop3A_83 : vector<16xf32>
      %parallel_loop3A_85 = arith.constant 1 : i32
      %parallel_loop3A_86 = arith.index_cast %parallel_loop3A_85 : i32 to index
      %parallel_loop3A_87 = arith.index_cast %parallel_loop3A_52 : i32 to index
      %parallel_loop3A_88 = tpu.vector_load %arg9[%parallel_loop3A_86, %parallel_loop3A_87] {strides = array<i32>} : memref<4x10240xf32, #tpu.memory_space<vmem>>, vector<16xf32>,
      tpu.vector_store %arg9[%parallel_loop3A_86, %parallel_loop3A_87], %parallel_loop3A_84 {strides = array<i32>} : memref<4x10240xf32, #tpu.memory_space<vmem>>, vector<16xf32>,
      %parallel_loop3A_89 = arith.constant 2 : i32
      %parallel_loop3A_90 = arith.index_cast %parallel_loop3A_89 : i32 to index
      %parallel_loop3A_91 = arith.index_cast %parallel_loop3A_52 : i32 to index
      %parallel_loop3A_92 = tpu.vector_load %arg9[%parallel_loop3A_90, %parallel_loop3A_91] {strides = array<i32>} : memref<4x10240xf32, #tpu.memory_space<vmem>>, vector<16xf32>,
      %parallel_loop3A_93 = arith.mulf %parallel_loop3A_92, %parallel_loop3A_54 : vector<16xf32>
      %parallel_loop3A_94 = arith.constant 2 : i32
      %parallel_loop3A_95 = arith.index_cast %parallel_loop3A_94 : i32 to index
      %parallel_loop3A_96 = arith.constant 0 : index
      %parallel_loop3A_97 = tpu.vector_load %arg14[%parallel_loop3A_95, %parallel_loop3A_96] {strides = array<i32>} : memref<4x16xf32, #tpu.memory_space<vmem>>, vector<16xf32>,
      %parallel_loop3A_98 = arith.addf %parallel_loop3A_93, %parallel_loop3A_97 : vector<16xf32>
      %parallel_loop3A_99 = arith.constant 0.000000e+00 : f32
      %parallel_loop3A_100 = vector.broadcast %parallel_loop3A_99 : f32 to vector<16xf32>
      %parallel_loop3A_101 = arith.maximumf %parallel_loop3A_98, %parallel_loop3A_100 : vector<16xf32>
      %parallel_loop3A_102 = arith.constant 2 : i32
      %parallel_loop3A_103 = arith.index_cast %parallel_loop3A_102 : i32 to index
      %parallel_loop3A_104 = arith.index_cast %parallel_loop3A_52 : i32 to index
      %parallel_loop3A_105 = tpu.vector_load %arg9[%parallel_loop3A_103, %parallel_loop3A_104] {strides = array<i32>} : memref<4x10240xf32, #tpu.memory_space<vmem>>, vector<16xf32>,
      tpu.vector_store %arg9[%parallel_loop3A_103, %parallel_loop3A_104], %parallel_loop3A_101 {strides = array<i32>} : memref<4x10240xf32, #tpu.memory_space<vmem>>, vector<16xf32>,
      %parallel_loop3A_106 = arith.constant 3 : i32
      %parallel_loop3A_107 = arith.index_cast %parallel_loop3A_106 : i32 to index
      %parallel_loop3A_108 = arith.index_cast %parallel_loop3A_52 : i32 to index
      %parallel_loop3A_109 = tpu.vector_load %arg9[%parallel_loop3A_107, %parallel_loop3A_108] {strides = array<i32>} : memref<4x10240xf32, #tpu.memory_space<vmem>>, vector<16xf32>,
      %parallel_loop3A_110 = arith.mulf %parallel_loop3A_109, %parallel_loop3A_54 : vector<16xf32>
      %parallel_loop3A_111 = arith.constant 3 : i32
      %parallel_loop3A_112 = arith.index_cast %parallel_loop3A_111 : i32 to index
      %parallel_loop3A_113 = arith.constant 0 : index
      %parallel_loop3A_114 = tpu.vector_load %arg14[%parallel_loop3A_112, %parallel_loop3A_113] {strides = array<i32>} : memref<4x16xf32, #tpu.memory_space<vmem>>, vector<16xf32>,
      %parallel_loop3A_115 = arith.addf %parallel_loop3A_110, %parallel_loop3A_114 : vector<16xf32>
      %parallel_loop3A_116 = arith.constant 0.000000e+00 : f32
      %parallel_loop3A_117 = vector.broadcast %parallel_loop3A_116 : f32 to vector<16xf32>
      %parallel_loop3A_118 = arith.maximumf %parallel_loop3A_115, %parallel_loop3A_117 : vector<16xf32>
      %parallel_loop3A_119 = arith.constant 3 : i32
      %parallel_loop3A_120 = arith.index_cast %parallel_loop3A_119 : i32 to index
      %parallel_loop3A_121 = arith.index_cast %parallel_loop3A_52 : i32 to index
      %parallel_loop3A_122 = tpu.vector_load %arg9[%parallel_loop3A_120, %parallel_loop3A_121] {strides = array<i32>} : memref<4x10240xf32, #tpu.memory_space<vmem>>, vector<16xf32>,
      tpu.vector_store %arg9[%parallel_loop3A_120, %parallel_loop3A_121], %parallel_loop3A_118 {strides = array<i32>} : memref<4x10240xf32, #tpu.memory_space<vmem>>, vector<16xf32>,
    } {sc.loop_unroll_factor = 4 : i64, sc.parallel_access}
    "tpu.region"() ({
      %run_scoped3A_50 = tpu.sem_alloc : memref<!tpu.dma_semaphore, #tpu.memory_space<semaphore_mem>>
      %dma_start3A_51 = arith.constant 0 : i32
      %dma_start3A_52 = tpu.memref_slice %arg7[%mul3A_2, %dma_start3A_51] : memref<128x10240xf32, #tpu.memory_space<hbm>> -> memref<4x10240xf32, #tpu.memory_space<hbm>>
      %dma_start3A_53 = arith.constant 0 : i32
      %dma_start3A_54 = tpu.memref_slice %arg7[%mul3A_2, %dma_start3A_53] : memref<128x10240xf32, #tpu.memory_space<hbm>> -> memref<4x10240xf32, #tpu.memory_space<hbm>>
      tpu.enqueue_dma source(%arg9 : memref<4x10240xf32, #tpu.memory_space<vmem>>) target(%dma_start3A_54 : memref<4x10240xf32, #tpu.memory_space<hbm>>) target_semaphore(%run_scoped3A_50 : memref<!tpu.dma_semaphore, #tpu.memory_space<semaphore_mem>>)
      %dma_wait3A_55 = arith.constant 0 : i32
      %dma_wait3A_56 = tpu.memref_slice %arg7[%mul3A_2, %dma_wait3A_55] : memref<128x10240xf32, #tpu.memory_space<hbm>> -> memref<4x10240xf32, #tpu.memory_space<hbm>>
      %dma_wait3A_57 = arith.constant 0 : i32
      %dma_wait3A_58 = tpu.memref_slice %arg7[%mul3A_2, %dma_wait3A_57] : memref<128x10240xf32, #tpu.memory_space<hbm>> -> memref<4x10240xf32, #tpu.memory_space<hbm>>
      tpu.wait_dma2 semaphore(%run_scoped3A_50 : memref<!tpu.dma_semaphore, #tpu.memory_space<semaphore_mem>>) src(%arg9 : memref<4x10240xf32, #tpu.memory_space<vmem>>) dst(%dma_wait3A_58 : memref<4x10240xf32, #tpu.memory_space<hbm>>)
      tpu.yield
    }) : () -> ()
    return
  }
}

#map = affine_map<(d0, d1) -> (0, 0)>
#map1 = affine_map<(d0, d1) -> (0)>
module attributes {stable_mosaic.version = 14 : i64} {
  func.func @_agg_body(%arg0: i32, %arg1: i32, %arg2: memref<128x10240xf32, #tpu.memory_space<hbm>>, %arg3: memref<2x10240xf32, #tpu.memory_space<hbm>>, %arg4: memref<320000xi32, #tpu.memory_space<hbm>>, %arg5: memref<320000xi32, #tpu.memory_space<hbm>>, %arg6: memref<128x16xf32, #tpu.memory_space<hbm>>, %arg7: memref<128x10240xf32, #tpu.memory_space<hbm>>, %arg8: memref<4x10240xf32, #tpu.memory_space<vmem>>, %arg9: memref<4x10240xf32, #tpu.memory_space<vmem>>, %arg10: memref<10240xf32, #tpu.memory_space<vmem>>, %arg11: memref<10240xf32, #tpu.memory_space<vmem>>, %arg12: memref<2x6400xi32, #tpu.memory_space<vmem>>, %arg13: memref<2x6400xi32, #tpu.memory_space<vmem>>, %arg14: memref<4x16xf32, #tpu.memory_space<vmem>>, %arg15: memref<2x!tpu.dma_semaphore, #tpu.memory_space<semaphore_mem>>, %arg16: memref<2x!tpu.dma_semaphore, #tpu.memory_space<semaphore_mem>>, %arg17: memref<!tpu.dma_semaphore, #tpu.memory_space<semaphore_mem>>) attributes {dimension_semantics = [#tpu.dimension_semantics<core_parallel>, #tpu.dimension_semantics<subcore_parallel>], iteration_bounds = array<i64: 2, 16>, scalar_prefetch = 0 : i64, scratch_operands = 10 : i64, tpu.core_type = #tpu.core_type<sc_vector_subcore>, window_params = [{transform_indices = #map}, {transform_indices = #map}, {transform_indices = #map1}, {transform_indices = #map1}, {transform_indices = #map}, {transform_indices = #map}]} {
    %mul3A = arith.constant 2 : i32
    %mul3A_0 = arith.muli %arg1, %mul3A : i32
    %add3A = arith.addi %mul3A_0, %arg0 : i32
    %mul3A_1 = arith.constant 4 : i32
    %mul3A_2 = arith.muli %add3A, %mul3A_1 : i32
    %dma_start3A = arith.constant 0 : i32
    %dma_start3A_3 = tpu.memref_slice %arg2[%mul3A_2, %dma_start3A] : memref<128x10240xf32, #tpu.memory_space<hbm>> -> memref<4x10240xf32, #tpu.memory_space<hbm>>
    %dma_start3A_4 = arith.constant 0 : i32
    %dma_start3A_5 = tpu.memref_slice %arg2[%mul3A_2, %dma_start3A_4] : memref<128x10240xf32, #tpu.memory_space<hbm>> -> memref<4x10240xf32, #tpu.memory_space<hbm>>
    tpu.enqueue_dma source(%dma_start3A_5 : memref<4x10240xf32, #tpu.memory_space<hbm>>) target(%arg8 : memref<4x10240xf32, #tpu.memory_space<vmem>>) target_semaphore(%arg17 : memref<!tpu.dma_semaphore, #tpu.memory_space<semaphore_mem>>)
    %run_scoped3A = arith.constant 0 : i32
    "tpu.region"() ({
      %run_scoped3A_50 = tpu.sem_alloc : memref<!tpu.dma_semaphore, #tpu.memory_space<semaphore_mem>>
      %dma_start3A_51 = arith.constant 0 : i32
      %dma_start3A_52 = tpu.memref_slice %arg3[%run_scoped3A, %dma_start3A_51] : memref<2x10240xf32, #tpu.memory_space<hbm>> -> memref<1x10240xf32, #tpu.memory_space<hbm>>
      %dma_start3A_53 = tpu.memref_squeeze %dma_start3A_52 : memref<1x10240xf32, #tpu.memory_space<hbm>> -> memref<10240xf32, #tpu.memory_space<hbm>>
      %dma_start3A_54 = arith.constant 0 : i32
      %dma_start3A_55 = tpu.memref_slice %arg3[%run_scoped3A, %dma_start3A_54] : memref<2x10240xf32, #tpu.memory_space<hbm>> -> memref<1x10240xf32, #tpu.memory_space<hbm>>
      %dma_start3A_56 = tpu.memref_squeeze %dma_start3A_55 : memref<1x10240xf32, #tpu.memory_space<hbm>> -> memref<10240xf32, #tpu.memory_space<hbm>>
      tpu.enqueue_dma source(%dma_start3A_56 : memref<10240xf32, #tpu.memory_space<hbm>>) target(%arg10 : memref<10240xf32, #tpu.memory_space<vmem>>) target_semaphore(%run_scoped3A_50 : memref<!tpu.dma_semaphore, #tpu.memory_space<semaphore_mem>>)
      %dma_wait3A_57 = arith.constant 0 : i32
      %dma_wait3A_58 = tpu.memref_slice %arg3[%run_scoped3A, %dma_wait3A_57] : memref<2x10240xf32, #tpu.memory_space<hbm>> -> memref<1x10240xf32, #tpu.memory_space<hbm>>
      %dma_wait3A_59 = tpu.memref_squeeze %dma_wait3A_58 : memref<1x10240xf32, #tpu.memory_space<hbm>> -> memref<10240xf32, #tpu.memory_space<hbm>>
      %dma_wait3A_60 = arith.constant 0 : i32
      %dma_wait3A_61 = tpu.memref_slice %arg3[%run_scoped3A, %dma_wait3A_60] : memref<2x10240xf32, #tpu.memory_space<hbm>> -> memref<1x10240xf32, #tpu.memory_space<hbm>>
      %dma_wait3A_62 = tpu.memref_squeeze %dma_wait3A_61 : memref<1x10240xf32, #tpu.memory_space<hbm>> -> memref<10240xf32, #tpu.memory_space<hbm>>
      tpu.wait_dma2 semaphore(%run_scoped3A_50 : memref<!tpu.dma_semaphore, #tpu.memory_space<semaphore_mem>>) src(%dma_wait3A_62 : memref<10240xf32, #tpu.memory_space<hbm>>) dst(%arg10 : memref<10240xf32, #tpu.memory_space<vmem>>)
      tpu.yield
    }) : () -> ()
    "tpu.region"() ({
      %run_scoped3A_50 = tpu.sem_alloc : memref<!tpu.dma_semaphore, #tpu.memory_space<semaphore_mem>>
      %dma_start3A_51 = arith.constant 0 : i32
      %dma_start3A_52 = tpu.memref_slice %arg6[%mul3A_2, %dma_start3A_51] : memref<128x16xf32, #tpu.memory_space<hbm>> -> memref<4x16xf32, #tpu.memory_space<hbm>>
      %dma_start3A_53 = arith.constant 0 : i32
      %dma_start3A_54 = tpu.memref_slice %arg6[%mul3A_2, %dma_start3A_53] : memref<128x16xf32, #tpu.memory_space<hbm>> -> memref<4x16xf32, #tpu.memory_space<hbm>>
      tpu.enqueue_dma source(%dma_start3A_54 : memref<4x16xf32, #tpu.memory_space<hbm>>) target(%arg14 : memref<4x16xf32, #tpu.memory_space<vmem>>) target_semaphore(%run_scoped3A_50 : memref<!tpu.dma_semaphore, #tpu.memory_space<semaphore_mem>>)
      %dma_wait3A_55 = arith.constant 0 : i32
      %dma_wait3A_56 = tpu.memref_slice %arg6[%mul3A_2, %dma_wait3A_55] : memref<128x16xf32, #tpu.memory_space<hbm>> -> memref<4x16xf32, #tpu.memory_space<hbm>>
      %dma_wait3A_57 = arith.constant 0 : i32
      %dma_wait3A_58 = tpu.memref_slice %arg6[%mul3A_2, %dma_wait3A_57] : memref<128x16xf32, #tpu.memory_space<hbm>> -> memref<4x16xf32, #tpu.memory_space<hbm>>
      tpu.wait_dma2 semaphore(%run_scoped3A_50 : memref<!tpu.dma_semaphore, #tpu.memory_space<semaphore_mem>>) src(%dma_wait3A_58 : memref<4x16xf32, #tpu.memory_space<hbm>>) dst(%arg14 : memref<4x16xf32, #tpu.memory_space<vmem>>)
      tpu.yield
    }) : () -> ()
    %run_scoped3A_6 = arith.constant 1 : i32
    "tpu.region"() ({
      %run_scoped3A_50 = tpu.sem_alloc : memref<!tpu.dma_semaphore, #tpu.memory_space<semaphore_mem>>
      %dma_start3A_51 = arith.constant 0 : i32
      %dma_start3A_52 = tpu.memref_slice %arg3[%run_scoped3A_6, %dma_start3A_51] : memref<2x10240xf32, #tpu.memory_space<hbm>> -> memref<1x10240xf32, #tpu.memory_space<hbm>>
      %dma_start3A_53 = tpu.memref_squeeze %dma_start3A_52 : memref<1x10240xf32, #tpu.memory_space<hbm>> -> memref<10240xf32, #tpu.memory_space<hbm>>
      %dma_start3A_54 = arith.constant 0 : i32
      %dma_start3A_55 = tpu.memref_slice %arg3[%run_scoped3A_6, %dma_start3A_54] : memref<2x10240xf32, #tpu.memory_space<hbm>> -> memref<1x10240xf32, #tpu.memory_space<hbm>>
      %dma_start3A_56 = tpu.memref_squeeze %dma_start3A_55 : memref<1x10240xf32, #tpu.memory_space<hbm>> -> memref<10240xf32, #tpu.memory_space<hbm>>
      tpu.enqueue_dma source(%dma_start3A_56 : memref<10240xf32, #tpu.memory_space<hbm>>) target(%arg11 : memref<10240xf32, #tpu.memory_space<vmem>>) target_semaphore(%run_scoped3A_50 : memref<!tpu.dma_semaphore, #tpu.memory_space<semaphore_mem>>)
      %dma_wait3A_57 = arith.constant 0 : i32
      %dma_wait3A_58 = tpu.memref_slice %arg3[%run_scoped3A_6, %dma_wait3A_57] : memref<2x10240xf32, #tpu.memory_space<hbm>> -> memref<1x10240xf32, #tpu.memory_space<hbm>>
      %dma_wait3A_59 = tpu.memref_squeeze %dma_wait3A_58 : memref<1x10240xf32, #tpu.memory_space<hbm>> -> memref<10240xf32, #tpu.memory_space<hbm>>
      %dma_wait3A_60 = arith.constant 0 : i32
      %dma_wait3A_61 = tpu.memref_slice %arg3[%run_scoped3A_6, %dma_wait3A_60] : memref<2x10240xf32, #tpu.memory_space<hbm>> -> memref<1x10240xf32, #tpu.memory_space<hbm>>
      %dma_wait3A_62 = tpu.memref_squeeze %dma_wait3A_61 : memref<1x10240xf32, #tpu.memory_space<hbm>> -> memref<10240xf32, #tpu.memory_space<hbm>>
      tpu.wait_dma2 semaphore(%run_scoped3A_50 : memref<!tpu.dma_semaphore, #tpu.memory_space<semaphore_mem>>) src(%dma_wait3A_62 : memref<10240xf32, #tpu.memory_space<hbm>>) dst(%arg11 : memref<10240xf32, #tpu.memory_space<vmem>>)
      tpu.yield
    }) : () -> ()
    %parallel_loop3A = arith.constant 0 : i32
    %parallel_loop3A_7 = arith.constant 640 : i32
    %parallel_loop3A_8 = arith.constant 1 : i32
    scf.for %parallel_loop3A_50 = %parallel_loop3A to %parallel_loop3A_7 step %parallel_loop3A_8  : i32 {
      %parallel_loop3A_51 = arith.constant 16 : i32
      %parallel_loop3A_52 = arith.muli %parallel_loop3A_50, %parallel_loop3A_51 : i32
      %parallel_loop3A_53 = arith.index_cast %parallel_loop3A_52 : i32 to index
      %parallel_loop3A_54 = tpu.vector_load %arg10[%parallel_loop3A_53] {strides = array<i32>} : memref<10240xf32, #tpu.memory_space<vmem>>, vector<16xf32>,
      %parallel_loop3A_55 = arith.index_cast %parallel_loop3A_52 : i32 to index
      %parallel_loop3A_56 = tpu.vector_load %arg11[%parallel_loop3A_55] {strides = array<i32>} : memref<10240xf32, #tpu.memory_space<vmem>>, vector<16xf32>,
      %parallel_loop3A_57 = arith.addf %parallel_loop3A_54, %parallel_loop3A_56 : vector<16xf32>
      %parallel_loop3A_58 = arith.constant 1.000000e+00 : f32
      %parallel_loop3A_59 = vector.broadcast %parallel_loop3A_58 : f32 to vector<16xf32>
      %parallel_loop3A_60 = arith.addf %parallel_loop3A_57, %parallel_loop3A_59 : vector<16xf32>
      %parallel_loop3A_61 = vector.bitcast %parallel_loop3A_60 : vector<16xf32> to vector<16xi32>
      %parallel_loop3A_62 = arith.constant 1 : i32
      %parallel_loop3A_63 = vector.broadcast %parallel_loop3A_62 : i32 to vector<16xi32>
      %parallel_loop3A_64 = arith.shrsi %parallel_loop3A_61, %parallel_loop3A_63 : vector<16xi32>
      %parallel_loop3A_65 = arith.constant 1597463007 : i32
      %parallel_loop3A_66 = vector.broadcast %parallel_loop3A_65 : i32 to vector<16xi32>
      %parallel_loop3A_67 = arith.subi %parallel_loop3A_66, %parallel_loop3A_64 : vector<16xi32>
      %parallel_loop3A_68 = vector.bitcast %parallel_loop3A_67 : vector<16xi32> to vector<16xf32>
      %parallel_loop3A_69 = arith.constant 5.000000e-01 : f32
      %parallel_loop3A_70 = vector.broadcast %parallel_loop3A_69 : f32 to vector<16xf32>
      %parallel_loop3A_71 = arith.mulf %parallel_loop3A_70, %parallel_loop3A_60 : vector<16xf32>
      %parallel_loop3A_72 = arith.mulf %parallel_loop3A_71, %parallel_loop3A_68 : vector<16xf32>
      %parallel_loop3A_73 = arith.mulf %parallel_loop3A_72, %parallel_loop3A_68 : vector<16xf32>
      %parallel_loop3A_74 = arith.constant 1.500000e+00 : f32
      %parallel_loop3A_75 = vector.broadcast %parallel_loop3A_74 : f32 to vector<16xf32>
      %parallel_loop3A_76 = arith.subf %parallel_loop3A_75, %parallel_loop3A_73 : vector<16xf32>
      %parallel_loop3A_77 = arith.mulf %parallel_loop3A_68, %parallel_loop3A_76 : vector<16xf32>
      %parallel_loop3A_78 = arith.constant 5.000000e-01 : f32
      %parallel_loop3A_79 = vector.broadcast %parallel_loop3A_78 : f32 to vector<16xf32>
      %parallel_loop3A_80 = arith.mulf %parallel_loop3A_79, %parallel_loop3A_60 : vector<16xf32>
      %parallel_loop3A_81 = arith.mulf %parallel_loop3A_80, %parallel_loop3A_77 : vector<16xf32>
      %parallel_loop3A_82 = arith.mulf %parallel_loop3A_81, %parallel_loop3A_77 : vector<16xf32>
      %parallel_loop3A_83 = arith.constant 1.500000e+00 : f32
      %parallel_loop3A_84 = vector.broadcast %parallel_loop3A_83 : f32 to vector<16xf32>
      %parallel_loop3A_85 = arith.subf %parallel_loop3A_84, %parallel_loop3A_82 : vector<16xf32>
      %parallel_loop3A_86 = arith.mulf %parallel_loop3A_77, %parallel_loop3A_85 : vector<16xf32>
      %parallel_loop3A_87 = arith.constant 5.000000e-01 : f32
      %parallel_loop3A_88 = vector.broadcast %parallel_loop3A_87 : f32 to vector<16xf32>
      %parallel_loop3A_89 = arith.mulf %parallel_loop3A_88, %parallel_loop3A_60 : vector<16xf32>
      %parallel_loop3A_90 = arith.mulf %parallel_loop3A_89, %parallel_loop3A_86 : vector<16xf32>
      %parallel_loop3A_91 = arith.mulf %parallel_loop3A_90, %parallel_loop3A_86 : vector<16xf32>
      %parallel_loop3A_92 = arith.constant 1.500000e+00 : f32
      %parallel_loop3A_93 = vector.broadcast %parallel_loop3A_92 : f32 to vector<16xf32>
      %parallel_loop3A_94 = arith.subf %parallel_loop3A_93, %parallel_loop3A_91 : vector<16xf32>
      %parallel_loop3A_95 = arith.mulf %parallel_loop3A_86, %parallel_loop3A_94 : vector<16xf32>
      %parallel_loop3A_96 = arith.index_cast %parallel_loop3A_52 : i32 to index
      %parallel_loop3A_97 = tpu.vector_load %arg10[%parallel_loop3A_96] {strides = array<i32>} : memref<10240xf32, #tpu.memory_space<vmem>>, vector<16xf32>,
      tpu.vector_store %arg10[%parallel_loop3A_96], %parallel_loop3A_95 {strides = array<i32>} : memref<10240xf32, #tpu.memory_space<vmem>>, vector<16xf32>,
    } {sc.loop_unroll_factor = 4 : i64, sc.parallel_access}
    %dma_wait3A = arith.constant 0 : i32
    %dma_wait3A_9 = tpu.memref_slice %arg2[%mul3A_2, %dma_wait3A] : memref<128x10240xf32, #tpu.memory_space<hbm>> -> memref<4x10240xf32, #tpu.memory_space<hbm>>
    %dma_wait3A_10 = arith.constant 0 : i32
    %dma_wait3A_11 = tpu.memref_slice %arg2[%mul3A_2, %dma_wait3A_10] : memref<128x10240xf32, #tpu.memory_space<hbm>> -> memref<4x10240xf32, #tpu.memory_space<hbm>>
    tpu.wait_dma2 semaphore(%arg17 : memref<!tpu.dma_semaphore, #tpu.memory_space<semaphore_mem>>) src(%dma_wait3A_11 : memref<4x10240xf32, #tpu.memory_space<hbm>>) dst(%arg8 : memref<4x10240xf32, #tpu.memory_space<vmem>>)
    %parallel_loop3A_12 = arith.constant 0 : i32
    %parallel_loop3A_13 = arith.constant 640 : i32
    %parallel_loop3A_14 = arith.constant 1 : i32
    scf.for %parallel_loop3A_50 = %parallel_loop3A_12 to %parallel_loop3A_13 step %parallel_loop3A_14  : i32 {
      %parallel_loop3A_51 = arith.constant 16 : i32
      %parallel_loop3A_52 = arith.muli %parallel_loop3A_50, %parallel_loop3A_51 : i32
      %parallel_loop3A_53 = arith.index_cast %parallel_loop3A_52 : i32 to index
      %parallel_loop3A_54 = tpu.vector_load %arg10[%parallel_loop3A_53] {strides = array<i32>} : memref<10240xf32, #tpu.memory_space<vmem>>, vector<16xf32>,
      %parallel_loop3A_55 = arith.constant 0 : i32
      %parallel_loop3A_56 = arith.index_cast %parallel_loop3A_55 : i32 to index
      %parallel_loop3A_57 = arith.index_cast %parallel_loop3A_52 : i32 to index
      %parallel_loop3A_58 = tpu.vector_load %arg8[%parallel_loop3A_56, %parallel_loop3A_57] {strides = array<i32>} : memref<4x10240xf32, #tpu.memory_space<vmem>>, vector<16xf32>,
      %parallel_loop3A_59 = arith.mulf %parallel_loop3A_58, %parallel_loop3A_54 : vector<16xf32>
      %parallel_loop3A_60 = arith.constant 0 : i32
      %parallel_loop3A_61 = arith.index_cast %parallel_loop3A_60 : i32 to index
      %parallel_loop3A_62 = arith.index_cast %parallel_loop3A_52 : i32 to index
      %parallel_loop3A_63 = tpu.vector_load %arg8[%parallel_loop3A_61, %parallel_loop3A_62] {strides = array<i32>} : memref<4x10240xf32, #tpu.memory_space<vmem>>, vector<16xf32>,
      tpu.vector_store %arg8[%parallel_loop3A_61, %parallel_loop3A_62], %parallel_loop3A_59 {strides = array<i32>} : memref<4x10240xf32, #tpu.memory_space<vmem>>, vector<16xf32>,
      %parallel_loop3A_64 = arith.constant 0 : i32
      %parallel_loop3A_65 = arith.index_cast %parallel_loop3A_64 : i32 to index
      %parallel_loop3A_66 = arith.index_cast %parallel_loop3A_52 : i32 to index
      %parallel_loop3A_67 = tpu.vector_load %arg9[%parallel_loop3A_65, %parallel_loop3A_66] {strides = array<i32>} : memref<4x10240xf32, #tpu.memory_space<vmem>>, vector<16xf32>,
      tpu.vector_store %arg9[%parallel_loop3A_65, %parallel_loop3A_66], %parallel_loop3A_59 {strides = array<i32>} : memref<4x10240xf32, #tpu.memory_space<vmem>>, vector<16xf32>,
      %parallel_loop3A_68 = arith.constant 1 : i32
      %parallel_loop3A_69 = arith.index_cast %parallel_loop3A_68 : i32 to index
      %parallel_loop3A_70 = arith.index_cast %parallel_loop3A_52 : i32 to index
      %parallel_loop3A_71 = tpu.vector_load %arg8[%parallel_loop3A_69, %parallel_loop3A_70] {strides = array<i32>} : memref<4x10240xf32, #tpu.memory_space<vmem>>, vector<16xf32>,
      %parallel_loop3A_72 = arith.mulf %parallel_loop3A_71, %parallel_loop3A_54 : vector<16xf32>
      %parallel_loop3A_73 = arith.constant 1 : i32
      %parallel_loop3A_74 = arith.index_cast %parallel_loop3A_73 : i32 to index
      %parallel_loop3A_75 = arith.index_cast %parallel_loop3A_52 : i32 to index
      %parallel_loop3A_76 = tpu.vector_load %arg8[%parallel_loop3A_74, %parallel_loop3A_75] {strides = array<i32>} : memref<4x10240xf32, #tpu.memory_space<vmem>>, vector<16xf32>,
      tpu.vector_store %arg8[%parallel_loop3A_74, %parallel_loop3A_75], %parallel_loop3A_72 {strides = array<i32>} : memref<4x10240xf32, #tpu.memory_space<vmem>>, vector<16xf32>,
      %parallel_loop3A_77 = arith.constant 1 : i32
      %parallel_loop3A_78 = arith.index_cast %parallel_loop3A_77 : i32 to index
      %parallel_loop3A_79 = arith.index_cast %parallel_loop3A_52 : i32 to index
      %parallel_loop3A_80 = tpu.vector_load %arg9[%parallel_loop3A_78, %parallel_loop3A_79] {strides = array<i32>} : memref<4x10240xf32, #tpu.memory_space<vmem>>, vector<16xf32>,
      tpu.vector_store %arg9[%parallel_loop3A_78, %parallel_loop3A_79], %parallel_loop3A_72 {strides = array<i32>} : memref<4x10240xf32, #tpu.memory_space<vmem>>, vector<16xf32>,
      %parallel_loop3A_81 = arith.constant 2 : i32
      %parallel_loop3A_82 = arith.index_cast %parallel_loop3A_81 : i32 to index
      %parallel_loop3A_83 = arith.index_cast %parallel_loop3A_52 : i32 to index
      %parallel_loop3A_84 = tpu.vector_load %arg8[%parallel_loop3A_82, %parallel_loop3A_83] {strides = array<i32>} : memref<4x10240xf32, #tpu.memory_space<vmem>>, vector<16xf32>,
      %parallel_loop3A_85 = arith.mulf %parallel_loop3A_84, %parallel_loop3A_54 : vector<16xf32>
      %parallel_loop3A_86 = arith.constant 2 : i32
      %parallel_loop3A_87 = arith.index_cast %parallel_loop3A_86 : i32 to index
      %parallel_loop3A_88 = arith.index_cast %parallel_loop3A_52 : i32 to index
      %parallel_loop3A_89 = tpu.vector_load %arg8[%parallel_loop3A_87, %parallel_loop3A_88] {strides = array<i32>} : memref<4x10240xf32, #tpu.memory_space<vmem>>, vector<16xf32>,
      tpu.vector_store %arg8[%parallel_loop3A_87, %parallel_loop3A_88], %parallel_loop3A_85 {strides = array<i32>} : memref<4x10240xf32, #tpu.memory_space<vmem>>, vector<16xf32>,
      %parallel_loop3A_90 = arith.constant 2 : i32
      %parallel_loop3A_91 = arith.index_cast %parallel_loop3A_90 : i32 to index
      %parallel_loop3A_92 = arith.index_cast %parallel_loop3A_52 : i32 to index
      %parallel_loop3A_93 = tpu.vector_load %arg9[%parallel_loop3A_91, %parallel_loop3A_92] {strides = array<i32>} : memref<4x10240xf32, #tpu.memory_space<vmem>>, vector<16xf32>,
      tpu.vector_store %arg9[%parallel_loop3A_91, %parallel_loop3A_92], %parallel_loop3A_85 {strides = array<i32>} : memref<4x10240xf32, #tpu.memory_space<vmem>>, vector<16xf32>,
      %parallel_loop3A_94 = arith.constant 3 : i32
      %parallel_loop3A_95 = arith.index_cast %parallel_loop3A_94 : i32 to index
      %parallel_loop3A_96 = arith.index_cast %parallel_loop3A_52 : i32 to index
      %parallel_loop3A_97 = tpu.vector_load %arg8[%parallel_loop3A_95, %parallel_loop3A_96] {strides = array<i32>} : memref<4x10240xf32, #tpu.memory_space<vmem>>, vector<16xf32>,
      %parallel_loop3A_98 = arith.mulf %parallel_loop3A_97, %parallel_loop3A_54 : vector<16xf32>
      %parallel_loop3A_99 = arith.constant 3 : i32
      %parallel_loop3A_100 = arith.index_cast %parallel_loop3A_99 : i32 to index
      %parallel_loop3A_101 = arith.index_cast %parallel_loop3A_52 : i32 to index
      %parallel_loop3A_102 = tpu.vector_load %arg8[%parallel_loop3A_100, %parallel_loop3A_101] {strides = array<i32>} : memref<4x10240xf32, #tpu.memory_space<vmem>>, vector<16xf32>,
      tpu.vector_store %arg8[%parallel_loop3A_100, %parallel_loop3A_101], %parallel_loop3A_98 {strides = array<i32>} : memref<4x10240xf32, #tpu.memory_space<vmem>>, vector<16xf32>,
      %parallel_loop3A_103 = arith.constant 3 : i32
      %parallel_loop3A_104 = arith.index_cast %parallel_loop3A_103 : i32 to index
      %parallel_loop3A_105 = arith.index_cast %parallel_loop3A_52 : i32 to index
      %parallel_loop3A_106 = tpu.vector_load %arg9[%parallel_loop3A_104, %parallel_loop3A_105] {strides = array<i32>} : memref<4x10240xf32, #tpu.memory_space<vmem>>, vector<16xf32>,
      tpu.vector_store %arg9[%parallel_loop3A_104, %parallel_loop3A_105], %parallel_loop3A_98 {strides = array<i32>} : memref<4x10240xf32, #tpu.memory_space<vmem>>, vector<16xf32>,
    } {sc.loop_unroll_factor = 4 : i64, sc.parallel_access}
    %dma_start3A_15 = arith.constant 0 : i32
    %dma_start3A_16 = arith.constant 0 : i32
    %dma_start3A_17 = arith.constant 0 : i32
    %dma_start3A_18 = tpu.memref_slice %arg12[%dma_start3A_15, %dma_start3A_17] : memref<2x6400xi32, #tpu.memory_space<vmem>> -> memref<1x6400xi32, #tpu.memory_space<vmem>>
    %dma_start3A_19 = tpu.memref_squeeze %dma_start3A_18 : memref<1x6400xi32, #tpu.memory_space<vmem>> -> memref<6400xi32, #tpu.memory_space<vmem>>
    %dma_start3A_20 = arith.constant 0 : i32
    %dma_start3A_21 = tpu.memref_slice %arg4[%dma_start3A_20] : memref<320000xi32, #tpu.memory_space<hbm>> -> memref<6400xi32, #tpu.memory_space<hbm>>
    %dma_start3A_22 = tpu.memref_slice %arg15[%dma_start3A_16] : memref<2x!tpu.dma_semaphore, #tpu.memory_space<semaphore_mem>> -> memref<1x!tpu.dma_semaphore, #tpu.memory_space<semaphore_mem>>
    %dma_start3A_23 = tpu.memref_squeeze %dma_start3A_22 : memref<1x!tpu.dma_semaphore, #tpu.memory_space<semaphore_mem>> -> memref<!tpu.dma_semaphore, #tpu.memory_space<semaphore_mem>>
    %dma_start3A_24 = arith.constant 0 : i32
    %dma_start3A_25 = tpu.memref_slice %arg12[%dma_start3A_15, %dma_start3A_24] : memref<2x6400xi32, #tpu.memory_space<vmem>> -> memref<1x6400xi32, #tpu.memory_space<vmem>>
    %dma_start3A_26 = tpu.memref_squeeze %dma_start3A_25 : memref<1x6400xi32, #tpu.memory_space<vmem>> -> memref<6400xi32, #tpu.memory_space<vmem>>
    %dma_start3A_27 = arith.constant 0 : i32
    %dma_start3A_28 = tpu.memref_slice %arg4[%dma_start3A_27] : memref<320000xi32, #tpu.memory_space<hbm>> -> memref<6400xi32, #tpu.memory_space<hbm>>
    tpu.enqueue_dma source(%dma_start3A_28 : memref<6400xi32, #tpu.memory_space<hbm>>) target(%dma_start3A_26 : memref<6400xi32, #tpu.memory_space<vmem>>) target_semaphore(%dma_start3A_23 : memref<!tpu.dma_semaphore, #tpu.memory_space<semaphore_mem>>)
    %dma_start3A_29 = arith.constant 0 : i32
    %dma_start3A_30 = arith.constant 0 : i32
    %dma_start3A_31 = arith.constant 0 : i32
    %dma_start3A_32 = tpu.memref_slice %arg13[%dma_start3A_29, %dma_start3A_31] : memref<2x6400xi32, #tpu.memory_space<vmem>> -> memref<1x6400xi32, #tpu.memory_space<vmem>>
    %dma_start3A_33 = tpu.memref_squeeze %dma_start3A_32 : memref<1x6400xi32, #tpu.memory_space<vmem>> -> memref<6400xi32, #tpu.memory_space<vmem>>
    %dma_start3A_34 = arith.constant 0 : i32
    %dma_start3A_35 = tpu.memref_slice %arg5[%dma_start3A_34] : memref<320000xi32, #tpu.memory_space<hbm>> -> memref<6400xi32, #tpu.memory_space<hbm>>
    %dma_start3A_36 = tpu.memref_slice %arg16[%dma_start3A_30] : memref<2x!tpu.dma_semaphore, #tpu.memory_space<semaphore_mem>> -> memref<1x!tpu.dma_semaphore, #tpu.memory_space<semaphore_mem>>
    %dma_start3A_37 = tpu.memref_squeeze %dma_start3A_36 : memref<1x!tpu.dma_semaphore, #tpu.memory_space<semaphore_mem>> -> memref<!tpu.dma_semaphore, #tpu.memory_space<semaphore_mem>>
    %dma_start3A_38 = arith.constant 0 : i32
    %dma_start3A_39 = tpu.memref_slice %arg13[%dma_start3A_29, %dma_start3A_38] : memref<2x6400xi32, #tpu.memory_space<vmem>> -> memref<1x6400xi32, #tpu.memory_space<vmem>>
    %dma_start3A_40 = tpu.memref_squeeze %dma_start3A_39 : memref<1x6400xi32, #tpu.memory_space<vmem>> -> memref<6400xi32, #tpu.memory_space<vmem>>
    %dma_start3A_41 = arith.constant 0 : i32
    %dma_start3A_42 = tpu.memref_slice %arg5[%dma_start3A_41] : memref<320000xi32, #tpu.memory_space<hbm>> -> memref<6400xi32, #tpu.memory_space<hbm>>
    tpu.enqueue_dma source(%dma_start3A_42 : memref<6400xi32, #tpu.memory_space<hbm>>) target(%dma_start3A_40 : memref<6400xi32, #tpu.memory_space<vmem>>) target_semaphore(%dma_start3A_37 : memref<!tpu.dma_semaphore, #tpu.memory_space<semaphore_mem>>)
    %scan3A = arith.constant 0 : i32
    %scan3A_43 = arith.constant 25 : i32
    %scan3A_44 = arith.addi %scan3A, %scan3A_43 : i32
    %scan3A_45 = arith.constant 1 : i32
    scf.for %scan3A_50 = %scan3A to %scan3A_44 step %scan3A_45  : i32 {
      %mul3A_51 = arith.constant 1 : i32
      %mul3A_52 = arith.muli %scan3A_50, %mul3A_51 : i32
      %add3A_53 = arith.constant 0 : i32
      %add3A_54 = arith.addi %add3A_53, %mul3A_52 : i32
      %mul3A_55 = arith.constant 2 : i32
      %mul3A_56 = arith.muli %add3A_54, %mul3A_55 : i32
      %dma_wait3A_57 = arith.constant 0 : i32
      %dma_wait3A_58 = arith.constant 0 : i32
      %dma_wait3A_59 = arith.constant 0 : i32
      %dma_wait3A_60 = tpu.memref_slice %arg12[%dma_wait3A_57, %dma_wait3A_59] : memref<2x6400xi32, #tpu.memory_space<vmem>> -> memref<1x6400xi32, #tpu.memory_space<vmem>>
      %dma_wait3A_61 = tpu.memref_squeeze %dma_wait3A_60 : memref<1x6400xi32, #tpu.memory_space<vmem>> -> memref<6400xi32, #tpu.memory_space<vmem>>
      %dma_wait3A_62 = arith.constant 0 : i32
      %dma_wait3A_63 = tpu.memref_slice %arg4[%dma_wait3A_62] : memref<320000xi32, #tpu.memory_space<hbm>> -> memref<6400xi32, #tpu.memory_space<hbm>>
      %dma_wait3A_64 = tpu.memref_slice %arg15[%dma_wait3A_58] : memref<2x!tpu.dma_semaphore, #tpu.memory_space<semaphore_mem>> -> memref<1x!tpu.dma_semaphore, #tpu.memory_space<semaphore_mem>>
      %dma_wait3A_65 = tpu.memref_squeeze %dma_wait3A_64 : memref<1x!tpu.dma_semaphore, #tpu.memory_space<semaphore_mem>> -> memref<!tpu.dma_semaphore, #tpu.memory_space<semaphore_mem>>
      %dma_wait3A_66 = arith.constant 0 : i32
      %dma_wait3A_67 = tpu.memref_slice %arg12[%dma_wait3A_57, %dma_wait3A_66] : memref<2x6400xi32, #tpu.memory_space<vmem>> -> memref<1x6400xi32, #tpu.memory_space<vmem>>
      %dma_wait3A_68 = tpu.memref_squeeze %dma_wait3A_67 : memref<1x6400xi32, #tpu.memory_space<vmem>> -> memref<6400xi32, #tpu.memory_space<vmem>>
      %dma_wait3A_69 = arith.constant 0 : i32
      %dma_wait3A_70 = tpu.memref_slice %arg4[%dma_wait3A_69] : memref<320000xi32, #tpu.memory_space<hbm>> -> memref<6400xi32, #tpu.memory_space<hbm>>
      tpu.wait_dma2 semaphore(%dma_wait3A_65 : memref<!tpu.dma_semaphore, #tpu.memory_space<semaphore_mem>>) src(%dma_wait3A_70 : memref<6400xi32, #tpu.memory_space<hbm>>) dst(%dma_wait3A_68 : memref<6400xi32, #tpu.memory_space<vmem>>)
      %dma_wait3A_71 = arith.constant 0 : i32
      %dma_wait3A_72 = arith.constant 0 : i32
      %dma_wait3A_73 = arith.constant 0 : i32
      %dma_wait3A_74 = tpu.memref_slice %arg13[%dma_wait3A_71, %dma_wait3A_73] : memref<2x6400xi32, #tpu.memory_space<vmem>> -> memref<1x6400xi32, #tpu.memory_space<vmem>>
      %dma_wait3A_75 = tpu.memref_squeeze %dma_wait3A_74 : memref<1x6400xi32, #tpu.memory_space<vmem>> -> memref<6400xi32, #tpu.memory_space<vmem>>
      %dma_wait3A_76 = arith.constant 0 : i32
      %dma_wait3A_77 = tpu.memref_slice %arg5[%dma_wait3A_76] : memref<320000xi32, #tpu.memory_space<hbm>> -> memref<6400xi32, #tpu.memory_space<hbm>>
      %dma_wait3A_78 = tpu.memref_slice %arg16[%dma_wait3A_72] : memref<2x!tpu.dma_semaphore, #tpu.memory_space<semaphore_mem>> -> memref<1x!tpu.dma_semaphore, #tpu.memory_space<semaphore_mem>>
      %dma_wait3A_79 = tpu.memref_squeeze %dma_wait3A_78 : memref<1x!tpu.dma_semaphore, #tpu.memory_space<semaphore_mem>> -> memref<!tpu.dma_semaphore, #tpu.memory_space<semaphore_mem>>
      %dma_wait3A_80 = arith.constant 0 : i32
      %dma_wait3A_81 = tpu.memref_slice %arg13[%dma_wait3A_71, %dma_wait3A_80] : memref<2x6400xi32, #tpu.memory_space<vmem>> -> memref<1x6400xi32, #tpu.memory_space<vmem>>
      %dma_wait3A_82 = tpu.memref_squeeze %dma_wait3A_81 : memref<1x6400xi32, #tpu.memory_space<vmem>> -> memref<6400xi32, #tpu.memory_space<vmem>>
      %dma_wait3A_83 = arith.constant 0 : i32
      %dma_wait3A_84 = tpu.memref_slice %arg5[%dma_wait3A_83] : memref<320000xi32, #tpu.memory_space<hbm>> -> memref<6400xi32, #tpu.memory_space<hbm>>
      tpu.wait_dma2 semaphore(%dma_wait3A_79 : memref<!tpu.dma_semaphore, #tpu.memory_space<semaphore_mem>>) src(%dma_wait3A_84 : memref<6400xi32, #tpu.memory_space<hbm>>) dst(%dma_wait3A_82 : memref<6400xi32, #tpu.memory_space<vmem>>)
      %add3A_85 = arith.constant 1 : i32
      %add3A_86 = arith.addi %mul3A_56, %add3A_85 : i32
      %mul3A_87 = arith.constant 6400 : i32
      %mul3A_88 = arith.muli %add3A_86, %mul3A_87 : i32
      %dma_start3A_89 = arith.constant 1 : i32
      %dma_start3A_90 = arith.constant 1 : i32
      %dma_start3A_91 = arith.constant 0 : i32
      %dma_start3A_92 = tpu.memref_slice %arg12[%dma_start3A_89, %dma_start3A_91] : memref<2x6400xi32, #tpu.memory_space<vmem>> -> memref<1x6400xi32, #tpu.memory_space<vmem>>
      %dma_start3A_93 = tpu.memref_squeeze %dma_start3A_92 : memref<1x6400xi32, #tpu.memory_space<vmem>> -> memref<6400xi32, #tpu.memory_space<vmem>>
      %dma_start3A_94 = tpu.memref_slice %arg4[%mul3A_88] : memref<320000xi32, #tpu.memory_space<hbm>> -> memref<6400xi32, #tpu.memory_space<hbm>>
      %dma_start3A_95 = tpu.memref_slice %arg15[%dma_start3A_90] : memref<2x!tpu.dma_semaphore, #tpu.memory_space<semaphore_mem>> -> memref<1x!tpu.dma_semaphore, #tpu.memory_space<semaphore_mem>>
      %dma_start3A_96 = tpu.memref_squeeze %dma_start3A_95 : memref<1x!tpu.dma_semaphore, #tpu.memory_space<semaphore_mem>> -> memref<!tpu.dma_semaphore, #tpu.memory_space<semaphore_mem>>
      %dma_start3A_97 = arith.constant 0 : i32
      %dma_start3A_98 = tpu.memref_slice %arg12[%dma_start3A_89, %dma_start3A_97] : memref<2x6400xi32, #tpu.memory_space<vmem>> -> memref<1x6400xi32, #tpu.memory_space<vmem>>
      %dma_start3A_99 = tpu.memref_squeeze %dma_start3A_98 : memref<1x6400xi32, #tpu.memory_space<vmem>> -> memref<6400xi32, #tpu.memory_space<vmem>>
      %dma_start3A_100 = tpu.memref_slice %arg4[%mul3A_88] : memref<320000xi32, #tpu.memory_space<hbm>> -> memref<6400xi32, #tpu.memory_space<hbm>>
      tpu.enqueue_dma source(%dma_start3A_100 : memref<6400xi32, #tpu.memory_space<hbm>>) target(%dma_start3A_99 : memref<6400xi32, #tpu.memory_space<vmem>>) target_semaphore(%dma_start3A_96 : memref<!tpu.dma_semaphore, #tpu.memory_space<semaphore_mem>>)
      %dma_start3A_101 = arith.constant 1 : i32
      %dma_start3A_102 = arith.constant 1 : i32
      %dma_start3A_103 = arith.constant 0 : i32
      %dma_start3A_104 = tpu.memref_slice %arg13[%dma_start3A_101, %dma_start3A_103] : memref<2x6400xi32, #tpu.memory_space<vmem>> -> memref<1x6400xi32, #tpu.memory_space<vmem>>
      %dma_start3A_105 = tpu.memref_squeeze %dma_start3A_104 : memref<1x6400xi32, #tpu.memory_space<vmem>> -> memref<6400xi32, #tpu.memory_space<vmem>>
      %dma_start3A_106 = tpu.memref_slice %arg5[%mul3A_88] : memref<320000xi32, #tpu.memory_space<hbm>> -> memref<6400xi32, #tpu.memory_space<hbm>>
      %dma_start3A_107 = tpu.memref_slice %arg16[%dma_start3A_102] : memref<2x!tpu.dma_semaphore, #tpu.memory_space<semaphore_mem>> -> memref<1x!tpu.dma_semaphore, #tpu.memory_space<semaphore_mem>>
      %dma_start3A_108 = tpu.memref_squeeze %dma_start3A_107 : memref<1x!tpu.dma_semaphore, #tpu.memory_space<semaphore_mem>> -> memref<!tpu.dma_semaphore, #tpu.memory_space<semaphore_mem>>
      %dma_start3A_109 = arith.constant 0 : i32
      %dma_start3A_110 = tpu.memref_slice %arg13[%dma_start3A_101, %dma_start3A_109] : memref<2x6400xi32, #tpu.memory_space<vmem>> -> memref<1x6400xi32, #tpu.memory_space<vmem>>
      %dma_start3A_111 = tpu.memref_squeeze %dma_start3A_110 : memref<1x6400xi32, #tpu.memory_space<vmem>> -> memref<6400xi32, #tpu.memory_space<vmem>>
      %dma_start3A_112 = tpu.memref_slice %arg5[%mul3A_88] : memref<320000xi32, #tpu.memory_space<hbm>> -> memref<6400xi32, #tpu.memory_space<hbm>>
      tpu.enqueue_dma source(%dma_start3A_112 : memref<6400xi32, #tpu.memory_space<hbm>>) target(%dma_start3A_111 : memref<6400xi32, #tpu.memory_space<vmem>>) target_semaphore(%dma_start3A_108 : memref<!tpu.dma_semaphore, #tpu.memory_space<semaphore_mem>>)
      %parallel_loop3A_113 = arith.constant 0 : i32
      %parallel_loop3A_114 = arith.constant 400 : i32
      %parallel_loop3A_115 = arith.constant 1 : i32
      scf.for %parallel_loop3A_151 = %parallel_loop3A_113 to %parallel_loop3A_114 step %parallel_loop3A_115  : i32 {
        %parallel_loop3A_152 = arith.constant 16 : i32
        %parallel_loop3A_153 = arith.muli %parallel_loop3A_151, %parallel_loop3A_152 : i32
        %parallel_loop3A_154 = arith.constant 0 : i32
        %parallel_loop3A_155 = arith.index_cast %parallel_loop3A_154 : i32 to index
        %parallel_loop3A_156 = arith.index_cast %parallel_loop3A_153 : i32 to index
        %parallel_loop3A_157 = tpu.vector_load %arg12[%parallel_loop3A_155, %parallel_loop3A_156] {strides = array<i32>} : memref<2x6400xi32, #tpu.memory_space<vmem>>, vector<16xi32>,
        %parallel_loop3A_158 = arith.constant 0 : i32
        %parallel_loop3A_159 = arith.index_cast %parallel_loop3A_158 : i32 to index
        %parallel_loop3A_160 = arith.index_cast %parallel_loop3A_153 : i32 to index
        %parallel_loop3A_161 = tpu.vector_load %arg13[%parallel_loop3A_159, %parallel_loop3A_160] {strides = array<i32>} : memref<2x6400xi32, #tpu.memory_space<vmem>>, vector<16xi32>,
        %parallel_loop3A_162 = arith.constant 0 : i32
        %parallel_loop3A_163 = vector.broadcast %parallel_loop3A_162 : i32 to vector<16xi32>
        %parallel_loop3A_164 = tpu.vector_load_idx %arg8[%parallel_loop3A_163, %parallel_loop3A_157] : memref<4x10240xf32, #tpu.memory_space<vmem>>[vector<16xi32>, vector<16xi32>], vector<16xf32>,
        tpu.vector_store_idx %arg9[%parallel_loop3A_163, %parallel_loop3A_161], %parallel_loop3A_164 {add = true} : memref<4x10240xf32, #tpu.memory_space<vmem>>[vector<16xi32>, vector<16xi32>], vector<16xf32>,
        %parallel_loop3A_165 = arith.constant 1 : i32
        %parallel_loop3A_166 = vector.broadcast %parallel_loop3A_165 : i32 to vector<16xi32>
        %parallel_loop3A_167 = tpu.vector_load_idx %arg8[%parallel_loop3A_166, %parallel_loop3A_157] : memref<4x10240xf32, #tpu.memory_space<vmem>>[vector<16xi32>, vector<16xi32>], vector<16xf32>,
        tpu.vector_store_idx %arg9[%parallel_loop3A_166, %parallel_loop3A_161], %parallel_loop3A_167 {add = true} : memref<4x10240xf32, #tpu.memory_space<vmem>>[vector<16xi32>, vector<16xi32>], vector<16xf32>,
        %parallel_loop3A_168 = arith.constant 2 : i32
        %parallel_loop3A_169 = vector.broadcast %parallel_loop3A_168 : i32 to vector<16xi32>
        %parallel_loop3A_170 = tpu.vector_load_idx %arg8[%parallel_loop3A_169, %parallel_loop3A_157] : memref<4x10240xf32, #tpu.memory_space<vmem>>[vector<16xi32>, vector<16xi32>], vector<16xf32>,
        tpu.vector_store_idx %arg9[%parallel_loop3A_169, %parallel_loop3A_161], %parallel_loop3A_170 {add = true} : memref<4x10240xf32, #tpu.memory_space<vmem>>[vector<16xi32>, vector<16xi32>], vector<16xf32>,
        %parallel_loop3A_171 = arith.constant 3 : i32
        %parallel_loop3A_172 = vector.broadcast %parallel_loop3A_171 : i32 to vector<16xi32>
        %parallel_loop3A_173 = tpu.vector_load_idx %arg8[%parallel_loop3A_172, %parallel_loop3A_157] : memref<4x10240xf32, #tpu.memory_space<vmem>>[vector<16xi32>, vector<16xi32>], vector<16xf32>,
        tpu.vector_store_idx %arg9[%parallel_loop3A_172, %parallel_loop3A_161], %parallel_loop3A_173 {add = true} : memref<4x10240xf32, #tpu.memory_space<vmem>>[vector<16xi32>, vector<16xi32>], vector<16xf32>,
      } {sc.loop_unroll_factor = 8 : i64, sc.parallel_access}
      %dma_wait3A_116 = arith.constant 1 : i32
      %dma_wait3A_117 = arith.constant 1 : i32
      %dma_wait3A_118 = arith.constant 0 : i32
      %dma_wait3A_119 = tpu.memref_slice %arg12[%dma_wait3A_116, %dma_wait3A_118] : memref<2x6400xi32, #tpu.memory_space<vmem>> -> memref<1x6400xi32, #tpu.memory_space<vmem>>
      %dma_wait3A_120 = tpu.memref_squeeze %dma_wait3A_119 : memref<1x6400xi32, #tpu.memory_space<vmem>> -> memref<6400xi32, #tpu.memory_space<vmem>>
      %dma_wait3A_121 = arith.constant 0 : i32
      %dma_wait3A_122 = tpu.memref_slice %arg4[%dma_wait3A_121] : memref<320000xi32, #tpu.memory_space<hbm>> -> memref<6400xi32, #tpu.memory_space<hbm>>
      %dma_wait3A_123 = tpu.memref_slice %arg15[%dma_wait3A_117] : memref<2x!tpu.dma_semaphore, #tpu.memory_space<semaphore_mem>> -> memref<1x!tpu.dma_semaphore, #tpu.memory_space<semaphore_mem>>
      %dma_wait3A_124 = tpu.memref_squeeze %dma_wait3A_123 : memref<1x!tpu.dma_semaphore, #tpu.memory_space<semaphore_mem>> -> memref<!tpu.dma_semaphore, #tpu.memory_space<semaphore_mem>>
      %dma_wait3A_125 = arith.constant 0 : i32
      %dma_wait3A_126 = tpu.memref_slice %arg12[%dma_wait3A_116, %dma_wait3A_125] : memref<2x6400xi32, #tpu.memory_space<vmem>> -> memref<1x6400xi32, #tpu.memory_space<vmem>>
      %dma_wait3A_127 = tpu.memref_squeeze %dma_wait3A_126 : memref<1x6400xi32, #tpu.memory_space<vmem>> -> memref<6400xi32, #tpu.memory_space<vmem>>
      %dma_wait3A_128 = arith.constant 0 : i32
      %dma_wait3A_129 = tpu.memref_slice %arg4[%dma_wait3A_128] : memref<320000xi32, #tpu.memory_space<hbm>> -> memref<6400xi32, #tpu.memory_space<hbm>>
      tpu.wait_dma2 semaphore(%dma_wait3A_124 : memref<!tpu.dma_semaphore, #tpu.memory_space<semaphore_mem>>) src(%dma_wait3A_129 : memref<6400xi32, #tpu.memory_space<hbm>>) dst(%dma_wait3A_127 : memref<6400xi32, #tpu.memory_space<vmem>>)
      %dma_wait3A_130 = arith.constant 1 : i32
      %dma_wait3A_131 = arith.constant 1 : i32
      %dma_wait3A_132 = arith.constant 0 : i32
      %dma_wait3A_133 = tpu.memref_slice %arg13[%dma_wait3A_130, %dma_wait3A_132] : memref<2x6400xi32, #tpu.memory_space<vmem>> -> memref<1x6400xi32, #tpu.memory_space<vmem>>
      %dma_wait3A_134 = tpu.memref_squeeze %dma_wait3A_133 : memref<1x6400xi32, #tpu.memory_space<vmem>> -> memref<6400xi32, #tpu.memory_space<vmem>>
      %dma_wait3A_135 = arith.constant 0 : i32
      %dma_wait3A_136 = tpu.memref_slice %arg5[%dma_wait3A_135] : memref<320000xi32, #tpu.memory_space<hbm>> -> memref<6400xi32, #tpu.memory_space<hbm>>
      %dma_wait3A_137 = tpu.memref_slice %arg16[%dma_wait3A_131] : memref<2x!tpu.dma_semaphore, #tpu.memory_space<semaphore_mem>> -> memref<1x!tpu.dma_semaphore, #tpu.memory_space<semaphore_mem>>
      %dma_wait3A_138 = tpu.memref_squeeze %dma_wait3A_137 : memref<1x!tpu.dma_semaphore, #tpu.memory_space<semaphore_mem>> -> memref<!tpu.dma_semaphore, #tpu.memory_space<semaphore_mem>>
      %dma_wait3A_139 = arith.constant 0 : i32
      %dma_wait3A_140 = tpu.memref_slice %arg13[%dma_wait3A_130, %dma_wait3A_139] : memref<2x6400xi32, #tpu.memory_space<vmem>> -> memref<1x6400xi32, #tpu.memory_space<vmem>>
      %dma_wait3A_141 = tpu.memref_squeeze %dma_wait3A_140 : memref<1x6400xi32, #tpu.memory_space<vmem>> -> memref<6400xi32, #tpu.memory_space<vmem>>
      %dma_wait3A_142 = arith.constant 0 : i32
      %dma_wait3A_143 = tpu.memref_slice %arg5[%dma_wait3A_142] : memref<320000xi32, #tpu.memory_space<hbm>> -> memref<6400xi32, #tpu.memory_space<hbm>>
      tpu.wait_dma2 semaphore(%dma_wait3A_138 : memref<!tpu.dma_semaphore, #tpu.memory_space<semaphore_mem>>) src(%dma_wait3A_143 : memref<6400xi32, #tpu.memory_space<hbm>>) dst(%dma_wait3A_141 : memref<6400xi32, #tpu.memory_space<vmem>>)
      %add3A_144 = arith.constant 2 : i32
      %add3A_145 = arith.addi %mul3A_56, %add3A_144 : i32
      %lt3A = arith.constant 50 : i32
      %lt3A_146 = arith.cmpi slt, %add3A_145, %lt3A : i32
      %convert_element_type3A = arith.extui %lt3A_146 : i1 to i32
      %cond3A = arith.constant 0 : i32
      %cond3A_147 = arith.cmpi ne, %convert_element_type3A, %cond3A : i32
      scf.if %cond3A_147 {
        %add3A_151 = arith.constant 2 : i32
        %add3A_152 = arith.addi %mul3A_56, %add3A_151 : i32
        %mul3A_153 = arith.constant 6400 : i32
        %mul3A_154 = arith.muli %add3A_152, %mul3A_153 : i32
        %dma_start3A_155 = arith.constant 0 : i32
        %dma_start3A_156 = arith.constant 0 : i32
        %dma_start3A_157 = arith.constant 0 : i32
        %dma_start3A_158 = tpu.memref_slice %arg12[%dma_start3A_155, %dma_start3A_157] : memref<2x6400xi32, #tpu.memory_space<vmem>> -> memref<1x6400xi32, #tpu.memory_space<vmem>>
        %dma_start3A_159 = tpu.memref_squeeze %dma_start3A_158 : memref<1x6400xi32, #tpu.memory_space<vmem>> -> memref<6400xi32, #tpu.memory_space<vmem>>
        %dma_start3A_160 = tpu.memref_slice %arg4[%mul3A_154] : memref<320000xi32, #tpu.memory_space<hbm>> -> memref<6400xi32, #tpu.memory_space<hbm>>
        %dma_start3A_161 = tpu.memref_slice %arg15[%dma_start3A_156] : memref<2x!tpu.dma_semaphore, #tpu.memory_space<semaphore_mem>> -> memref<1x!tpu.dma_semaphore, #tpu.memory_space<semaphore_mem>>
        %dma_start3A_162 = tpu.memref_squeeze %dma_start3A_161 : memref<1x!tpu.dma_semaphore, #tpu.memory_space<semaphore_mem>> -> memref<!tpu.dma_semaphore, #tpu.memory_space<semaphore_mem>>
        %dma_start3A_163 = arith.constant 0 : i32
        %dma_start3A_164 = tpu.memref_slice %arg12[%dma_start3A_155, %dma_start3A_163] : memref<2x6400xi32, #tpu.memory_space<vmem>> -> memref<1x6400xi32, #tpu.memory_space<vmem>>
        %dma_start3A_165 = tpu.memref_squeeze %dma_start3A_164 : memref<1x6400xi32, #tpu.memory_space<vmem>> -> memref<6400xi32, #tpu.memory_space<vmem>>
        %dma_start3A_166 = tpu.memref_slice %arg4[%mul3A_154] : memref<320000xi32, #tpu.memory_space<hbm>> -> memref<6400xi32, #tpu.memory_space<hbm>>
        tpu.enqueue_dma source(%dma_start3A_166 : memref<6400xi32, #tpu.memory_space<hbm>>) target(%dma_start3A_165 : memref<6400xi32, #tpu.memory_space<vmem>>) target_semaphore(%dma_start3A_162 : memref<!tpu.dma_semaphore, #tpu.memory_space<semaphore_mem>>)
        %dma_start3A_167 = arith.constant 0 : i32
        %dma_start3A_168 = arith.constant 0 : i32
        %dma_start3A_169 = arith.constant 0 : i32
        %dma_start3A_170 = tpu.memref_slice %arg13[%dma_start3A_167, %dma_start3A_169] : memref<2x6400xi32, #tpu.memory_space<vmem>> -> memref<1x6400xi32, #tpu.memory_space<vmem>>
        %dma_start3A_171 = tpu.memref_squeeze %dma_start3A_170 : memref<1x6400xi32, #tpu.memory_space<vmem>> -> memref<6400xi32, #tpu.memory_space<vmem>>
        %dma_start3A_172 = tpu.memref_slice %arg5[%mul3A_154] : memref<320000xi32, #tpu.memory_space<hbm>> -> memref<6400xi32, #tpu.memory_space<hbm>>
        %dma_start3A_173 = tpu.memref_slice %arg16[%dma_start3A_168] : memref<2x!tpu.dma_semaphore, #tpu.memory_space<semaphore_mem>> -> memref<1x!tpu.dma_semaphore, #tpu.memory_space<semaphore_mem>>
        %dma_start3A_174 = tpu.memref_squeeze %dma_start3A_173 : memref<1x!tpu.dma_semaphore, #tpu.memory_space<semaphore_mem>> -> memref<!tpu.dma_semaphore, #tpu.memory_space<semaphore_mem>>
        %dma_start3A_175 = arith.constant 0 : i32
        %dma_start3A_176 = tpu.memref_slice %arg13[%dma_start3A_167, %dma_start3A_175] : memref<2x6400xi32, #tpu.memory_space<vmem>> -> memref<1x6400xi32, #tpu.memory_space<vmem>>
        %dma_start3A_177 = tpu.memref_squeeze %dma_start3A_176 : memref<1x6400xi32, #tpu.memory_space<vmem>> -> memref<6400xi32, #tpu.memory_space<vmem>>
        %dma_start3A_178 = tpu.memref_slice %arg5[%mul3A_154] : memref<320000xi32, #tpu.memory_space<hbm>> -> memref<6400xi32, #tpu.memory_space<hbm>>
        tpu.enqueue_dma source(%dma_start3A_178 : memref<6400xi32, #tpu.memory_space<hbm>>) target(%dma_start3A_177 : memref<6400xi32, #tpu.memory_space<vmem>>) target_semaphore(%dma_start3A_174 : memref<!tpu.dma_semaphore, #tpu.memory_space<semaphore_mem>>)
      } else {
      }
      %parallel_loop3A_148 = arith.constant 0 : i32
      %parallel_loop3A_149 = arith.constant 400 : i32
      %parallel_loop3A_150 = arith.constant 1 : i32
      scf.for %parallel_loop3A_151 = %parallel_loop3A_148 to %parallel_loop3A_149 step %parallel_loop3A_150  : i32 {
        %parallel_loop3A_152 = arith.constant 16 : i32
        %parallel_loop3A_153 = arith.muli %parallel_loop3A_151, %parallel_loop3A_152 : i32
        %parallel_loop3A_154 = arith.constant 1 : i32
        %parallel_loop3A_155 = arith.index_cast %parallel_loop3A_154 : i32 to index
        %parallel_loop3A_156 = arith.index_cast %parallel_loop3A_153 : i32 to index
        %parallel_loop3A_157 = tpu.vector_load %arg12[%parallel_loop3A_155, %parallel_loop3A_156] {strides = array<i32>} : memref<2x6400xi32, #tpu.memory_space<vmem>>, vector<16xi32>,
        %parallel_loop3A_158 = arith.constant 1 : i32
        %parallel_loop3A_159 = arith.index_cast %parallel_loop3A_158 : i32 to index
        %parallel_loop3A_160 = arith.index_cast %parallel_loop3A_153 : i32 to index
        %parallel_loop3A_161 = tpu.vector_load %arg13[%parallel_loop3A_159, %parallel_loop3A_160] {strides = array<i32>} : memref<2x6400xi32, #tpu.memory_space<vmem>>, vector<16xi32>,
        %parallel_loop3A_162 = arith.constant 0 : i32
        %parallel_loop3A_163 = vector.broadcast %parallel_loop3A_162 : i32 to vector<16xi32>
        %parallel_loop3A_164 = tpu.vector_load_idx %arg8[%parallel_loop3A_163, %parallel_loop3A_157] : memref<4x10240xf32, #tpu.memory_space<vmem>>[vector<16xi32>, vector<16xi32>], vector<16xf32>,
        tpu.vector_store_idx %arg9[%parallel_loop3A_163, %parallel_loop3A_161], %parallel_loop3A_164 {add = true} : memref<4x10240xf32, #tpu.memory_space<vmem>>[vector<16xi32>, vector<16xi32>], vector<16xf32>,
        %parallel_loop3A_165 = arith.constant 1 : i32
        %parallel_loop3A_166 = vector.broadcast %parallel_loop3A_165 : i32 to vector<16xi32>
        %parallel_loop3A_167 = tpu.vector_load_idx %arg8[%parallel_loop3A_166, %parallel_loop3A_157] : memref<4x10240xf32, #tpu.memory_space<vmem>>[vector<16xi32>, vector<16xi32>], vector<16xf32>,
        tpu.vector_store_idx %arg9[%parallel_loop3A_166, %parallel_loop3A_161], %parallel_loop3A_167 {add = true} : memref<4x10240xf32, #tpu.memory_space<vmem>>[vector<16xi32>, vector<16xi32>], vector<16xf32>,
        %parallel_loop3A_168 = arith.constant 2 : i32
        %parallel_loop3A_169 = vector.broadcast %parallel_loop3A_168 : i32 to vector<16xi32>
        %parallel_loop3A_170 = tpu.vector_load_idx %arg8[%parallel_loop3A_169, %parallel_loop3A_157] : memref<4x10240xf32, #tpu.memory_space<vmem>>[vector<16xi32>, vector<16xi32>], vector<16xf32>,
        tpu.vector_store_idx %arg9[%parallel_loop3A_169, %parallel_loop3A_161], %parallel_loop3A_170 {add = true} : memref<4x10240xf32, #tpu.memory_space<vmem>>[vector<16xi32>, vector<16xi32>], vector<16xf32>,
        %parallel_loop3A_171 = arith.constant 3 : i32
        %parallel_loop3A_172 = vector.broadcast %parallel_loop3A_171 : i32 to vector<16xi32>
        %parallel_loop3A_173 = tpu.vector_load_idx %arg8[%parallel_loop3A_172, %parallel_loop3A_157] : memref<4x10240xf32, #tpu.memory_space<vmem>>[vector<16xi32>, vector<16xi32>], vector<16xf32>,
        tpu.vector_store_idx %arg9[%parallel_loop3A_172, %parallel_loop3A_161], %parallel_loop3A_173 {add = true} : memref<4x10240xf32, #tpu.memory_space<vmem>>[vector<16xi32>, vector<16xi32>], vector<16xf32>,
      } {sc.loop_unroll_factor = 8 : i64, sc.parallel_access}
    }
    %scan3A_46 = arith.constant 25 : i32
    %parallel_loop3A_47 = arith.constant 0 : i32
    %parallel_loop3A_48 = arith.constant 640 : i32
    %parallel_loop3A_49 = arith.constant 1 : i32
    scf.for %parallel_loop3A_50 = %parallel_loop3A_47 to %parallel_loop3A_48 step %parallel_loop3A_49  : i32 {
      %parallel_loop3A_51 = arith.constant 16 : i32
      %parallel_loop3A_52 = arith.muli %parallel_loop3A_50, %parallel_loop3A_51 : i32
      %parallel_loop3A_53 = arith.index_cast %parallel_loop3A_52 : i32 to index
      %parallel_loop3A_54 = tpu.vector_load %arg10[%parallel_loop3A_53] {strides = array<i32>} : memref<10240xf32, #tpu.memory_space<vmem>>, vector<16xf32>,
      %parallel_loop3A_55 = arith.constant 0 : i32
      %parallel_loop3A_56 = arith.index_cast %parallel_loop3A_55 : i32 to index
      %parallel_loop3A_57 = arith.index_cast %parallel_loop3A_52 : i32 to index
      %parallel_loop3A_58 = tpu.vector_load %arg9[%parallel_loop3A_56, %parallel_loop3A_57] {strides = array<i32>} : memref<4x10240xf32, #tpu.memory_space<vmem>>, vector<16xf32>,
      %parallel_loop3A_59 = arith.mulf %parallel_loop3A_58, %parallel_loop3A_54 : vector<16xf32>
      %parallel_loop3A_60 = arith.constant 0 : i32
      %parallel_loop3A_61 = arith.index_cast %parallel_loop3A_60 : i32 to index
      %parallel_loop3A_62 = arith.index_cast %parallel_loop3A_52 : i32 to index
      %parallel_loop3A_63 = tpu.vector_load %arg9[%parallel_loop3A_61, %parallel_loop3A_62] {strides = array<i32>} : memref<4x10240xf32, #tpu.memory_space<vmem>>, vector<16xf32>,
      tpu.vector_store %arg9[%parallel_loop3A_61, %parallel_loop3A_62], %parallel_loop3A_59 {strides = array<i32>} : memref<4x10240xf32, #tpu.memory_space<vmem>>, vector<16xf32>,
      %parallel_loop3A_64 = arith.constant 1 : i32
      %parallel_loop3A_65 = arith.index_cast %parallel_loop3A_64 : i32 to index
      %parallel_loop3A_66 = arith.index_cast %parallel_loop3A_52 : i32 to index
      %parallel_loop3A_67 = tpu.vector_load %arg9[%parallel_loop3A_65, %parallel_loop3A_66] {strides = array<i32>} : memref<4x10240xf32, #tpu.memory_space<vmem>>, vector<16xf32>,
      %parallel_loop3A_68 = arith.mulf %parallel_loop3A_67, %parallel_loop3A_54 : vector<16xf32>
      %parallel_loop3A_69 = arith.constant 1 : i32
      %parallel_loop3A_70 = arith.index_cast %parallel_loop3A_69 : i32 to index
      %parallel_loop3A_71 = arith.index_cast %parallel_loop3A_52 : i32 to index
      %parallel_loop3A_72 = tpu.vector_load %arg9[%parallel_loop3A_70, %parallel_loop3A_71] {strides = array<i32>} : memref<4x10240xf32, #tpu.memory_space<vmem>>, vector<16xf32>,
      tpu.vector_store %arg9[%parallel_loop3A_70, %parallel_loop3A_71], %parallel_loop3A_68 {strides = array<i32>} : memref<4x10240xf32, #tpu.memory_space<vmem>>, vector<16xf32>,
      %parallel_loop3A_73 = arith.constant 2 : i32
      %parallel_loop3A_74 = arith.index_cast %parallel_loop3A_73 : i32 to index
      %parallel_loop3A_75 = arith.index_cast %parallel_loop3A_52 : i32 to index
      %parallel_loop3A_76 = tpu.vector_load %arg9[%parallel_loop3A_74, %parallel_loop3A_75] {strides = array<i32>} : memref<4x10240xf32, #tpu.memory_space<vmem>>, vector<16xf32>,
      %parallel_loop3A_77 = arith.mulf %parallel_loop3A_76, %parallel_loop3A_54 : vector<16xf32>
      %parallel_loop3A_78 = arith.constant 2 : i32
      %parallel_loop3A_79 = arith.index_cast %parallel_loop3A_78 : i32 to index
      %parallel_loop3A_80 = arith.index_cast %parallel_loop3A_52 : i32 to index
      %parallel_loop3A_81 = tpu.vector_load %arg9[%parallel_loop3A_79, %parallel_loop3A_80] {strides = array<i32>} : memref<4x10240xf32, #tpu.memory_space<vmem>>, vector<16xf32>,
      tpu.vector_store %arg9[%parallel_loop3A_79, %parallel_loop3A_80], %parallel_loop3A_77 {strides = array<i32>} : memref<4x10240xf32, #tpu.memory_space<vmem>>, vector<16xf32>,
      %parallel_loop3A_82 = arith.constant 3 : i32
      %parallel_loop3A_83 = arith.index_cast %parallel_loop3A_82 : i32 to index
      %parallel_loop3A_84 = arith.index_cast %parallel_loop3A_52 : i32 to index
      %parallel_loop3A_85 = tpu.vector_load %arg9[%parallel_loop3A_83, %parallel_loop3A_84] {strides = array<i32>} : memref<4x10240xf32, #tpu.memory_space<vmem>>, vector<16xf32>,
      %parallel_loop3A_86 = arith.mulf %parallel_loop3A_85, %parallel_loop3A_54 : vector<16xf32>
      %parallel_loop3A_87 = arith.constant 3 : i32
      %parallel_loop3A_88 = arith.index_cast %parallel_loop3A_87 : i32 to index
      %parallel_loop3A_89 = arith.index_cast %parallel_loop3A_52 : i32 to index
      %parallel_loop3A_90 = tpu.vector_load %arg9[%parallel_loop3A_88, %parallel_loop3A_89] {strides = array<i32>} : memref<4x10240xf32, #tpu.memory_space<vmem>>, vector<16xf32>,
      tpu.vector_store %arg9[%parallel_loop3A_88, %parallel_loop3A_89], %parallel_loop3A_86 {strides = array<i32>} : memref<4x10240xf32, #tpu.memory_space<vmem>>, vector<16xf32>,
    } {sc.loop_unroll_factor = 4 : i64, sc.parallel_access}
    "tpu.region"() ({
      %run_scoped3A_50 = tpu.sem_alloc : memref<!tpu.dma_semaphore, #tpu.memory_space<semaphore_mem>>
      %dma_start3A_51 = arith.constant 0 : i32
      %dma_start3A_52 = tpu.memref_slice %arg7[%mul3A_2, %dma_start3A_51] : memref<128x10240xf32, #tpu.memory_space<hbm>> -> memref<4x10240xf32, #tpu.memory_space<hbm>>
      %dma_start3A_53 = arith.constant 0 : i32
      %dma_start3A_54 = tpu.memref_slice %arg7[%mul3A_2, %dma_start3A_53] : memref<128x10240xf32, #tpu.memory_space<hbm>> -> memref<4x10240xf32, #tpu.memory_space<hbm>>
      tpu.enqueue_dma source(%arg9 : memref<4x10240xf32, #tpu.memory_space<vmem>>) target(%dma_start3A_54 : memref<4x10240xf32, #tpu.memory_space<hbm>>) target_semaphore(%run_scoped3A_50 : memref<!tpu.dma_semaphore, #tpu.memory_space<semaphore_mem>>)
      %dma_wait3A_55 = arith.constant 0 : i32
      %dma_wait3A_56 = tpu.memref_slice %arg7[%mul3A_2, %dma_wait3A_55] : memref<128x10240xf32, #tpu.memory_space<hbm>> -> memref<4x10240xf32, #tpu.memory_space<hbm>>
      %dma_wait3A_57 = arith.constant 0 : i32
      %dma_wait3A_58 = tpu.memref_slice %arg7[%mul3A_2, %dma_wait3A_57] : memref<128x10240xf32, #tpu.memory_space<hbm>> -> memref<4x10240xf32, #tpu.memory_space<hbm>>
      tpu.wait_dma2 semaphore(%run_scoped3A_50 : memref<!tpu.dma_semaphore, #tpu.memory_space<semaphore_mem>>) src(%arg9 : memref<4x10240xf32, #tpu.memory_space<vmem>>) dst(%dma_wait3A_58 : memref<4x10240xf32, #tpu.memory_space<hbm>>)
      tpu.yield
    }) : () -> ()
    return
  }
}

module attributes {stable_mosaic.version = 14 : i64} {
  func.func @_dense_body(%arg0: memref<128x10240xf32, #tpu.memory_space<vmem>>, %arg1: memref<256x128xf32, #tpu.memory_space<vmem>>, %arg2: memref<256x1xf32, #tpu.memory_space<vmem>>, %arg3: memref<128x256xf32, #tpu.memory_space<vmem>>, %arg4: memref<128x10240xf32, #tpu.memory_space<vmem>>) attributes {dimension_semantics = [], scalar_prefetch = 0 : i64, scratch_operands = 0 : i64, tpu.core_type = #tpu.core_type<tc>} {
    %get3A = arith.constant 0 : index
    %get3A_0 = arith.constant 0 : index
    %get3A_1 = vector.load %arg1[%get3A, %get3A_0] : memref<256x128xf32, #tpu.memory_space<vmem>>, vector<256x128xf32>
    %get3A_2 = arith.constant 0 : index
    %get3A_3 = arith.constant 0 : index
    %get3A_4 = vector.load %arg0[%get3A_2, %get3A_3] : memref<128x10240xf32, #tpu.memory_space<vmem>>, vector<128x10240xf32>
    %dot_general3A = arith.constant dense<0.000000e+00> : vector<256x10240xf32>
    %dot_general3A_5 = tpu.matmul %get3A_1, %get3A_4, %dot_general3A {dimension_numbers = #tpu.dot_dimension_numbers<[1], [0], [0], [1], [0, 0, 1, 1], [], []>, transpose_lhs_hint = false} : vector<256x128xf32>, vector<128x10240xf32>, vector<256x10240xf32> -> vector<256x10240xf32>
    %get3A_6 = arith.constant 0 : index
    %get3A_7 = arith.constant 0 : index
    %get3A_8 = vector.load %arg2[%get3A_6, %get3A_7] : memref<256x1xf32, #tpu.memory_space<vmem>>, vector<256x1xf32>
    %add3A = vector.broadcast %get3A_8 : vector<256x1xf32> to vector<256x10240xf32>
    %add3A_9 = arith.addf %dot_general3A_5, %add3A : vector<256x10240xf32>
    %max3A = arith.constant 0.000000e+00 : f32
    %max3A_10 = vector.broadcast %max3A : f32 to vector<256x10240xf32>
    %max3A_11 = arith.maximumf %add3A_9, %max3A_10 : vector<256x10240xf32>
    %get3A_12 = arith.constant 0 : index
    %get3A_13 = arith.constant 0 : index
    %get3A_14 = vector.load %arg3[%get3A_12, %get3A_13] : memref<128x256xf32, #tpu.memory_space<vmem>>, vector<128x256xf32>
    %dot_general3A_15 = arith.constant dense<0.000000e+00> : vector<128x10240xf32>
    %dot_general3A_16 = tpu.matmul %get3A_14, %max3A_11, %dot_general3A_15 {dimension_numbers = #tpu.dot_dimension_numbers<[1], [0], [0], [1], [0, 0, 1, 1], [], []>, transpose_lhs_hint = false} : vector<128x256xf32>, vector<256x10240xf32>, vector<128x10240xf32> -> vector<128x10240xf32>
    %swap3A = arith.constant 0 : index
    %swap3A_17 = arith.constant 0 : index
    %swap3A_18 = vector.load %arg4[%swap3A, %swap3A_17] : memref<128x10240xf32, #tpu.memory_space<vmem>>, vector<128x10240xf32>
    tpu.vector_store %arg4[%swap3A, %swap3A_17], %dot_general3A_16 {strides = array<i32>} : memref<128x10240xf32, #tpu.memory_space<vmem>>, vector<128x10240xf32>,
    return
  }
}

</mosaic_0001>

<sc_bundles>
// kernel: kernel.12.cloned.1.call-start
scs
__scs_entry_jumppad:
0x0: {  	(pc) =	sbr.rel $0x88, $3  }
0x1: {  	(tag) =	ssettag $0x0;
	lr =	simm.s32 $0x1  }
0x2: {  	[smem:$0x3F9B] =	sst lr;
	_ =	strace $0xD0000000  }
0x3: {  	_ = 	snop  }
0x4: {  	_ = 	snop  }
0x5: {  	_ = 	snop  }
0x6: {  	_ = 	snop  }
0x7: {  	_ = 	snop  }
__scs_overlays_trampoline_lowered:
0x8: {  	[smem:$0x3FAA] =	sst s0  }
0x9: {  	[smem:$0x3FAB] =	sst s1  }
0xa: {  	[smem:$0x3FAC] =	sst s2  }
0xb: {  	[smem:$0x3FAD] =	sst s3  }
0xc: {  	[smem:$0x3FAE] =	sst s4  }
0xd: {  	[smem:$0x3FAF] =	sst s5  }
0xe: {  	[smem:$0x3FB0] =	sst s6  }
0xf: {  	[smem:$0x3FB1] =	sst s7  }
0x10: {  	[smem:$0x3FB2] =	sst s8  }
0x11: {  	[smem:$0x3FB3] =	sst s9;
	s0 =	simm.s32 @!p0 $0x0  }
0x12: {  	s1 =	sld [smem:$0x3F99];
	s0 =	simm.s32 @p0 $0x1  }
0x13: {  	[smem:$0x3FB4] =	sst s0;
	s0 =	simm.s32 @!p1 $0x0  }
0x14: {  	s2 =	sld [smem:$0x3F98];
	s0 =	simm.s32 @p1 $0x1  }
0x15: {  	[smem:$0x3FB5] =	sst s0;
	s0 =	simm.s32 @!p2 $0x0  }
0x16: {  	s3 =	sld [smem:$0x3FDB];
	s0 =	simm.s32 @p2 $0x1  }
0x17: {  	s4 =	simm.s32 $0x1BF5;
	[smem:$0x3FB7] =	sst s0  }
0x18: {  	s0 =	sld [smem:$0x3F9A];
	_ =	swait.ge [sflag:s4], $0x0  }
0x19: {  	s7 =	sld [smem:$0x3F9B]  }
0x1a: {  	s8 =	sadd.s32 $0xFFFFE003, lr  }
0x1b: {  	s9 =	sadd.s32 $0xFFFFFEF7, lr;
	s5 =	simm.s32 $0xFFFFFFFF;
	p2 =	slt.u32 s8, $0xFFFFF086  }
0x1c: {  	p1 =	slt.u32 s9, $0xF7A;
	s5 =	simm.s32 @!p2 $0x0  }
0x1d: {  	s5 =	simm.s32 @p1 $0x1;
	p0 =	seq.s32 s7, s2  }
0x1e: {  	s7 =	smul.u32 @!p0 $0xF7A, s2;
	p2 =	seq.s32 @!p0 s5, $0x0  }
0x1f: {  	s9 =	smul.u32 $0xF7A, s1;
	s8 =	simm.s32 @!p0 $0x1BF5;
	p2 =	por !p2, p0  }
0x20: {  	[sflag:s8] =	ssyncset.s32 @!p0 $0xFFFFF086;
	s6 =	sadd.s32 @!p0 s3, s7;
	s7 =	simm.s32 @!p0 $0x108  }
0x21: {  	s3 =	sadd.s32 s3, s9;
	s6 =	sadd.s32 @!p0 $0x88, s6;
	s7 =	simm.s32 @p2 $0x1082  }
0x22: {  	[simem:s7], [sflag:s8] =	dma.local @!p0 [hbm:s6], $0xF7A  }
0x23: {  	s9 =	sor.u32 $0xD0000000, s2;
	s6 =	simm.s32 $0x108;
	_ =	swait.ge @!p0 [sflag:s8], $0x0  }
0x24: {  	s3 =	sadd.s32 $0x88, s3;
	s6 =	simm.s32 @!p1 $0x1082;
	[sflag:s4] =	ssyncset.s32 $0xFFFFF086  }
0x25: {  	[simem:s6], [sflag:s4] =	dma.local [hbm:s3], $0xF7A  }
0x26: {  	[smem:$0x3F9B] =	sst s1;
	(tag) =	ssettag s2;
	_ =	strace s9  }
0x27: {  	s1 =	sld [smem:$0x3FAB]  }
0x28: {  	s2 =	sld [smem:$0x3FAC]  }
0x29: {  	s4 =	sld [smem:$0x3FAE]  }
0x2a: {  	p0 =	seq.s32 s5, $0x0;
	s5 =	sld [smem:$0x3FAF]  }
0x2b: {  	s6 =	sld [smem:$0x3FB0]  }
0x2c: {  	s7 =	sld [smem:$0x3FB1]  }
0x2d: {  	s3 =	simm.s32 $0x108;
	s8 =	sld [smem:$0x3FB2]  }
0x2e: {  	s3 =	simm.s32 @!p0 $0x1082;
	s9 =	sld [smem:$0x3FB3]  }
0x2f: {  	lr =	sadd.s32 s0, s3;
	s0 =	sld [smem:$0x3FAA]  }
0x30: {  	s3 =	sld [smem:$0x3FAD]  }
0x31: {  	[smem:$0x3FB6] =	sst s10  }
0x32: {  	s10 =	sld [smem:$0x3FB4];
	_ =	sdelay $0x3  }
0x33: {  	p0 =	seq.s32 s10, $0x1;
	s10 =	sld [smem:$0x3FB6];
	_ =	sdelay $0x3  }
0x34: {  	[smem:$0x3FB6] =	sst s10  }
0x35: {  	s10 =	sld [smem:$0x3FB5];
	_ =	sdelay $0x3  }
0x36: {  	p1 =	seq.s32 s10, $0x1;
	s10 =	sld [smem:$0x3FB6];
	_ =	sdelay $0x3  }
0x37: {  	[smem:$0x3FB6] =	sst s10  }
0x38: {  	s10 =	sld [smem:$0x3FB7]  }
0x39: {  	_ = 	snop;
	(pc) =	sbr.ind lr, $3  }
0x3a: {  	_ = 	snop  }
0x3b: {  	_ = 	snop  }
0x3c: {  	p2 =	seq.s32 s10, $0x1;
	s10 =	sld [smem:$0x3FB6]  }
0x3d: {  	_ =	shalt  }
0x3e: {  	_ =	shalt  }
0x3f: {  	_ =	shalt  }
0x40: {  	_ =	shalt  }
0x41: {  	_ =	shalt  }
0x42: {  	_ =	shalt  }
0x43: {  	_ =	shalt  }
0x44: {  	_ =	shalt  }
0x45: {  	_ =	shalt  }
0x46: {  	_ =	shalt  }
0x47: {  	_ =	shalt  }
0x48: {  	_ =	shalt  }
0x49: {  	_ =	shalt  }
0x4a: {  	_ =	shalt  }
0x4b: {  	_ =	shalt  }
0x4c: {  	_ =	shalt  }
0x4d: {  	_ =	shalt  }
0x4e: {  	_ =	shalt  }
0x4f: {  	_ =	shalt  }
0x50: {  	_ =	shalt  }
0x51: {  	_ =	shalt  }
0x52: {  	_ =	shalt  }
0x53: {  	_ =	shalt  }
0x54: {  	_ =	shalt  }
0x55: {  	_ =	shalt  }
0x56: {  	_ =	shalt  }
0x57: {  	_ =	shalt  }
0x58: {  	_ =	shalt  }
0x59: {  	_ =	shalt  }
0x5a: {  	_ =	shalt  }
0x5b: {  	_ =	shalt  }
0x5c: {  	_ =	shalt  }
0x5d: {  	_ =	shalt  }
0x5e: {  	_ =	shalt  }
0x5f: {  	_ =	shalt  }
0x60: {  	_ =	shalt  }
0x61: {  	_ =	shalt  }
0x62: {  	_ =	shalt  }
0x63: {  	_ =	shalt  }
0x64: {  	_ =	shalt  }
0x65: {  	_ =	shalt  }
0x66: {  	_ =	shalt  }
0x67: {  	_ =	shalt  }
0x68: {  	_ =	shalt  }
0x69: {  	_ =	shalt  }
0x6a: {  	_ =	shalt  }
0x6b: {  	_ =	shalt  }
0x6c: {  	_ =	shalt  }
0x6d: {  	_ =	shalt  }
0x6e: {  	_ =	shalt  }
0x6f: {  	_ =	shalt  }
0x70: {  	_ =	shalt  }
0x71: {  	_ =	shalt  }
0x72: {  	_ =	shalt  }
0x73: {  	_ =	shalt  }
0x74: {  	_ =	shalt  }
0x75: {  	_ =	shalt  }
0x76: {  	_ =	shalt  }
0x77: {  	_ =	shalt  }
0x78: {  	_ =	shalt  }
0x79: {  	_ =	shalt  }
0x7a: {  	_ =	shalt  }
0x7b: {  	_ =	shalt  }
0x7c: {  	_ =	shalt  }
0x7d: {  	_ =	shalt  }
0x7e: {  	_ =	shalt  }
0x7f: {  	_ =	shalt  }
0x80: {  	_ =	shalt  }
0x81: {  	_ =	shalt  }
0x82: {  	_ =	shalt  }
0x83: {  	_ =	shalt  }
0x84: {  	_ =	shalt  }
0x85: {  	_ =	shalt  }
0x86: {  	_ =	shalt  }
0x87: {  	_ =	shalt  }
.Lfunc_end0:
.L_simem_size_0:
called_computation.2_lowered:
.L_overlay_start_0:
0x88: {  	s2 =	sld [smem:$0x3FD9]  }
0x89: {  	s3 =	sld [smem:$0x3FFE];
	_ =	sdelay $0x1  }
0x8a: {  	s1 =	srdreg.scid  }
0x8b: {  	s0 =	sand.u32 $0x1, s1  }
0x8c: {  	s17 =	sshll.u32 s0, $0xA;
	s2 =	sadd.s32 s3, s2  }
0x8d: {  	s2 =	sadd.s32 s2, s17  }
0x8e: {  	[smem:$0x3FC2] =	sst s2  }
0x8f: {  	_ = 	snop  }
0x90: {  	s2 =	sld [smem:$0x3FD0];
	(tm) =	ssettm $0x1  }
0x91: {  	s18 =	sld [smem:$0x3FFB];
	_ =	sdelay $0x3  }
0x92: {  	_ =	strace s18  }
0x93: {  	s3 =	sld [smem:$0x3FFC];
	_ =	sdelay $0x3  }
0x94: {  	_ =	strace s3  }
0x95: {  	s3 =	sld [smem:$0x3FFD];
	_ =	sdelay $0x3  }
0x96: {  	_ =	strace s3  }
0x97: {  	_ =	strace $0x8FFFFFFF  }
0x98: {  	s19 =	sld [smem:$0x3FDB];
	_ =	sdelay $0x1  }
0x99: {  	s4 =	simm.s32 $_scs_section_size  }
0x9a: {  	s5 =	simm.s32 $_size__tile_overlayer_lowered;
	s6 =	simm.s32 $_tile_overlayer_lowered  }
0x9b: {  	s22 =	simm.s32 $0x1BFF;
	s21 =	sshll.u32 s6, $0x1;
	s3 =	sadd.s32 s4, s19  }
0x9c: {  	s7 =	simm.s32 $0x0;
	s20 =	sshll.u32 s5, $0x1;
	s5 =	sadd.s32 s21, s3  }
0x9d: {  	[timem:s7], [sflag:s22] =	dma.local [hbm:s5], s20  }
0x9e: {  	_ =	swait.ge [sflag:s22], s20  }
0x9f: {  	s4 =	ssub.s32 $0x0, s20;
	[sflag:s22] =	ssyncset.done $0x0  }
0xa0: {  	[sflag:s22] =	ssyncadd.s32 s4;
	_ =	sdelay $0x1  }
0xa1: {  	s23 =	simm.s32 $0x1B8B  }
0xa2: {  	_ =	swait.ge [sflag:s23], $0x1  }
0xa3: {  	[sflag:s23] =	ssyncset.done $0x0  }
0xa4: {  	s25 =	simm.s32 $0x1B8E;
	s24 =	sld [smem:$0x3FFE];
	[sflag:s23] =	ssyncadd.s32 $0xFFFFFFFF  }
0xa5: {  	s26 =	simm.s32 $execute0_lowered;
	[smem:$0x3FD2] =	sst s25  }
0xa6: {  	s5 =	sshll.u32 s26, $0x1;
	_ =	strace $0x8000004C;
	[dreg:$0x1] =	wrdreg $0xFFFFFFFF  }
0xa7: {  	s28 =	simm.s32 $_size_execute0_lowered;
	s3 =	sadd.s32 s3, s5;
	[dreg:$0x0] =	wrdreg $0x0  }
0xa8: {  	s5 =	sshll.u32 s28, $0x1;
	[dreg:$0x2] =	wrdreg s3  }
0xa9: {  	[dreg:$0x3] =	wrdreg s5  }
0xaa: {  	[dreg:$0x4] =	wrdreg $0xC0  }
0xab: {  	_ =	task [dreg:s7], $0x5FFFF  }
0xac: {  	[dreg:$0x1] =	wrdreg $0xFFFFFFFF  }
0xad: {  	[dreg:$0x0] =	wrdreg $0x60  }
0xae: {  	[dreg:$0x2] =	wrdreg s24  }
0xaf: {  	[dreg:$0x3] =	wrdreg s2  }
0xb0: {  	[dreg:$0x4] =	wrdreg $0x9  }
0xb1: {  	_ =	task.clear_ibuf [dreg:s7], $0x5FFFF;
	_ =	strace $0x9000004C  }
0xb2: {  	s29 =	simm.s32 $0x9;
	_ =	strace $0x8000004E  }
0xb3: {  	_ =	swait.ge [sflag:s29], $0x1  }
0xb4: {  	[sflag:s29] =	ssyncadd.s32 $0xFFFFFFFF  }
0xb5: {  	_ =	strace $0x9000004E  }
0xb6: {  	_ =	sfence  }
0xb7: {  	s30 =	sld [smem:$0x0];
	_ =	sdelay $0x2  }
0xb8: {  	s31 =	sshll.u32 s1, $0xD;
	s1 =	sshrl.u32 s1, $0x2  }
0xb9: {  	s3 =	sand.u32 $0x4000, s31;
	s1 =	sadd.s32 s1, s30  }
0xba: {  	s0 =	sor.u32 s3, s0;
	s1 =	sshll.u32 s1, $0x11  }
0xbb: {  	s0 =	sor.u32 s1, s0  }
0xbc: {  	s0 =	sadd.s32 $0x8F2B, s0  }
0xbd: {  	[sflag:s0] =	ssyncadd.remote.s32 $0x1  }
0xbe: {  	_ =	sfence.sel $0xFFFF  }
0xbf: {  	[dreg:$0x0] =	wrdreg $0xFFFFFFFF;
	(pc) =	sbr.abs _section_cstart, $3  }
0xc0: {  	[dreg:$0x1] =	wrdreg $0xFFFFFFFF  }
0xc1: {  	_ =	task.clear_ibuf [dreg:s7], $0x2FFFF;
	_ =	strace $0x9FFFFFFF  }
0xc2: {  	(tm) =	ssettm $0x7FFFFFFF  }
0xc3: {  	_ =	shalt  }
tec
execute0_lowered:
.L_overlay_start_1:
0x0: {  	(tag) =	ssettag $0x1  }
0x1: {  	s0 =	rddreg [dreg:$0x0]  }
0x2: {  	s1 =	rddreg [dreg:$0x1];
	s3 =	simm.s32 $0x0;
	s2 =	srdreg.scid  }
0x3: {  	s5 =	stileid.u32;
	s16 =	simm.s32 $0x6;
	s19 =	simm.s32 $0x5  }
0x4: {  	s20 =	simm.s32 $0x1;
	s21 =	simm.s32 $0x3;
	[smem:$0x7FF] =	sst s3  }
0x5: {  	s2 =	sand.u32 $0x1, s2;
	s4 =	smul.u32 $0x14000, s5;
	s6 =	sadd.s32 $0xB000, s0  }
0x6: {  	s7 =	sshll.u32 s5, $0xA;
	s5 =	sadd.s32 $0x1200, s0;
	_ =	strace $0x8000004D  }
0x7: {  	[dreg:$0x3] =	wrdreg s6;
	s25 =	sshll.u32 s2, $0x9;
	s2 =	ssub.s32 $0x2, s2  }
0x8: {  	s7 =	sor.u32 s25, s7;
	s4 =	sor.u32 s25, s4;
	s28 =	sshrl.u32 s2, $0x1  }
0x9: {  	s26 =	sshrl.u32 s7, $0x3;
	s4 =	sshrl.u32 s4, $0x3;
	s2 =	ssub.s32 s2, s28  }
0xa: {  	s6 =	sadd.s32 s26, s0;
	s4 =	sadd.s32 s4, s0;
	s0 =	sadd.s32 $0xB010, s0  }
0xb: {  	s22 =	simm.s32 $0xA000;
	s31 =	smax.u32 s2, $0x1;
	[dreg:$0x6] =	wrdreg s0  }
0xc: {  	s23 =	simm.s32 $0x2;
	s29 =	sadd.s32 $0xBA00, s4;
	[dreg:$0x8] =	wrdreg s31  }
0xd: {  	s24 =	simm.s32 $0x4;
	s6 =	sadd.s32 $0x33A00, s6;
	[dreg:$0x4] =	wrdreg s29  }
0xe: {  	s25 =	simm.s32 $0x0;
	s30 =	sadd.s32 $0x34200, s4;
	[dreg:$0x5] =	wrdreg s6  }
0xf: {  	s2 =	simm.s32 $0x200;
	s4 =	simm.s32 $0x400;
	[dreg:$0x7] =	wrdreg s30  }
.LBB2_1:
0x10: {  	s0 =	rddreg [dreg:$0x4]  }
0x11: {  	s10 =	rddreg [dreg:$0x3]  }
0x12: {  	[tilespmem:s3], [sflag:$0x5] =	stream.strided.gather [hbm4b:s0+s2], $0xA000, s4, s2, $0x38;
	[tilespmem:$0x1F600] =	vst v63  }
0x13: {  	s11 =	simm.s32 $0x80;
	s12 =	simm.s32 $0x100;
	s6 =	simm.s32 $0x14000  }
0x14: {  	[tilespmem:s6], [sflag:$0x6] =	stream.strided.gather [hbm4b:s10+s11], $0x2800, s12, s11, $0x38;
	[tilespmem:$0x1F600] =	vst v63  }
0x15: {  	_ =	swait.ge [sflag:s16], $0x2800  }
0x16: {  	[sflag:s16] =	ssyncset.done $0x0  }
0x17: {  	s14 =	simm.s32 $0x1F400;
	s13 =	rddreg [dreg:$0x5];
	[sflag:s16] =	ssyncadd.s32 $0xFFFFD800  }
0x18: {  	[tilespmem:s14], [sflag:$0x6] =	stream.linear.gather [hbm4b:s13+s3], $0x200, $0x38;
	[tilespmem:$0x1F600] =	vst v63  }
0x19: {  	_ =	swait.ge [sflag:s16], $0x200  }
0x1a: {  	[sflag:s16] =	ssyncset.done $0x0  }
0x1b: {  	s17 =	simm.s32 $0x16800;
	s15 =	rddreg [dreg:$0x6];
	[sflag:s16] =	ssyncadd.s32 $0xFFFFFE00  }
0x1c: {  	[tilespmem:s17], [sflag:$0x6] =	stream.strided.gather [hbm4b:s15+s11], $0x2800, s12, s11, $0x38;
	[tilespmem:$0x1F600] =	vst v63  }
0x1d: {  	_ =	swait.ge [sflag:s16], $0x2800  }
0x1e: {  	[sflag:s16] =	ssyncset.done $0x0  }
0x1f: {  	s18 =	simm.s32 $0x16820;
	[sflag:s16] =	ssyncadd.s32 $0xFFFFD800  }
0x20: {  	v0 =	vld [tilespmem:s18+$0xFFFFFFF0]  }
0x21: {  	s26 =	simm.s32 $0x14020;
	v1 =	vld [tilespmem:s18+$0xFFFFFFE0]  }
0x22: {  	v2 =	vld [tilespmem:s26+$0xFFFFFFE0]  }
0x23: {  	v3 =	vld [tilespmem:s26+$0x10]  }
0x24: {  	v5 =	vld [tilespmem:s26+$0xFFFFFFF0]  }
0x25: {  	v4 =	vld [tilespmem:s18+$0x10];
	_ =	sdelay $0x1  }
0x26: {  	v6 =	vld [tilespmem:s18+$0x0]  }
0x27: {  	v7 =	vld [tilespmem:s26+$0x0];
	v1 =	vadd.f32 v1, v2  }
0x28: {  	v0 =	vadd.f32 v0, v5  }
0x29: {  	v2 =	vadd.f32 v4, v3;
	v1 =	vadd.f32 $1.000000000e+00, v1  }
0x2a: {  	v0 =	vadd.f32 $1.000000000e+00, v0  }
0x2b: {  	s30 =	simm.s32 $0x16860;
	v3 =	vshra.s32 v1, $0x1;
	v11 =	vmul.f32 $5.000000000e-01, v1;
	v1 =	vadd.f32 $1.000000000e+00, v2  }
0x2c: {  	s28 =	simm.s32 $0x14060;
	v2 =	vadd.f32 v6, v7;
	v6 =	vld [tilespmem:s30+$0xFFFFFFE0];
	v13 =	vmul.f32 $5.000000000e-01, v0;
	v3 =	vsub.s32 $0x5F3759DF, v3  }
0x2d: {  	v5 =	vshra.s32 v1, $0x1;
	v12 =	vmul.f32 $5.000000000e-01, v1;
	v1 =	vshra.s32 v0, $0x1;
	v0 =	vld [tilespmem:s28+$0xFFFFFFE0]  }
0x2e: {  	v8 =	vld [tilespmem:s30+$0xFFFFFFF0];
	v4 =	vmul.f32 v3, v11;
	v5 =	vsub.s32 $0x5F3759DF, v5  }
0x2f: {  	v14 =	vld [tilespmem:s30+$0x0];
	v2 =	vadd.f32 $1.000000000e+00, v2;
	v9 =	vsub.s32 $0x5F3759DF, v1;
	v7 =	vmul.f32 v5, v12  }
0x30: {  	v15 =	vld [tilespmem:s28+$0x0];
	v4 =	vmul.f32 v3, v4;
	v10 =	vmul.f32 v9, v13  }
0x31: {  	v16 =	vld [tilespmem:s28+$0x10];
	v1 =	vmul.f32 $5.000000000e-01, v2;
	v2 =	vshra.s32 v2, $0x1;
	v7 =	vmul.f32 v5, v7  }
0x32: {  	v18 =	vld [tilespmem:s28+$0xFFFFFFF0];
	v4 =	vsub.f32 $1.500000000e+00, v4;
	v10 =	vmul.f32 v9, v10;
	v0 =	vadd.f32 v6, v0  }
0x33: {  	v17 =	vsub.s32 $0x5F3759DF, v2;
	v6 =	vld [tilespmem:s30+$0x10];
	v7 =	vsub.f32 $1.500000000e+00, v7  }
0x34: {  	v19 =	vmul.f32 v3, v4;
	v2 =	vsub.f32 $1.500000000e+00, v10;
	v0 =	vadd.f32 $1.000000000e+00, v0  }
0x35: {  	v3 =	vmul.f32 v17, v1;
	v7 =	vmul.f32 v5, v7;
	v5 =	vadd.f32 v14, v15  }
0x36: {  	v4 =	vmul.f32 v19, v11;
	v9 =	vmul.f32 v9, v2;
	v14 =	vshra.s32 v0, $0x1  }
0x37: {  	v2 =	vmul.f32 $5.000000000e-01, v0;
	v10 =	vmul.f32 v7, v12;
	v5 =	vadd.f32 $1.000000000e+00, v5  }
0x38: {  	v15 =	vmul.f32 v9, v13;
	v0 =	vadd.f32 v6, v16;
	v6 =	vadd.f32 v8, v18  }
0x39: {  	v14 =	vsub.s32 $0x5F3759DF, v14;
	v16 =	vmul.f32 v17, v3;
	v4 =	vmul.f32 v4, v19  }
0x3a: {  	v3 =	vadd.f32 $1.000000000e+00, v0;
	v0 =	vmul.f32 $5.000000000e-01, v5;
	v6 =	vadd.f32 $1.000000000e+00, v6  }
0x3b: {  	s31 =	simm.s32 $0x168A0;
	v8 =	vmul.f32 v15, v9;
	v15 =	vmul.f32 v14, v2;
	v5 =	vshra.s32 v5, $0x1  }
0x3c: {  	v22 =	vld [tilespmem:s31+$0xFFFFFFE0];
	v10 =	vmul.f32 v10, v7;
	v23 =	vsub.f32 $1.500000000e+00, v4;
	v18 =	vshra.s32 v3, $0x1  }
0x3d: {  	s29 =	simm.s32 $0x140A0;
	v26 =	vld [tilespmem:s31+$0x0];
	v3 =	vmul.f32 $5.000000000e-01, v3;
	v20 =	vshra.s32 v6, $0x1;
	v4 =	vmul.f32 $5.000000000e-01, v6  }
0x3e: {  	v6 =	vsub.f32 $1.500000000e+00, v8;
	v27 =	vmul.f32 v23, v19;
	v19 =	vld [tilespmem:s29+$0x0];
	v18 =	vsub.s32 $0x5F3759DF, v18  }
0x3f: {  	v24 =	vld [tilespmem:s29+$0xFFFFFFE0];
	v15 =	vmul.f32 v14, v15;
	v20 =	vsub.s32 $0x5F3759DF, v20;
	v21 =	vmul.f32 v18, v3  }
0x40: {  	v5 =	vsub.s32 $0x5F3759DF, v5;
	v25 =	vmul.f32 v20, v4;
	v6 =	vmul.f32 v6, v9  }
0x41: {  	v10 =	vsub.f32 $1.500000000e+00, v10;
	v11 =	vmul.f32 v27, v11;
	v8 =	vmul.f32 v18, v21  }
0x42: {  	v15 =	vsub.f32 $1.500000000e+00, v15;
	v21 =	vmul.f32 v5, v0;
	v25 =	vmul.f32 v20, v25  }
0x43: {  	v11 =	vmul.f32 v11, v27;
	v13 =	vmul.f32 v6, v13;
	v19 =	vadd.f32 v26, v19  }
0x44: {  	v23 =	vld [tilespmem:s31+$0xFFFFFFF0];
	v9 =	vsub.f32 $1.500000000e+00, v8;
	v8 =	vmul.f32 v10, v7;
	v7 =	vadd.f32 v22, v24  }
0x45: {  	v10 =	vmul.f32 v14, v15;
	v14 =	vld [tilespmem:s29+$0x10];
	v15 =	vsub.f32 $1.500000000e+00, v16;
	v16 =	vsub.f32 $1.500000000e+00, v25  }
0x46: {  	v22 =	vld [tilespmem:s31+$0x10];
	v11 =	vsub.f32 $1.500000000e+00, v11;
	v31 =	vmul.f32 v13, v6;
	v9 =	vmul.f32 v18, v9  }
0x47: {  	v24 =	vld [tilespmem:s29+$0xFFFFFFF0];
	v25 =	vmul.f32 v10, v2;
	v7 =	vadd.f32 $1.000000000e+00, v7;
	v16 =	vmul.f32 v20, v16  }
0x48: {  	v18 =	vmul.f32 v17, v15;
	v20 =	vadd.f32 $1.000000000e+00, v19;
	v19 =	vmul.f32 v8, v12  }
0x49: {  	v17 =	vmul.f32 v5, v21;
	v27 =	vmul.f32 v11, v27  }
0x4a: {  	v28 =	vmul.f32 v9, v3;
	v15 =	vshra.s32 v7, $0x1;
	v7 =	vmul.f32 $5.000000000e-01, v7  }
0x4b: {  	v26 =	vmul.f32 v16, v4;
	v21 =	vmul.f32 v18, v1  }
0x4c: {  	v30 =	vmul.f32 v25, v10;
	v12 =	vadd.f32 v22, v14;
	v14 =	vadd.f32 v23, v24  }
0x4d: {  	v15 =	vsub.s32 $0x5F3759DF, v15;
	v24 =	vmul.f32 v26, v16;
	v21 =	vmul.f32 v21, v18  }
0x4e: {  	v26 =	vmul.f32 v28, v9;
	v22 =	vadd.f32 $1.000000000e+00, v12;
	v23 =	vadd.f32 $1.000000000e+00, v14  }
0x4f: {  	v12 =	vmul.f32 $5.000000000e-01, v20;
	v14 =	vmul.f32 v15, v7;
	v20 =	vshra.s32 v20, $0x1  }
0x50: {  	[tilespmem:s26+$0xFFFFFFE0] =	vst v27;
	v27 =	vsub.f32 $1.500000000e+00, v30;
	v13 =	vsub.s32 $0x5F3759DF, v20;
	v11 =	vshra.s32 v22, $0x1  }
0x51: {  	v14 =	vmul.f32 v15, v14;
	v20 =	vsub.s32 $0x5F3759DF, v11;
	v11 =	vmul.f32 $5.000000000e-01, v22  }
0x52: {  	v29 =	vsub.f32 $1.500000000e+00, v21;
	v21 =	vsub.f32 $1.500000000e+00, v31;
	v25 =	vshra.s32 v23, $0x1  }
0x53: {  	s0 =	simm.s32 $0x8;
	s2 =	simm.s32 $0x168E0;
	s11 =	simm.s32 $0x140E0;
	v22 =	vsub.f32 $1.500000000e+00, v14;
	v14 =	vmul.f32 v13, v12;
	v28 =	vmul.f32 v20, v11  }
.LBB2_2:
0x54: {  	v30 =	vld [tilespmem:s2+$0xFFFFFFF0];
	s0 =	sadd.s32 $0x4, s0;
	v23 =	vmul.f32 $5.000000000e-01, v23;
	v24 =	vsub.f32 $1.500000000e+00, v24;
	v29 =	vmul.f32 v29, v18  }
0x55: {  	v25 =	vsub.s32 $0x5F3759DF, v25;
	v19 =	vmul.f32 v19, v8;
	v18 =	vld [tilespmem:s2+$0xFFFFFFE0];
	p0 =	slt.u32 s0, $0x27C;
	v28 =	vmul.f32 v20, v28  }
0x56: {  	v31 =	vld [tilespmem:s11+$0xFFFFFFE0];
	v32 =	vmul.f32 v25, v23;
	v16 =	vmul.f32 v24, v16;
	v24 =	vsub.f32 $1.500000000e+00, v26  }
0x57: {  	v27 =	vmul.f32 v27, v10;
	v33 =	vmul.f32 v29, v1;
	v1 =	vmovc v0;
	v0 =	vmovc v12;
	v26 =	vld [tilespmem:s2+$0x0];
	v28 =	vsub.f32 $1.500000000e+00, v28  }
0x58: {  	v19 =	vsub.f32 $1.500000000e+00, v19;
	v12 =	vld [tilespmem:s11+$0x0];
	v32 =	vmul.f32 v25, v32;
	v24 =	vmul.f32 v24, v9  }
0x59: {  	v10 =	vmul.f32 v15, v22;
	v15 =	vsub.f32 $1.500000000e+00, v17;
	v17 =	vmul.f32 v33, v29;
	v34 =	vld [tilespmem:s11+$0xFFFFFFF0]  }
0x5a: {  	v19 =	vmul.f32 v19, v8;
	v9 =	vmul.f32 v20, v28;
	v22 =	vld [tilespmem:s11+$0x10];
	v8 =	vmov v24  }
0x5b: {  	v28 =	vmul.f32 v27, v2;
	v2 =	vmovc v7;
	v24 =	vsub.f32 $1.500000000e+00, v32;
	v18 =	vadd.f32 v18, v31;
	v20 =	vld [tilespmem:s2+$0x10]  }
0x5c: {  	v7 =	vmul.f32 v21, v6;
	v6 =	vmovc v16;
	v17 =	vsub.f32 $1.500000000e+00, v17;
	v31 =	vmul.f32 v10, v2;
	[tilespmem:s26+$0x10] =	vst v19  }
0x5d: {  	v21 =	vmul.f32 v9, v11;
	v28 =	vmul.f32 v28, v27;
	v19 =	vadd.f32 $1.000000000e+00, v18  }
0x5e: {  	v16 =	vmul.f32 v25, v24;
	v12 =	vadd.f32 v26, v12;
	v18 =	vmul.f32 v5, v15;
	[tilespmem:s26+$0xFFFFFFF0] =	vst v7  }
0x5f: {  	v17 =	vmul.f32 v17, v29;
	v5 =	vmovc v13;
	v15 =	vshra.s32 v19, $0x1;
	v7 =	vmul.f32 $5.000000000e-01, v19  }
0x60: {  	v24 =	vmul.f32 v16, v23;
	v13 =	vadd.f32 $1.000000000e+00, v12;
	v19 =	vmul.f32 v8, v3;
	v3 =	vmovc v11  }
0x61: {  	v15 =	vsub.s32 $0x5F3759DF, v15;
	v11 =	vadd.f32 v20, v22;
	v20 =	vmul.f32 v6, v4;
	v4 =	vmovc v23;
	[tilespmem:s26+$0x0] =	vst v17;
	s26 =	smov.u32 s28;
	s28 =	smov.u32 s29;
	s29 =	smov.u32 s11  }
0x62: {  	v12 =	vadd.f32 v30, v34;
	v17 =	vmul.f32 v5, v14;
	v14 =	vmul.f32 v18, v1  }
0x63: {  	v30 =	vmul.f32 v31, v10;
	v22 =	vsub.f32 $1.500000000e+00, v28;
	v11 =	vadd.f32 $1.000000000e+00, v11  }
0x64: {  	v24 =	vmul.f32 v24, v16;
	v23 =	vadd.f32 $1.000000000e+00, v12;
	v12 =	vmul.f32 $5.000000000e-01, v13  }
0x65: {  	v26 =	vmul.f32 v15, v7;
	v13 =	vshra.s32 v13, $0x1;
	v31 =	vmul.f32 v20, v6  }
.Ltmp0:
0x66: {  	v13 =	vsub.s32 $0x5F3759DF, v13;
	v22 =	vmul.f32 v22, v27;
	v25 =	vshra.s32 v23, $0x1;
	(pc) =	sbr.rel @p0 .LBB2_2-.Ltmp0, $4  }
0x67: {  	v27 =	vmul.f32 v15, v26;
	v28 =	vmul.f32 v14, v18;
	v20 =	vshra.s32 v11, $0x1  }
0x68: {  	v26 =	vmul.f32 v21, v9;
	v11 =	vmul.f32 $5.000000000e-01, v11;
	v20 =	vsub.s32 $0x5F3759DF, v20;
	[tilespmem:s26+$0xFFFFFFE0] =	vst v22  }
0x69: {  	v14 =	vmul.f32 v13, v12;
	v29 =	vsub.f32 $1.500000000e+00, v28;
	v22 =	vsub.f32 $1.500000000e+00, v27  }
0x6a: {  	s2 =	sadd.s32 $0x40, s2;
	s11 =	sadd.s32 $0x40, s11;
	v21 =	vsub.f32 $1.500000000e+00, v31;
	v28 =	vmul.f32 v20, v11;
	v27 =	vsub.f32 $1.500000000e+00, v30  }
0x6b: {  	v23 =	vmul.f32 $5.000000000e-01, v23;
	v18 =	vmul.f32 v29, v18  }
0x6c: {  	v24 =	vsub.f32 $1.500000000e+00, v24;
	v19 =	vmul.f32 v19, v8;
	v15 =	vmul.f32 v15, v22  }
0x6d: {  	v25 =	vsub.s32 $0x5F3759DF, v25;
	v14 =	vmul.f32 v13, v14;
	v28 =	vmul.f32 v20, v28  }
0x6e: {  	v49 =	vsub.f32 $1.500000000e+00, v26;
	v10 =	vmul.f32 v27, v10;
	v6 =	vmul.f32 v21, v6  }
0x6f: {  	v17 =	vsub.f32 $1.500000000e+00, v17;
	v48 =	vmul.f32 v25, v23;
	v16 =	vmul.f32 v24, v16  }
0x70: {  	v1 =	vmul.f32 v18, v1;
	v9 =	vmul.f32 v49, v9  }
0x71: {  	v19 =	vsub.f32 $1.500000000e+00, v19;
	v22 =	vmul.f32 v15, v7;
	v5 =	vmul.f32 v5, v17  }
0x72: {  	v2 =	vmul.f32 v10, v2;
	v51 =	vmul.f32 v25, v48  }
0x73: {  	v14 =	vsub.f32 $1.500000000e+00, v14;
	v1 =	vmul.f32 v1, v18;
	v8 =	vmul.f32 v19, v8  }
0x74: {  	v50 =	vsub.f32 $1.500000000e+00, v28;
	v56 =	vmul.f32 v5, v0;
	v3 =	vmul.f32 v9, v3  }
0x75: {  	v4 =	vmul.f32 v16, v4;
	v22 =	vmul.f32 v22, v15  }
0x76: {  	v57 =	vmul.f32 v13, v14;
	v52 =	vmul.f32 v20, v50  }
0x77: {  	v2 =	vmul.f32 v2, v10;
	v53 =	vsub.f32 $1.500000000e+00, v51;
	v4 =	vmul.f32 v4, v16  }
0x78: {  	v1 =	vsub.f32 $1.500000000e+00, v1;
	v14 =	vmul.f32 v57, v12;
	v3 =	vmul.f32 v3, v9  }
0x79: {  	v54 =	vmul.f32 v52, v11;
	v55 =	vmul.f32 v25, v53  }
0x7a: {  	v59 =	vsub.f32 $1.500000000e+00, v22;
	v1 =	vmul.f32 v1, v18;
	v18 =	vmul.f32 v56, v5  }
0x7b: {  	v2 =	vsub.f32 $1.500000000e+00, v2;
	v14 =	vmul.f32 v14, v57;
	v19 =	vmul.f32 v55, v23  }
0x7c: {  	v15 =	vmul.f32 v59, v15;
	v58 =	vmul.f32 v54, v52;
	v18 =	vsub.f32 $1.500000000e+00, v18  }
0x7d: {  	v3 =	vsub.f32 $1.500000000e+00, v3;
	v2 =	vmul.f32 v2, v10;
	v19 =	vmul.f32 v19, v55  }
0x7e: {  	v14 =	vsub.f32 $1.500000000e+00, v14;
	v10 =	vsub.f32 $1.500000000e+00, v58;
	v5 =	vmul.f32 v18, v5  }
0x7f: {  	v3 =	vmul.f32 v3, v9;
	v7 =	vmul.f32 v15, v7;
	v19 =	vsub.f32 $1.500000000e+00, v19  }
0x80: {  	v10 =	vmul.f32 v10, v52;
	v0 =	vmul.f32 v5, v0  }
0x81: {  	v60 =	vmul.f32 v14, v57;
	v17 =	vmul.f32 v19, v55  }
0x82: {  	[tilespmem:s26+$0x10] =	vst v8;
	v8 =	vmul.f32 v10, v11;
	v0 =	vmul.f32 v0, v5  }
0x83: {  	[tilespmem:s26+$0xFFFFFFF0] =	vst v6;
	v4 =	vsub.f32 $1.500000000e+00, v4;
	v6 =	vmul.f32 v7, v15;
	v7 =	vmul.f32 v17, v23  }
0x84: {  	[tilespmem:s26+$0x0] =	vst v1;
	v1 =	vmul.f32 v8, v10;
	v8 =	vmul.f32 v60, v12;
	v0 =	vsub.f32 $1.500000000e+00, v0  }
0x85: {  	[tilespmem:s28+$0xFFFFFFE0] =	vst v2;
	v2 =	vmul.f32 v4, v16;
	v4 =	vsub.f32 $1.500000000e+00, v6;
	v6 =	vmul.f32 v7, v17  }
0x86: {  	[tilespmem:s28+$0x10] =	vst v3;
	v1 =	vsub.f32 $1.500000000e+00, v1;
	v3 =	vmul.f32 v8, v60;
	v0 =	vmul.f32 v0, v5  }
0x87: {  	[tilespmem:s28+$0xFFFFFFF0] =	vst v2;
	v2 =	vmul.f32 v4, v15;
	v4 =	vsub.f32 $1.500000000e+00, v6  }
0x88: {  	[tilespmem:s28+$0x0] =	vst v0;
	v0 =	vmul.f32 v1, v10;
	v1 =	vsub.f32 $1.500000000e+00, v3  }
0x89: {  	[tilespmem:s29+$0xFFFFFFE0] =	vst v2;
	v2 =	vmul.f32 v4, v17  }
0x8a: {  	[tilespmem:s29+$0x10] =	vst v0;
	v0 =	vmul.f32 v1, v60  }
0x8b: {  	[tilespmem:s29+$0xFFFFFFF0] =	vst v2  }
0x8c: {  	s28 =	simm.s32 $0x0;
	[tilespmem:s29+$0x0] =	vst v0  }
0x8d: {  	s2 =	sand.u32 $0x40, s28;
	s0 =	sand.u32 $0x3F80, s28;
	_ =	swait.ge [sflag:s19], $0xA000  }
0x8e: {  	s0 =	sor.u32 $0x14000, s0;
	s4 =	sor.u32 $0x30, s2;
	[sflag:s19] =	ssyncset.done $0x0  }
0x8f: {  	s6 =	sand.u32 $0xFE00, s28;
	s7 =	sor.u32 s4, s0;
	[sflag:s19] =	ssyncadd.s32 $0xFFFF6000  }
0x90: {  	s4 =	sor.u32 s6, s4;
	v0 =	vld [tilespmem:s7+$0x0]  }
0x91: {  	s31 =	sor.u32 $0x10, s2;
	v1 =	vld [tilespmem:s4+$0x0]  }
0x92: {  	s8 =	sor.u32 $0x20, s2;
	s11 =	sor.u32 s31, s0;
	v2 =	vld [tilespmem:s4+$0x80]  }
0x93: {  	s0 =	sor.u32 s8, s0;
	v4 =	vld [tilespmem:s11+$0x0]  }
0x94: {  	s11 =	sor.u32 s6, s8;
	v6 =	vld [tilespmem:s0+$0x0]  }
0x95: {  	s7 =	sor.u32 s6, s31;
	v7 =	vld [tilespmem:s11+$0x0]  }
0x96: {  	v3 =	vld [tilespmem:s7+$0x0];
	v1 =	vmul.f32 v1, v0  }
0x97: {  	p0 =	por $0x0, $0x0;
	s12 =	simm.s32 $0x1  }
0x98: {  	s12 =	simm.s32 @!p0 $0x0;
	v5 =	vld [tilespmem:s7+$0x80];
	v2 =	vmul.f32 v2, v0;
	[tilespmem:s4+$0x0] =	vst v1  }
0x99: {  	s9 =	sshll.u32 s12, $0x6;
	[tilespmem:s4+$0xA000] =	vst v1  }
0x9a: {  	s0 =	sadd.s32 $0x0, s9;
	v7 =	vmul.f32 v7, v6;
	[tilespmem:s4+$0x80] =	vst v2  }
0x9b: {  	s10 =	sadd.s32 $0x30, s0;
	v8 =	vld [tilespmem:s11+$0x80];
	v1 =	vmul.f32 v3, v4;
	[tilespmem:s4+$0xA080] =	vst v2  }
0x9c: {  	s15 =	sor.u32 $0x100, s10;
	[tilespmem:s11+$0x0] =	vst v7  }
0x9d: {  	s17 =	simm.s32 $0x0;
	v2 =	vmul.f32 v5, v4;
	v5 =	vld [tilespmem:s15+$0x0];
	[tilespmem:s7+$0x0] =	vst v1  }
0x9e: {  	s2 =	sor.u32 s2, s6;
	v3 =	vld [tilespmem:s17+$0x14000];
	[tilespmem:s7+$0xA000] =	vst v1  }
0x9f: {  	v1 =	vld [tilespmem:s2+$0x0];
	[tilespmem:s7+$0x80] =	vst v2  }
0xa0: {  	[tilespmem:s7+$0xA080] =	vst v2;
	v2 =	vmul.f32 v8, v6  }
0xa1: {  	s18 =	sadd.s32 $0x10, s0;
	[tilespmem:s11+$0xA000] =	vst v7;
	v8 =	vld [tilespmem:s2+$0x80]  }
0xa2: {  	s26 =	sor.u32 $0x100, s18;
	[tilespmem:s11+$0x80] =	vst v2;
	v5 =	vmul.f32 v5, v0  }
0xa3: {  	s13 =	sadd.s32 $0x20, s0;
	v7 =	vld [tilespmem:s26+$0x0];
	[tilespmem:s11+$0xA080] =	vst v2  }
0xa4: {  	s14 =	sor.u32 $0x100, s13;
	v1 =	vmul.f32 v1, v3;
	[tilespmem:s15+$0x0] =	vst v5  }
0xa5: {  	v2 =	vld [tilespmem:s14+$0x0];
	[tilespmem:s15+$0xA000] =	vst v5  }
0xa6: {  	v5 =	vmul.f32 v8, v3;
	[tilespmem:s2+$0x0] =	vst v1  }
0xa7: {  	s31 =	sor.u32 $0x180, s10;
	[tilespmem:s2+$0xA000] =	vst v1  }
0xa8: {  	v1 =	vmul.f32 v7, v4;
	v7 =	vld [tilespmem:s31+$0x0];
	[tilespmem:s2+$0x80] =	vst v5  }
0xa9: {  	s11 =	sor.u32 $0x100, s0;
	[tilespmem:s2+$0xA080] =	vst v5  }
0xaa: {  	v2 =	vmul.f32 v2, v6;
	v5 =	vld [tilespmem:s11+$0x0];
	[tilespmem:s26+$0x0] =	vst v1  }
0xab: {  	s8 =	simm.s32 $0x40;
	s2 =	sor.u32 $0x180, s18;
	[tilespmem:s26+$0xA000] =	vst v1  }
0xac: {  	s12 =	sand.u32 $0x40, s8;
	s6 =	sand.u32 $0x3F80, s8;
	s9 =	sor.u32 $0x180, s13;
	v1 =	vld [tilespmem:s2+$0x0];
	[tilespmem:s14+$0x0] =	vst v2  }
0xad: {  	s6 =	sor.u32 $0x14000, s6;
	s10 =	sor.u32 $0x30, s12;
	s26 =	simm.s32 $0x100;
	[tilespmem:s14+$0xA000] =	vst v2;
	v0 =	vmul.f32 v7, v0  }
0xae: {  	s15 =	sor.u32 s10, s6;
	s17 =	sand.u32 $0xFE00, s26;
	v2 =	vld [tilespmem:s9+$0x0]  }
0xaf: {  	s13 =	sor.u32 s17, s10;
	v7 =	vld [tilespmem:s15+$0x0];
	[tilespmem:s31+$0xA000] =	vst v0;
	v5 =	vmul.f32 v5, v3  }
0xb0: {  	v8 =	vld [tilespmem:s13+$0x0];
	[tilespmem:s31+$0x0] =	vst v0  }
0xb1: {  	s18 =	sor.u32 $0x10, s12;
	v1 =	vmul.f32 v1, v4;
	[tilespmem:s11+$0x0] =	vst v5  }
0xb2: {  	s31 =	sor.u32 s18, s6;
	v4 =	vld [tilespmem:s13+$0x80];
	[tilespmem:s11+$0xA000] =	vst v5  }
0xb3: {  	s4 =	sor.u32 s17, s18;
	v0 =	vld [tilespmem:s31+$0x0];
	v2 =	vmul.f32 v2, v6;
	[tilespmem:s2+$0x0] =	vst v1  }
0xb4: {  	v5 =	vld [tilespmem:s4+$0x0];
	[tilespmem:s2+$0xA000] =	vst v1  }
0xb5: {  	p0 =	por !p0, !p0;
	s8 =	sor.u32 $0x20, s12;
	s11 =	simm.s32 $0x1;
	v6 =	vmul.f32 v8, v7;
	[tilespmem:s9+$0x0] =	vst v2  }
0xb6: {  	s6 =	sor.u32 s8, s6;
	v8 =	vld [tilespmem:s4+$0x80];
	s11 =	simm.s32 @!p0 $0x0;
	[tilespmem:s9+$0xA000] =	vst v2  }
0xb7: {  	s2 =	sor.u32 s17, s8;
	v1 =	vld [tilespmem:s6+$0x0];
	s9 =	sshll.u32 s11, $0x6;
	[tilespmem:s13+$0x0] =	vst v6;
	v2 =	vmul.f32 v4, v7  }
0xb8: {  	s11 =	sadd.s32 $0x100, s9;
	[tilespmem:s13+$0xA000] =	vst v6;
	v4 =	vld [tilespmem:s2+$0x0]  }
0xb9: {  	s6 =	sadd.s32 $0x30, s11;
	v5 =	vmul.f32 v5, v0;
	[tilespmem:s13+$0x80] =	vst v2  }
0xba: {  	v6 =	vld [tilespmem:s2+$0x80];
	s10 =	sor.u32 $0x100, s6;
	[tilespmem:s13+$0xA080] =	vst v2  }
0xbb: {  	v8 =	vmul.f32 v8, v0;
	[tilespmem:s4+$0x0] =	vst v5;
	v61 =	vld [tilespmem:s10+$0x0]  }
0xbc: {  	s15 =	simm.s32 $0x40;
	[tilespmem:s4+$0xA000] =	vst v5  }
0xbd: {  	s12 =	sor.u32 s12, s17;
	v2 =	vld [tilespmem:s15+$0x14000];
	[tilespmem:s4+$0x80] =	vst v8;
	v4 =	vmul.f32 v4, v1  }
0xbe: {  	v5 =	vld [tilespmem:s12+$0x0];
	[tilespmem:s4+$0xA080] =	vst v8  }
0xbf: {  	v6 =	vmul.f32 v6, v1;
	[tilespmem:s2+$0x0] =	vst v4  }
0xc0: {  	s17 =	sadd.s32 $0x10, s11;
	v8 =	vld [tilespmem:s12+$0x80];
	[tilespmem:s2+$0xA000] =	vst v4;
	v4 =	vmul.f32 v61, v7  }
0xc1: {  	s18 =	sor.u32 $0x100, s17;
	[tilespmem:s2+$0x80] =	vst v6  }
0xc2: {  	v62 =	vld [tilespmem:s18+$0x0];
	[tilespmem:s10+$0x0] =	vst v4  }
0xc3: {  	s31 =	sadd.s32 $0x20, s11;
	s7 =	sor.u32 $0x180, s6;
	v5 =	vmul.f32 v5, v2;
	[tilespmem:s10+$0xA000] =	vst v4  }
0xc4: {  	s6 =	sor.u32 $0x100, s31;
	[tilespmem:s2+$0xA080] =	vst v6;
	v4 =	vld [tilespmem:s7+$0x0]  }
0xc5: {  	s29 =	sor.u32 $0x180, s0;
	v6 =	vmul.f32 v8, v2;
	v8 =	vld [tilespmem:s6+$0x0];
	[tilespmem:s12+$0x0] =	vst v5  }
0xc6: {  	v63 =	vld [tilespmem:s29+$0x0];
	[tilespmem:s12+$0xA000] =	vst v5  }
0xc7: {  	v5 =	vmul.f32 v62, v0;
	[tilespmem:s12+$0x80] =	vst v6  }
0xc8: {  	s4 =	sor.u32 $0x100, s11;
	[tilespmem:s12+$0xA080] =	vst v6  }
0xc9: {  	[tilespmem:s18+$0x0] =	vst v5;
	v6 =	vld [tilespmem:s4+$0x0];
	v4 =	vmul.f32 v4, v7  }
0xca: {  	s30 =	simm.s32 $0x19000;
	s0 =	simm.s32 $0x4;
	s12 =	sor.u32 $0x180, s17;
	[tilespmem:s18+$0xA000] =	vst v5;
	v7 =	vmul.f32 v8, v1  }
0xcb: {  	s15 =	sor.u32 $0x180, s31;
	v3 =	vmul.f32 v63, v3;
	s11 =	sor.u32 $0x180, s11;
	s2 =	simm.s32 $0x80;
	v5 =	vld [tilespmem:s12+$0x0];
	[tilespmem:s7+$0xA000] =	vst v4  }
.LBB2_4:
0xcc: {  	s13 =	sand.u32 $0x40, s2;
	s14 =	sand.u32 $0x3F80, s2;
	[tilespmem:s6+$0x0] =	vst v7  }
0xcd: {  	s26 =	sadd.s32 $0x100, s26;
	s14 =	sor.u32 $0x14000, s14;
	s17 =	sor.u32 $0x30, s13;
	[tilespmem:s6+$0xA000] =	vst v7  }
0xce: {  	s6 =	sand.u32 $0xFE00, s26;
	s18 =	sor.u32 $0x10, s13;
	s31 =	sor.u32 s17, s14;
	v6 =	vmul.f32 v6, v2;
	v7 =	vld [tilespmem:s15+$0x0];
	[tilespmem:s7+$0x0] =	vst v4  }
0xcf: {  	s9 =	sor.u32 $0x20, s13;
	s8 =	sor.u32 s18, s14;
	s17 =	sor.u32 s6, s17;
	v4 =	vld [tilespmem:s31+$0x0];
	[tilespmem:s29+$0x0] =	vst v3  }
0xd0: {  	s7 =	sor.u32 s6, s18;
	s18 =	sor.u32 s9, s14;
	s14 =	sor.u32 s6, s9;
	v8 =	vld [tilespmem:s17+$0x0];
	[tilespmem:s4+$0x0] =	vst v6;
	v5 =	vmul.f32 v5, v0  }
0xd1: {  	s0 =	sadd.s32 $0x4, s0;
	s9 =	sshra.s32 s26, $0x2;
	s13 =	sor.u32 s13, s6;
	v0 =	vld [tilespmem:s8+$0x0];
	[tilespmem:s4+$0xA000] =	vst v6  }
0xd2: {  	p1 =	slt.u32 s0, $0x27C;
	v6 =	vld [tilespmem:s17+$0x80];
	[tilespmem:s12+$0x0] =	vst v5  }
0xd3: {  	v9 =	vld [tilespmem:s7+$0x0];
	[tilespmem:s12+$0xA000] =	vst v5;
	v5 =	vmul.f32 v7, v1  }
0xd4: {  	v7 =	vld [tilespmem:s7+$0x80];
	[tilespmem:s29+$0xA000] =	vst v3;
	s29 =	smov.u32 s11  }
0xd5: {  	p0 =	por !p0, !p0;
	s4 =	simm.s32 $0x1;
	v1 =	vld [tilespmem:s18+$0x0];
	v3 =	vmul.f32 v8, v4;
	[tilespmem:s15+$0x0] =	vst v5  }
0xd6: {  	s4 =	simm.s32 @!p0 $0x0;
	v8 =	vld [tilespmem:s14+$0x0];
	[tilespmem:s15+$0xA000] =	vst v5  }
0xd7: {  	s4 =	sshll.u32 s4, $0x6;
	v5 =	vld [tilespmem:s14+$0x80];
	[tilespmem:s17+$0x0] =	vst v3;
	v6 =	vmul.f32 v6, v4  }
0xd8: {  	s8 =	sadd.s32 s4, s26;
	v10 =	vld [tilespmem:s13+$0x0];
	v9 =	vmul.f32 v9, v0;
	[tilespmem:s17+$0xA000] =	vst v3  }
0xd9: {  	s11 =	sadd.s32 $0x10, s8;
	s18 =	sadd.s32 $0x30, s8;
	s15 =	sadd.s32 $0x20, s8;
	v3 =	vld [tilespmem:s13+$0x80];
	v7 =	vmul.f32 v7, v0;
	[tilespmem:s17+$0x80] =	vst v6  }
0xda: {  	s6 =	sor.u32 $0x100, s15;
	v11 =	vld [tilespmem:s9+$0x14000];
	s9 =	sor.u32 $0x100, s11;
	[tilespmem:s17+$0xA080] =	vst v6;
	s17 =	sor.u32 $0x100, s18  }
0xdb: {  	s4 =	sor.u32 $0x100, s8;
	s12 =	sor.u32 $0x180, s11;
	s15 =	sor.u32 $0x180, s15;
	[tilespmem:s7+$0x0] =	vst v9;
	v6 =	vmul.f32 v8, v1;
	v8 =	vld [tilespmem:s17+$0x0]  }
0xdc: {  	s11 =	sor.u32 $0x180, s8;
	[tilespmem:s7+$0xA000] =	vst v9;
	v5 =	vmul.f32 v5, v1;
	v9 =	vld [tilespmem:s29+$0x0]  }
0xdd: {  	[tilespmem:s7+$0x80] =	vst v7  }
0xde: {  	[tilespmem:s7+$0xA080] =	vst v7  }
0xdf: {  	v7 =	vmul.f32 v10, v11;
	v10 =	vmul.f32 v3, v11;
	v12 =	vld [tilespmem:s9+$0x0];
	[tilespmem:s14+$0x0] =	vst v6  }
0xe0: {  	[tilespmem:s14+$0xA000] =	vst v6;
	v6 =	vmul.f32 v8, v4  }
0xe1: {  	[tilespmem:s14+$0x80] =	vst v5;
	v3 =	vmul.f32 v9, v2;
	v2 =	vmov v11  }
0xe2: {  	[tilespmem:s17+$0x0] =	vst v6  }
0xe3: {  	s7 =	sor.u32 $0x180, s18;
	[tilespmem:s17+$0xA000] =	vst v6  }
0xe4: {  	v8 =	vmul.f32 v12, v0;
	[tilespmem:s14+$0xA080] =	vst v5;
	v5 =	vld [tilespmem:s7+$0x0]  }
0xe5: {  	[tilespmem:s13+$0x0] =	vst v7;
	v9 =	vld [tilespmem:s6+$0x0]  }
0xe6: {  	[tilespmem:s13+$0xA000] =	vst v7  }
.Ltmp1:
0xe7: {  	[tilespmem:s13+$0x80] =	vst v10;
	(pc) =	sbr.rel @p1 .LBB2_4-.Ltmp1, $4  }
0xe8: {  	[tilespmem:s13+$0xA080] =	vst v10  }
0xe9: {  	v6 =	vld [tilespmem:s4+$0x0];
	[tilespmem:s9+$0x0] =	vst v8;
	v4 =	vmul.f32 v5, v4  }
0xea: {  	[tilespmem:s9+$0xA000] =	vst v8;
	v7 =	vmul.f32 v9, v1  }
0xeb: {  	s2 =	sadd.s32 $0x40, s2;
	v5 =	vld [tilespmem:s12+$0x0];
	[tilespmem:s7+$0xA000] =	vst v4  }
0xec: {  	_ =	sdelay $0x1  }
0xed: {  	[tilespmem:s6+$0x0] =	vst v7;
	v6 =	vmul.f32 v6, v2  }
0xee: {  	[tilespmem:s6+$0xA000] =	vst v7  }
0xef: {  	v7 =	vld [tilespmem:s15+$0x0];
	[tilespmem:s4+$0x0] =	vst v6  }
0xf0: {  	[tilespmem:s4+$0xA000] =	vst v6  }
0xf1: {  	[tilespmem:s7+$0x0] =	vst v4;
	v61 =	vld [tilespmem:s11+$0x0]  }
0xf2: {  	[tilespmem:s29+$0x0] =	vst v3;
	v0 =	vmul.f32 v5, v0  }
0xf3: {  	[tilespmem:s29+$0xA000] =	vst v3  }
0xf4: {  	[tilespmem:s12+$0x0] =	vst v0;
	v62 =	vmul.f32 v7, v1  }
0xf5: {  	[tilespmem:s12+$0xA000] =	vst v0  }
0xf6: {  	[tilespmem:s15+$0x0] =	vst v62;
	v63 =	vmul.f32 v61, v2  }
0xf7: {  	[tilespmem:s15+$0xA000] =	vst v62  }
0xf8: {  	[tilespmem:s11+$0x0] =	vst v63  }
0xf9: {  	[tilespmem:s11+$0xA000] =	vst v63  }
.LBB2_6:
0xfa: {  	p0 =	sne.s32 s28, $0x310  }
.Ltmp2:
0xfb: {  	_ = 	snop;
	(pc) =	sbr.rel @p0 .LBB2_6-.Ltmp2, $4  }
0xfc: {  	_ = 	snop  }
0xfd: {  	s0 =	sadd.s32 s28, s1;
	s26 =	simm.s32 $0x0  }
0xfe: {  	[tilespmem:s30], [sflag:$0x1] =	stream.linear.gather [hbm4b:s0+s26], $0x80, $0x38;
	[tilespmem:$0x1F600] =	vst v63  }
0xff: {  	s28 =	sadd.s32 $0x10, s28;
	s30 =	sadd.s32 $0x100, s30  }
0x100: {  	s0 =	simm.s32 $0x1C200  }
0x101: {  	s2 =	simm.s32 $0x10;
	s6 =	sadd.s32 $0x0, s5;
	s4 =	simm.s32 $0x1C300  }
.LBB2_8:
0x102: {  	[tilespmem:s0], [sflag:$0x3] =	stream.linear.gather [hbm4b:s6+s26], $0x80, $0x38;
	[tilespmem:$0x1F600] =	vst v63  }
0x103: {  	s6 =	smov.u32 s2;
	s0 =	smov.u32 s4;
	p0 =	sne.s32 s2, $0x310  }
.Ltmp3:
0x104: {  	s2 =	sadd.s32 $0x10, s2;
	(pc) =	sbr.rel @p0 .LBB2_8-.Ltmp3, $2  }
0x105: {  	_ =	sdelay $0x2  }
0x106: {  	s4 =	sadd.s32 $0x100, s4;
	s6 =	sadd.s32 s6, s5  }
0x107: {  	[tilespmem:s0], [sflag:$0x3] =	stream.linear.gather [hbm4b:s6+s26], $0x80, $0x38;
	[tilespmem:$0x1F600] =	vst v63  }
.LBB2_10:
0x108: {  	_ =	swait.ge [sflag:s20], $0x1900;
	s0 =	smul.u32 $0x3200, s26  }
0x109: {  	[sflag:s20] =	ssyncset.done $0x0  }
0x10a: {  	[sflag:s20] =	ssyncadd.s32 $0xFFFFE700;
	s28 =	sshrl.u32 s0, $0x3  }
0x10b: {  	s4 =	simm.s32 $0x19080;
	_ =	swait.ge [sflag:s21], $0x1900;
	s0 =	sadd.s32 $0x320, s28  }
0x10c: {  	s6 =	simm.s32 $0x10;
	[sflag:s21] =	ssyncset.done $0x0;
	s2 =	sadd.s32 s1, s0  }
0x10d: {  	s7 =	simm.s32 $0x19180;
	[sflag:s21] =	ssyncadd.s32 $0xFFFFE700;
	s11 =	sadd.s32 $0x0, s2  }
.LBB2_11:
0x10e: {  	[tilespmem:s4], [sflag:$0x2] =	stream.linear.gather [hbm4b:s11+s3], $0x80, $0x38;
	[tilespmem:$0x1F600] =	vst v63  }
0x10f: {  	s8 =	smov.u32 s6;
	s4 =	smov.u32 s7;
	p0 =	sne.s32 s6, $0x310  }
.Ltmp4:
0x110: {  	s6 =	sadd.s32 $0x10, s6;
	(pc) =	sbr.rel @p0 .LBB2_11-.Ltmp4, $2  }
0x111: {  	_ =	sdelay $0x2  }
0x112: {  	s7 =	sadd.s32 $0x100, s7;
	s11 =	sadd.s32 s8, s2  }
0x113: {  	[tilespmem:s4], [sflag:$0x2] =	stream.linear.gather [hbm4b:s11+s3], $0x80, $0x38;
	[tilespmem:$0x1F600] =	vst v63  }
0x114: {  	s0 =	sadd.s32 s5, s0;
	s2 =	simm.s32 $0x0;
	s4 =	simm.s32 $0x1C280  }
.LBB2_13:
0x115: {  	p0 =	sne.s32 s2, $0x310  }
.Ltmp5:
0x116: {  	_ = 	snop;
	(pc) =	sbr.rel @p0 .LBB2_13-.Ltmp5, $4  }
0x117: {  	_ = 	snop  }
0x118: {  	s6 =	sadd.s32 s2, s0  }
0x119: {  	[tilespmem:s4], [sflag:$0x4] =	stream.linear.gather [hbm4b:s6+s3], $0x80, $0x38;
	[tilespmem:$0x1F600] =	vst v63  }
0x11a: {  	s2 =	sadd.s32 $0x10, s2;
	s4 =	sadd.s32 $0x100, s4  }
0x11b: {  	s30 =	simm.s32 $0x19040  }
0x11c: {  	s29 =	simm.s32 $0x1C240;
	v0 =	vld [tilespmem:s30+$0x30]  }
0x11d: {  	v1 =	vld [tilespmem:s29+$0xFFFFFFC0]  }
0x11e: {  	v2 =	vld [tilespmem:s30+$0xFFFFFFC0]  }
0x11f: {  	v3 =	vld [tilespmem:s30+$0x20]  }
0x120: {  	v11 =	vld [tilespmem:s30+$0xFFFFFFE0]  }
0x121: {  	v4 =	vld [tilespmem:s30+$0xFFFFFFD0]  }
0x122: {  	v6 =	vld [tilespmem:s30+$0x0];
	v9 =	vand.u32 $0x7F, v1;
	v1 =	vshll.u32 v1, $0x2;
	v8 =	vshll.u32 v0, $0x2  }
0x123: {  	v5 =	vld [tilespmem:s30+$0xFFFFFFF0];
	v10 =	vand.u32 $0x7F, v2;
	v0 =	vand.u32 $0x7F, v0;
	v13 =	vshll.u32 v2, $0x2  }
0x124: {  	v14 =	vshll.u32 v3, $0x2;
	v3 =	vand.u32 $0x7F, v3;
	v8 =	vand.u32 $0xFFFFFE00, v8  }
0x125: {  	v7 =	vld [tilespmem:s29+$0x30];
	v15 =	vshll.u32 v11, $0x2;
	v11 =	vand.u32 $0x7F, v11;
	v2 =	vor.u32 v0, v8  }
0x126: {  	v12 =	vld [tilespmem:s30+$0x10];
	v0 =	vand.u32 $0xFFFFFE00, v13;
	v8 =	vand.u32 $0xFFFFFE00, v14;
	v13 =	vand.u32 $0xFFFFFE00, v1  }
0x127: {  	v16 =	vld [tilespmem:s29+$0xFFFFFFD0];
	v1 =	vor.u32 v10, v0;
	v10 =	vor.u32 v3, v8;
	v0 =	vshll.u32 v6, $0x2  }
0x128: {  	v17 =	vld [tilespmem:s29+$0x0];
	v3 =	vshll.u32 v5, $0x2;
	v8 =	vshll.u32 v4, $0x2;
	v4 =	vand.u32 $0x7F, v4  }
0x129: {  	v18 =	vld [tilespmem:s29+$0x20];
	v5 =	vand.u32 $0x7F, v5;
	v6 =	vand.u32 $0x7F, v6;
	v8 =	vand.u32 $0xFFFFFE00, v8  }
0x12a: {  	v20 =	vld [tilespmem:s29+$0xFFFFFFF0];
	v3 =	vand.u32 $0xFFFFFE00, v3;
	v0 =	vand.u32 $0xFFFFFE00, v0;
	v4 =	vor.u32 v4, v8  }
0x12b: {  	v14 =	vld [tilespmem:s29+$0xFFFFFFE0];
	v8 =	vor.u32 v5, v3;
	v3 =	vand.u32 $0xFFFFFE00, v15;
	v5 =	vor.u32 v6, v0  }
0x12c: {  	v6 =	vshll.u32 v12, $0x2;
	v3 =	vor.u32 v11, v3;
	v11 =	vand.u32 $0x7F, v12;
	v12 =	vld [tilespmem:s29+$0x10]  }
0x12d: {  	v19 =	vld.idx.msk [tilespmem:v2+s3+$0x0], $0xffff  }
0x12e: {  	v6 =	vand.u32 $0xFFFFFE00, v6;
	v21 =	vld.idx.msk [tilespmem:v10+s3+$0x0], $0xffff  }
0x12f: {  	v0 =	vor.u32 v9, v13;
	v13 =	vshll.u32 v18, $0x2;
	v6 =	vor.u32 v11, v6;
	v9 =	vld.idx.msk [tilespmem:v1+s3+$0x0], $0xffff  }
0x130: {  	v13 =	vand.u32 $0xFFFFFE00, v13;
	v11 =	vand.u32 $0x7F, v18;
	v22 =	vld.idx.msk [tilespmem:v4+s3+$0x0], $0xffff  }
0x131: {  	v23 =	vshll.u32 v20, $0x2;
	v24 =	vshll.u32 v7, $0x2;
	v15 =	vor.u32 v11, v13;
	v18 =	vld.idx.msk [tilespmem:v8+s3+$0x0], $0xffff  }
0x132: {  	v11 =	vand.u32 $0x7F, v20;
	v13 =	vand.u32 $0xFFFFFE00, v23;
	v23 =	vor.u32 $0x80, v10;
	v20 =	vld.idx.msk [tilespmem:v5+s3+$0x0], $0xffff  }
0x133: {  	v7 =	vand.u32 $0x7F, v7;
	v13 =	vor.u32 v11, v13;
	v11 =	vand.u32 $0xFFFFFE00, v24;
	v25 =	vld.idx.msk [tilespmem:v3+s3+$0x0], $0xffff  }
0x134: {  	v7 =	vor.u32 v7, v11;
	v26 =	vld.idx.msk [tilespmem:v6+s3+$0x0], $0xffff  }
0x135: {  	v27 =	vor.u32 $0x80, v2;
	v24 =	vor.u32 $0x80, v8;
	v11 =	vshll.u32 v12, $0x2;
	[tilespmem:v0+s22+$0x0] =	vst.idx.add.f32.msk $0xffff, v9  }
0x136: {  	v28 =	vor.u32 $0x80, v15;
	v12 =	vand.u32 $0x7F, v12;
	v11 =	vand.u32 $0xFFFFFE00, v11;
	[tilespmem:v15+s22+$0x0] =	vst.idx.add.f32.msk $0xffff, v21  }
0x137: {  	v9 =	vshll.u32 v14, $0x2;
	v14 =	vand.u32 $0x7F, v14;
	v12 =	vor.u32 v12, v11;
	v23 =	vld.idx.msk [tilespmem:v23+s3+$0x0], $0xffff  }
0x138: {  	v11 =	vshll.u32 v16, $0x2;
	v16 =	vand.u32 $0x7F, v16;
	v9 =	vand.u32 $0xFFFFFE00, v9;
	[tilespmem:v13+s22+$0x0] =	vst.idx.add.f32.msk $0xffff, v18  }
0x139: {  	v11 =	vand.u32 $0xFFFFFE00, v11;
	v9 =	vor.u32 v14, v9;
	v14 =	vshll.u32 v17, $0x2;
	[tilespmem:v7+s22+$0x0] =	vst.idx.add.f32.msk $0xffff, v19  }
0x13a: {  	v24 =	vld.idx.msk [tilespmem:v24+s3+$0x0], $0xffff;
	v19 =	vand.u32 $0xFFFFFE00, v14;
	v14 =	vor.u32 v16, v11  }
0x13b: {  	v17 =	vand.u32 $0x7F, v17;
	v27 =	vld.idx.msk [tilespmem:v27+s3+$0x0], $0xffff;
	v16 =	vor.u32 $0x80, v6  }
0x13c: {  	v11 =	vor.u32 v17, v19;
	v17 =	vor.u32 $0x80, v4;
	[tilespmem:v12+s22+$0x0] =	vst.idx.add.f32.msk $0xffff, v26  }
0x13d: {  	v18 =	vor.u32 $0x80, v3;
	[tilespmem:v28+s22+$0x0] =	vst.idx.add.f32.msk $0xffff, v23  }
0x13e: {  	[tilespmem:v9+s22+$0x0] =	vst.idx.add.f32.msk $0xffff, v25  }
0x13f: {  	[tilespmem:v14+s22+$0x0] =	vst.idx.add.f32.msk $0xffff, v22  }
0x140: {  	v23 =	vor.u32 $0x80, v13;
	v26 =	vld.idx.msk [tilespmem:v16+s3+$0x0], $0xffff  }
0x141: {  	v16 =	vld.idx.msk [tilespmem:v17+s3+$0x0], $0xffff;
	v17 =	vor.u32 $0x100, v10  }
0x142: {  	v21 =	vld.idx.msk [tilespmem:v18+s3+$0x0], $0xffff;
	v18 =	vor.u32 $0x80, v7  }
0x143: {  	v63 =	vor.u32 $0x80, v12  }
0x144: {  	v19 =	vor.u32 $0x100, v2;
	[tilespmem:v11+s22+$0x0] =	vst.idx.add.f32.msk $0xffff, v20  }
0x145: {  	v20 =	vor.u32 $0x80, v5;
	[tilespmem:v23+s22+$0x0] =	vst.idx.add.f32.msk $0xffff, v24  }
0x146: {  	v23 =	vld.idx.msk [tilespmem:v17+s3+$0x0], $0xffff;
	v17 =	vor.u32 $0x80, v14  }
0x147: {  	[tilespmem:v18+s22+$0x0] =	vst.idx.add.f32.msk $0xffff, v27  }
0x148: {  	[tilespmem:v63+s22+$0x0] =	vst.idx.add.f32.msk $0xffff, v26  }
0x149: {  	v22 =	vld.idx.msk [tilespmem:v19+s3+$0x0], $0xffff  }
0x14a: {  	s31 =	simm.s32 $0x0;
	v24 =	vor.u32 $0x80, v11;
	v25 =	vld.idx.msk [tilespmem:v20+s3+$0x0], $0xffff  }
.LBB2_15:
0x14b: {  	s31 =	sadd.s32 $0x8, s31;
	[tilespmem:v17+s22+$0x0] =	vst.idx.add.f32.msk $0xffff, v16;
	s30 =	sadd.s32 $0x100, s30;
	s29 =	sadd.s32 $0x100, s29  }
0x14c: {  	v16 =	vld [tilespmem:s29+$0x30];
	p0 =	slt.u32 s31, $0x188  }
0x14d: {  	v17 =	vld [tilespmem:s30+$0xFFFFFFD0]  }
0x14e: {  	v19 =	vld [tilespmem:s30+$0xFFFFFFE0]  }
0x14f: {  	v26 =	vor.u32 $0x100, v4;
	v20 =	vld [tilespmem:s30+$0xFFFFFFF0]  }
0x150: {  	v18 =	vld [tilespmem:s30+$0x0]  }
0x151: {  	v27 =	vld [tilespmem:s30+$0x10]  }
0x152: {  	v28 =	vld [tilespmem:s30+$0x20]  }
0x153: {  	[tilespmem:v24+s22+$0x0] =	vst.idx.add.f32.msk $0xffff, v25;
	v24 =	vor.u32 $0x100, v7  }
0x154: {  	v25 =	vld.idx.msk [tilespmem:v26+s3+$0x0], $0xffff;
	v26 =	vor.u32 $0x100, v15  }
0x155: {  	v30 =	vor.u32 $0x100, v8;
	v29 =	vld [tilespmem:s30+$0x30]  }
0x156: {  	v32 =	vor.u32 $0x80, v1;
	v31 =	vld [tilespmem:s30+$0xFFFFFFC0]  }
0x157: {  	v10 =	vor.u32 $0x180, v10;
	v33 =	vld [tilespmem:s29+$0xFFFFFFC0]  }
0x158: {  	v34 =	vor.u32 $0x80, v9;
	[tilespmem:v24+s22+$0x0] =	vst.idx.add.f32.msk $0xffff, v22  }
0x159: {  	v22 =	vor.u32 $0x100, v6;
	[tilespmem:v26+s22+$0x0] =	vst.idx.add.f32.msk $0xffff, v23  }
0x15a: {  	v23 =	vor.u32 $0x100, v3;
	v24 =	vld.idx.msk [tilespmem:v30+s3+$0x0], $0xffff  }
0x15b: {  	v30 =	vor.u32 $0x100, v5;
	v26 =	vld.idx.msk [tilespmem:v32+s3+$0x0], $0xffff  }
0x15c: {  	v32 =	vor.u32 $0x100, v14;
	v10 =	vld.idx.msk [tilespmem:v10+s3+$0x0], $0xffff  }
0x15d: {  	v15 =	vor.u32 $0x180, v15;
	[tilespmem:v34+s22+$0x0] =	vst.idx.add.f32.msk $0xffff, v21  }
0x15e: {  	v21 =	vor.u32 $0x80, v0;
	v22 =	vld.idx.msk [tilespmem:v22+s3+$0x0], $0xffff  }
0x15f: {  	v34 =	vor.u32 $0x100, v13;
	v23 =	vld.idx.msk [tilespmem:v23+s3+$0x0], $0xffff  }
0x160: {  	v8 =	vor.u32 $0x180, v8;
	v30 =	vld.idx.msk [tilespmem:v30+s3+$0x0], $0xffff  }
0x161: {  	[tilespmem:v32+s22+$0x0] =	vst.idx.add.f32.msk $0xffff, v25;
	v25 =	vor.u32 $0x100, v11  }
0x162: {  	v2 =	vor.u32 $0x180, v2;
	[tilespmem:v15+s22+$0x0] =	vst.idx.add.f32.msk $0xffff, v10  }
0x163: {  	v10 =	vor.u32 $0x100, v12;
	[tilespmem:v21+s22+$0x0] =	vst.idx.add.f32.msk $0xffff, v26  }
0x164: {  	v15 =	vor.u32 $0x100, v1;
	[tilespmem:v34+s22+$0x0] =	vst.idx.add.f32.msk $0xffff, v24  }
0x165: {  	v4 =	vor.u32 $0x180, v4;
	v8 =	vld.idx.msk [tilespmem:v8+s3+$0x0], $0xffff  }
0x166: {  	v6 =	vor.u32 $0x180, v6;
	[tilespmem:v25+s22+$0x0] =	vst.idx.add.f32.msk $0xffff, v30  }
0x167: {  	v13 =	vor.u32 $0x180, v13;
	v2 =	vld.idx.msk [tilespmem:v2+s3+$0x0], $0xffff  }
0x168: {  	v5 =	vor.u32 $0x180, v5;
	[tilespmem:v10+s22+$0x0] =	vst.idx.add.f32.msk $0xffff, v22  }
0x169: {  	v10 =	vld.idx.msk [tilespmem:v15+s3+$0x0], $0xffff;
	v15 =	vor.u32 $0x100, v9  }
0x16a: {  	v21 =	vor.u32 $0x100, v0;
	v4 =	vld.idx.msk [tilespmem:v4+s3+$0x0], $0xffff  }
0x16b: {  	v3 =	vor.u32 $0x180, v3;
	v1 =	vor.u32 $0x180, v1;
	v6 =	vld.idx.msk [tilespmem:v6+s3+$0x0], $0xffff  }
0x16c: {  	[tilespmem:v13+s22+$0x0] =	vst.idx.add.f32.msk $0xffff, v8  }
0x16d: {  	v8 =	vor.u32 $0x180, v14;
	v5 =	vld.idx.msk [tilespmem:v5+s3+$0x0], $0xffff  }
0x16e: {  	v12 =	vor.u32 $0x180, v12;
	[tilespmem:v15+s22+$0x0] =	vst.idx.add.f32.msk $0xffff, v23  }
0x16f: {  	v7 =	vor.u32 $0x180, v7;
	[tilespmem:v21+s22+$0x0] =	vst.idx.add.f32.msk $0xffff, v10  }
0x170: {  	v11 =	vor.u32 $0x180, v11;
	v13 =	vor.u32 $0x180, v0;
	v10 =	vld.idx.msk [tilespmem:v1+s3+$0x0], $0xffff  }
0x171: {  	v9 =	vor.u32 $0x180, v9;
	v0 =	vand.u32 $0x7F, v33;
	v1 =	vshll.u32 v33, $0x2;
	v3 =	vld.idx.msk [tilespmem:v3+s3+$0x0], $0xffff  }
0x172: {  	v14 =	vand.u32 $0x7F, v31;
	v15 =	vshll.u32 v31, $0x2;
	v1 =	vand.u32 $0xFFFFFE00, v1;
	[tilespmem:v8+s22+$0x0] =	vst.idx.add.f32.msk $0xffff, v4  }
0x173: {  	v4 =	vand.u32 $0xFFFFFE00, v15;
	v0 =	vor.u32 v0, v1;
	v8 =	vshll.u32 v29, $0x2;
	[tilespmem:v12+s22+$0x0] =	vst.idx.add.f32.msk $0xffff, v6  }
0x174: {  	v15 =	vand.u32 $0x7F, v29;
	v6 =	vand.u32 $0x7F, v28;
	v12 =	vshll.u32 v28, $0x2;
	[tilespmem:v7+s22+$0x0] =	vst.idx.add.f32.msk $0xffff, v2  }
0x175: {  	v1 =	vor.u32 v14, v4;
	v2 =	vshll.u32 v27, $0x2;
	v4 =	vand.u32 $0xFFFFFE00, v12;
	[tilespmem:v11+s22+$0x0] =	vst.idx.add.f32.msk $0xffff, v5  }
0x176: {  	v5 =	vshll.u32 v18, $0x2;
	v7 =	vand.u32 $0xFFFFFE00, v2;
	v2 =	vand.u32 $0xFFFFFE00, v8;
	[tilespmem:v13+s22+$0x0] =	vst.idx.add.f32.msk $0xffff, v10  }
0x177: {  	v8 =	vshll.u32 v20, $0x2;
	v11 =	vand.u32 $0x7F, v27;
	v2 =	vor.u32 v15, v2;
	[tilespmem:v9+s22+$0x0] =	vst.idx.add.f32.msk $0xffff, v3  }
0x178: {  	v12 =	vand.u32 $0x7F, v20;
	v8 =	vand.u32 $0xFFFFFE00, v8;
	v3 =	vshll.u32 v19, $0x2;
	v9 =	vld [tilespmem:s29+$0xFFFFFFE0]  }
0x179: {  	v13 =	vshll.u32 v17, $0x2;
	v10 =	vor.u32 v6, v4;
	v3 =	vand.u32 $0xFFFFFE00, v3;
	v14 =	vld [tilespmem:s29+$0xFFFFFFD0]  }
0x17a: {  	v6 =	vor.u32 v11, v7;
	v4 =	vand.u32 $0xFFFFFE00, v13;
	v13 =	vand.u32 $0x7F, v19;
	v19 =	vld [tilespmem:s29+$0x0]  }
0x17b: {  	v7 =	vand.u32 $0x7F, v17;
	v3 =	vor.u32 v13, v3;
	v13 =	vand.u32 $0x7F, v16;
	v11 =	vld [tilespmem:s29+$0x20]  }
0x17c: {  	v5 =	vand.u32 $0xFFFFFE00, v5;
	v4 =	vor.u32 v7, v4;
	v7 =	vand.u32 $0x7F, v18;
	v17 =	vld.idx.msk [tilespmem:v2+s3+$0x0], $0xffff  }
0x17d: {  	v8 =	vor.u32 v12, v8;
	v5 =	vor.u32 v7, v5;
	v15 =	vshll.u32 v9, $0x2;
	v18 =	vld [tilespmem:s29+$0xFFFFFFF0]  }
0x17e: {  	v7 =	vshll.u32 v16, $0x2;
	v20 =	vshll.u32 v14, $0x2;
	v12 =	vand.u32 $0xFFFFFE00, v15;
	v21 =	vld.idx.msk [tilespmem:v10+s3+$0x0], $0xffff  }
0x17f: {  	v7 =	vand.u32 $0xFFFFFE00, v7;
	v16 =	vld.idx.msk [tilespmem:v1+s3+$0x0], $0xffff;
	v15 =	vshll.u32 v19, $0x2  }
0x180: {  	v7 =	vor.u32 v13, v7;
	v22 =	vand.u32 $0xFFFFFE00, v15;
	v23 =	vld [tilespmem:s29+$0x10];
	v15 =	vshll.u32 v11, $0x2  }
0x181: {  	v11 =	vand.u32 $0x7F, v11;
	v24 =	vld.idx.msk [tilespmem:v4+s3+$0x0], $0xffff;
	v13 =	vand.u32 $0xFFFFFE00, v15  }
0x182: {  	v25 =	vld.idx.msk [tilespmem:v8+s3+$0x0], $0xffff;
	v26 =	vshll.u32 v18, $0x2;
	v15 =	vor.u32 v11, v13  }
0x183: {  	v11 =	vand.u32 $0x7F, v18;
	v13 =	vand.u32 $0xFFFFFE00, v26;
	v18 =	vld.idx.msk [tilespmem:v5+s3+$0x0], $0xffff;
	v26 =	vor.u32 $0x80, v10  }
0x184: {  	v27 =	vld.idx.msk [tilespmem:v3+s3+$0x0], $0xffff;
	v13 =	vor.u32 v11, v13  }
0x185: {  	v28 =	vor.u32 $0x80, v8;
	[tilespmem:v0+s22+$0x0] =	vst.idx.add.f32.msk $0xffff, v16;
	v16 =	vor.u32 $0x80, v3;
	v29 =	vand.u32 $0x7F, v23  }
0x186: {  	v30 =	vor.u32 $0x80, v2;
	v11 =	vand.u32 $0x7F, v19;
	v23 =	vshll.u32 v23, $0x2;
	v19 =	vld.idx.msk [tilespmem:v6+s3+$0x0], $0xffff  }
0x187: {  	v9 =	vand.u32 $0x7F, v9;
	v11 =	vor.u32 v11, v22;
	v22 =	vand.u32 $0xFFFFFE00, v23;
	[tilespmem:v15+s22+$0x0] =	vst.idx.add.f32.msk $0xffff, v21  }
0x188: {  	v9 =	vor.u32 v9, v12;
	v12 =	vor.u32 v29, v22;
	v22 =	vld.idx.msk [tilespmem:v26+s3+$0x0], $0xffff  }
0x189: {  	v23 =	vor.u32 $0x80, v15;
	[tilespmem:v13+s22+$0x0] =	vst.idx.add.f32.msk $0xffff, v25  }
0x18a: {  	v25 =	vld.idx.msk [tilespmem:v28+s3+$0x0], $0xffff  }
0x18b: {  	v14 =	vand.u32 $0x7F, v14;
	v20 =	vand.u32 $0xFFFFFE00, v20;
	v26 =	vor.u32 $0x80, v5;
	[tilespmem:v7+s22+$0x0] =	vst.idx.add.f32.msk $0xffff, v17  }
0x18c: {  	v14 =	vor.u32 v14, v20;
	v17 =	vld.idx.msk [tilespmem:v30+s3+$0x0], $0xffff  }
0x18d: {  	[tilespmem:v12+s22+$0x0] =	vst.idx.add.f32.msk $0xffff, v19  }
0x18e: {  	v19 =	vor.u32 $0x80, v6;
	[tilespmem:v9+s22+$0x0] =	vst.idx.add.f32.msk $0xffff, v27  }
0x18f: {  	v20 =	vor.u32 $0x80, v4;
	v21 =	vld.idx.msk [tilespmem:v16+s3+$0x0], $0xffff  }
0x190: {  	[tilespmem:v23+s22+$0x0] =	vst.idx.add.f32.msk $0xffff, v22;
	v22 =	vor.u32 $0x80, v7  }
0x191: {  	v23 =	vor.u32 $0x100, v2;
	[tilespmem:v14+s22+$0x0] =	vst.idx.add.f32.msk $0xffff, v24  }
0x192: {  	v27 =	vor.u32 $0x80, v13;
	[tilespmem:v11+s22+$0x0] =	vst.idx.add.f32.msk $0xffff, v18  }
0x193: {  	v24 =	vor.u32 $0x80, v11;
	v18 =	vld.idx.msk [tilespmem:v19+s3+$0x0], $0xffff  }
0x194: {  	v19 =	vor.u32 $0x100, v10;
	v16 =	vld.idx.msk [tilespmem:v20+s3+$0x0], $0xffff  }
0x195: {  	v20 =	vor.u32 $0x80, v12;
	[tilespmem:v22+s22+$0x0] =	vst.idx.add.f32.msk $0xffff, v17  }
.Ltmp6:
0x196: {  	v17 =	vor.u32 $0x80, v14;
	v22 =	vld.idx.msk [tilespmem:v23+s3+$0x0], $0xffff;
	(pc) =	sbr.rel @p0 .LBB2_15-.Ltmp6, $4  }
0x197: {  	[tilespmem:v27+s22+$0x0] =	vst.idx.add.f32.msk $0xffff, v25  }
0x198: {  	v25 =	vld.idx.msk [tilespmem:v26+s3+$0x0], $0xffff  }
0x199: {  	v23 =	vld.idx.msk [tilespmem:v19+s3+$0x0], $0xffff  }
0x19a: {  	[tilespmem:v20+s22+$0x0] =	vst.idx.add.f32.msk $0xffff, v18  }
0x19b: {  	_ = 	snop  }
0x19c: {  	v18 =	vor.u32 $0x100, v4  }
0x19d: {  	v19 =	vor.u32 $0x100, v7  }
0x19e: {  	v20 =	vor.u32 $0x100, v15  }
0x19f: {  	[tilespmem:v17+s22+$0x0] =	vst.idx.add.f32.msk $0xffff, v16;
	v35 =	vor.u32 $0x100, v8  }
0x1a0: {  	v36 =	vor.u32 $0x80, v1;
	[tilespmem:v24+s22+$0x0] =	vst.idx.add.f32.msk $0xffff, v25  }
0x1a1: {  	v37 =	vor.u32 $0x80, v9;
	v18 =	vld.idx.msk [tilespmem:v18+s3+$0x0], $0xffff  }
0x1a2: {  	v38 =	vor.u32 $0x100, v6;
	[tilespmem:v19+s22+$0x0] =	vst.idx.add.f32.msk $0xffff, v22  }
0x1a3: {  	v40 =	vor.u32 $0x100, v5;
	[tilespmem:v20+s22+$0x0] =	vst.idx.add.f32.msk $0xffff, v23  }
0x1a4: {  	v10 =	vor.u32 $0x180, v10;
	v16 =	vld.idx.msk [tilespmem:v35+s3+$0x0], $0xffff  }
0x1a5: {  	v39 =	vor.u32 $0x100, v3;
	v17 =	vld.idx.msk [tilespmem:v36+s3+$0x0], $0xffff  }
0x1a6: {  	v2 =	vor.u32 $0x180, v2;
	[tilespmem:v37+s22+$0x0] =	vst.idx.add.f32.msk $0xffff, v21  }
0x1a7: {  	v41 =	vor.u32 $0x100, v14;
	v19 =	vld.idx.msk [tilespmem:v38+s3+$0x0], $0xffff  }
0x1a8: {  	v43 =	vor.u32 $0x80, v0;
	v22 =	vld.idx.msk [tilespmem:v40+s3+$0x0], $0xffff  }
0x1a9: {  	v44 =	vor.u32 $0x100, v13;
	v10 =	vld.idx.msk [tilespmem:v10+s3+$0x0], $0xffff  }
0x1aa: {  	v46 =	vor.u32 $0x100, v11;
	v20 =	vld.idx.msk [tilespmem:v39+s3+$0x0], $0xffff  }
0x1ab: {  	v47 =	vor.u32 $0x100, v12;
	v2 =	vld.idx.msk [tilespmem:v2+s3+$0x0], $0xffff  }
0x1ac: {  	v42 =	vor.u32 $0x180, v15;
	[tilespmem:v41+s22+$0x0] =	vst.idx.add.f32.msk $0xffff, v18  }
0x1ad: {  	v45 =	vor.u32 $0x180, v8;
	[tilespmem:v43+s22+$0x0] =	vst.idx.add.f32.msk $0xffff, v17  }
0x1ae: {  	v48 =	vor.u32 $0x100, v1;
	[tilespmem:v44+s22+$0x0] =	vst.idx.add.f32.msk $0xffff, v16  }
0x1af: {  	v49 =	vor.u32 $0x180, v4;
	[tilespmem:v46+s22+$0x0] =	vst.idx.add.f32.msk $0xffff, v22  }
0x1b0: {  	v50 =	vor.u32 $0x180, v6;
	[tilespmem:v47+s22+$0x0] =	vst.idx.add.f32.msk $0xffff, v19  }
0x1b1: {  	v52 =	vor.u32 $0x180, v5;
	[tilespmem:v42+s22+$0x0] =	vst.idx.add.f32.msk $0xffff, v10  }
0x1b2: {  	v54 =	vor.u32 $0x100, v9;
	v8 =	vld.idx.msk [tilespmem:v45+s3+$0x0], $0xffff  }
0x1b3: {  	v60 =	vor.u32 $0x180, v7;
	v53 =	vld.idx.msk [tilespmem:v48+s3+$0x0], $0xffff  }
0x1b4: {  	v57 =	vor.u32 $0x180, v3;
	v4 =	vld.idx.msk [tilespmem:v49+s3+$0x0], $0xffff  }
0x1b5: {  	v51 =	vor.u32 $0x180, v13;
	v6 =	vld.idx.msk [tilespmem:v50+s3+$0x0], $0xffff  }
0x1b6: {  	v55 =	vor.u32 $0x100, v0;
	v5 =	vld.idx.msk [tilespmem:v52+s3+$0x0], $0xffff  }
0x1b7: {  	v56 =	vor.u32 $0x180, v1;
	[tilespmem:v54+s22+$0x0] =	vst.idx.add.f32.msk $0xffff, v20  }
0x1b8: {  	v58 =	vor.u32 $0x180, v14;
	[tilespmem:v60+s22+$0x0] =	vst.idx.add.f32.msk $0xffff, v2  }
0x1b9: {  	v59 =	vor.u32 $0x180, v12;
	v3 =	vld.idx.msk [tilespmem:v57+s3+$0x0], $0xffff  }
0x1ba: {  	v61 =	vor.u32 $0x180, v11;
	[tilespmem:v51+s22+$0x0] =	vst.idx.add.f32.msk $0xffff, v8  }
0x1bb: {  	v63 =	vor.u32 $0x180, v9;
	[tilespmem:v55+s22+$0x0] =	vst.idx.add.f32.msk $0xffff, v53  }
0x1bc: {  	v62 =	vor.u32 $0x180, v0;
	v1 =	vld.idx.msk [tilespmem:v56+s3+$0x0], $0xffff  }
0x1bd: {  	[tilespmem:v58+s22+$0x0] =	vst.idx.add.f32.msk $0xffff, v4  }
0x1be: {  	[tilespmem:v59+s22+$0x0] =	vst.idx.add.f32.msk $0xffff, v6  }
0x1bf: {  	[tilespmem:v61+s22+$0x0] =	vst.idx.add.f32.msk $0xffff, v5  }
0x1c0: {  	[tilespmem:v63+s22+$0x0] =	vst.idx.add.f32.msk $0xffff, v3  }
0x1c1: {  	[tilespmem:v62+s22+$0x0] =	vst.idx.add.f32.msk $0xffff, v1  }
0x1c2: {  	p0 =	seq.s32 s26, $0x18;
	_ =	swait.ge [sflag:s23], $0x1900  }
.Ltmp7:
0x1c3: {  	[sflag:s23] =	ssyncset.done $0x0;
	(pc) =	sbr.rel @p0 .LBB2_22-.Ltmp7, $4  }
0x1c4: {  	[sflag:s23] =	ssyncadd.s32 $0xFFFFE700  }
0x1c5: {  	_ =	swait.ge [sflag:s24], $0x1900  }
0x1c6: {  	[sflag:s24] =	ssyncset.done $0x0  }
0x1c7: {  	[sflag:s24] =	ssyncadd.s32 $0xFFFFE700  }
0x1c8: {  	s0 =	sadd.s32 $0x640, s28  }
0x1c9: {  	s4 =	simm.s32 $0x19000;
	s2 =	sadd.s32 s1, s0  }
0x1ca: {  	s6 =	simm.s32 $0x10;
	s7 =	simm.s32 $0x19100;
	s11 =	sadd.s32 $0x0, s2  }
.LBB2_18:
0x1cb: {  	[tilespmem:s4], [sflag:$0x1] =	stream.linear.gather [hbm4b:s11+s3], $0x80, $0x38;
	[tilespmem:$0x1F600] =	vst v63  }
0x1cc: {  	s8 =	smov.u32 s6;
	s4 =	smov.u32 s7;
	p0 =	sne.s32 s6, $0x310  }
.Ltmp8:
0x1cd: {  	s6 =	sadd.s32 $0x10, s6;
	(pc) =	sbr.rel @p0 .LBB2_18-.Ltmp8, $2  }
0x1ce: {  	_ =	sdelay $0x2  }
0x1cf: {  	s7 =	sadd.s32 $0x100, s7;
	s11 =	sadd.s32 s8, s2  }
0x1d0: {  	[tilespmem:s4], [sflag:$0x1] =	stream.linear.gather [hbm4b:s11+s3], $0x80, $0x38;
	[tilespmem:$0x1F600] =	vst v63  }
0x1d1: {  	s0 =	sadd.s32 s5, s0;
	s2 =	simm.s32 $0x1C200  }
0x1d2: {  	s4 =	simm.s32 $0x10;
	s6 =	simm.s32 $0x1C300;
	s7 =	sadd.s32 $0x0, s0  }
.LBB2_20:
0x1d3: {  	[tilespmem:s2], [sflag:$0x3] =	stream.linear.gather [hbm4b:s7+s3], $0x80, $0x38;
	[tilespmem:$0x1F600] =	vst v63  }
0x1d4: {  	s7 =	smov.u32 s4;
	s2 =	smov.u32 s6;
	p0 =	sne.s32 s4, $0x310  }
.Ltmp9:
0x1d5: {  	s4 =	sadd.s32 $0x10, s4;
	(pc) =	sbr.rel @p0 .LBB2_20-.Ltmp9, $2  }
0x1d6: {  	_ =	sdelay $0x2  }
0x1d7: {  	s6 =	sadd.s32 $0x100, s6;
	s7 =	sadd.s32 s7, s0  }
0x1d8: {  	[tilespmem:s2], [sflag:$0x3] =	stream.linear.gather [hbm4b:s7+s3], $0x80, $0x38;
	[tilespmem:$0x1F600] =	vst v63  }
.LBB2_22:
0x1d9: {  	s29 =	simm.s32 $0x190F0  }
0x1da: {  	s28 =	simm.s32 $0x1C2F0;
	v0 =	vld [tilespmem:s29+$0x0]  }
0x1db: {  	v1 =	vld [tilespmem:s28+$0xFFFFFF90]  }
0x1dc: {  	v2 =	vld [tilespmem:s29+$0xFFFFFF90]  }
0x1dd: {  	v3 =	vld [tilespmem:s29+$0xFFFFFFF0]  }
0x1de: {  	v11 =	vld [tilespmem:s29+$0xFFFFFFB0]  }
0x1df: {  	v4 =	vld [tilespmem:s29+$0xFFFFFFA0]  }
0x1e0: {  	v6 =	vld [tilespmem:s29+$0xFFFFFFD0];
	v9 =	vand.u32 $0x7F, v1;
	v1 =	vshll.u32 v1, $0x2;
	v8 =	vshll.u32 v0, $0x2  }
0x1e1: {  	v5 =	vld [tilespmem:s29+$0xFFFFFFC0];
	v10 =	vand.u32 $0x7F, v2;
	v0 =	vand.u32 $0x7F, v0;
	v13 =	vshll.u32 v2, $0x2  }
0x1e2: {  	v14 =	vshll.u32 v3, $0x2;
	v3 =	vand.u32 $0x7F, v3;
	v8 =	vand.u32 $0xFFFFFE00, v8  }
0x1e3: {  	v7 =	vld [tilespmem:s28+$0x0];
	v15 =	vshll.u32 v11, $0x2;
	v11 =	vand.u32 $0x7F, v11;
	v2 =	vor.u32 v0, v8  }
0x1e4: {  	v12 =	vld [tilespmem:s29+$0xFFFFFFE0];
	v0 =	vand.u32 $0xFFFFFE00, v13;
	v8 =	vand.u32 $0xFFFFFE00, v14;
	v13 =	vand.u32 $0xFFFFFE00, v1  }
0x1e5: {  	v16 =	vld [tilespmem:s28+$0xFFFFFFA0];
	v1 =	vor.u32 v10, v0;
	v10 =	vor.u32 v3, v8;
	v0 =	vshll.u32 v6, $0x2  }
0x1e6: {  	v17 =	vld [tilespmem:s28+$0xFFFFFFD0];
	v3 =	vshll.u32 v5, $0x2;
	v8 =	vshll.u32 v4, $0x2;
	v4 =	vand.u32 $0x7F, v4  }
0x1e7: {  	v18 =	vld [tilespmem:s28+$0xFFFFFFF0];
	v5 =	vand.u32 $0x7F, v5;
	v6 =	vand.u32 $0x7F, v6;
	v8 =	vand.u32 $0xFFFFFE00, v8  }
0x1e8: {  	v20 =	vld [tilespmem:s28+$0xFFFFFFC0];
	v3 =	vand.u32 $0xFFFFFE00, v3;
	v0 =	vand.u32 $0xFFFFFE00, v0;
	v4 =	vor.u32 v4, v8  }
0x1e9: {  	v14 =	vld [tilespmem:s28+$0xFFFFFFB0];
	v8 =	vor.u32 v5, v3;
	v3 =	vand.u32 $0xFFFFFE00, v15;
	v5 =	vor.u32 v6, v0  }
0x1ea: {  	v6 =	vshll.u32 v12, $0x2;
	v3 =	vor.u32 v11, v3;
	v11 =	vand.u32 $0x7F, v12;
	v12 =	vld [tilespmem:s28+$0xFFFFFFE0]  }
0x1eb: {  	v19 =	vld.idx.msk [tilespmem:v2+s3+$0x0], $0xffff  }
0x1ec: {  	v6 =	vand.u32 $0xFFFFFE00, v6;
	v21 =	vld.idx.msk [tilespmem:v10+s3+$0x0], $0xffff  }
0x1ed: {  	v0 =	vor.u32 v9, v13;
	v13 =	vshll.u32 v18, $0x2;
	v6 =	vor.u32 v11, v6;
	v9 =	vld.idx.msk [tilespmem:v1+s3+$0x0], $0xffff  }
0x1ee: {  	v13 =	vand.u32 $0xFFFFFE00, v13;
	v11 =	vand.u32 $0x7F, v18;
	v22 =	vld.idx.msk [tilespmem:v4+s3+$0x0], $0xffff  }
0x1ef: {  	v23 =	vshll.u32 v20, $0x2;
	v24 =	vshll.u32 v7, $0x2;
	v15 =	vor.u32 v11, v13;
	v18 =	vld.idx.msk [tilespmem:v8+s3+$0x0], $0xffff  }
0x1f0: {  	v11 =	vand.u32 $0x7F, v20;
	v13 =	vand.u32 $0xFFFFFE00, v23;
	v23 =	vor.u32 $0x80, v10;
	v20 =	vld.idx.msk [tilespmem:v5+s3+$0x0], $0xffff  }
0x1f1: {  	v7 =	vand.u32 $0x7F, v7;
	v13 =	vor.u32 v11, v13;
	v11 =	vand.u32 $0xFFFFFE00, v24;
	v25 =	vld.idx.msk [tilespmem:v3+s3+$0x0], $0xffff  }
0x1f2: {  	v7 =	vor.u32 v7, v11;
	v26 =	vld.idx.msk [tilespmem:v6+s3+$0x0], $0xffff  }
0x1f3: {  	v27 =	vor.u32 $0x80, v2;
	v24 =	vor.u32 $0x80, v8;
	v11 =	vshll.u32 v12, $0x2;
	[tilespmem:v0+s22+$0x0] =	vst.idx.add.f32.msk $0xffff, v9  }
0x1f4: {  	v28 =	vor.u32 $0x80, v15;
	v12 =	vand.u32 $0x7F, v12;
	v11 =	vand.u32 $0xFFFFFE00, v11;
	[tilespmem:v15+s22+$0x0] =	vst.idx.add.f32.msk $0xffff, v21  }
0x1f5: {  	v9 =	vshll.u32 v14, $0x2;
	v14 =	vand.u32 $0x7F, v14;
	v12 =	vor.u32 v12, v11;
	v23 =	vld.idx.msk [tilespmem:v23+s3+$0x0], $0xffff  }
0x1f6: {  	v11 =	vshll.u32 v16, $0x2;
	v16 =	vand.u32 $0x7F, v16;
	v9 =	vand.u32 $0xFFFFFE00, v9;
	[tilespmem:v13+s22+$0x0] =	vst.idx.add.f32.msk $0xffff, v18  }
0x1f7: {  	v11 =	vand.u32 $0xFFFFFE00, v11;
	v9 =	vor.u32 v14, v9;
	v14 =	vshll.u32 v17, $0x2;
	[tilespmem:v7+s22+$0x0] =	vst.idx.add.f32.msk $0xffff, v19  }
0x1f8: {  	v24 =	vld.idx.msk [tilespmem:v24+s3+$0x0], $0xffff;
	v19 =	vand.u32 $0xFFFFFE00, v14;
	v14 =	vor.u32 v16, v11  }
0x1f9: {  	v17 =	vand.u32 $0x7F, v17;
	v27 =	vld.idx.msk [tilespmem:v27+s3+$0x0], $0xffff;
	v16 =	vor.u32 $0x80, v6  }
0x1fa: {  	v11 =	vor.u32 v17, v19;
	v17 =	vor.u32 $0x80, v4;
	[tilespmem:v12+s22+$0x0] =	vst.idx.add.f32.msk $0xffff, v26  }
0x1fb: {  	v18 =	vor.u32 $0x80, v3;
	[tilespmem:v28+s22+$0x0] =	vst.idx.add.f32.msk $0xffff, v23  }
0x1fc: {  	[tilespmem:v9+s22+$0x0] =	vst.idx.add.f32.msk $0xffff, v25  }
0x1fd: {  	[tilespmem:v14+s22+$0x0] =	vst.idx.add.f32.msk $0xffff, v22  }
0x1fe: {  	v23 =	vor.u32 $0x80, v13;
	v26 =	vld.idx.msk [tilespmem:v16+s3+$0x0], $0xffff  }
0x1ff: {  	v16 =	vld.idx.msk [tilespmem:v17+s3+$0x0], $0xffff;
	v17 =	vor.u32 $0x100, v10  }
0x200: {  	v21 =	vld.idx.msk [tilespmem:v18+s3+$0x0], $0xffff;
	v18 =	vor.u32 $0x80, v7  }
0x201: {  	v63 =	vor.u32 $0x80, v12  }
0x202: {  	v19 =	vor.u32 $0x100, v2;
	[tilespmem:v11+s22+$0x0] =	vst.idx.add.f32.msk $0xffff, v20  }
0x203: {  	v20 =	vor.u32 $0x80, v5;
	[tilespmem:v23+s22+$0x0] =	vst.idx.add.f32.msk $0xffff, v24  }
0x204: {  	v23 =	vld.idx.msk [tilespmem:v17+s3+$0x0], $0xffff;
	v17 =	vor.u32 $0x80, v14  }
0x205: {  	[tilespmem:v18+s22+$0x0] =	vst.idx.add.f32.msk $0xffff, v27  }
0x206: {  	[tilespmem:v63+s22+$0x0] =	vst.idx.add.f32.msk $0xffff, v26  }
0x207: {  	v22 =	vld.idx.msk [tilespmem:v19+s3+$0x0], $0xffff  }
0x208: {  	s30 =	simm.s32 $0x0;
	v24 =	vor.u32 $0x80, v11;
	v25 =	vld.idx.msk [tilespmem:v20+s3+$0x0], $0xffff  }
.LBB2_23:
0x209: {  	s30 =	sadd.s32 $0x8, s30;
	[tilespmem:v17+s22+$0x0] =	vst.idx.add.f32.msk $0xffff, v16;
	s28 =	sadd.s32 $0x100, s28;
	s29 =	sadd.s32 $0x100, s29  }
0x20a: {  	v16 =	vld [tilespmem:s28+$0x0];
	p0 =	slt.u32 s30, $0x188  }
0x20b: {  	v17 =	vld [tilespmem:s29+$0xFFFFFFA0]  }
0x20c: {  	v19 =	vld [tilespmem:s29+$0xFFFFFFB0]  }
0x20d: {  	v26 =	vor.u32 $0x100, v4;
	v20 =	vld [tilespmem:s29+$0xFFFFFFC0]  }
0x20e: {  	v18 =	vld [tilespmem:s29+$0xFFFFFFD0]  }
0x20f: {  	v27 =	vld [tilespmem:s29+$0xFFFFFFE0]  }
0x210: {  	v28 =	vld [tilespmem:s29+$0xFFFFFFF0]  }
0x211: {  	[tilespmem:v24+s22+$0x0] =	vst.idx.add.f32.msk $0xffff, v25;
	v24 =	vor.u32 $0x100, v7  }
0x212: {  	v25 =	vld.idx.msk [tilespmem:v26+s3+$0x0], $0xffff;
	v26 =	vor.u32 $0x100, v15  }
0x213: {  	v30 =	vor.u32 $0x100, v8;
	v29 =	vld [tilespmem:s29+$0x0]  }
0x214: {  	v32 =	vor.u32 $0x80, v1;
	v31 =	vld [tilespmem:s29+$0xFFFFFF90]  }
0x215: {  	v10 =	vor.u32 $0x180, v10;
	v33 =	vld [tilespmem:s28+$0xFFFFFF90]  }
0x216: {  	v34 =	vor.u32 $0x80, v9;
	[tilespmem:v24+s22+$0x0] =	vst.idx.add.f32.msk $0xffff, v22  }
0x217: {  	v22 =	vor.u32 $0x100, v6;
	[tilespmem:v26+s22+$0x0] =	vst.idx.add.f32.msk $0xffff, v23  }
0x218: {  	v23 =	vor.u32 $0x100, v3;
	v24 =	vld.idx.msk [tilespmem:v30+s3+$0x0], $0xffff  }
0x219: {  	v30 =	vor.u32 $0x100, v5;
	v26 =	vld.idx.msk [tilespmem:v32+s3+$0x0], $0xffff  }
0x21a: {  	v32 =	vor.u32 $0x100, v14;
	v10 =	vld.idx.msk [tilespmem:v10+s3+$0x0], $0xffff  }
0x21b: {  	v15 =	vor.u32 $0x180, v15;
	[tilespmem:v34+s22+$0x0] =	vst.idx.add.f32.msk $0xffff, v21  }
0x21c: {  	v21 =	vor.u32 $0x80, v0;
	v22 =	vld.idx.msk [tilespmem:v22+s3+$0x0], $0xffff  }
0x21d: {  	v34 =	vor.u32 $0x100, v13;
	v23 =	vld.idx.msk [tilespmem:v23+s3+$0x0], $0xffff  }
0x21e: {  	v8 =	vor.u32 $0x180, v8;
	v30 =	vld.idx.msk [tilespmem:v30+s3+$0x0], $0xffff  }
0x21f: {  	[tilespmem:v32+s22+$0x0] =	vst.idx.add.f32.msk $0xffff, v25;
	v25 =	vor.u32 $0x100, v11  }
0x220: {  	v2 =	vor.u32 $0x180, v2;
	[tilespmem:v15+s22+$0x0] =	vst.idx.add.f32.msk $0xffff, v10  }
0x221: {  	v10 =	vor.u32 $0x100, v12;
	[tilespmem:v21+s22+$0x0] =	vst.idx.add.f32.msk $0xffff, v26  }
0x222: {  	v15 =	vor.u32 $0x100, v1;
	[tilespmem:v34+s22+$0x0] =	vst.idx.add.f32.msk $0xffff, v24  }
0x223: {  	v4 =	vor.u32 $0x180, v4;
	v8 =	vld.idx.msk [tilespmem:v8+s3+$0x0], $0xffff  }
0x224: {  	v6 =	vor.u32 $0x180, v6;
	[tilespmem:v25+s22+$0x0] =	vst.idx.add.f32.msk $0xffff, v30  }
0x225: {  	v13 =	vor.u32 $0x180, v13;
	v2 =	vld.idx.msk [tilespmem:v2+s3+$0x0], $0xffff  }
0x226: {  	v5 =	vor.u32 $0x180, v5;
	[tilespmem:v10+s22+$0x0] =	vst.idx.add.f32.msk $0xffff, v22  }
0x227: {  	v10 =	vld.idx.msk [tilespmem:v15+s3+$0x0], $0xffff;
	v15 =	vor.u32 $0x100, v9  }
0x228: {  	v21 =	vor.u32 $0x100, v0;
	v4 =	vld.idx.msk [tilespmem:v4+s3+$0x0], $0xffff  }
0x229: {  	v3 =	vor.u32 $0x180, v3;
	v1 =	vor.u32 $0x180, v1;
	v6 =	vld.idx.msk [tilespmem:v6+s3+$0x0], $0xffff  }
0x22a: {  	[tilespmem:v13+s22+$0x0] =	vst.idx.add.f32.msk $0xffff, v8  }
0x22b: {  	v8 =	vor.u32 $0x180, v14;
	v5 =	vld.idx.msk [tilespmem:v5+s3+$0x0], $0xffff  }
0x22c: {  	v12 =	vor.u32 $0x180, v12;
	[tilespmem:v15+s22+$0x0] =	vst.idx.add.f32.msk $0xffff, v23  }
0x22d: {  	v7 =	vor.u32 $0x180, v7;
	[tilespmem:v21+s22+$0x0] =	vst.idx.add.f32.msk $0xffff, v10  }
0x22e: {  	v11 =	vor.u32 $0x180, v11;
	v13 =	vor.u32 $0x180, v0;
	v10 =	vld.idx.msk [tilespmem:v1+s3+$0x0], $0xffff  }
0x22f: {  	v9 =	vor.u32 $0x180, v9;
	v0 =	vand.u32 $0x7F, v33;
	v1 =	vshll.u32 v33, $0x2;
	v3 =	vld.idx.msk [tilespmem:v3+s3+$0x0], $0xffff  }
0x230: {  	v14 =	vand.u32 $0x7F, v31;
	v15 =	vshll.u32 v31, $0x2;
	v1 =	vand.u32 $0xFFFFFE00, v1;
	[tilespmem:v8+s22+$0x0] =	vst.idx.add.f32.msk $0xffff, v4  }
0x231: {  	v4 =	vand.u32 $0xFFFFFE00, v15;
	v0 =	vor.u32 v0, v1;
	v8 =	vshll.u32 v29, $0x2;
	[tilespmem:v12+s22+$0x0] =	vst.idx.add.f32.msk $0xffff, v6  }
0x232: {  	v15 =	vand.u32 $0x7F, v29;
	v6 =	vand.u32 $0x7F, v28;
	v12 =	vshll.u32 v28, $0x2;
	[tilespmem:v7+s22+$0x0] =	vst.idx.add.f32.msk $0xffff, v2  }
0x233: {  	v1 =	vor.u32 v14, v4;
	v2 =	vshll.u32 v27, $0x2;
	v4 =	vand.u32 $0xFFFFFE00, v12;
	[tilespmem:v11+s22+$0x0] =	vst.idx.add.f32.msk $0xffff, v5  }
0x234: {  	v5 =	vshll.u32 v18, $0x2;
	v7 =	vand.u32 $0xFFFFFE00, v2;
	v2 =	vand.u32 $0xFFFFFE00, v8;
	[tilespmem:v13+s22+$0x0] =	vst.idx.add.f32.msk $0xffff, v10  }
0x235: {  	v8 =	vshll.u32 v20, $0x2;
	v11 =	vand.u32 $0x7F, v27;
	v2 =	vor.u32 v15, v2;
	[tilespmem:v9+s22+$0x0] =	vst.idx.add.f32.msk $0xffff, v3  }
0x236: {  	v12 =	vand.u32 $0x7F, v20;
	v8 =	vand.u32 $0xFFFFFE00, v8;
	v3 =	vshll.u32 v19, $0x2;
	v9 =	vld [tilespmem:s28+$0xFFFFFFB0]  }
0x237: {  	v13 =	vshll.u32 v17, $0x2;
	v10 =	vor.u32 v6, v4;
	v3 =	vand.u32 $0xFFFFFE00, v3;
	v14 =	vld [tilespmem:s28+$0xFFFFFFA0]  }
0x238: {  	v6 =	vor.u32 v11, v7;
	v4 =	vand.u32 $0xFFFFFE00, v13;
	v13 =	vand.u32 $0x7F, v19;
	v19 =	vld [tilespmem:s28+$0xFFFFFFD0]  }
0x239: {  	v7 =	vand.u32 $0x7F, v17;
	v3 =	vor.u32 v13, v3;
	v13 =	vand.u32 $0x7F, v16;
	v11 =	vld [tilespmem:s28+$0xFFFFFFF0]  }
0x23a: {  	v5 =	vand.u32 $0xFFFFFE00, v5;
	v4 =	vor.u32 v7, v4;
	v7 =	vand.u32 $0x7F, v18;
	v17 =	vld.idx.msk [tilespmem:v2+s3+$0x0], $0xffff  }
0x23b: {  	v8 =	vor.u32 v12, v8;
	v5 =	vor.u32 v7, v5;
	v15 =	vshll.u32 v9, $0x2;
	v18 =	vld [tilespmem:s28+$0xFFFFFFC0]  }
0x23c: {  	v7 =	vshll.u32 v16, $0x2;
	v20 =	vshll.u32 v14, $0x2;
	v12 =	vand.u32 $0xFFFFFE00, v15;
	v21 =	vld.idx.msk [tilespmem:v10+s3+$0x0], $0xffff  }
0x23d: {  	v7 =	vand.u32 $0xFFFFFE00, v7;
	v16 =	vld.idx.msk [tilespmem:v1+s3+$0x0], $0xffff;
	v15 =	vshll.u32 v19, $0x2  }
0x23e: {  	v7 =	vor.u32 v13, v7;
	v22 =	vand.u32 $0xFFFFFE00, v15;
	v23 =	vld [tilespmem:s28+$0xFFFFFFE0];
	v15 =	vshll.u32 v11, $0x2  }
0x23f: {  	v11 =	vand.u32 $0x7F, v11;
	v24 =	vld.idx.msk [tilespmem:v4+s3+$0x0], $0xffff;
	v13 =	vand.u32 $0xFFFFFE00, v15  }
0x240: {  	v25 =	vld.idx.msk [tilespmem:v8+s3+$0x0], $0xffff;
	v26 =	vshll.u32 v18, $0x2;
	v15 =	vor.u32 v11, v13  }
0x241: {  	v11 =	vand.u32 $0x7F, v18;
	v13 =	vand.u32 $0xFFFFFE00, v26;
	v18 =	vld.idx.msk [tilespmem:v5+s3+$0x0], $0xffff;
	v26 =	vor.u32 $0x80, v10  }
0x242: {  	v27 =	vld.idx.msk [tilespmem:v3+s3+$0x0], $0xffff;
	v13 =	vor.u32 v11, v13  }
0x243: {  	v28 =	vor.u32 $0x80, v8;
	[tilespmem:v0+s22+$0x0] =	vst.idx.add.f32.msk $0xffff, v16;
	v16 =	vor.u32 $0x80, v3;
	v29 =	vand.u32 $0x7F, v23  }
0x244: {  	v30 =	vor.u32 $0x80, v2;
	v11 =	vand.u32 $0x7F, v19;
	v23 =	vshll.u32 v23, $0x2;
	v19 =	vld.idx.msk [tilespmem:v6+s3+$0x0], $0xffff  }
0x245: {  	v9 =	vand.u32 $0x7F, v9;
	v11 =	vor.u32 v11, v22;
	v22 =	vand.u32 $0xFFFFFE00, v23;
	[tilespmem:v15+s22+$0x0] =	vst.idx.add.f32.msk $0xffff, v21  }
0x246: {  	v9 =	vor.u32 v9, v12;
	v12 =	vor.u32 v29, v22;
	v22 =	vld.idx.msk [tilespmem:v26+s3+$0x0], $0xffff  }
0x247: {  	v23 =	vor.u32 $0x80, v15;
	[tilespmem:v13+s22+$0x0] =	vst.idx.add.f32.msk $0xffff, v25  }
0x248: {  	v25 =	vld.idx.msk [tilespmem:v28+s3+$0x0], $0xffff  }
0x249: {  	v14 =	vand.u32 $0x7F, v14;
	v20 =	vand.u32 $0xFFFFFE00, v20;
	v26 =	vor.u32 $0x80, v5;
	[tilespmem:v7+s22+$0x0] =	vst.idx.add.f32.msk $0xffff, v17  }
0x24a: {  	v14 =	vor.u32 v14, v20;
	v17 =	vld.idx.msk [tilespmem:v30+s3+$0x0], $0xffff  }
0x24b: {  	[tilespmem:v12+s22+$0x0] =	vst.idx.add.f32.msk $0xffff, v19  }
0x24c: {  	v19 =	vor.u32 $0x80, v6;
	[tilespmem:v9+s22+$0x0] =	vst.idx.add.f32.msk $0xffff, v27  }
0x24d: {  	v20 =	vor.u32 $0x80, v4;
	v21 =	vld.idx.msk [tilespmem:v16+s3+$0x0], $0xffff  }
0x24e: {  	[tilespmem:v23+s22+$0x0] =	vst.idx.add.f32.msk $0xffff, v22;
	v22 =	vor.u32 $0x80, v7  }
0x24f: {  	v23 =	vor.u32 $0x100, v2;
	[tilespmem:v14+s22+$0x0] =	vst.idx.add.f32.msk $0xffff, v24  }
0x250: {  	v27 =	vor.u32 $0x80, v13;
	[tilespmem:v11+s22+$0x0] =	vst.idx.add.f32.msk $0xffff, v18  }
0x251: {  	v24 =	vor.u32 $0x80, v11;
	v18 =	vld.idx.msk [tilespmem:v19+s3+$0x0], $0xffff  }
0x252: {  	v19 =	vor.u32 $0x100, v10;
	v16 =	vld.idx.msk [tilespmem:v20+s3+$0x0], $0xffff  }
0x253: {  	v20 =	vor.u32 $0x80, v12;
	[tilespmem:v22+s22+$0x0] =	vst.idx.add.f32.msk $0xffff, v17  }
.Ltmp10:
0x254: {  	v17 =	vor.u32 $0x80, v14;
	v22 =	vld.idx.msk [tilespmem:v23+s3+$0x0], $0xffff;
	(pc) =	sbr.rel @p0 .LBB2_23-.Ltmp10, $4  }
0x255: {  	[tilespmem:v27+s22+$0x0] =	vst.idx.add.f32.msk $0xffff, v25  }
0x256: {  	v25 =	vld.idx.msk [tilespmem:v26+s3+$0x0], $0xffff  }
0x257: {  	v23 =	vld.idx.msk [tilespmem:v19+s3+$0x0], $0xffff  }
0x258: {  	[tilespmem:v20+s22+$0x0] =	vst.idx.add.f32.msk $0xffff, v18  }
0x259: {  	_ = 	snop  }
0x25a: {  	v18 =	vor.u32 $0x100, v4  }
0x25b: {  	v19 =	vor.u32 $0x100, v7  }
0x25c: {  	v20 =	vor.u32 $0x100, v15  }
0x25d: {  	[tilespmem:v17+s22+$0x0] =	vst.idx.add.f32.msk $0xffff, v16;
	v35 =	vor.u32 $0x100, v8  }
0x25e: {  	v36 =	vor.u32 $0x80, v1;
	[tilespmem:v24+s22+$0x0] =	vst.idx.add.f32.msk $0xffff, v25  }
0x25f: {  	v37 =	vor.u32 $0x80, v9;
	v18 =	vld.idx.msk [tilespmem:v18+s3+$0x0], $0xffff  }
0x260: {  	v38 =	vor.u32 $0x100, v6;
	[tilespmem:v19+s22+$0x0] =	vst.idx.add.f32.msk $0xffff, v22  }
0x261: {  	v40 =	vor.u32 $0x100, v5;
	[tilespmem:v20+s22+$0x0] =	vst.idx.add.f32.msk $0xffff, v23  }
0x262: {  	v10 =	vor.u32 $0x180, v10;
	v16 =	vld.idx.msk [tilespmem:v35+s3+$0x0], $0xffff  }
0x263: {  	v39 =	vor.u32 $0x100, v3;
	v17 =	vld.idx.msk [tilespmem:v36+s3+$0x0], $0xffff  }
0x264: {  	v2 =	vor.u32 $0x180, v2;
	[tilespmem:v37+s22+$0x0] =	vst.idx.add.f32.msk $0xffff, v21  }
0x265: {  	v41 =	vor.u32 $0x100, v14;
	v19 =	vld.idx.msk [tilespmem:v38+s3+$0x0], $0xffff  }
0x266: {  	v43 =	vor.u32 $0x80, v0;
	v22 =	vld.idx.msk [tilespmem:v40+s3+$0x0], $0xffff  }
0x267: {  	v44 =	vor.u32 $0x100, v13;
	v10 =	vld.idx.msk [tilespmem:v10+s3+$0x0], $0xffff  }
0x268: {  	v46 =	vor.u32 $0x100, v11;
	v20 =	vld.idx.msk [tilespmem:v39+s3+$0x0], $0xffff  }
0x269: {  	v47 =	vor.u32 $0x100, v12;
	v2 =	vld.idx.msk [tilespmem:v2+s3+$0x0], $0xffff  }
0x26a: {  	v42 =	vor.u32 $0x180, v15;
	[tilespmem:v41+s22+$0x0] =	vst.idx.add.f32.msk $0xffff, v18  }
0x26b: {  	v45 =	vor.u32 $0x180, v8;
	[tilespmem:v43+s22+$0x0] =	vst.idx.add.f32.msk $0xffff, v17  }
0x26c: {  	v48 =	vor.u32 $0x100, v1;
	[tilespmem:v44+s22+$0x0] =	vst.idx.add.f32.msk $0xffff, v16  }
0x26d: {  	v49 =	vor.u32 $0x180, v4;
	[tilespmem:v46+s22+$0x0] =	vst.idx.add.f32.msk $0xffff, v22  }
0x26e: {  	v50 =	vor.u32 $0x180, v6;
	[tilespmem:v47+s22+$0x0] =	vst.idx.add.f32.msk $0xffff, v19  }
0x26f: {  	v52 =	vor.u32 $0x180, v5;
	[tilespmem:v42+s22+$0x0] =	vst.idx.add.f32.msk $0xffff, v10  }
0x270: {  	v54 =	vor.u32 $0x100, v9;
	v8 =	vld.idx.msk [tilespmem:v45+s3+$0x0], $0xffff  }
0x271: {  	v60 =	vor.u32 $0x180, v7;
	v53 =	vld.idx.msk [tilespmem:v48+s3+$0x0], $0xffff  }
0x272: {  	v57 =	vor.u32 $0x180, v3;
	v4 =	vld.idx.msk [tilespmem:v49+s3+$0x0], $0xffff  }
0x273: {  	v51 =	vor.u32 $0x180, v13;
	v6 =	vld.idx.msk [tilespmem:v50+s3+$0x0], $0xffff  }
0x274: {  	v55 =	vor.u32 $0x100, v0;
	v5 =	vld.idx.msk [tilespmem:v52+s3+$0x0], $0xffff  }
0x275: {  	v56 =	vor.u32 $0x180, v1;
	[tilespmem:v54+s22+$0x0] =	vst.idx.add.f32.msk $0xffff, v20  }
0x276: {  	v58 =	vor.u32 $0x180, v14;
	[tilespmem:v60+s22+$0x0] =	vst.idx.add.f32.msk $0xffff, v2  }
0x277: {  	v59 =	vor.u32 $0x180, v12;
	v3 =	vld.idx.msk [tilespmem:v57+s3+$0x0], $0xffff  }
0x278: {  	v61 =	vor.u32 $0x180, v11;
	[tilespmem:v51+s22+$0x0] =	vst.idx.add.f32.msk $0xffff, v8  }
0x279: {  	v63 =	vor.u32 $0x180, v9;
	s26 =	sadd.s32 $0x1, s26;
	[tilespmem:v55+s22+$0x0] =	vst.idx.add.f32.msk $0xffff, v53  }
0x27a: {  	v62 =	vor.u32 $0x180, v0;
	p0 =	sne.s32 s26, $0x19;
	v1 =	vld.idx.msk [tilespmem:v56+s3+$0x0], $0xffff  }
.Ltmp11:
0x27b: {  	[tilespmem:v58+s22+$0x0] =	vst.idx.add.f32.msk $0xffff, v4;
	(pc) =	sbr.rel @p0 .LBB2_10-.Ltmp11, $4  }
0x27c: {  	[tilespmem:v59+s22+$0x0] =	vst.idx.add.f32.msk $0xffff, v6  }
0x27d: {  	[tilespmem:v61+s22+$0x0] =	vst.idx.add.f32.msk $0xffff, v5  }
0x27e: {  	[tilespmem:v63+s22+$0x0] =	vst.idx.add.f32.msk $0xffff, v3  }
0x27f: {  	[tilespmem:v62+s22+$0x0] =	vst.idx.add.f32.msk $0xffff, v1  }
0x280: {  	s0 =	simm.s32 $0x0  }
0x281: {  	s2 =	sand.u32 $0x40, s0;
	s4 =	sand.u32 $0x3F80, s0  }
0x282: {  	s0 =	sand.u32 $0xFE00, s0;
	s4 =	sor.u32 $0x14000, s4;
	s6 =	sor.u32 $0x30, s2  }
0x283: {  	v2 =	vld [tilespmem:$0x1F400];
	s8 =	sadd.s32 $0xA000, s0;
	s7 =	sor.u32 s6, s4  }
0x284: {  	s6 =	sor.u32 s6, s8;
	v6 =	vld [tilespmem:s7+$0x0]  }
0x285: {  	s26 =	simm.s32 $0x0;
	s18 =	sor.u32 $0x10, s2;
	v0 =	vld [tilespmem:s6+$0x0]  }
0x286: {  	v7 =	vld [tilespmem:s26+$0x14000];
	s9 =	sor.u32 s18, s4  }
0x287: {  	s0 =	sor.u32 s2, s8;
	s2 =	sor.u32 $0x20, s2;
	s7 =	sor.u32 s18, s8;
	v5 =	vld [tilespmem:s9+$0x0]  }
0x288: {  	s4 =	sor.u32 s2, s4;
	v3 =	vld [tilespmem:s7+$0x0]  }
0x289: {  	s2 =	sor.u32 s2, s8;
	v4 =	vld [tilespmem:s4+$0x0]  }
0x28a: {  	v8 =	vld [tilespmem:s2+$0x0];
	v0 =	vmul.f32 v0, v6  }
0x28b: {  	v1 =	vld [tilespmem:s0+$0x0]  }
0x28c: {  	v0 =	vadd.f32 v0, v2  }
0x28d: {  	v3 =	vmul.f32 v3, v5  }
0x28e: {  	v9 =	vld [tilespmem:s6+$0x80];
	v0 =	vmax.f32 v0, $0.0e+00  }
0x28f: {  	[tilespmem:s6+$0x0] =	vst v0;
	v0 =	vadd.f32 v3, v2;
	v3 =	vmul.f32 v8, v4  }
0x290: {  	v1 =	vmul.f32 v1, v7;
	v8 =	vld [tilespmem:$0x1F480]  }
0x291: {  	v10 =	vld [tilespmem:s7+$0x80];
	v0 =	vmax.f32 v0, $0.0e+00;
	v3 =	vadd.f32 v3, v2  }
0x292: {  	v11 =	vld [tilespmem:s2+$0x80];
	v1 =	vadd.f32 v2, v1;
	[tilespmem:s7+$0x0] =	vst v0  }
0x293: {  	v0 =	vmul.f32 v9, v6;
	v2 =	vld [tilespmem:$0x1F480];
	v3 =	vmax.f32 v3, $0.0e+00  }
0x294: {  	p0 =	por $0x0, $0x0;
	s4 =	simm.s32 $0x1;
	v1 =	vmax.f32 v1, $0.0e+00;
	v9 =	vld [tilespmem:s0+$0x80];
	[tilespmem:s2+$0x0] =	vst v3  }
0x295: {  	s4 =	simm.s32 @!p0 $0x0;
	[tilespmem:s0+$0x0] =	vst v1;
	v0 =	vadd.f32 v8, v0;
	v1 =	vld [tilespmem:$0x1F480]  }
0x296: {  	s4 =	sshll.u32 s4, $0x6;
	v3 =	vmul.f32 v10, v5;
	v8 =	vld [tilespmem:$0x1F480]  }
0x297: {  	s4 =	sadd.s32 $0x0, s4;
	v0 =	vmax.f32 v0, $0.0e+00  }
0x298: {  	s8 =	sadd.s32 $0x30, s4;
	[tilespmem:s6+$0x80] =	vst v0;
	v0 =	vmul.f32 v11, v4;
	v2 =	vadd.f32 v2, v3  }
0x299: {  	v17 =	vld [tilespmem:$0x1F400];
	v9 =	vmul.f32 v9, v7;
	s6 =	sor.u32 $0x100, s8  }
0x29a: {  	s13 =	sadd.s32 $0x10, s4;
	v3 =	vld [tilespmem:s6+$0xA000];
	v2 =	vmax.f32 v2, $0.0e+00;
	v0 =	vadd.f32 v1, v0  }
0x29b: {  	s14 =	sor.u32 $0x100, s13;
	v1 =	vld [tilespmem:$0x1F500];
	v8 =	vadd.f32 v8, v9;
	[tilespmem:s7+$0x80] =	vst v2  }
0x29c: {  	s7 =	sadd.s32 $0x20, s4;
	v9 =	vld [tilespmem:s14+$0xA000];
	v0 =	vmax.f32 v0, $0.0e+00  }
0x29d: {  	s11 =	sor.u32 $0x100, s7;
	v2 =	vmax.f32 v8, $0.0e+00;
	v8 =	vld [tilespmem:$0x1F500];
	[tilespmem:s2+$0x80] =	vst v0  }
0x29e: {  	s26 =	simm.s32 $0x100;
	s9 =	sor.u32 $0x100, s4;
	[tilespmem:s0+$0x80] =	vst v2;
	v10 =	vld [tilespmem:s11+$0xA000]  }
0x29f: {  	s18 =	sand.u32 $0xFE00, s26;
	s2 =	simm.s32 $0x40;
	v0 =	vmul.f32 v3, v6;
	v3 =	vld [tilespmem:s9+$0xA000]  }
0x2a0: {  	s18 =	sadd.s32 $0xA000, s18;
	s12 =	sand.u32 $0x40, s2;
	s0 =	sand.u32 $0x3F80, s2;
	v11 =	vld [tilespmem:$0x1F500]  }
0x2a1: {  	v12 =	vld [tilespmem:$0x1F500];
	s17 =	sor.u32 $0x14000, s0;
	s10 =	sor.u32 $0x30, s12;
	s0 =	sor.u32 s12, s18;
	v0 =	vadd.f32 v1, v0  }
0x2a2: {  	s15 =	sor.u32 s10, s17;
	v16 =	vld [tilespmem:s0+$0x0]  }
0x2a3: {  	v1 =	vmax.f32 v0, $0.0e+00;
	v0 =	vld [tilespmem:s15+$0x0];
	s15 =	sor.u32 s10, s18  }
0x2a4: {  	s2 =	sor.u32 $0x180, s8;
	s8 =	sor.u32 $0x10, s12;
	v14 =	vld [tilespmem:s15+$0x0]  }
0x2a5: {  	s28 =	sor.u32 $0x20, s12;
	s12 =	sor.u32 s8, s18;
	v21 =	vld [tilespmem:s0+$0x80]  }
0x2a6: {  	v18 =	vld [tilespmem:s12+$0x0];
	s10 =	sor.u32 s8, s17  }
0x2a7: {  	s17 =	sor.u32 s28, s17;
	[tilespmem:s6+$0xA000] =	vst v1;
	v1 =	vld [tilespmem:s10+$0x0]  }
0x2a8: {  	v2 =	vld [tilespmem:s17+$0x0]  }
0x2a9: {  	s6 =	sor.u32 s28, s18;
	v58 =	vld [tilespmem:s15+$0x80];
	v14 =	vmul.f32 v14, v0  }
0x2aa: {  	v9 =	vmul.f32 v9, v5;
	s10 =	simm.s32 $0x40;
	v19 =	vld [tilespmem:s6+$0x0]  }
0x2ab: {  	v20 =	vmul.f32 v3, v7;
	v3 =	vld [tilespmem:s10+$0x14000];
	v14 =	vadd.f32 v14, v17  }
0x2ac: {  	v8 =	vadd.f32 v8, v9;
	v9 =	vmul.f32 v10, v4;
	v10 =	vld [tilespmem:s12+$0x80]  }
0x2ad: {  	v13 =	vld [tilespmem:s2+$0xA000];
	v11 =	vadd.f32 v11, v20;
	v18 =	vmul.f32 v18, v1;
	v14 =	vmax.f32 v14, $0.0e+00  }
0x2ae: {  	v15 =	vld [tilespmem:$0x1F580];
	v8 =	vmax.f32 v8, $0.0e+00;
	[tilespmem:s15+$0x0] =	vst v14  }
0x2af: {  	[tilespmem:s14+$0xA000] =	vst v8;
	v11 =	vmax.f32 v11, $0.0e+00;
	v59 =	vmul.f32 v19, v2;
	v14 =	vadd.f32 v18, v17;
	v60 =	vld [tilespmem:$0x1F480]  }
0x2b0: {  	s30 =	sor.u32 $0x180, s13;
	v9 =	vadd.f32 v12, v9;
	v12 =	vld [tilespmem:s6+$0x80];
	[tilespmem:s9+$0xA000] =	vst v11;
	v11 =	vmul.f32 v16, v3  }
0x2b1: {  	s28 =	sor.u32 $0x180, s4;
	v62 =	vld [tilespmem:s30+$0xA000];
	v8 =	vmax.f32 v14, $0.0e+00;
	v14 =	vadd.f32 v59, v17  }
0x2b2: {  	p0 =	por !p0, !p0;
	s4 =	simm.s32 $0x1;
	v9 =	vmax.f32 v9, $0.0e+00;
	v61 =	vld [tilespmem:s28+$0xA000];
	v11 =	vadd.f32 v17, v11;
	[tilespmem:s12+$0x0] =	vst v8;
	v8 =	vmul.f32 v58, v0  }
0x2b3: {  	s4 =	simm.s32 @!p0 $0x0;
	[tilespmem:s11+$0xA000] =	vst v9;
	v9 =	vld [tilespmem:$0x1F480];
	v14 =	vmax.f32 v14, $0.0e+00  }
0x2b4: {  	s4 =	sshll.u32 s4, $0x6;
	v6 =	vmul.f32 v13, v6;
	v13 =	vld [tilespmem:$0x1F580];
	v11 =	vmax.f32 v11, $0.0e+00;
	[tilespmem:s6+$0x0] =	vst v14;
	v8 =	vadd.f32 v60, v8  }
0x2b5: {  	s14 =	sadd.s32 $0x100, s4;
	[tilespmem:s0+$0x0] =	vst v11;
	v11 =	vld [tilespmem:$0x1F480]  }
0x2b6: {  	s13 =	sadd.s32 $0x30, s14;
	v10 =	vmul.f32 v10, v1;
	v63 =	vld [tilespmem:$0x1F480];
	v8 =	vmax.f32 v8, $0.0e+00  }
0x2b7: {  	s4 =	sor.u32 $0x100, s13;
	v6 =	vadd.f32 v15, v6;
	v15 =	vld [tilespmem:$0x1F580];
	[tilespmem:s15+$0x80] =	vst v8  }
0x2b8: {  	s29 =	sor.u32 $0x180, s7;
	v8 =	vmul.f32 v12, v2;
	v9 =	vadd.f32 v9, v10;
	v10 =	vld [tilespmem:s4+$0xA000]  }
0x2b9: {  	v14 =	vld [tilespmem:s29+$0xA000];
	v12 =	vmul.f32 v21, v3  }
0x2ba: {  	v16 =	vmul.f32 v61, v7;
	s15 =	sadd.s32 $0x10, s14;
	v7 =	vld [tilespmem:$0x1F500];
	v9 =	vmax.f32 v9, $0.0e+00;
	v11 =	vadd.f32 v11, v8  }
0x2bb: {  	s18 =	sor.u32 $0x100, s15;
	v12 =	vadd.f32 v63, v12;
	v8 =	vmax.f32 v6, $0.0e+00;
	v6 =	vld [tilespmem:$0x1F580];
	[tilespmem:s12+$0x80] =	vst v9  }
0x2bc: {  	s31 =	simm.s32 $0x4;
	s17 =	sadd.s32 $0x20, s14;
	v17 =	vmul.f32 v62, v5;
	[tilespmem:s2+$0xA000] =	vst v8;
	v8 =	vld [tilespmem:s18+$0xA000];
	v9 =	vmax.f32 v11, $0.0e+00;
	v11 =	vadd.f32 v13, v16  }
0x2bd: {  	s7 =	sor.u32 $0x180, s14;
	s11 =	sor.u32 $0x100, s14;
	s2 =	sor.u32 $0x100, s17;
	v13 =	vmax.f32 v12, $0.0e+00;
	v5 =	vld [tilespmem:$0x1F500];
	[tilespmem:s6+$0x80] =	vst v9;
	v12 =	vmul.f32 v10, v0  }
0x2be: {  	s15 =	sor.u32 $0x180, s15;
	v4 =	vmul.f32 v14, v4;
	s17 =	sor.u32 $0x180, s17;
	[tilespmem:s0+$0x80] =	vst v13;
	s0 =	simm.s32 $0x80;
	v9 =	vld [tilespmem:s2+$0xA000];
	v11 =	vmax.f32 v11, $0.0e+00;
	v10 =	vadd.f32 v15, v17  }
.LBB2_26:
0x2bf: {  	s6 =	sand.u32 $0x40, s0;
	s8 =	sand.u32 $0x3F80, s0;
	v13 =	vld [tilespmem:s11+$0xA000];
	v7 =	vadd.f32 v7, v12;
	[tilespmem:s28+$0xA000] =	vst v11;
	s28 =	smov.u32 s7  }
0x2c0: {  	s26 =	sadd.s32 $0x100, s26;
	s7 =	sor.u32 $0x14000, s8;
	s8 =	sor.u32 $0x30, s6;
	v11 =	vld [tilespmem:$0x1F500];
	v10 =	vmax.f32 v10, $0.0e+00;
	v4 =	vadd.f32 v6, v4  }
0x2c1: {  	s9 =	sand.u32 $0xFE00, s26;
	s14 =	sor.u32 $0x10, s6;
	s12 =	sor.u32 s8, s7;
	v6 =	vmul.f32 v8, v1;
	v8 =	vld [tilespmem:$0x1F500];
	v7 =	vmax.f32 v7, $0.0e+00;
	[tilespmem:s30+$0xA000] =	vst v10  }
0x2c2: {  	s31 =	sadd.s32 $0x4, s31;
	s13 =	sor.u32 $0x180, s13;
	s9 =	sadd.s32 $0xA000, s9;
	v10 =	vld [tilespmem:s12+$0x0];
	[tilespmem:s4+$0xA000] =	vst v7;
	v4 =	vmax.f32 v4, $0.0e+00  }
0x2c3: {  	p1 =	slt.u32 s31, $0x27C;
	s30 =	sor.u32 $0x20, s6;
	s4 =	sor.u32 s8, s9;
	v5 =	vadd.f32 v5, v6;
	v6 =	vmul.f32 v9, v2;
	v7 =	vld [tilespmem:s13+$0xA000];
	[tilespmem:s29+$0xA000] =	vst v4  }
0x2c4: {  	s12 =	sor.u32 s6, s9;
	s8 =	sor.u32 s14, s7;
	s6 =	sor.u32 s14, s9;
	v4 =	vld [tilespmem:s4+$0x0];
	v9 =	vmul.f32 v13, v3  }
0x2c5: {  	s10 =	sshra.s32 s26, $0x2;
	s7 =	sor.u32 s30, s7;
	s14 =	sor.u32 s30, s9;
	v5 =	vmax.f32 v5, $0.0e+00;
	v12 =	vld [tilespmem:$0x1F580]  }
0x2c6: {  	s30 =	smov.u32 s15;
	s29 =	smov.u32 s17;
	v13 =	vld [tilespmem:s12+$0x0];
	v9 =	vadd.f32 v11, v9;
	[tilespmem:s18+$0xA000] =	vst v5;
	v5 =	vadd.f32 v8, v6  }
0x2c7: {  	v6 =	vld [tilespmem:$0x1F400]  }
0x2c8: {  	v8 =	vld [tilespmem:s8+$0x0];
	v9 =	vmax.f32 v9, $0.0e+00;
	v5 =	vmax.f32 v5, $0.0e+00;
	v7 =	vmul.f32 v7, v0;
	v0 =	vmovc v10  }
0x2c9: {  	v10 =	vld [tilespmem:s6+$0x0];
	[tilespmem:s11+$0xA000] =	vst v9  }
0x2ca: {  	v4 =	vmul.f32 v4, v0;
	v9 =	vld [tilespmem:s7+$0x0];
	[tilespmem:s2+$0xA000] =	vst v5;
	v5 =	vadd.f32 v12, v7  }
0x2cb: {  	v7 =	vld [tilespmem:s14+$0x0]  }
0x2cc: {  	v11 =	vld [tilespmem:s10+$0x14000];
	v4 =	vadd.f32 v4, v6;
	v5 =	vmax.f32 v5, $0.0e+00  }
0x2cd: {  	v12 =	vld [tilespmem:s12+$0x80];
	[tilespmem:s13+$0xA000] =	vst v5  }
0x2ce: {  	v5 =	vmul.f32 v10, v8;
	v4 =	vmax.f32 v4, $0.0e+00;
	v10 =	vld [tilespmem:s4+$0x80]  }
0x2cf: {  	v14 =	vld [tilespmem:s6+$0x80];
	[tilespmem:s4+$0x0] =	vst v4  }
0x2d0: {  	v4 =	vadd.f32 v5, v6;
	v5 =	vmul.f32 v7, v9;
	v7 =	vld [tilespmem:$0x1F480]  }
0x2d1: {  	v13 =	vmul.f32 v13, v11;
	v15 =	vld [tilespmem:s14+$0x80]  }
0x2d2: {  	v12 =	vmul.f32 v12, v11;
	v4 =	vmax.f32 v4, $0.0e+00;
	v5 =	vadd.f32 v5, v6;
	v16 =	vld [tilespmem:s28+$0xA000]  }
0x2d3: {  	p0 =	por !p0, !p0;
	s2 =	simm.s32 $0x1;
	v6 =	vadd.f32 v6, v13;
	[tilespmem:s6+$0x0] =	vst v4;
	v4 =	vmul.f32 v10, v0;
	v10 =	vld [tilespmem:s30+$0xA000]  }
0x2d4: {  	s2 =	simm.s32 @!p0 $0x0;
	v13 =	vmul.f32 v14, v8;
	v14 =	vld [tilespmem:$0x1F480];
	v5 =	vmax.f32 v5, $0.0e+00  }
0x2d5: {  	s2 =	sshll.u32 s2, $0x6;
	v6 =	vmax.f32 v6, $0.0e+00;
	[tilespmem:s14+$0x0] =	vst v5;
	v4 =	vadd.f32 v7, v4;
	v5 =	vld [tilespmem:s29+$0xA000]  }
0x2d6: {  	s7 =	sadd.s32 s2, s26;
	[tilespmem:s12+$0x0] =	vst v6;
	v6 =	vmul.f32 v15, v9;
	v7 =	vld [tilespmem:$0x1F480]  }
0x2d7: {  	s8 =	sadd.s32 $0x10, s7;
	s9 =	sadd.s32 $0x20, s7;
	s13 =	sadd.s32 $0x30, s7;
	v15 =	vld [tilespmem:$0x1F480];
	v4 =	vmax.f32 v4, $0.0e+00;
	v16 =	vmul.f32 v16, v3;
	v3 =	vmov v11  }
0x2d8: {  	s18 =	sor.u32 $0x100, s8;
	s2 =	sor.u32 $0x100, s9;
	[tilespmem:s4+$0x80] =	vst v4;
	s4 =	sor.u32 $0x100, s13;
	v11 =	vld [tilespmem:$0x1F580];
	v10 =	vmul.f32 v10, v1;
	v1 =	vmov v8  }
0x2d9: {  	s11 =	sor.u32 $0x100, s7;
	s15 =	sor.u32 $0x180, s8;
	s17 =	sor.u32 $0x180, s9;
	v8 =	vadd.f32 v14, v13;
	v13 =	vld [tilespmem:s4+$0xA000]  }
0x2da: {  	s7 =	sor.u32 $0x180, s7;
	v14 =	vld [tilespmem:$0x1F580];
	v4 =	vmul.f32 v5, v2;
	v2 =	vmov v9  }
.Ltmp12:
0x2db: {  	v5 =	vmax.f32 v8, $0.0e+00;
	v9 =	vadd.f32 v7, v6;
	v7 =	vld [tilespmem:$0x1F500];
	(pc) =	sbr.rel @p1 .LBB2_26-.Ltmp12, $4  }
0x2dc: {  	v12 =	vadd.f32 v15, v12;
	[tilespmem:s6+$0x80] =	vst v5;
	v6 =	vld [tilespmem:$0x1F580]  }
0x2dd: {  	v8 =	vld [tilespmem:s18+$0xA000];
	v9 =	vmax.f32 v9, $0.0e+00;
	v11 =	vadd.f32 v11, v16  }
0x2de: {  	v15 =	vmax.f32 v12, $0.0e+00;
	v5 =	vld [tilespmem:$0x1F500];
	[tilespmem:s14+$0x80] =	vst v9;
	v12 =	vmul.f32 v13, v0  }
0x2df: {  	s0 =	sadd.s32 $0x40, s0;
	[tilespmem:s12+$0x80] =	vst v15;
	v9 =	vld [tilespmem:s2+$0xA000];
	v11 =	vmax.f32 v11, $0.0e+00;
	v10 =	vadd.f32 v14, v10  }
0x2e0: {  	v13 =	vld [tilespmem:s11+$0xA000]  }
0x2e1: {  	v15 =	vld [tilespmem:$0x1F500]  }
0x2e2: {  	v14 =	vld [tilespmem:$0x1F500];
	v7 =	vadd.f32 v7, v12;
	v8 =	vmul.f32 v8, v1;
	_ =	sdelay $0x1  }
0x2e3: {  	v7 =	vmax.f32 v7, $0.0e+00;
	v9 =	vmul.f32 v9, v2;
	v5 =	vadd.f32 v5, v8  }
0x2e4: {  	s0 =	sor.u32 $0x180, s13;
	[tilespmem:s4+$0xA000] =	vst v7;
	v46 =	vmul.f32 v13, v3  }
0x2e5: {  	v7 =	vld [tilespmem:s0+$0xA000];
	v47 =	vadd.f32 v15, v9;
	v5 =	vmax.f32 v5, $0.0e+00  }
0x2e6: {  	v49 =	vld [tilespmem:$0x1F580];
	v12 =	vadd.f32 v14, v46;
	[tilespmem:s18+$0xA000] =	vst v5  }
0x2e7: {  	v50 =	vmax.f32 v47, $0.0e+00;
	v52 =	vld [tilespmem:s15+$0xA000]  }
0x2e8: {  	v55 =	vld [tilespmem:$0x1F580];
	v48 =	vmax.f32 v12, $0.0e+00;
	[tilespmem:s2+$0xA000] =	vst v50  }
0x2e9: {  	[tilespmem:s11+$0xA000] =	vst v48;
	v53 =	vld [tilespmem:s17+$0xA000]  }
0x2ea: {  	v51 =	vld [tilespmem:s7+$0xA000]  }
0x2eb: {  	v56 =	vld [tilespmem:$0x1F580]  }
0x2ec: {  	v0 =	vmul.f32 v7, v0;
	v54 =	vld [tilespmem:$0x1F580]  }
0x2ed: {  	v4 =	vadd.f32 v6, v4;
	v59 =	vmul.f32 v52, v1  }
0x2ee: {  	[tilespmem:s28+$0xA000] =	vst v11;
	v58 =	vmax.f32 v10, $0.0e+00;
	v0 =	vadd.f32 v49, v0;
	v60 =	vmul.f32 v53, v2  }
0x2ef: {  	[tilespmem:s30+$0xA000] =	vst v58;
	v4 =	vmax.f32 v4, $0.0e+00;
	v1 =	vadd.f32 v55, v59;
	v57 =	vmul.f32 v51, v3  }
0x2f0: {  	[tilespmem:s29+$0xA000] =	vst v4;
	v0 =	vmax.f32 v0, $0.0e+00;
	v2 =	vadd.f32 v56, v60  }
0x2f1: {  	[tilespmem:s0+$0xA000] =	vst v0;
	v62 =	vmax.f32 v1, $0.0e+00;
	v3 =	vadd.f32 v54, v57  }
0x2f2: {  	[tilespmem:s15+$0xA000] =	vst v62;
	v63 =	vmax.f32 v2, $0.0e+00  }
0x2f3: {  	v61 =	vmax.f32 v3, $0.0e+00;
	[tilespmem:s17+$0xA000] =	vst v63  }
0x2f4: {  	[tilespmem:s7+$0xA000] =	vst v61  }
0x2f5: {  	s4 =	simm.s32 $0x400;
	s2 =	simm.s32 $0x200;
	s0 =	rddreg [dreg:$0x7]  }
0x2f6: {  	[hbm4b:s0+s2] =	stream.strided.scatter [tilespmem:s22], [sflag:$0x6], $0xA000, s4, s2, $0x38;
	[tilespmem:$0x1F600] =	vst v63  }
0x2f7: {  	_ =	swait.ge [sflag:s16], $0xA000  }
0x2f8: {  	s25 =	sadd.s32 $0x1, s25;
	s31 =	rddreg [dreg:$0x8]  }
0x2f9: {  	p0 =	sne.s32 s25, s31  }
.Ltmp13:
0x2fa: {  	_ = 	snop;
	(pc) =	sbr.rel @p0 .LBB2_1-.Ltmp13, $3  }
0x2fb: {  	_ =	sdelay $0x1  }
0x2fc: {  	[sflag:s16] =	ssyncset.done $0x0  }
0x2fd: {  	[sflag:s16] =	ssyncadd.s32 $0xFFFF6000  }
0x2fe: {  	_ =	sfence.sel $0x180000  }
0x2ff: {  	[bflag:$0x0] =	sbarrier.arrive $0xFFFF  }
0x300: {  	_ =	strace $0x9000004D  }
0x301: {  	s0 =	stileid.u32;
	[bflag:$0x2] =	sbarrier.arrive $0xFFFF  }
0x302: {  	p0 =	sne.s32 s0, $0x0;
	s0 =	rddreg [dreg:$0x2]  }
0x303: {  	s0 =	sadd.s32 @!p0 $0x100000, s0  }
0x304: {  	[sflag:s0] =	ssyncadd.tile.s32 @!p0 $0x1;
	_ =	shalt  }
.Lfunc_end2:
_tile_overlayer_lowered:
.L_overlay_start_2:
0x305: {  	(tag) =	ssettag $0x2  }
0x306: {  	s0 =	rddreg [dreg:$0x0];
	s2 =	stileid.u32  }
0x307: {  	s1 =	rddreg [dreg:$0x1];
	p0 =	sne.s32 s2, $0x0  }
0x308: {  	s3 =	rddreg [dreg:$0x2];
	[bflag:$0x3] =	sbarrier.arrive $0xFFFF;
	s2 =	simm.s32 @!p0 $0x1C06  }
0x309: {  	[timem:s3], [sflag:s2] =	dma.local @!p0 [hbm:s0], s1  }
0x30a: {  	s0 =	simm.s32 @!p0 $0x6  }
0x30b: {  	_ =	swait.ge @!p0 [sflag:s0], s1  }
0x30c: {  	s1 =	ssub.s32 @!p0 $0x0, s1;
	[sflag:s0] =	ssyncset.done @!p0 $0x0  }
0x30d: {  	[sflag:s0] =	ssyncadd.s32 @!p0 s1  }
0x30e: {  	[bflag:$0x3] =	sbarrier.arrive $0xFFFF  }
0x30f: {  	_ =	shalt  }

// kernel: kernel.6.cloned.1.call-start
scs
__scs_entry_jumppad:
0x0: {  	(pc) =	sbr.rel $0x88, $3  }
0x1: {  	(tag) =	ssettag $0x0;
	lr =	simm.s32 $0x1  }
0x2: {  	[smem:$0x3F9B] =	sst lr;
	_ =	strace $0xD0000000  }
0x3: {  	_ = 	snop  }
0x4: {  	_ = 	snop  }
0x5: {  	_ = 	snop  }
0x6: {  	_ = 	snop  }
0x7: {  	_ = 	snop  }
__scs_overlays_trampoline_lowered:
0x8: {  	[smem:$0x3FAA] =	sst s0  }
0x9: {  	[smem:$0x3FAB] =	sst s1  }
0xa: {  	[smem:$0x3FAC] =	sst s2  }
0xb: {  	[smem:$0x3FAD] =	sst s3  }
0xc: {  	[smem:$0x3FAE] =	sst s4  }
0xd: {  	[smem:$0x3FAF] =	sst s5  }
0xe: {  	[smem:$0x3FB0] =	sst s6  }
0xf: {  	[smem:$0x3FB1] =	sst s7  }
0x10: {  	[smem:$0x3FB2] =	sst s8  }
0x11: {  	[smem:$0x3FB3] =	sst s9;
	s0 =	simm.s32 @!p0 $0x0  }
0x12: {  	s1 =	sld [smem:$0x3F99];
	s0 =	simm.s32 @p0 $0x1  }
0x13: {  	[smem:$0x3FB4] =	sst s0;
	s0 =	simm.s32 @!p1 $0x0  }
0x14: {  	s2 =	sld [smem:$0x3F98];
	s0 =	simm.s32 @p1 $0x1  }
0x15: {  	[smem:$0x3FB5] =	sst s0;
	s0 =	simm.s32 @!p2 $0x0  }
0x16: {  	s3 =	sld [smem:$0x3FDB];
	s0 =	simm.s32 @p2 $0x1  }
0x17: {  	s4 =	simm.s32 $0x1BF5;
	[smem:$0x3FB7] =	sst s0  }
0x18: {  	s0 =	sld [smem:$0x3F9A];
	_ =	swait.ge [sflag:s4], $0x0  }
0x19: {  	s7 =	sld [smem:$0x3F9B]  }
0x1a: {  	s8 =	sadd.s32 $0xFFFFE003, lr  }
0x1b: {  	s9 =	sadd.s32 $0xFFFFFEF7, lr;
	s5 =	simm.s32 $0xFFFFFFFF;
	p2 =	slt.u32 s8, $0xFFFFF086  }
0x1c: {  	p1 =	slt.u32 s9, $0xF7A;
	s5 =	simm.s32 @!p2 $0x0  }
0x1d: {  	s5 =	simm.s32 @p1 $0x1;
	p0 =	seq.s32 s7, s2  }
0x1e: {  	s7 =	smul.u32 @!p0 $0xF7A, s2;
	p2 =	seq.s32 @!p0 s5, $0x0  }
0x1f: {  	s9 =	smul.u32 $0xF7A, s1;
	s8 =	simm.s32 @!p0 $0x1BF5;
	p2 =	por !p2, p0  }
0x20: {  	[sflag:s8] =	ssyncset.s32 @!p0 $0xFFFFF086;
	s6 =	sadd.s32 @!p0 s3, s7;
	s7 =	simm.s32 @!p0 $0x108  }
0x21: {  	s3 =	sadd.s32 s3, s9;
	s6 =	sadd.s32 @!p0 $0x88, s6;
	s7 =	simm.s32 @p2 $0x1082  }
0x22: {  	[simem:s7], [sflag:s8] =	dma.local @!p0 [hbm:s6], $0xF7A  }
0x23: {  	s9 =	sor.u32 $0xD0000000, s2;
	s6 =	simm.s32 $0x108;
	_ =	swait.ge @!p0 [sflag:s8], $0x0  }
0x24: {  	s3 =	sadd.s32 $0x88, s3;
	s6 =	simm.s32 @!p1 $0x1082;
	[sflag:s4] =	ssyncset.s32 $0xFFFFF086  }
0x25: {  	[simem:s6], [sflag:s4] =	dma.local [hbm:s3], $0xF7A  }
0x26: {  	[smem:$0x3F9B] =	sst s1;
	(tag) =	ssettag s2;
	_ =	strace s9  }
0x27: {  	s1 =	sld [smem:$0x3FAB]  }
0x28: {  	s2 =	sld [smem:$0x3FAC]  }
0x29: {  	s4 =	sld [smem:$0x3FAE]  }
0x2a: {  	p0 =	seq.s32 s5, $0x0;
	s5 =	sld [smem:$0x3FAF]  }
0x2b: {  	s6 =	sld [smem:$0x3FB0]  }
0x2c: {  	s7 =	sld [smem:$0x3FB1]  }
0x2d: {  	s3 =	simm.s32 $0x108;
	s8 =	sld [smem:$0x3FB2]  }
0x2e: {  	s3 =	simm.s32 @!p0 $0x1082;
	s9 =	sld [smem:$0x3FB3]  }
0x2f: {  	lr =	sadd.s32 s0, s3;
	s0 =	sld [smem:$0x3FAA]  }
0x30: {  	s3 =	sld [smem:$0x3FAD]  }
0x31: {  	[smem:$0x3FB6] =	sst s10  }
0x32: {  	s10 =	sld [smem:$0x3FB4];
	_ =	sdelay $0x3  }
0x33: {  	p0 =	seq.s32 s10, $0x1;
	s10 =	sld [smem:$0x3FB6];
	_ =	sdelay $0x3  }
0x34: {  	[smem:$0x3FB6] =	sst s10  }
0x35: {  	s10 =	sld [smem:$0x3FB5];
	_ =	sdelay $0x3  }
0x36: {  	p1 =	seq.s32 s10, $0x1;
	s10 =	sld [smem:$0x3FB6];
	_ =	sdelay $0x3  }
0x37: {  	[smem:$0x3FB6] =	sst s10  }
0x38: {  	s10 =	sld [smem:$0x3FB7]  }
0x39: {  	_ = 	snop;
	(pc) =	sbr.ind lr, $3  }
0x3a: {  	_ = 	snop  }
0x3b: {  	_ = 	snop  }
0x3c: {  	p2 =	seq.s32 s10, $0x1;
	s10 =	sld [smem:$0x3FB6]  }
0x3d: {  	_ =	shalt  }
0x3e: {  	_ =	shalt  }
0x3f: {  	_ =	shalt  }
0x40: {  	_ =	shalt  }
0x41: {  	_ =	shalt  }
0x42: {  	_ =	shalt  }
0x43: {  	_ =	shalt  }
0x44: {  	_ =	shalt  }
0x45: {  	_ =	shalt  }
0x46: {  	_ =	shalt  }
0x47: {  	_ =	shalt  }
0x48: {  	_ =	shalt  }
0x49: {  	_ =	shalt  }
0x4a: {  	_ =	shalt  }
0x4b: {  	_ =	shalt  }
0x4c: {  	_ =	shalt  }
0x4d: {  	_ =	shalt  }
0x4e: {  	_ =	shalt  }
0x4f: {  	_ =	shalt  }
0x50: {  	_ =	shalt  }
0x51: {  	_ =	shalt  }
0x52: {  	_ =	shalt  }
0x53: {  	_ =	shalt  }
0x54: {  	_ =	shalt  }
0x55: {  	_ =	shalt  }
0x56: {  	_ =	shalt  }
0x57: {  	_ =	shalt  }
0x58: {  	_ =	shalt  }
0x59: {  	_ =	shalt  }
0x5a: {  	_ =	shalt  }
0x5b: {  	_ =	shalt  }
0x5c: {  	_ =	shalt  }
0x5d: {  	_ =	shalt  }
0x5e: {  	_ =	shalt  }
0x5f: {  	_ =	shalt  }
0x60: {  	_ =	shalt  }
0x61: {  	_ =	shalt  }
0x62: {  	_ =	shalt  }
0x63: {  	_ =	shalt  }
0x64: {  	_ =	shalt  }
0x65: {  	_ =	shalt  }
0x66: {  	_ =	shalt  }
0x67: {  	_ =	shalt  }
0x68: {  	_ =	shalt  }
0x69: {  	_ =	shalt  }
0x6a: {  	_ =	shalt  }
0x6b: {  	_ =	shalt  }
0x6c: {  	_ =	shalt  }
0x6d: {  	_ =	shalt  }
0x6e: {  	_ =	shalt  }
0x6f: {  	_ =	shalt  }
0x70: {  	_ =	shalt  }
0x71: {  	_ =	shalt  }
0x72: {  	_ =	shalt  }
0x73: {  	_ =	shalt  }
0x74: {  	_ =	shalt  }
0x75: {  	_ =	shalt  }
0x76: {  	_ =	shalt  }
0x77: {  	_ =	shalt  }
0x78: {  	_ =	shalt  }
0x79: {  	_ =	shalt  }
0x7a: {  	_ =	shalt  }
0x7b: {  	_ =	shalt  }
0x7c: {  	_ =	shalt  }
0x7d: {  	_ =	shalt  }
0x7e: {  	_ =	shalt  }
0x7f: {  	_ =	shalt  }
0x80: {  	_ =	shalt  }
0x81: {  	_ =	shalt  }
0x82: {  	_ =	shalt  }
0x83: {  	_ =	shalt  }
0x84: {  	_ =	shalt  }
0x85: {  	_ =	shalt  }
0x86: {  	_ =	shalt  }
0x87: {  	_ =	shalt  }
.Lfunc_end0:
.L_simem_size_0:
called_computation_lowered:
.L_overlay_start_0:
0x88: {  	s2 =	sld [smem:$0x3FD9]  }
0x89: {  	s3 =	sld [smem:$0x3FFE];
	_ =	sdelay $0x1  }
0x8a: {  	s1 =	srdreg.scid  }
0x8b: {  	s0 =	sand.u32 $0x1, s1  }
0x8c: {  	s16 =	sshll.u32 s0, $0xA;
	s2 =	sadd.s32 s3, s2  }
0x8d: {  	s2 =	sadd.s32 s2, s16  }
0x8e: {  	[smem:$0x3FC2] =	sst s2  }
0x8f: {  	_ = 	snop  }
0x90: {  	(tm) =	ssettm $0x1  }
0x91: {  	s17 =	sld [smem:$0x3FFB];
	_ =	sdelay $0x3  }
0x92: {  	_ =	strace s17  }
0x93: {  	s2 =	sld [smem:$0x3FFC];
	_ =	sdelay $0x3  }
0x94: {  	_ =	strace s2  }
0x95: {  	s2 =	sld [smem:$0x3FFD];
	_ =	sdelay $0x3  }
0x96: {  	_ =	strace s2  }
0x97: {  	_ =	strace $0x8FFFFFFF  }
0x98: {  	s18 =	sld [smem:$0x3FDB];
	_ =	sdelay $0x1  }
0x99: {  	s19 =	simm.s32 $_scs_section_size  }
0x9a: {  	s4 =	simm.s32 $_size__tile_overlayer_lowered;
	s5 =	simm.s32 $_tile_overlayer_lowered  }
0x9b: {  	s22 =	simm.s32 $0x1BFF;
	s21 =	sshll.u32 s5, $0x1;
	s2 =	sadd.s32 s19, s18  }
0x9c: {  	s6 =	simm.s32 $0x0;
	s20 =	sshll.u32 s4, $0x1;
	s4 =	sadd.s32 s21, s2  }
0x9d: {  	[timem:s6], [sflag:s22] =	dma.local [hbm:s4], s20  }
0x9e: {  	_ =	swait.ge [sflag:s22], s20  }
0x9f: {  	s3 =	ssub.s32 $0x0, s20;
	[sflag:s22] =	ssyncset.done $0x0  }
0xa0: {  	[sflag:s22] =	ssyncadd.s32 s3;
	_ =	sdelay $0x1  }
0xa1: {  	s23 =	simm.s32 $0x1B8B  }
0xa2: {  	_ =	swait.ge [sflag:s23], $0x1  }
0xa3: {  	[sflag:s23] =	ssyncset.done $0x0  }
0xa4: {  	s25 =	simm.s32 $0x1B8E;
	s24 =	sld [smem:$0x3FFE];
	[sflag:s23] =	ssyncadd.s32 $0xFFFFFFFF  }
0xa5: {  	s26 =	simm.s32 $execute0_lowered;
	[smem:$0x3FD2] =	sst s25  }
0xa6: {  	s4 =	sshll.u32 s26, $0x1;
	_ =	strace $0x80000046;
	[dreg:$0x1] =	wrdreg $0xFFFFFFFF  }
0xa7: {  	s28 =	simm.s32 $_size_execute0_lowered;
	s2 =	sadd.s32 s2, s4;
	[dreg:$0x0] =	wrdreg $0x0  }
0xa8: {  	s4 =	sshll.u32 s28, $0x1;
	[dreg:$0x2] =	wrdreg s2  }
0xa9: {  	[dreg:$0x3] =	wrdreg s4  }
0xaa: {  	[dreg:$0x4] =	wrdreg $0xC0  }
0xab: {  	_ =	task [dreg:s6], $0x5FFFF  }
0xac: {  	[dreg:$0x1] =	wrdreg $0xFFFFFFFF  }
0xad: {  	[dreg:$0x0] =	wrdreg $0x60  }
0xae: {  	[dreg:$0x2] =	wrdreg s24  }
0xaf: {  	[dreg:$0x3] =	wrdreg $0x77800  }
0xb0: {  	[dreg:$0x4] =	wrdreg $0x9  }
0xb1: {  	_ =	task.clear_ibuf [dreg:s6], $0x5FFFF;
	_ =	strace $0x90000046  }
0xb2: {  	s29 =	simm.s32 $0x9;
	_ =	strace $0x80000048  }
0xb3: {  	_ =	swait.ge [sflag:s29], $0x1  }
0xb4: {  	[sflag:s29] =	ssyncadd.s32 $0xFFFFFFFF  }
0xb5: {  	_ =	strace $0x90000048  }
0xb6: {  	_ =	sfence  }
0xb7: {  	s30 =	sld [smem:$0x0];
	_ =	sdelay $0x2  }
0xb8: {  	s31 =	sshll.u32 s1, $0xD;
	s1 =	sshrl.u32 s1, $0x2  }
0xb9: {  	s3 =	sand.u32 $0x4000, s31;
	s1 =	sadd.s32 s1, s30  }
0xba: {  	s0 =	sor.u32 s3, s0;
	s1 =	sshll.u32 s1, $0x11  }
0xbb: {  	s0 =	sor.u32 s1, s0  }
0xbc: {  	s0 =	sadd.s32 $0x8F2B, s0  }
0xbd: {  	[sflag:s0] =	ssyncadd.remote.s32 $0x1  }
0xbe: {  	_ =	sfence.sel $0xFFFF  }
0xbf: {  	[dreg:$0x0] =	wrdreg $0xFFFFFFFF;
	(pc) =	sbr.abs _section_cstart, $3  }
0xc0: {  	[dreg:$0x1] =	wrdreg $0xFFFFFFFF  }
0xc1: {  	_ =	task.clear_ibuf [dreg:s6], $0x2FFFF;
	_ =	strace $0x9FFFFFFF  }
0xc2: {  	(tm) =	ssettm $0x7FFFFFFF  }
0xc3: {  	_ =	shalt  }
tec
execute0_lowered:
.L_overlay_start_1:
0x0: {  	(tag) =	ssettag $0x1  }
0x1: {  	s0 =	rddreg [dreg:$0x0]  }
0x2: {  	s1 =	rddreg [dreg:$0x1]  }
0x3: {  	s2 =	simm.s32 $0x0;
	s3 =	srdreg.scid;
	s8 =	stileid.u32  }
0x4: {  	s14 =	simm.s32 $0x4F80;
	s15 =	simm.s32 $0x5380;
	s16 =	simm.s32 $0x5780  }
0x5: {  	s17 =	simm.s32 $0x5B80;
	s18 =	simm.s32 $0x5F80;
	s19 =	simm.s32 $0x0  }
0x6: {  	[smem:$0x7FF] =	sst s2;
	s3 =	sand.u32 $0x1, s3;
	s4 =	sshll.u32 s8, $0x1  }
0x7: {  	s5 =	smul.u32 $0x500, s8;
	s28 =	sshrl.u32 s8, $0x3;
	s7 =	sshll.u32 s8, $0x7  }
0x8: {  	s8 =	smul.u32 $0x5000, s8;
	_ =	strace $0x80000047;
	s4 =	sor.u32 s3, s4  }
0x9: {  	s6 =	sshll.u32 s3, $0x7;
	s3 =	ssub.s32 $0x2, s3;
	s4 =	smul.u32 $0x4E2, s4  }
0xa: {  	s30 =	sand.u32 $0x380, s7;
	s5 =	sor.u32 s6, s5;
	s6 =	smul.u32 $0x50000, s28  }
0xb: {  	s29 =	sshrl.u32 s3, $0x1;
	s31 =	sshrl.u32 s8, $0x2;
	s8 =	simm.s32 $0x1  }
0xc: {  	s5 =	sshrl.u32 s5, $0x3;
	s9 =	ssub.s32 s3, s29;
	s4 =	sadd.s32 s4, s0  }
0xd: {  	s0 =	sadd.s32 s5, s0;
	s6 =	sshrl.u32 s6, $0x2;
	s5 =	sadd.s32 s31, s1  }
0xe: {  	s7 =	smax.u32 s9, $0x1;
	s9 =	simm.s32 $0x2780;
	s6 =	sadd.s32 s6, s1  }
0xf: {  	v0 =	vimm.f32 $0.0e+00;
	v1 =	vimm.f32 $1.000000000e+00;
	s3 =	sadd.s32 $0x1200, s4;
	s4 =	sadd.s32 s30, s6;
	s6 =	sadd.s32 $0xB000, s0  }
.LBB2_1:
0x10: {  	s0 =	simm.s32 $0x27A0  }
0x11: {  	[tilespmem:s0+$0xFFFFFFE0] =	vst v0  }
0x12: {  	[tilespmem:s0+$0x10] =	vst v0  }
0x13: {  	s1 =	simm.s32 $0x0;
	[tilespmem:s0+$0x0] =	vst v0  }
.LBB2_2:
0x14: {  	s1 =	sadd.s32 $0x4, s1  }
0x15: {  	[tilespmem:s0+$0xFFFFFFF0] =	vst v0;
	s0 =	sadd.s32 $0x40, s0;
	p0 =	slt.u32 s1, $0x27C  }
.Ltmp0:
0x16: {  	[tilespmem:s0+$0xFFFFFFE0] =	vst v0;
	(pc) =	sbr.rel @p0 .LBB2_2-.Ltmp0, $3  }
0x17: {  	_ =	sdelay $0x1  }
0x18: {  	[tilespmem:s0+$0x10] =	vst v0  }
0x19: {  	[tilespmem:s0+$0x0] =	vst v0  }
0x1a: {  	[tilespmem:s0+$0xFFFFFFF0] =	vst v0  }
0x1b: {  	[tilespmem:s2], [sflag:$0x1] =	stream.linear.gather [hbm4b:s3+s2], $0x2710, $0x38;
	[tilespmem:$0x9F80] =	vst v63  }
0x1c: {  	_ =	swait.ge [sflag:s8], $0x2710  }
0x1d: {  	[sflag:s8] =	ssyncset.done $0x0  }
0x1e: {  	s0 =	simm.s32 $0x40;
	[sflag:s8] =	ssyncadd.s32 $0xFFFFD8F0  }
0x1f: {  	v3 =	vld [tilespmem:s0+$0xFFFFFFC0]  }
0x20: {  	v4 =	vld [tilespmem:s0+$0x30]  }
0x21: {  	v5 =	vld [tilespmem:s0+$0x20]  }
0x22: {  	v6 =	vld [tilespmem:s0+$0x10]  }
0x23: {  	v7 =	vld [tilespmem:s0+$0x0]  }
0x24: {  	v8 =	vld [tilespmem:s0+$0xFFFFFFF0]  }
0x25: {  	v9 =	vld [tilespmem:s0+$0xFFFFFFE0]  }
0x26: {  	v2 =	vld [tilespmem:s0+$0xFFFFFFD0]  }
0x27: {  	[tilespmem:v3+s9+$0x0] =	vst.idx.add.f32.msk $0xffff, v1  }
0x28: {  	[tilespmem:v4+s9+$0x0] =	vst.idx.add.f32.msk $0xffff, v1  }
0x29: {  	[tilespmem:v5+s9+$0x0] =	vst.idx.add.f32.msk $0xffff, v1  }
0x2a: {  	[tilespmem:v6+s9+$0x0] =	vst.idx.add.f32.msk $0xffff, v1  }
0x2b: {  	[tilespmem:v7+s9+$0x0] =	vst.idx.add.f32.msk $0xffff, v1  }
0x2c: {  	[tilespmem:v8+s9+$0x0] =	vst.idx.add.f32.msk $0xffff, v1  }
0x2d: {  	s1 =	simm.s32 $0x0;
	[tilespmem:v9+s9+$0x0] =	vst.idx.add.f32.msk $0xffff, v1  }
.LBB2_4:
0x2e: {  	s1 =	sadd.s32 $0x8, s1;
	[tilespmem:v2+s9+$0x0] =	vst.idx.add.f32.msk $0xffff, v1;
	s0 =	sadd.s32 $0x80, s0  }
0x2f: {  	v3 =	vld [tilespmem:s0+$0xFFFFFFC0];
	p0 =	slt.u32 s1, $0x268  }
0x30: {  	v4 =	vld [tilespmem:s0+$0x30]  }
0x31: {  	v5 =	vld [tilespmem:s0+$0x20]  }
0x32: {  	v6 =	vld [tilespmem:s0+$0x10]  }
0x33: {  	v7 =	vld [tilespmem:s0+$0x0]  }
0x34: {  	v8 =	vld [tilespmem:s0+$0xFFFFFFF0]  }
0x35: {  	v9 =	vld [tilespmem:s0+$0xFFFFFFE0]  }
0x36: {  	v2 =	vld [tilespmem:s0+$0xFFFFFFD0]  }
0x37: {  	[tilespmem:v3+s9+$0x0] =	vst.idx.add.f32.msk $0xffff, v1  }
0x38: {  	[tilespmem:v4+s9+$0x0] =	vst.idx.add.f32.msk $0xffff, v1  }
.Ltmp1:
0x39: {  	[tilespmem:v5+s9+$0x0] =	vst.idx.add.f32.msk $0xffff, v1;
	(pc) =	sbr.rel @p0 .LBB2_4-.Ltmp1, $4  }
0x3a: {  	[tilespmem:v6+s9+$0x0] =	vst.idx.add.f32.msk $0xffff, v1  }
0x3b: {  	[tilespmem:v7+s9+$0x0] =	vst.idx.add.f32.msk $0xffff, v1  }
0x3c: {  	[tilespmem:v8+s9+$0x0] =	vst.idx.add.f32.msk $0xffff, v1  }
0x3d: {  	[tilespmem:v9+s9+$0x0] =	vst.idx.add.f32.msk $0xffff, v1  }
0x3e: {  	_ =	sdelay $0x3  }
0x3f: {  	[tilespmem:v2+s9+$0x0] =	vst.idx.add.f32.msk $0xffff, v1  }
0x40: {  	v2 =	vld [tilespmem:$0x2700];
	_ =	sdelay $0x7  }
0x41: {  	s0 =	simm.s32 $0x80;
	s1 =	simm.s32 $0x400;
	[tilespmem:v2+s9+$0x0] =	vst.idx.add.f32.msk $0xffff, v1  }
0x42: {  	[spmem:s4] =	stream.strided.scatter [tilespmem:s9], [sflag:$0x1], $0x2800, s1, s0, $0x38;
	[tilespmem:$0x9F80] =	vst v63  }
0x43: {  	_ =	swait.ge [sflag:s8], $0x2800  }
0x44: {  	[sflag:s8] =	ssyncset.done $0x0  }
0x45: {  	s10 =	simm.s32 $0x1400;
	[sflag:s8] =	ssyncadd.s32 $0xFFFFD800  }
0x46: {  	s11 =	simm.s32 $0x14000;
	s12 =	simm.s32 $0x0;
	[bflag:$0x0] =	sbarrier.arrive $0xFFFF  }
0x47: {  	[tilespmem:s14], [sflag:$0x1] =	stream.strided.gather [spmem:s5], $0x2800, s11, s10, $0x38;
	[tilespmem:$0x9F80] =	vst v63  }
0x48: {  	s26 =	sand.u32 $0x60, s12;
	s21 =	sand.u32 $0x1C00, s12;
	_ =	swait.ge [sflag:s8], $0x2800  }
0x49: {  	s20 =	sadd.s32 $0x4F80, s21;
	s0 =	sor.u32 $0x10, s26;
	[sflag:s8] =	ssyncset.done $0x0  }
0x4a: {  	s25 =	sor.u32 s0, s20;
	[sflag:s8] =	ssyncadd.s32 $0xFFFFD800  }
0x4b: {  	v2 =	vld [tilespmem:s25+$0x0]  }
0x4c: {  	s20 =	sor.u32 s26, s20;
	v3 =	vld [tilespmem:s25+$0x80]  }
0x4d: {  	v4 =	vld [tilespmem:s20+$0x0]  }
0x4e: {  	v5 =	vld [tilespmem:s25+$0x100]  }
0x4f: {  	v6 =	vld [tilespmem:s20+$0x80]  }
0x50: {  	v7 =	vld [tilespmem:s25+$0x180]  }
0x51: {  	s22 =	sand.u32 $0x3, s12;
	v8 =	vld [tilespmem:s20+$0x100]  }
0x52: {  	s22 =	sshll.u32 s22, $0x5;
	v9 =	vld [tilespmem:s25+$0x200]  }
0x53: {  	s22 =	sadd.s32 $0x0, s22;
	v10 =	vld [tilespmem:s20+$0x180]  }
0x54: {  	s23 =	sadd.s32 $0x10, s22;
	v11 =	vld [tilespmem:s25+$0x280]  }
0x55: {  	s24 =	sor.u32 $0x300, s23;
	v12 =	vld [tilespmem:s20+$0x200]  }
0x56: {  	v13 =	vld [tilespmem:s24+$0x4F80]  }
0x57: {  	s23 =	sor.u32 $0x380, s23;
	v14 =	vld [tilespmem:s20+$0x280]  }
0x58: {  	s13 =	sor.u32 $0x6380, s21;
	s22 =	sor.u32 $0x300, s22;
	v15 =	vld [tilespmem:s23+$0x4F80]  }
0x59: {  	s1 =	sor.u32 s12, s12;
	s30 =	sor.u32 s0, s13;
	v16 =	vld [tilespmem:s22+$0x4F80]  }
0x5a: {  	s1 =	sor.u32 $0x380, s1;
	s10 =	sadd.s32 $0x6400, s21;
	v17 =	vld [tilespmem:s30+$0x0]  }
0x5b: {  	s11 =	sor.u32 s0, s10;
	v18 =	vld [tilespmem:s1+$0x4F80]  }
0x5c: {  	s12 =	sor.u32 s26, s13;
	s13 =	sadd.s32 $0x6480, s21;
	v19 =	vld [tilespmem:s11+$0x0]  }
0x5d: {  	v20 =	vld [tilespmem:s12+$0x0];
	s22 =	sor.u32 s0, s13  }
0x5e: {  	s30 =	sor.u32 s26, s10;
	v21 =	vld [tilespmem:s22+$0x0]  }
0x5f: {  	s10 =	sadd.s32 $0x6500, s21;
	s12 =	sor.u32 s26, s13;
	v22 =	vld [tilespmem:s30+$0x0]  }
0x60: {  	s13 =	sadd.s32 $0x6580, s21;
	s11 =	sor.u32 s0, s10;
	v24 =	vld [tilespmem:s12+$0x0]  }
0x61: {  	s22 =	sor.u32 s0, s13;
	v23 =	vld [tilespmem:s11+$0x0]  }
0x62: {  	s23 =	sor.u32 s26, s10;
	s30 =	sadd.s32 $0x6600, s21;
	v25 =	vld [tilespmem:s22+$0x0]  }
0x63: {  	v26 =	vld [tilespmem:s23+$0x0];
	s10 =	sor.u32 s0, s30  }
0x64: {  	s12 =	sadd.s32 $0x6680, s21;
	s11 =	sor.u32 s26, s13;
	v27 =	vld [tilespmem:s10+$0x0]  }
0x65: {  	s31 =	simm.s32 $0x100;
	s23 =	sor.u32 s0, s12;
	v28 =	vld [tilespmem:s11+$0x0]  }
0x66: {  	s28 =	sadd.s32 $0x6700, s21;
	s13 =	sor.u32 s26, s30;
	v29 =	vld [tilespmem:s23+$0x0];
	s10 =	simm.s32 $0x20  }
0x67: {  	s0 =	sor.u32 s0, s28;
	s30 =	sand.u32 $0x1C00, s31;
	v30 =	vld [tilespmem:s13+$0x0];
	s21 =	sand.u32 $0x60, s10  }
0x68: {  	s24 =	sor.u32 s26, s12;
	v31 =	vld [tilespmem:s0+$0x0];
	s11 =	sadd.s32 $0x4F80, s30;
	v2 =	vadd.f32 v3, v2;
	s29 =	sor.u32 $0x10, s21  }
0x69: {  	v32 =	vld [tilespmem:s24+$0x0];
	s22 =	sor.u32 s29, s11  }
0x6a: {  	v2 =	vadd.f32 v5, v2;
	v3 =	vld [tilespmem:s22+$0x0]  }
0x6b: {  	v4 =	vadd.f32 v6, v4;
	s23 =	sor.u32 s21, s11;
	v5 =	vld [tilespmem:s22+$0x80]  }
0x6c: {  	v6 =	vld [tilespmem:s23+$0x0];
	v2 =	vadd.f32 v7, v2  }
0x6d: {  	v4 =	vadd.f32 v8, v4;
	v7 =	vld [tilespmem:s22+$0x100]  }
0x6e: {  	v8 =	vld [tilespmem:s23+$0x80];
	v2 =	vadd.f32 v9, v2  }
0x6f: {  	s24 =	simm.s32 $0x1;
	v4 =	vadd.f32 v10, v4;
	v9 =	vld [tilespmem:s22+$0x180]  }
0x70: {  	s12 =	sand.u32 $0x3, s24;
	v3 =	vadd.f32 v5, v3;
	v5 =	vld [tilespmem:s23+$0x100];
	v2 =	vadd.f32 v11, v2  }
0x71: {  	s0 =	sshll.u32 s12, $0x5;
	v10 =	vld [tilespmem:s22+$0x200];
	v4 =	vadd.f32 v12, v4  }
0x72: {  	s0 =	sadd.s32 $0x100, s0;
	v3 =	vadd.f32 v7, v3;
	v7 =	vld [tilespmem:s23+$0x180];
	v2 =	vadd.f32 v13, v2  }
0x73: {  	s13 =	sadd.s32 $0x10, s0;
	v6 =	vadd.f32 v8, v6;
	v4 =	vadd.f32 v14, v4;
	v11 =	vld [tilespmem:s22+$0x280]  }
0x74: {  	s11 =	sor.u32 $0x300, s13;
	v8 =	vld [tilespmem:s23+$0x200];
	v3 =	vadd.f32 v9, v3;
	v2 =	vadd.f32 v15, v2  }
0x75: {  	v62 =	vld [tilespmem:s11+$0x4F80];
	v4 =	vadd.f32 v16, v4;
	v5 =	vadd.f32 v5, v6  }
0x76: {  	s1 =	sor.u32 $0x380, s13;
	v6 =	vld [tilespmem:s23+$0x280];
	v3 =	vadd.f32 v10, v3;
	v2 =	vadd.f32 v17, v2  }
0x77: {  	s12 =	sor.u32 $0x6380, s30;
	s0 =	sor.u32 $0x300, s0;
	v9 =	vld [tilespmem:s1+$0x4F80];
	v4 =	vadd.f32 v18, v4;
	v5 =	vadd.f32 v7, v5  }
0x78: {  	s10 =	sor.u32 s31, s10;
	s13 =	sor.u32 s29, s12;
	v7 =	vld [tilespmem:s0+$0x4F80];
	v3 =	vadd.f32 v11, v3;
	v2 =	vadd.f32 v19, v2  }
0x79: {  	s10 =	sor.u32 $0x380, s10;
	v10 =	vld [tilespmem:s13+$0x0];
	v4 =	vadd.f32 v20, v4;
	s0 =	sadd.s32 $0x6400, s30;
	v5 =	vadd.f32 v8, v5  }
0x7a: {  	s11 =	sor.u32 s29, s0;
	v8 =	vld [tilespmem:s10+$0x4F80];
	v3 =	vadd.f32 v62, v3;
	v2 =	vadd.f32 v21, v2  }
0x7b: {  	s1 =	sor.u32 s21, s12;
	s12 =	sadd.s32 $0x6480, s30;
	v4 =	vadd.f32 v22, v4;
	v11 =	vld [tilespmem:s11+$0x0];
	v5 =	vadd.f32 v6, v5  }
0x7c: {  	s13 =	sor.u32 s29, s12;
	v6 =	vld [tilespmem:s1+$0x0];
	v3 =	vadd.f32 v9, v3;
	v2 =	vadd.f32 v23, v2  }
0x7d: {  	s0 =	sor.u32 s21, s0;
	v4 =	vadd.f32 v24, v4;
	s1 =	sadd.s32 $0x6500, s30;
	v9 =	vld [tilespmem:s13+$0x0];
	v5 =	vadd.f32 v7, v5  }
0x7e: {  	s11 =	sor.u32 s29, s1;
	v7 =	vld [tilespmem:s0+$0x0];
	v3 =	vadd.f32 v10, v3;
	v2 =	vadd.f32 v25, v2  }
0x7f: {  	s10 =	sor.u32 s21, s12;
	s12 =	sadd.s32 $0x6580, s30;
	v4 =	vadd.f32 v26, v4;
	v10 =	vld [tilespmem:s11+$0x0];
	v5 =	vadd.f32 v8, v5  }
0x80: {  	s13 =	sor.u32 s29, s12;
	v8 =	vld [tilespmem:s10+$0x0];
	v3 =	vadd.f32 v11, v3;
	v2 =	vadd.f32 v27, v2  }
0x81: {  	s1 =	sor.u32 s21, s1;
	v4 =	vadd.f32 v28, v4;
	s10 =	sadd.s32 $0x6600, s30;
	v11 =	vld [tilespmem:s13+$0x0];
	v5 =	vadd.f32 v6, v5  }
0x82: {  	s11 =	sor.u32 s29, s10;
	v6 =	vadd.f32 v9, v3;
	v3 =	vld [tilespmem:s1+$0x0];
	v2 =	vadd.f32 v29, v2  }
0x83: {  	s0 =	sor.u32 s21, s12;
	s12 =	sadd.s32 $0x6680, s30;
	v9 =	vadd.f32 v30, v4;
	v4 =	vld [tilespmem:s11+$0x0];
	v7 =	vadd.f32 v7, v5  }
0x84: {  	s26 =	sor.u32 s26, s28;
	s28 =	simm.s32 $0x2;
	s13 =	sor.u32 s29, s12;
	v5 =	vld [tilespmem:s0+$0x0];
	v10 =	vadd.f32 v10, v6;
	v63 =	vadd.f32 v31, v2  }
0x85: {  	s10 =	sor.u32 s21, s10;
	s1 =	sadd.s32 $0x6700, s30;
	s0 =	sor.u32 s21, s12;
	v6 =	vld [tilespmem:s13+$0x0];
	v2 =	vadd.f32 v32, v9;
	v9 =	vadd.f32 v8, v7  }
0x86: {  	s31 =	sor.u32 s29, s1;
	s29 =	simm.s32 $0x40;
	v7 =	vld [tilespmem:s10+$0x0];
	v8 =	vadd.f32 v11, v10;
	[tilespmem:s25+$0x0] =	vst v63;
	s25 =	simm.s32 $0x200  }
.LBB2_6:
0x87: {  	s10 =	sand.u32 $0x60, s29;
	s30 =	sand.u32 $0x1C00, s25;
	s11 =	sor.u32 s25, s29;
	v3 =	vadd.f32 v3, v9;
	v9 =	vld [tilespmem:s31+$0x0]  }
0x88: {  	s28 =	sadd.s32 $0x2, s28;
	s12 =	sadd.s32 $0x4F80, s30;
	s31 =	sor.u32 $0x10, s10;
	v10 =	vld [tilespmem:s0+$0x0];
	v4 =	vadd.f32 v4, v8  }
0x89: {  	p0 =	slt.u32 s28, $0x26;
	s13 =	sor.u32 s10, s12;
	s12 =	sor.u32 s31, s12;
	v3 =	vadd.f32 v5, v3;
	v5 =	vld [tilespmem:s26+$0x0]  }
0x8a: {  	s0 =	sor.u32 $0x380, s11;
	s26 =	sor.u32 s21, s1;
	s21 =	smov.u32 s10;
	v8 =	vld [tilespmem:s12+$0x0];
	v4 =	vadd.f32 v6, v4  }
0x8b: {  	v6 =	vld [tilespmem:s12+$0x80];
	v3 =	vadd.f32 v7, v3  }
0x8c: {  	v7 =	vld [tilespmem:s13+$0x0];
	v4 =	vadd.f32 v9, v4  }
0x8d: {  	v9 =	vld [tilespmem:s12+$0x100];
	v3 =	vadd.f32 v10, v3  }
0x8e: {  	v10 =	vld [tilespmem:s13+$0x80];
	[tilespmem:s22+$0x0] =	vst v4;
	v4 =	vadd.f32 v5, v2;
	s22 =	smov.u32 s12  }
0x8f: {  	s24 =	sadd.s32 $0x1, s24;
	v5 =	vld [tilespmem:s22+$0x180];
	v2 =	vmov v3  }
0x90: {  	s1 =	sand.u32 $0x3, s24;
	v3 =	vld [tilespmem:s13+$0x100];
	v6 =	vadd.f32 v6, v8;
	[tilespmem:s20+$0x0] =	vst v4;
	s20 =	smov.u32 s23;
	s23 =	smov.u32 s13  }
0x91: {  	s1 =	sshll.u32 s1, $0x5;
	v4 =	vld [tilespmem:s22+$0x200]  }
0x92: {  	s1 =	sadd.s32 s1, s25;
	v8 =	vld [tilespmem:s23+$0x180];
	v6 =	vadd.f32 v9, v6  }
0x93: {  	s10 =	sor.u32 $0x300, s1;
	s1 =	sadd.s32 $0x10, s1;
	v7 =	vadd.f32 v10, v7;
	v9 =	vld [tilespmem:s22+$0x280]  }
0x94: {  	s11 =	sor.u32 $0x300, s1;
	v10 =	vld [tilespmem:s23+$0x200];
	v5 =	vadd.f32 v5, v6  }
0x95: {  	v3 =	vadd.f32 v3, v7;
	v6 =	vld [tilespmem:s11+$0x4F80]  }
0x96: {  	s1 =	sor.u32 $0x380, s1;
	v7 =	vld [tilespmem:s23+$0x280];
	v4 =	vadd.f32 v4, v5  }
0x97: {  	s11 =	sor.u32 $0x6380, s30;
	v3 =	vadd.f32 v8, v3;
	v5 =	vld [tilespmem:s1+$0x4F80]  }
0x98: {  	s1 =	sor.u32 s21, s11;
	v8 =	vld [tilespmem:s10+$0x4F80];
	v4 =	vadd.f32 v9, v4;
	s10 =	sor.u32 s31, s11  }
0x99: {  	s11 =	sadd.s32 $0x6400, s30;
	v3 =	vadd.f32 v10, v3;
	v9 =	vld [tilespmem:s10+$0x0]  }
0x9a: {  	s10 =	sor.u32 s31, s11;
	v10 =	vld [tilespmem:s0+$0x4F80];
	s0 =	sor.u32 s21, s11;
	v4 =	vadd.f32 v6, v4  }
0x9b: {  	s11 =	sadd.s32 $0x6480, s30;
	v3 =	vadd.f32 v7, v3;
	v6 =	vld [tilespmem:s10+$0x0]  }
0x9c: {  	s10 =	sor.u32 s31, s11;
	v7 =	vld [tilespmem:s1+$0x0];
	s1 =	sor.u32 s21, s11;
	v4 =	vadd.f32 v5, v4  }
0x9d: {  	s11 =	sadd.s32 $0x6500, s30;
	v3 =	vadd.f32 v8, v3;
	v5 =	vld [tilespmem:s10+$0x0]  }
0x9e: {  	s10 =	sor.u32 s31, s11;
	v8 =	vld [tilespmem:s0+$0x0];
	s0 =	sor.u32 s21, s11;
	v4 =	vadd.f32 v9, v4  }
0x9f: {  	s11 =	sadd.s32 $0x6580, s30;
	v3 =	vadd.f32 v10, v3;
	v9 =	vld [tilespmem:s10+$0x0]  }
0xa0: {  	s10 =	sor.u32 s31, s11;
	v10 =	vld [tilespmem:s1+$0x0];
	s1 =	sor.u32 s21, s11;
	v4 =	vadd.f32 v6, v4  }
0xa1: {  	s11 =	sadd.s32 $0x6600, s30;
	v6 =	vadd.f32 v7, v3;
	v11 =	vld [tilespmem:s10+$0x0]  }
.Ltmp2:
0xa2: {  	s10 =	sor.u32 s21, s11;
	v3 =	vld [tilespmem:s0+$0x0];
	v7 =	vadd.f32 v5, v4;
	s0 =	sor.u32 s31, s11;
	(pc) =	sbr.rel @p0 .LBB2_6-.Ltmp2, $4  }
0xa3: {  	s11 =	sadd.s32 $0x6680, s30;
	v6 =	vadd.f32 v8, v6;
	v4 =	vld [tilespmem:s0+$0x0]  }
0xa4: {  	s0 =	sor.u32 s21, s11;
	s11 =	sor.u32 s31, s11;
	v5 =	vld [tilespmem:s1+$0x0];
	v8 =	vadd.f32 v9, v7  }
0xa5: {  	s1 =	sadd.s32 $0x6700, s30;
	v9 =	vadd.f32 v10, v6;
	v6 =	vld [tilespmem:s11+$0x0]  }
0xa6: {  	s29 =	sadd.s32 $0x20, s29;
	s25 =	sadd.s32 $0x100, s25;
	s31 =	sor.u32 s31, s1;
	v7 =	vld [tilespmem:s10+$0x0];
	v8 =	vadd.f32 v11, v8  }
0xa7: {  	v3 =	vadd.f32 v3, v9;
	v61 =	vld [tilespmem:s31+$0x0]  }
0xa8: {  	v10 =	vld [tilespmem:s0+$0x0]  }
0xa9: {  	v62 =	vld [tilespmem:s26+$0x0];
	s26 =	sor.u32 s21, s1;
	v4 =	vadd.f32 v4, v8;
	v3 =	vadd.f32 v5, v3  }
0xaa: {  	v63 =	vld [tilespmem:s26+$0x0]  }
0xab: {  	v4 =	vadd.f32 v6, v4;
	v3 =	vadd.f32 v7, v3;
	_ =	sdelay $0x1  }
0xac: {  	v4 =	vadd.f32 v61, v4;
	v3 =	vadd.f32 v10, v3  }
0xad: {  	v2 =	vadd.f32 v62, v2  }
0xae: {  	[tilespmem:s22+$0x0] =	vst v4;
	v3 =	vadd.f32 v63, v3  }
0xaf: {  	[tilespmem:s20+$0x0] =	vst v2  }
0xb0: {  	[tilespmem:s23+$0x0] =	vst v3  }
0xb1: {  	[hbm4b:s6+s2] =	stream.linear.scatter [tilespmem:s14], [sflag:$0x1], $0x80, $0x38;
	[tilespmem:$0x9F80] =	vst v63  }
0xb2: {  	s28 =	sadd.s32 $0x20, s6  }
0xb3: {  	[hbm4b:s28+s2] =	stream.linear.scatter [tilespmem:s15], [sflag:$0x1], $0x80, $0x38;
	[tilespmem:$0x9F80] =	vst v63  }
0xb4: {  	s29 =	sadd.s32 $0x40, s6;
	s19 =	sadd.s32 $0x1, s19  }
0xb5: {  	[hbm4b:s29+s2] =	stream.linear.scatter [tilespmem:s16], [sflag:$0x1], $0x80, $0x38;
	[tilespmem:$0x9F80] =	vst v63  }
0xb6: {  	s30 =	sadd.s32 $0x60, s6;
	p0 =	sne.s32 s19, s7  }
0xb7: {  	[hbm4b:s30+s2] =	stream.linear.scatter [tilespmem:s17], [sflag:$0x1], $0x80, $0x38;
	[tilespmem:$0x9F80] =	vst v63  }
.Ltmp3:
0xb8: {  	s31 =	sadd.s32 $0x80, s6;
	(pc) =	sbr.rel @p0 .LBB2_1-.Ltmp3, $4  }
0xb9: {  	[hbm4b:s31+s2] =	stream.linear.scatter [tilespmem:s18], [sflag:$0x1], $0x80, $0x38;
	[tilespmem:$0x9F80] =	vst v63  }
0xba: {  	_ =	swait.ge [sflag:s8], $0x280  }
0xbb: {  	[sflag:s8] =	ssyncset.done $0x0  }
0xbc: {  	[sflag:s8] =	ssyncadd.s32 $0xFFFFFD80  }
0xbd: {  	_ =	sfence.sel $0x180000  }
0xbe: {  	[bflag:$0x0] =	sbarrier.arrive $0xFFFF  }
0xbf: {  	_ =	strace $0x90000047  }
0xc0: {  	s0 =	stileid.u32;
	[bflag:$0x2] =	sbarrier.arrive $0xFFFF  }
0xc1: {  	p0 =	sne.s32 s0, $0x0;
	s0 =	rddreg [dreg:$0x2]  }
0xc2: {  	s0 =	sadd.s32 @!p0 $0x100000, s0  }
0xc3: {  	[sflag:s0] =	ssyncadd.tile.s32 @!p0 $0x1;
	_ =	shalt  }
.Lfunc_end2:
_tile_overlayer_lowered:
.L_overlay_start_2:
0xc4: {  	(tag) =	ssettag $0x2  }
0xc5: {  	s0 =	rddreg [dreg:$0x0];
	s2 =	stileid.u32  }
0xc6: {  	s1 =	rddreg [dreg:$0x1];
	p0 =	sne.s32 s2, $0x0  }
0xc7: {  	s3 =	rddreg [dreg:$0x2];
	[bflag:$0x3] =	sbarrier.arrive $0xFFFF;
	s2 =	simm.s32 @!p0 $0x1C01  }
0xc8: {  	[timem:s3], [sflag:s2] =	dma.local @!p0 [hbm:s0], s1  }
0xc9: {  	s0 =	simm.s32 @!p0 $0x1  }
0xca: {  	_ =	swait.ge @!p0 [sflag:s0], s1  }
0xcb: {  	s1 =	ssub.s32 @!p0 $0x0, s1;
	[sflag:s0] =	ssyncset.done @!p0 $0x0  }
0xcc: {  	[sflag:s0] =	ssyncadd.s32 @!p0 s1  }
0xcd: {  	[bflag:$0x3] =	sbarrier.arrive $0xFFFF  }
0xce: {  	_ =	shalt  }

// kernel: kernel.9.cloned.1.call-start
scs
__scs_entry_jumppad:
0x0: {  	(pc) =	sbr.rel $0x88, $3  }
0x1: {  	(tag) =	ssettag $0x0;
	lr =	simm.s32 $0x1  }
0x2: {  	[smem:$0x3F9B] =	sst lr;
	_ =	strace $0xD0000000  }
0x3: {  	_ = 	snop  }
0x4: {  	_ = 	snop  }
0x5: {  	_ = 	snop  }
0x6: {  	_ = 	snop  }
0x7: {  	_ = 	snop  }
__scs_overlays_trampoline_lowered:
0x8: {  	[smem:$0x3FAA] =	sst s0  }
0x9: {  	[smem:$0x3FAB] =	sst s1  }
0xa: {  	[smem:$0x3FAC] =	sst s2  }
0xb: {  	[smem:$0x3FAD] =	sst s3  }
0xc: {  	[smem:$0x3FAE] =	sst s4  }
0xd: {  	[smem:$0x3FAF] =	sst s5  }
0xe: {  	[smem:$0x3FB0] =	sst s6  }
0xf: {  	[smem:$0x3FB1] =	sst s7  }
0x10: {  	[smem:$0x3FB2] =	sst s8  }
0x11: {  	[smem:$0x3FB3] =	sst s9;
	s0 =	simm.s32 @!p0 $0x0  }
0x12: {  	s1 =	sld [smem:$0x3F99];
	s0 =	simm.s32 @p0 $0x1  }
0x13: {  	[smem:$0x3FB4] =	sst s0;
	s0 =	simm.s32 @!p1 $0x0  }
0x14: {  	s2 =	sld [smem:$0x3F98];
	s0 =	simm.s32 @p1 $0x1  }
0x15: {  	[smem:$0x3FB5] =	sst s0;
	s0 =	simm.s32 @!p2 $0x0  }
0x16: {  	s3 =	sld [smem:$0x3FDB];
	s0 =	simm.s32 @p2 $0x1  }
0x17: {  	s4 =	simm.s32 $0x1BF5;
	[smem:$0x3FB7] =	sst s0  }
0x18: {  	s0 =	sld [smem:$0x3F9A];
	_ =	swait.ge [sflag:s4], $0x0  }
0x19: {  	s7 =	sld [smem:$0x3F9B]  }
0x1a: {  	s8 =	sadd.s32 $0xFFFFE003, lr  }
0x1b: {  	s9 =	sadd.s32 $0xFFFFFEF7, lr;
	s5 =	simm.s32 $0xFFFFFFFF;
	p2 =	slt.u32 s8, $0xFFFFF086  }
0x1c: {  	p1 =	slt.u32 s9, $0xF7A;
	s5 =	simm.s32 @!p2 $0x0  }
0x1d: {  	s5 =	simm.s32 @p1 $0x1;
	p0 =	seq.s32 s7, s2  }
0x1e: {  	s7 =	smul.u32 @!p0 $0xF7A, s2;
	p2 =	seq.s32 @!p0 s5, $0x0  }
0x1f: {  	s9 =	smul.u32 $0xF7A, s1;
	s8 =	simm.s32 @!p0 $0x1BF5;
	p2 =	por !p2, p0  }
0x20: {  	[sflag:s8] =	ssyncset.s32 @!p0 $0xFFFFF086;
	s6 =	sadd.s32 @!p0 s3, s7;
	s7 =	simm.s32 @!p0 $0x108  }
0x21: {  	s3 =	sadd.s32 s3, s9;
	s6 =	sadd.s32 @!p0 $0x88, s6;
	s7 =	simm.s32 @p2 $0x1082  }
0x22: {  	[simem:s7], [sflag:s8] =	dma.local @!p0 [hbm:s6], $0xF7A  }
0x23: {  	s9 =	sor.u32 $0xD0000000, s2;
	s6 =	simm.s32 $0x108;
	_ =	swait.ge @!p0 [sflag:s8], $0x0  }
0x24: {  	s3 =	sadd.s32 $0x88, s3;
	s6 =	simm.s32 @!p1 $0x1082;
	[sflag:s4] =	ssyncset.s32 $0xFFFFF086  }
0x25: {  	[simem:s6], [sflag:s4] =	dma.local [hbm:s3], $0xF7A  }
0x26: {  	[smem:$0x3F9B] =	sst s1;
	(tag) =	ssettag s2;
	_ =	strace s9  }
0x27: {  	s1 =	sld [smem:$0x3FAB]  }
0x28: {  	s2 =	sld [smem:$0x3FAC]  }
0x29: {  	s4 =	sld [smem:$0x3FAE]  }
0x2a: {  	p0 =	seq.s32 s5, $0x0;
	s5 =	sld [smem:$0x3FAF]  }
0x2b: {  	s6 =	sld [smem:$0x3FB0]  }
0x2c: {  	s7 =	sld [smem:$0x3FB1]  }
0x2d: {  	s3 =	simm.s32 $0x108;
	s8 =	sld [smem:$0x3FB2]  }
0x2e: {  	s3 =	simm.s32 @!p0 $0x1082;
	s9 =	sld [smem:$0x3FB3]  }
0x2f: {  	lr =	sadd.s32 s0, s3;
	s0 =	sld [smem:$0x3FAA]  }
0x30: {  	s3 =	sld [smem:$0x3FAD]  }
0x31: {  	[smem:$0x3FB6] =	sst s10  }
0x32: {  	s10 =	sld [smem:$0x3FB4];
	_ =	sdelay $0x3  }
0x33: {  	p0 =	seq.s32 s10, $0x1;
	s10 =	sld [smem:$0x3FB6];
	_ =	sdelay $0x3  }
0x34: {  	[smem:$0x3FB6] =	sst s10  }
0x35: {  	s10 =	sld [smem:$0x3FB5];
	_ =	sdelay $0x3  }
0x36: {  	p1 =	seq.s32 s10, $0x1;
	s10 =	sld [smem:$0x3FB6];
	_ =	sdelay $0x3  }
0x37: {  	[smem:$0x3FB6] =	sst s10  }
0x38: {  	s10 =	sld [smem:$0x3FB7]  }
0x39: {  	_ = 	snop;
	(pc) =	sbr.ind lr, $3  }
0x3a: {  	_ = 	snop  }
0x3b: {  	_ = 	snop  }
0x3c: {  	p2 =	seq.s32 s10, $0x1;
	s10 =	sld [smem:$0x3FB6]  }
0x3d: {  	_ =	shalt  }
0x3e: {  	_ =	shalt  }
0x3f: {  	_ =	shalt  }
0x40: {  	_ =	shalt  }
0x41: {  	_ =	shalt  }
0x42: {  	_ =	shalt  }
0x43: {  	_ =	shalt  }
0x44: {  	_ =	shalt  }
0x45: {  	_ =	shalt  }
0x46: {  	_ =	shalt  }
0x47: {  	_ =	shalt  }
0x48: {  	_ =	shalt  }
0x49: {  	_ =	shalt  }
0x4a: {  	_ =	shalt  }
0x4b: {  	_ =	shalt  }
0x4c: {  	_ =	shalt  }
0x4d: {  	_ =	shalt  }
0x4e: {  	_ =	shalt  }
0x4f: {  	_ =	shalt  }
0x50: {  	_ =	shalt  }
0x51: {  	_ =	shalt  }
0x52: {  	_ =	shalt  }
0x53: {  	_ =	shalt  }
0x54: {  	_ =	shalt  }
0x55: {  	_ =	shalt  }
0x56: {  	_ =	shalt  }
0x57: {  	_ =	shalt  }
0x58: {  	_ =	shalt  }
0x59: {  	_ =	shalt  }
0x5a: {  	_ =	shalt  }
0x5b: {  	_ =	shalt  }
0x5c: {  	_ =	shalt  }
0x5d: {  	_ =	shalt  }
0x5e: {  	_ =	shalt  }
0x5f: {  	_ =	shalt  }
0x60: {  	_ =	shalt  }
0x61: {  	_ =	shalt  }
0x62: {  	_ =	shalt  }
0x63: {  	_ =	shalt  }
0x64: {  	_ =	shalt  }
0x65: {  	_ =	shalt  }
0x66: {  	_ =	shalt  }
0x67: {  	_ =	shalt  }
0x68: {  	_ =	shalt  }
0x69: {  	_ =	shalt  }
0x6a: {  	_ =	shalt  }
0x6b: {  	_ =	shalt  }
0x6c: {  	_ =	shalt  }
0x6d: {  	_ =	shalt  }
0x6e: {  	_ =	shalt  }
0x6f: {  	_ =	shalt  }
0x70: {  	_ =	shalt  }
0x71: {  	_ =	shalt  }
0x72: {  	_ =	shalt  }
0x73: {  	_ =	shalt  }
0x74: {  	_ =	shalt  }
0x75: {  	_ =	shalt  }
0x76: {  	_ =	shalt  }
0x77: {  	_ =	shalt  }
0x78: {  	_ =	shalt  }
0x79: {  	_ =	shalt  }
0x7a: {  	_ =	shalt  }
0x7b: {  	_ =	shalt  }
0x7c: {  	_ =	shalt  }
0x7d: {  	_ =	shalt  }
0x7e: {  	_ =	shalt  }
0x7f: {  	_ =	shalt  }
0x80: {  	_ =	shalt  }
0x81: {  	_ =	shalt  }
0x82: {  	_ =	shalt  }
0x83: {  	_ =	shalt  }
0x84: {  	_ =	shalt  }
0x85: {  	_ =	shalt  }
0x86: {  	_ =	shalt  }
0x87: {  	_ =	shalt  }
.Lfunc_end0:
.L_simem_size_0:
called_computation.1_lowered:
.L_overlay_start_0:
0x88: {  	s2 =	sld [smem:$0x3FD9]  }
0x89: {  	s3 =	sld [smem:$0x3FFE];
	_ =	sdelay $0x1  }
0x8a: {  	s1 =	srdreg.scid  }
0x8b: {  	s0 =	sand.u32 $0x1, s1  }
0x8c: {  	s17 =	sshll.u32 s0, $0xA;
	s2 =	sadd.s32 s3, s2  }
0x8d: {  	s2 =	sadd.s32 s2, s17  }
0x8e: {  	[smem:$0x3FC2] =	sst s2  }
0x8f: {  	_ = 	snop  }
0x90: {  	s2 =	sld [smem:$0x3FD0];
	(tm) =	ssettm $0x1  }
0x91: {  	s18 =	sld [smem:$0x3FFB];
	_ =	sdelay $0x3  }
0x92: {  	_ =	strace s18  }
0x93: {  	s3 =	sld [smem:$0x3FFC];
	_ =	sdelay $0x3  }
0x94: {  	_ =	strace s3  }
0x95: {  	s3 =	sld [smem:$0x3FFD];
	_ =	sdelay $0x3  }
0x96: {  	_ =	strace s3  }
0x97: {  	_ =	strace $0x8FFFFFFF  }
0x98: {  	s19 =	sld [smem:$0x3FDB];
	_ =	sdelay $0x1  }
0x99: {  	s4 =	simm.s32 $_scs_section_size  }
0x9a: {  	s5 =	simm.s32 $_size__tile_overlayer_lowered;
	s6 =	simm.s32 $_tile_overlayer_lowered  }
0x9b: {  	s22 =	simm.s32 $0x1BFF;
	s21 =	sshll.u32 s6, $0x1;
	s3 =	sadd.s32 s4, s19  }
0x9c: {  	s7 =	simm.s32 $0x0;
	s20 =	sshll.u32 s5, $0x1;
	s5 =	sadd.s32 s21, s3  }
0x9d: {  	[timem:s7], [sflag:s22] =	dma.local [hbm:s5], s20  }
0x9e: {  	_ =	swait.ge [sflag:s22], s20  }
0x9f: {  	s4 =	ssub.s32 $0x0, s20;
	[sflag:s22] =	ssyncset.done $0x0  }
0xa0: {  	[sflag:s22] =	ssyncadd.s32 s4;
	_ =	sdelay $0x1  }
0xa1: {  	s23 =	simm.s32 $0x1B8B  }
0xa2: {  	_ =	swait.ge [sflag:s23], $0x1  }
0xa3: {  	[sflag:s23] =	ssyncset.done $0x0  }
0xa4: {  	s25 =	simm.s32 $0x1B8E;
	s24 =	sld [smem:$0x3FFE];
	[sflag:s23] =	ssyncadd.s32 $0xFFFFFFFF  }
0xa5: {  	s26 =	simm.s32 $execute0_lowered;
	[smem:$0x3FD2] =	sst s25  }
0xa6: {  	s5 =	sshll.u32 s26, $0x1;
	_ =	strace $0x80000049;
	[dreg:$0x1] =	wrdreg $0xFFFFFFFF  }
0xa7: {  	s28 =	simm.s32 $_size_execute0_lowered;
	s3 =	sadd.s32 s3, s5;
	[dreg:$0x0] =	wrdreg $0x0  }
0xa8: {  	s5 =	sshll.u32 s28, $0x1;
	[dreg:$0x2] =	wrdreg s3  }
0xa9: {  	[dreg:$0x3] =	wrdreg s5  }
0xaa: {  	[dreg:$0x4] =	wrdreg $0xC0  }
0xab: {  	_ =	task [dreg:s7], $0x5FFFF  }
0xac: {  	[dreg:$0x1] =	wrdreg $0xFFFFFFFF  }
0xad: {  	[dreg:$0x0] =	wrdreg $0x60  }
0xae: {  	[dreg:$0x2] =	wrdreg s24  }
0xaf: {  	[dreg:$0x3] =	wrdreg s2  }
0xb0: {  	[dreg:$0x4] =	wrdreg $0x9  }
0xb1: {  	_ =	task.clear_ibuf [dreg:s7], $0x5FFFF;
	_ =	strace $0x90000049  }
0xb2: {  	s29 =	simm.s32 $0x9;
	_ =	strace $0x8000004B  }
0xb3: {  	_ =	swait.ge [sflag:s29], $0x1  }
0xb4: {  	[sflag:s29] =	ssyncadd.s32 $0xFFFFFFFF  }
0xb5: {  	_ =	strace $0x9000004B  }
0xb6: {  	_ =	sfence  }
0xb7: {  	s30 =	sld [smem:$0x0];
	_ =	sdelay $0x2  }
0xb8: {  	s31 =	sshll.u32 s1, $0xD;
	s1 =	sshrl.u32 s1, $0x2  }
0xb9: {  	s3 =	sand.u32 $0x4000, s31;
	s1 =	sadd.s32 s1, s30  }
0xba: {  	s0 =	sor.u32 s3, s0;
	s1 =	sshll.u32 s1, $0x11  }
0xbb: {  	s0 =	sor.u32 s1, s0  }
0xbc: {  	s0 =	sadd.s32 $0x8F2B, s0  }
0xbd: {  	[sflag:s0] =	ssyncadd.remote.s32 $0x1  }
0xbe: {  	_ =	sfence.sel $0xFFFF  }
0xbf: {  	[dreg:$0x0] =	wrdreg $0xFFFFFFFF;
	(pc) =	sbr.abs _section_cstart, $3  }
0xc0: {  	[dreg:$0x1] =	wrdreg $0xFFFFFFFF  }
0xc1: {  	_ =	task.clear_ibuf [dreg:s7], $0x2FFFF;
	_ =	strace $0x9FFFFFFF  }
0xc2: {  	(tm) =	ssettm $0x7FFFFFFF  }
0xc3: {  	_ =	shalt  }
tec
execute0_lowered:
.L_overlay_start_1:
0x0: {  	(tag) =	ssettag $0x1  }
0x1: {  	s0 =	rddreg [dreg:$0x0]  }
0x2: {  	s1 =	rddreg [dreg:$0x1];
	s3 =	simm.s32 $0x0  }
0x3: {  	s2 =	srdreg.scid;
	s5 =	stileid.u32;
	s20 =	simm.s32 $0x1  }
0x4: {  	s21 =	simm.s32 $0x3;
	s22 =	simm.s32 $0xA000;
	[smem:$0x7FF] =	sst s3  }
0x5: {  	s2 =	sand.u32 $0x1, s2;
	s4 =	smul.u32 $0x14000, s5;
	s6 =	sadd.s32 $0xB000, s0  }
0x6: {  	s7 =	sshll.u32 s5, $0xA;
	s5 =	sadd.s32 $0x1200, s0;
	_ =	strace $0x8000004A  }
0x7: {  	[dreg:$0x3] =	wrdreg s6;
	s25 =	sshll.u32 s2, $0x9;
	s2 =	ssub.s32 $0x2, s2  }
0x8: {  	s7 =	sor.u32 s25, s7;
	s4 =	sor.u32 s25, s4;
	s28 =	sshrl.u32 s2, $0x1  }
0x9: {  	s26 =	sshrl.u32 s7, $0x3;
	s4 =	sshrl.u32 s4, $0x3;
	s2 =	ssub.s32 s2, s28  }
0xa: {  	s6 =	sadd.s32 s26, s0;
	s4 =	sadd.s32 s4, s0;
	s0 =	sadd.s32 $0xB010, s0  }
0xb: {  	s23 =	simm.s32 $0x2;
	s31 =	smax.u32 s2, $0x1;
	[dreg:$0x6] =	wrdreg s0  }
0xc: {  	s24 =	simm.s32 $0x4;
	s29 =	sadd.s32 $0xBA00, s4;
	[dreg:$0x8] =	wrdreg s31  }
0xd: {  	s7 =	simm.s32 $0x6;
	s6 =	sadd.s32 $0x33A00, s6;
	[dreg:$0x4] =	wrdreg s29  }
0xe: {  	s2 =	simm.s32 $0x200;
	s30 =	sadd.s32 $0x34200, s4;
	[dreg:$0x5] =	wrdreg s6  }
0xf: {  	s4 =	simm.s32 $0x400;
	[dreg:$0x7] =	wrdreg s30;
	s6 =	simm.s32 $0x0  }
.LBB2_1:
0x10: {  	[dreg:$0x9] =	wrdreg s6  }
0x11: {  	s0 =	rddreg [dreg:$0x4]  }
0x12: {  	s12 =	rddreg [dreg:$0x3]  }
0x13: {  	[tilespmem:s3], [sflag:$0x5] =	stream.strided.gather [hbm4b:s0+s2], $0xA000, s4, s2, $0x38;
	[tilespmem:$0x1F600] =	vst v63  }
0x14: {  	s13 =	simm.s32 $0x80;
	s14 =	simm.s32 $0x100;
	s15 =	simm.s32 $0x14000  }
0x15: {  	[tilespmem:s15], [sflag:$0x6] =	stream.strided.gather [hbm4b:s12+s13], $0x2800, s14, s13, $0x38;
	[tilespmem:$0x1F600] =	vst v63  }
0x16: {  	_ =	swait.ge [sflag:s7], $0x2800  }
0x17: {  	[sflag:s7] =	ssyncset.done $0x0  }
0x18: {  	s17 =	simm.s32 $0x1F400;
	s16 =	rddreg [dreg:$0x5];
	[sflag:s7] =	ssyncadd.s32 $0xFFFFD800  }
0x19: {  	[tilespmem:s17], [sflag:$0x6] =	stream.linear.gather [hbm4b:s16+s3], $0x200, $0x38;
	[tilespmem:$0x1F600] =	vst v63  }
0x1a: {  	_ =	swait.ge [sflag:s7], $0x200  }
0x1b: {  	[sflag:s7] =	ssyncset.done $0x0  }
0x1c: {  	s19 =	simm.s32 $0x16800;
	s18 =	rddreg [dreg:$0x6];
	[sflag:s7] =	ssyncadd.s32 $0xFFFFFE00  }
0x1d: {  	[tilespmem:s19], [sflag:$0x6] =	stream.strided.gather [hbm4b:s18+s13], $0x2800, s14, s13, $0x38;
	[tilespmem:$0x1F600] =	vst v63  }
0x1e: {  	_ =	swait.ge [sflag:s7], $0x2800  }
0x1f: {  	[sflag:s7] =	ssyncset.done $0x0  }
0x20: {  	s25 =	simm.s32 $0x16820;
	[sflag:s7] =	ssyncadd.s32 $0xFFFFD800  }
0x21: {  	v0 =	vld [tilespmem:s25+$0xFFFFFFF0]  }
0x22: {  	s26 =	simm.s32 $0x14020;
	v1 =	vld [tilespmem:s25+$0xFFFFFFE0]  }
0x23: {  	v2 =	vld [tilespmem:s26+$0xFFFFFFE0]  }
0x24: {  	v3 =	vld [tilespmem:s26+$0x10]  }
0x25: {  	v5 =	vld [tilespmem:s26+$0xFFFFFFF0]  }
0x26: {  	v4 =	vld [tilespmem:s25+$0x10];
	_ =	sdelay $0x1  }
0x27: {  	v6 =	vld [tilespmem:s25+$0x0]  }
0x28: {  	v7 =	vld [tilespmem:s26+$0x0];
	v1 =	vadd.f32 v1, v2  }
0x29: {  	v0 =	vadd.f32 v0, v5  }
0x2a: {  	v2 =	vadd.f32 v4, v3;
	v1 =	vadd.f32 $1.000000000e+00, v1  }
0x2b: {  	v0 =	vadd.f32 $1.000000000e+00, v0  }
0x2c: {  	s30 =	simm.s32 $0x16860;
	v3 =	vshra.s32 v1, $0x1;
	v11 =	vmul.f32 $5.000000000e-01, v1;
	v1 =	vadd.f32 $1.000000000e+00, v2  }
0x2d: {  	s28 =	simm.s32 $0x14060;
	v2 =	vadd.f32 v6, v7;
	v6 =	vld [tilespmem:s30+$0xFFFFFFE0];
	v13 =	vmul.f32 $5.000000000e-01, v0;
	v3 =	vsub.s32 $0x5F3759DF, v3  }
0x2e: {  	v5 =	vshra.s32 v1, $0x1;
	v12 =	vmul.f32 $5.000000000e-01, v1;
	v1 =	vshra.s32 v0, $0x1;
	v0 =	vld [tilespmem:s28+$0xFFFFFFE0]  }
0x2f: {  	v8 =	vld [tilespmem:s30+$0xFFFFFFF0];
	v4 =	vmul.f32 v3, v11;
	v5 =	vsub.s32 $0x5F3759DF, v5  }
0x30: {  	v14 =	vld [tilespmem:s30+$0x0];
	v2 =	vadd.f32 $1.000000000e+00, v2;
	v9 =	vsub.s32 $0x5F3759DF, v1;
	v7 =	vmul.f32 v5, v12  }
0x31: {  	v15 =	vld [tilespmem:s28+$0x0];
	v4 =	vmul.f32 v3, v4;
	v10 =	vmul.f32 v9, v13  }
0x32: {  	v16 =	vld [tilespmem:s28+$0x10];
	v1 =	vmul.f32 $5.000000000e-01, v2;
	v2 =	vshra.s32 v2, $0x1;
	v7 =	vmul.f32 v5, v7  }
0x33: {  	v18 =	vld [tilespmem:s28+$0xFFFFFFF0];
	v4 =	vsub.f32 $1.500000000e+00, v4;
	v10 =	vmul.f32 v9, v10;
	v0 =	vadd.f32 v6, v0  }
0x34: {  	v17 =	vsub.s32 $0x5F3759DF, v2;
	v6 =	vld [tilespmem:s30+$0x10];
	v7 =	vsub.f32 $1.500000000e+00, v7  }
0x35: {  	v19 =	vmul.f32 v3, v4;
	v2 =	vsub.f32 $1.500000000e+00, v10;
	v0 =	vadd.f32 $1.000000000e+00, v0  }
0x36: {  	v3 =	vmul.f32 v17, v1;
	v7 =	vmul.f32 v5, v7;
	v5 =	vadd.f32 v14, v15  }
0x37: {  	v4 =	vmul.f32 v19, v11;
	v9 =	vmul.f32 v9, v2;
	v14 =	vshra.s32 v0, $0x1  }
0x38: {  	v2 =	vmul.f32 $5.000000000e-01, v0;
	v10 =	vmul.f32 v7, v12;
	v5 =	vadd.f32 $1.000000000e+00, v5  }
0x39: {  	v15 =	vmul.f32 v9, v13;
	v0 =	vadd.f32 v6, v16;
	v6 =	vadd.f32 v8, v18  }
0x3a: {  	v14 =	vsub.s32 $0x5F3759DF, v14;
	v16 =	vmul.f32 v17, v3;
	v4 =	vmul.f32 v4, v19  }
0x3b: {  	v3 =	vadd.f32 $1.000000000e+00, v0;
	v0 =	vmul.f32 $5.000000000e-01, v5;
	v6 =	vadd.f32 $1.000000000e+00, v6  }
0x3c: {  	s31 =	simm.s32 $0x168A0;
	v8 =	vmul.f32 v15, v9;
	v15 =	vmul.f32 v14, v2;
	v5 =	vshra.s32 v5, $0x1  }
0x3d: {  	v22 =	vld [tilespmem:s31+$0xFFFFFFE0];
	v10 =	vmul.f32 v10, v7;
	v23 =	vsub.f32 $1.500000000e+00, v4;
	v18 =	vshra.s32 v3, $0x1  }
0x3e: {  	s29 =	simm.s32 $0x140A0;
	v26 =	vld [tilespmem:s31+$0x0];
	v3 =	vmul.f32 $5.000000000e-01, v3;
	v20 =	vshra.s32 v6, $0x1;
	v4 =	vmul.f32 $5.000000000e-01, v6  }
0x3f: {  	v6 =	vsub.f32 $1.500000000e+00, v8;
	v27 =	vmul.f32 v23, v19;
	v19 =	vld [tilespmem:s29+$0x0];
	v18 =	vsub.s32 $0x5F3759DF, v18  }
0x40: {  	v24 =	vld [tilespmem:s29+$0xFFFFFFE0];
	v15 =	vmul.f32 v14, v15;
	v20 =	vsub.s32 $0x5F3759DF, v20;
	v21 =	vmul.f32 v18, v3  }
0x41: {  	v5 =	vsub.s32 $0x5F3759DF, v5;
	v25 =	vmul.f32 v20, v4;
	v6 =	vmul.f32 v6, v9  }
0x42: {  	v10 =	vsub.f32 $1.500000000e+00, v10;
	v11 =	vmul.f32 v27, v11;
	v8 =	vmul.f32 v18, v21  }
0x43: {  	v15 =	vsub.f32 $1.500000000e+00, v15;
	v21 =	vmul.f32 v5, v0;
	v25 =	vmul.f32 v20, v25  }
0x44: {  	v11 =	vmul.f32 v11, v27;
	v13 =	vmul.f32 v6, v13;
	v19 =	vadd.f32 v26, v19  }
0x45: {  	v23 =	vld [tilespmem:s31+$0xFFFFFFF0];
	v9 =	vsub.f32 $1.500000000e+00, v8;
	v8 =	vmul.f32 v10, v7;
	v7 =	vadd.f32 v22, v24  }
0x46: {  	v10 =	vmul.f32 v14, v15;
	v14 =	vld [tilespmem:s29+$0x10];
	v15 =	vsub.f32 $1.500000000e+00, v16;
	v16 =	vsub.f32 $1.500000000e+00, v25  }
0x47: {  	v22 =	vld [tilespmem:s31+$0x10];
	v11 =	vsub.f32 $1.500000000e+00, v11;
	v31 =	vmul.f32 v13, v6;
	v9 =	vmul.f32 v18, v9  }
0x48: {  	v24 =	vld [tilespmem:s29+$0xFFFFFFF0];
	v25 =	vmul.f32 v10, v2;
	v7 =	vadd.f32 $1.000000000e+00, v7;
	v16 =	vmul.f32 v20, v16  }
0x49: {  	v18 =	vmul.f32 v17, v15;
	v20 =	vadd.f32 $1.000000000e+00, v19;
	v19 =	vmul.f32 v8, v12  }
0x4a: {  	v17 =	vmul.f32 v5, v21;
	v27 =	vmul.f32 v11, v27  }
0x4b: {  	v28 =	vmul.f32 v9, v3;
	v15 =	vshra.s32 v7, $0x1;
	v7 =	vmul.f32 $5.000000000e-01, v7  }
0x4c: {  	v26 =	vmul.f32 v16, v4;
	v21 =	vmul.f32 v18, v1  }
0x4d: {  	v30 =	vmul.f32 v25, v10;
	v12 =	vadd.f32 v22, v14;
	v14 =	vadd.f32 v23, v24  }
0x4e: {  	v15 =	vsub.s32 $0x5F3759DF, v15;
	v24 =	vmul.f32 v26, v16;
	v21 =	vmul.f32 v21, v18  }
0x4f: {  	v26 =	vmul.f32 v28, v9;
	v22 =	vadd.f32 $1.000000000e+00, v12;
	v23 =	vadd.f32 $1.000000000e+00, v14  }
0x50: {  	v12 =	vmul.f32 $5.000000000e-01, v20;
	v14 =	vmul.f32 v15, v7;
	v20 =	vshra.s32 v20, $0x1  }
0x51: {  	[tilespmem:s26+$0xFFFFFFE0] =	vst v27;
	v27 =	vsub.f32 $1.500000000e+00, v30;
	v13 =	vsub.s32 $0x5F3759DF, v20;
	v11 =	vshra.s32 v22, $0x1  }
0x52: {  	v14 =	vmul.f32 v15, v14;
	v20 =	vsub.s32 $0x5F3759DF, v11;
	v11 =	vmul.f32 $5.000000000e-01, v22  }
0x53: {  	v29 =	vsub.f32 $1.500000000e+00, v21;
	v21 =	vsub.f32 $1.500000000e+00, v31;
	v25 =	vshra.s32 v23, $0x1  }
0x54: {  	s11 =	simm.s32 $0x140E0;
	s0 =	simm.s32 $0x8;
	s2 =	simm.s32 $0x168E0;
	v22 =	vsub.f32 $1.500000000e+00, v14;
	v14 =	vmul.f32 v13, v12;
	v28 =	vmul.f32 v20, v11  }
.LBB2_2:
0x55: {  	v30 =	vld [tilespmem:s2+$0xFFFFFFF0];
	s0 =	sadd.s32 $0x4, s0;
	v23 =	vmul.f32 $5.000000000e-01, v23;
	v24 =	vsub.f32 $1.500000000e+00, v24;
	v29 =	vmul.f32 v29, v18  }
0x56: {  	v25 =	vsub.s32 $0x5F3759DF, v25;
	v19 =	vmul.f32 v19, v8;
	v18 =	vld [tilespmem:s2+$0xFFFFFFE0];
	p0 =	slt.u32 s0, $0x27C;
	v28 =	vmul.f32 v20, v28  }
0x57: {  	v31 =	vld [tilespmem:s11+$0xFFFFFFE0];
	v32 =	vmul.f32 v25, v23;
	v16 =	vmul.f32 v24, v16;
	v24 =	vsub.f32 $1.500000000e+00, v26  }
0x58: {  	v27 =	vmul.f32 v27, v10;
	v33 =	vmul.f32 v29, v1;
	v1 =	vmovc v0;
	v0 =	vmovc v12;
	v26 =	vld [tilespmem:s2+$0x0];
	v28 =	vsub.f32 $1.500000000e+00, v28  }
0x59: {  	v19 =	vsub.f32 $1.500000000e+00, v19;
	v12 =	vld [tilespmem:s11+$0x0];
	v32 =	vmul.f32 v25, v32;
	v24 =	vmul.f32 v24, v9  }
0x5a: {  	v10 =	vmul.f32 v15, v22;
	v15 =	vsub.f32 $1.500000000e+00, v17;
	v17 =	vmul.f32 v33, v29;
	v34 =	vld [tilespmem:s11+$0xFFFFFFF0]  }
0x5b: {  	v19 =	vmul.f32 v19, v8;
	v9 =	vmul.f32 v20, v28;
	v22 =	vld [tilespmem:s11+$0x10];
	v8 =	vmov v24  }
0x5c: {  	v28 =	vmul.f32 v27, v2;
	v2 =	vmovc v7;
	v24 =	vsub.f32 $1.500000000e+00, v32;
	v18 =	vadd.f32 v18, v31;
	v20 =	vld [tilespmem:s2+$0x10]  }
0x5d: {  	v7 =	vmul.f32 v21, v6;
	v6 =	vmovc v16;
	v17 =	vsub.f32 $1.500000000e+00, v17;
	v31 =	vmul.f32 v10, v2;
	[tilespmem:s26+$0x10] =	vst v19  }
0x5e: {  	v21 =	vmul.f32 v9, v11;
	v28 =	vmul.f32 v28, v27;
	v19 =	vadd.f32 $1.000000000e+00, v18  }
0x5f: {  	v16 =	vmul.f32 v25, v24;
	v12 =	vadd.f32 v26, v12;
	v18 =	vmul.f32 v5, v15;
	[tilespmem:s26+$0xFFFFFFF0] =	vst v7  }
0x60: {  	v17 =	vmul.f32 v17, v29;
	v5 =	vmovc v13;
	v15 =	vshra.s32 v19, $0x1;
	v7 =	vmul.f32 $5.000000000e-01, v19  }
0x61: {  	v24 =	vmul.f32 v16, v23;
	v13 =	vadd.f32 $1.000000000e+00, v12;
	v19 =	vmul.f32 v8, v3;
	v3 =	vmovc v11  }
0x62: {  	v15 =	vsub.s32 $0x5F3759DF, v15;
	v11 =	vadd.f32 v20, v22;
	v20 =	vmul.f32 v6, v4;
	v4 =	vmovc v23;
	[tilespmem:s26+$0x0] =	vst v17;
	s26 =	smov.u32 s28;
	s28 =	smov.u32 s29;
	s29 =	smov.u32 s11  }
0x63: {  	v12 =	vadd.f32 v30, v34;
	v17 =	vmul.f32 v5, v14;
	v14 =	vmul.f32 v18, v1  }
0x64: {  	v30 =	vmul.f32 v31, v10;
	v22 =	vsub.f32 $1.500000000e+00, v28;
	v11 =	vadd.f32 $1.000000000e+00, v11  }
0x65: {  	v24 =	vmul.f32 v24, v16;
	v23 =	vadd.f32 $1.000000000e+00, v12;
	v12 =	vmul.f32 $5.000000000e-01, v13  }
0x66: {  	v26 =	vmul.f32 v15, v7;
	v13 =	vshra.s32 v13, $0x1;
	v31 =	vmul.f32 v20, v6  }
.Ltmp0:
0x67: {  	v13 =	vsub.s32 $0x5F3759DF, v13;
	v22 =	vmul.f32 v22, v27;
	v25 =	vshra.s32 v23, $0x1;
	(pc) =	sbr.rel @p0 .LBB2_2-.Ltmp0, $4  }
0x68: {  	v27 =	vmul.f32 v15, v26;
	v28 =	vmul.f32 v14, v18;
	v20 =	vshra.s32 v11, $0x1  }
0x69: {  	v26 =	vmul.f32 v21, v9;
	v11 =	vmul.f32 $5.000000000e-01, v11;
	v20 =	vsub.s32 $0x5F3759DF, v20;
	[tilespmem:s26+$0xFFFFFFE0] =	vst v22  }
0x6a: {  	v14 =	vmul.f32 v13, v12;
	v29 =	vsub.f32 $1.500000000e+00, v28;
	v22 =	vsub.f32 $1.500000000e+00, v27  }
0x6b: {  	s2 =	sadd.s32 $0x40, s2;
	s11 =	sadd.s32 $0x40, s11;
	v21 =	vsub.f32 $1.500000000e+00, v31;
	v28 =	vmul.f32 v20, v11;
	v27 =	vsub.f32 $1.500000000e+00, v30  }
0x6c: {  	v23 =	vmul.f32 $5.000000000e-01, v23;
	v18 =	vmul.f32 v29, v18  }
0x6d: {  	v24 =	vsub.f32 $1.500000000e+00, v24;
	v19 =	vmul.f32 v19, v8;
	v15 =	vmul.f32 v15, v22  }
0x6e: {  	v25 =	vsub.s32 $0x5F3759DF, v25;
	v14 =	vmul.f32 v13, v14;
	v28 =	vmul.f32 v20, v28  }
0x6f: {  	v49 =	vsub.f32 $1.500000000e+00, v26;
	v10 =	vmul.f32 v27, v10;
	v6 =	vmul.f32 v21, v6  }
0x70: {  	v17 =	vsub.f32 $1.500000000e+00, v17;
	v48 =	vmul.f32 v25, v23;
	v16 =	vmul.f32 v24, v16  }
0x71: {  	v1 =	vmul.f32 v18, v1;
	v9 =	vmul.f32 v49, v9  }
0x72: {  	v19 =	vsub.f32 $1.500000000e+00, v19;
	v22 =	vmul.f32 v15, v7;
	v5 =	vmul.f32 v5, v17  }
0x73: {  	v2 =	vmul.f32 v10, v2;
	v51 =	vmul.f32 v25, v48  }
0x74: {  	v14 =	vsub.f32 $1.500000000e+00, v14;
	v1 =	vmul.f32 v1, v18;
	v8 =	vmul.f32 v19, v8  }
0x75: {  	v50 =	vsub.f32 $1.500000000e+00, v28;
	v56 =	vmul.f32 v5, v0;
	v3 =	vmul.f32 v9, v3  }
0x76: {  	v4 =	vmul.f32 v16, v4;
	v22 =	vmul.f32 v22, v15  }
0x77: {  	v57 =	vmul.f32 v13, v14;
	v52 =	vmul.f32 v20, v50  }
0x78: {  	v2 =	vmul.f32 v2, v10;
	v53 =	vsub.f32 $1.500000000e+00, v51;
	v4 =	vmul.f32 v4, v16  }
0x79: {  	v1 =	vsub.f32 $1.500000000e+00, v1;
	v14 =	vmul.f32 v57, v12;
	v3 =	vmul.f32 v3, v9  }
0x7a: {  	v54 =	vmul.f32 v52, v11;
	v55 =	vmul.f32 v25, v53  }
0x7b: {  	v59 =	vsub.f32 $1.500000000e+00, v22;
	v1 =	vmul.f32 v1, v18;
	v18 =	vmul.f32 v56, v5  }
0x7c: {  	v2 =	vsub.f32 $1.500000000e+00, v2;
	v14 =	vmul.f32 v14, v57;
	v19 =	vmul.f32 v55, v23  }
0x7d: {  	v15 =	vmul.f32 v59, v15;
	v58 =	vmul.f32 v54, v52;
	v18 =	vsub.f32 $1.500000000e+00, v18  }
0x7e: {  	v3 =	vsub.f32 $1.500000000e+00, v3;
	v2 =	vmul.f32 v2, v10;
	v19 =	vmul.f32 v19, v55  }
0x7f: {  	v14 =	vsub.f32 $1.500000000e+00, v14;
	v10 =	vsub.f32 $1.500000000e+00, v58;
	v5 =	vmul.f32 v18, v5  }
0x80: {  	v3 =	vmul.f32 v3, v9;
	v7 =	vmul.f32 v15, v7;
	v19 =	vsub.f32 $1.500000000e+00, v19  }
0x81: {  	v10 =	vmul.f32 v10, v52;
	v0 =	vmul.f32 v5, v0  }
0x82: {  	v60 =	vmul.f32 v14, v57;
	v17 =	vmul.f32 v19, v55  }
0x83: {  	[tilespmem:s26+$0x10] =	vst v8;
	v8 =	vmul.f32 v10, v11;
	v0 =	vmul.f32 v0, v5  }
0x84: {  	[tilespmem:s26+$0xFFFFFFF0] =	vst v6;
	v4 =	vsub.f32 $1.500000000e+00, v4;
	v6 =	vmul.f32 v7, v15;
	v7 =	vmul.f32 v17, v23  }
0x85: {  	[tilespmem:s26+$0x0] =	vst v1;
	v1 =	vmul.f32 v8, v10;
	v8 =	vmul.f32 v60, v12;
	v0 =	vsub.f32 $1.500000000e+00, v0  }
0x86: {  	[tilespmem:s28+$0xFFFFFFE0] =	vst v2;
	v2 =	vmul.f32 v4, v16;
	v4 =	vsub.f32 $1.500000000e+00, v6;
	v6 =	vmul.f32 v7, v17  }
0x87: {  	[tilespmem:s28+$0x10] =	vst v3;
	v1 =	vsub.f32 $1.500000000e+00, v1;
	v3 =	vmul.f32 v8, v60;
	v0 =	vmul.f32 v0, v5  }
0x88: {  	[tilespmem:s28+$0xFFFFFFF0] =	vst v2;
	v2 =	vmul.f32 v4, v15;
	v4 =	vsub.f32 $1.500000000e+00, v6  }
0x89: {  	[tilespmem:s28+$0x0] =	vst v0;
	v0 =	vmul.f32 v1, v10;
	v1 =	vsub.f32 $1.500000000e+00, v3  }
0x8a: {  	[tilespmem:s29+$0xFFFFFFE0] =	vst v2;
	v2 =	vmul.f32 v4, v17  }
0x8b: {  	[tilespmem:s29+$0x10] =	vst v0;
	v0 =	vmul.f32 v1, v60  }
0x8c: {  	[tilespmem:s29+$0xFFFFFFF0] =	vst v2  }
0x8d: {  	s6 =	simm.s32 $0x5;
	s28 =	simm.s32 $0x0;
	[tilespmem:s29+$0x0] =	vst v0  }
0x8e: {  	s2 =	sand.u32 $0x40, s28;
	s0 =	sand.u32 $0x3F80, s28;
	_ =	swait.ge [sflag:s6], $0xA000  }
0x8f: {  	s0 =	sor.u32 $0x14000, s0;
	s4 =	sor.u32 $0x30, s2;
	[sflag:s6] =	ssyncset.done $0x0  }
0x90: {  	s18 =	sand.u32 $0xFE00, s28;
	s7 =	sor.u32 s4, s0;
	[sflag:s6] =	ssyncadd.s32 $0xFFFF6000  }
0x91: {  	s4 =	sor.u32 s18, s4;
	v0 =	vld [tilespmem:s7+$0x0]  }
0x92: {  	s19 =	sor.u32 $0x10, s2;
	v1 =	vld [tilespmem:s4+$0x0]  }
0x93: {  	s25 =	sor.u32 $0x20, s2;
	s8 =	sor.u32 s19, s0;
	v2 =	vld [tilespmem:s4+$0x80]  }
0x94: {  	s0 =	sor.u32 s25, s0;
	v4 =	vld [tilespmem:s8+$0x0]  }
0x95: {  	s8 =	sor.u32 s18, s25;
	v6 =	vld [tilespmem:s0+$0x0]  }
0x96: {  	s7 =	sor.u32 s18, s19;
	v7 =	vld [tilespmem:s8+$0x0]  }
0x97: {  	v3 =	vld [tilespmem:s7+$0x0];
	v1 =	vmul.f32 v1, v0  }
0x98: {  	p0 =	por $0x0, $0x0;
	s9 =	simm.s32 $0x1  }
0x99: {  	s9 =	simm.s32 @!p0 $0x0;
	v5 =	vld [tilespmem:s7+$0x80];
	v2 =	vmul.f32 v2, v0;
	[tilespmem:s4+$0x0] =	vst v1  }
0x9a: {  	s26 =	sshll.u32 s9, $0x6;
	[tilespmem:s4+$0xA000] =	vst v1  }
0x9b: {  	s0 =	sadd.s32 $0x0, s26;
	v7 =	vmul.f32 v7, v6;
	[tilespmem:s4+$0x80] =	vst v2  }
0x9c: {  	s31 =	sadd.s32 $0x30, s0;
	v8 =	vld [tilespmem:s8+$0x80];
	v1 =	vmul.f32 v3, v4;
	[tilespmem:s4+$0xA080] =	vst v2  }
0x9d: {  	s10 =	sor.u32 $0x100, s31;
	[tilespmem:s8+$0x0] =	vst v7  }
0x9e: {  	s12 =	simm.s32 $0x0;
	v2 =	vmul.f32 v5, v4;
	v5 =	vld [tilespmem:s10+$0x0];
	[tilespmem:s7+$0x0] =	vst v1  }
0x9f: {  	s2 =	sor.u32 s2, s18;
	v3 =	vld [tilespmem:s12+$0x14000];
	[tilespmem:s7+$0xA000] =	vst v1  }
0xa0: {  	v1 =	vld [tilespmem:s2+$0x0];
	[tilespmem:s7+$0x80] =	vst v2  }
0xa1: {  	[tilespmem:s7+$0xA080] =	vst v2;
	v2 =	vmul.f32 v8, v6  }
0xa2: {  	s13 =	sadd.s32 $0x10, s0;
	[tilespmem:s8+$0xA000] =	vst v7;
	v8 =	vld [tilespmem:s2+$0x80]  }
0xa3: {  	s14 =	sor.u32 $0x100, s13;
	[tilespmem:s8+$0x80] =	vst v2;
	v5 =	vmul.f32 v5, v0  }
0xa4: {  	s11 =	sadd.s32 $0x20, s0;
	v7 =	vld [tilespmem:s14+$0x0];
	[tilespmem:s8+$0xA080] =	vst v2  }
0xa5: {  	s12 =	sor.u32 $0x100, s11;
	v1 =	vmul.f32 v1, v3;
	[tilespmem:s10+$0x0] =	vst v5  }
0xa6: {  	v2 =	vld [tilespmem:s12+$0x0];
	[tilespmem:s10+$0xA000] =	vst v5  }
0xa7: {  	v5 =	vmul.f32 v8, v3;
	[tilespmem:s2+$0x0] =	vst v1  }
0xa8: {  	s15 =	sor.u32 $0x180, s31;
	[tilespmem:s2+$0xA000] =	vst v1  }
0xa9: {  	v1 =	vmul.f32 v7, v4;
	v7 =	vld [tilespmem:s15+$0x0];
	[tilespmem:s2+$0x80] =	vst v5  }
0xaa: {  	s16 =	sor.u32 $0x100, s0;
	[tilespmem:s2+$0xA080] =	vst v5  }
0xab: {  	v2 =	vmul.f32 v2, v6;
	v5 =	vld [tilespmem:s16+$0x0];
	[tilespmem:s14+$0x0] =	vst v1  }
0xac: {  	s18 =	simm.s32 $0x40;
	s17 =	sor.u32 $0x180, s13;
	[tilespmem:s14+$0xA000] =	vst v1  }
0xad: {  	s26 =	simm.s32 $0x100;
	s25 =	sand.u32 $0x40, s18;
	s6 =	sand.u32 $0x3F80, s18;
	v1 =	vld [tilespmem:s17+$0x0];
	[tilespmem:s12+$0x0] =	vst v2  }
0xae: {  	s19 =	sor.u32 $0x180, s11;
	s31 =	sor.u32 $0x30, s25;
	s10 =	sand.u32 $0xFE00, s26;
	[tilespmem:s12+$0xA000] =	vst v2;
	v0 =	vmul.f32 v7, v0  }
0xaf: {  	s6 =	sor.u32 $0x14000, s6;
	s11 =	sor.u32 s10, s31;
	v2 =	vld [tilespmem:s19+$0x0]  }
0xb0: {  	s13 =	sor.u32 s31, s6;
	v8 =	vld [tilespmem:s11+$0x0];
	[tilespmem:s15+$0xA000] =	vst v0;
	v5 =	vmul.f32 v5, v3  }
0xb1: {  	v7 =	vld [tilespmem:s13+$0x0];
	[tilespmem:s15+$0x0] =	vst v0  }
0xb2: {  	s13 =	sor.u32 $0x10, s25;
	v1 =	vmul.f32 v1, v4;
	[tilespmem:s16+$0x0] =	vst v5  }
0xb3: {  	s14 =	sor.u32 s13, s6;
	v4 =	vld [tilespmem:s11+$0x80];
	[tilespmem:s16+$0xA000] =	vst v5  }
0xb4: {  	s4 =	sor.u32 s10, s13;
	v0 =	vld [tilespmem:s14+$0x0];
	v2 =	vmul.f32 v2, v6;
	[tilespmem:s17+$0x0] =	vst v1  }
0xb5: {  	v5 =	vld [tilespmem:s4+$0x0];
	[tilespmem:s17+$0xA000] =	vst v1  }
0xb6: {  	p0 =	por !p0, !p0;
	s8 =	simm.s32 $0x1;
	s15 =	sor.u32 $0x20, s25;
	v6 =	vmul.f32 v8, v7;
	[tilespmem:s19+$0x0] =	vst v2  }
0xb7: {  	s8 =	simm.s32 @!p0 $0x0;
	s6 =	sor.u32 s15, s6;
	v8 =	vld [tilespmem:s4+$0x80];
	[tilespmem:s19+$0xA000] =	vst v2  }
0xb8: {  	s2 =	sor.u32 s10, s15;
	s16 =	sshll.u32 s8, $0x6;
	v1 =	vld [tilespmem:s6+$0x0];
	[tilespmem:s11+$0x0] =	vst v6;
	v2 =	vmul.f32 v4, v7  }
0xb9: {  	s17 =	sadd.s32 $0x100, s16;
	[tilespmem:s11+$0xA000] =	vst v6;
	v4 =	vld [tilespmem:s2+$0x0]  }
0xba: {  	s6 =	sadd.s32 $0x30, s17;
	v5 =	vmul.f32 v5, v0;
	[tilespmem:s11+$0x80] =	vst v2  }
0xbb: {  	v6 =	vld [tilespmem:s2+$0x80];
	s18 =	sor.u32 $0x100, s6;
	[tilespmem:s11+$0xA080] =	vst v2  }
0xbc: {  	v8 =	vmul.f32 v8, v0;
	[tilespmem:s4+$0x0] =	vst v5;
	v61 =	vld [tilespmem:s18+$0x0]  }
0xbd: {  	s19 =	simm.s32 $0x40;
	[tilespmem:s4+$0xA000] =	vst v5  }
0xbe: {  	s9 =	sor.u32 s25, s10;
	v2 =	vld [tilespmem:s19+$0x14000];
	[tilespmem:s4+$0x80] =	vst v8;
	v4 =	vmul.f32 v4, v1  }
0xbf: {  	v5 =	vld [tilespmem:s9+$0x0];
	[tilespmem:s4+$0xA080] =	vst v8  }
0xc0: {  	v6 =	vmul.f32 v6, v1;
	[tilespmem:s2+$0x0] =	vst v4  }
0xc1: {  	s25 =	sadd.s32 $0x10, s17;
	v8 =	vld [tilespmem:s9+$0x80];
	[tilespmem:s2+$0xA000] =	vst v4;
	v4 =	vmul.f32 v61, v7  }
0xc2: {  	s31 =	sor.u32 $0x100, s25;
	[tilespmem:s2+$0x80] =	vst v6  }
0xc3: {  	v62 =	vld [tilespmem:s31+$0x0];
	[tilespmem:s18+$0x0] =	vst v4  }
0xc4: {  	s14 =	sadd.s32 $0x20, s17;
	s8 =	sor.u32 $0x180, s6;
	v5 =	vmul.f32 v5, v2;
	[tilespmem:s18+$0xA000] =	vst v4  }
0xc5: {  	s6 =	sor.u32 $0x100, s14;
	[tilespmem:s2+$0xA080] =	vst v6;
	v4 =	vld [tilespmem:s8+$0x0]  }
0xc6: {  	s29 =	sor.u32 $0x180, s0;
	v6 =	vmul.f32 v8, v2;
	v8 =	vld [tilespmem:s6+$0x0];
	[tilespmem:s9+$0x0] =	vst v5  }
0xc7: {  	v63 =	vld [tilespmem:s29+$0x0];
	[tilespmem:s9+$0xA000] =	vst v5  }
0xc8: {  	v5 =	vmul.f32 v62, v0;
	[tilespmem:s9+$0x80] =	vst v6  }
0xc9: {  	s4 =	sor.u32 $0x100, s17;
	[tilespmem:s9+$0xA080] =	vst v6  }
0xca: {  	[tilespmem:s31+$0x0] =	vst v5;
	v6 =	vld [tilespmem:s4+$0x0];
	v4 =	vmul.f32 v4, v7  }
0xcb: {  	s30 =	simm.s32 $0x19000;
	s0 =	simm.s32 $0x4;
	s12 =	sor.u32 $0x180, s25;
	[tilespmem:s31+$0xA000] =	vst v5;
	v7 =	vmul.f32 v8, v1  }
0xcc: {  	s15 =	sor.u32 $0x180, s14;
	s11 =	sor.u32 $0x180, s17;
	v3 =	vmul.f32 v63, v3;
	s2 =	simm.s32 $0x80;
	v5 =	vld [tilespmem:s12+$0x0];
	[tilespmem:s8+$0xA000] =	vst v4  }
.LBB2_4:
0xcd: {  	s7 =	sand.u32 $0x40, s2;
	s9 =	sand.u32 $0x3F80, s2;
	[tilespmem:s6+$0x0] =	vst v7  }
0xce: {  	s26 =	sadd.s32 $0x100, s26;
	s9 =	sor.u32 $0x14000, s9;
	s13 =	sor.u32 $0x30, s7;
	[tilespmem:s6+$0xA000] =	vst v7  }
0xcf: {  	s6 =	sand.u32 $0xFE00, s26;
	s14 =	sor.u32 $0x10, s7;
	s17 =	sor.u32 s13, s9;
	v6 =	vmul.f32 v6, v2;
	v7 =	vld [tilespmem:s15+$0x0];
	[tilespmem:s8+$0x0] =	vst v4  }
0xd0: {  	s31 =	sor.u32 $0x20, s7;
	s18 =	sor.u32 s14, s9;
	v4 =	vld [tilespmem:s17+$0x0];
	s17 =	sor.u32 s6, s13;
	[tilespmem:s29+$0x0] =	vst v3  }
0xd1: {  	s8 =	sor.u32 s6, s14;
	s9 =	sor.u32 s31, s9;
	s13 =	sor.u32 s6, s31;
	v8 =	vld [tilespmem:s17+$0x0];
	[tilespmem:s4+$0x0] =	vst v6;
	v5 =	vmul.f32 v5, v0  }
0xd2: {  	s0 =	sadd.s32 $0x4, s0;
	s14 =	sshra.s32 s26, $0x2;
	s7 =	sor.u32 s7, s6;
	v0 =	vld [tilespmem:s18+$0x0];
	[tilespmem:s4+$0xA000] =	vst v6  }
0xd3: {  	p1 =	slt.u32 s0, $0x27C;
	v6 =	vld [tilespmem:s17+$0x80];
	[tilespmem:s12+$0x0] =	vst v5  }
0xd4: {  	v9 =	vld [tilespmem:s8+$0x0];
	[tilespmem:s12+$0xA000] =	vst v5;
	v5 =	vmul.f32 v7, v1  }
0xd5: {  	v7 =	vld [tilespmem:s8+$0x80];
	[tilespmem:s29+$0xA000] =	vst v3;
	s29 =	smov.u32 s11  }
0xd6: {  	p0 =	por !p0, !p0;
	s4 =	simm.s32 $0x1;
	v1 =	vld [tilespmem:s9+$0x0];
	v3 =	vmul.f32 v8, v4;
	[tilespmem:s15+$0x0] =	vst v5  }
0xd7: {  	s4 =	simm.s32 @!p0 $0x0;
	v8 =	vld [tilespmem:s13+$0x0];
	[tilespmem:s15+$0xA000] =	vst v5  }
0xd8: {  	s4 =	sshll.u32 s4, $0x6;
	v5 =	vld [tilespmem:s13+$0x80];
	[tilespmem:s17+$0x0] =	vst v3;
	v6 =	vmul.f32 v6, v4  }
0xd9: {  	s9 =	sadd.s32 s4, s26;
	v10 =	vld [tilespmem:s7+$0x0];
	v9 =	vmul.f32 v9, v0;
	[tilespmem:s17+$0xA000] =	vst v3  }
0xda: {  	s11 =	sadd.s32 $0x10, s9;
	s15 =	sadd.s32 $0x20, s9;
	s18 =	sadd.s32 $0x30, s9;
	v3 =	vld [tilespmem:s7+$0x80];
	v7 =	vmul.f32 v7, v0;
	[tilespmem:s17+$0x80] =	vst v6  }
0xdb: {  	s6 =	sor.u32 $0x100, s15;
	v11 =	vld [tilespmem:s14+$0x14000];
	s14 =	sor.u32 $0x100, s11;
	[tilespmem:s17+$0xA080] =	vst v6;
	s17 =	sor.u32 $0x100, s18  }
0xdc: {  	s4 =	sor.u32 $0x100, s9;
	s12 =	sor.u32 $0x180, s11;
	s15 =	sor.u32 $0x180, s15;
	[tilespmem:s8+$0x0] =	vst v9;
	v6 =	vmul.f32 v8, v1;
	v8 =	vld [tilespmem:s17+$0x0]  }
0xdd: {  	s11 =	sor.u32 $0x180, s9;
	[tilespmem:s8+$0xA000] =	vst v9;
	v5 =	vmul.f32 v5, v1;
	v9 =	vld [tilespmem:s29+$0x0]  }
0xde: {  	[tilespmem:s8+$0x80] =	vst v7  }
0xdf: {  	[tilespmem:s8+$0xA080] =	vst v7  }
0xe0: {  	v7 =	vmul.f32 v10, v11;
	v10 =	vmul.f32 v3, v11;
	v12 =	vld [tilespmem:s14+$0x0];
	[tilespmem:s13+$0x0] =	vst v6  }
0xe1: {  	[tilespmem:s13+$0xA000] =	vst v6;
	v6 =	vmul.f32 v8, v4  }
0xe2: {  	[tilespmem:s13+$0x80] =	vst v5;
	v3 =	vmul.f32 v9, v2;
	v2 =	vmov v11  }
0xe3: {  	[tilespmem:s17+$0x0] =	vst v6  }
0xe4: {  	s8 =	sor.u32 $0x180, s18;
	[tilespmem:s17+$0xA000] =	vst v6  }
0xe5: {  	v8 =	vmul.f32 v12, v0;
	[tilespmem:s13+$0xA080] =	vst v5;
	v5 =	vld [tilespmem:s8+$0x0]  }
0xe6: {  	[tilespmem:s7+$0x0] =	vst v7;
	v9 =	vld [tilespmem:s6+$0x0]  }
0xe7: {  	[tilespmem:s7+$0xA000] =	vst v7  }
.Ltmp1:
0xe8: {  	[tilespmem:s7+$0x80] =	vst v10;
	(pc) =	sbr.rel @p1 .LBB2_4-.Ltmp1, $4  }
0xe9: {  	[tilespmem:s7+$0xA080] =	vst v10  }
0xea: {  	v6 =	vld [tilespmem:s4+$0x0];
	[tilespmem:s14+$0x0] =	vst v8;
	v4 =	vmul.f32 v5, v4  }
0xeb: {  	[tilespmem:s14+$0xA000] =	vst v8;
	v7 =	vmul.f32 v9, v1  }
0xec: {  	s2 =	sadd.s32 $0x40, s2;
	v5 =	vld [tilespmem:s12+$0x0];
	[tilespmem:s8+$0xA000] =	vst v4  }
0xed: {  	_ =	sdelay $0x1  }
0xee: {  	[tilespmem:s6+$0x0] =	vst v7;
	v6 =	vmul.f32 v6, v2  }
0xef: {  	[tilespmem:s6+$0xA000] =	vst v7  }
0xf0: {  	v7 =	vld [tilespmem:s15+$0x0];
	[tilespmem:s4+$0x0] =	vst v6  }
0xf1: {  	[tilespmem:s4+$0xA000] =	vst v6  }
0xf2: {  	[tilespmem:s8+$0x0] =	vst v4;
	v61 =	vld [tilespmem:s11+$0x0]  }
0xf3: {  	[tilespmem:s29+$0x0] =	vst v3;
	v0 =	vmul.f32 v5, v0  }
0xf4: {  	[tilespmem:s29+$0xA000] =	vst v3  }
0xf5: {  	[tilespmem:s12+$0x0] =	vst v0;
	v62 =	vmul.f32 v7, v1  }
0xf6: {  	[tilespmem:s12+$0xA000] =	vst v0  }
0xf7: {  	[tilespmem:s15+$0x0] =	vst v62;
	v63 =	vmul.f32 v61, v2  }
0xf8: {  	[tilespmem:s15+$0xA000] =	vst v62  }
0xf9: {  	[tilespmem:s11+$0x0] =	vst v63  }
0xfa: {  	[tilespmem:s11+$0xA000] =	vst v63  }
.LBB2_6:
0xfb: {  	p0 =	sne.s32 s28, $0x310  }
.Ltmp2:
0xfc: {  	_ = 	snop;
	(pc) =	sbr.rel @p0 .LBB2_6-.Ltmp2, $4  }
0xfd: {  	_ = 	snop  }
0xfe: {  	s0 =	sadd.s32 s28, s1;
	s26 =	simm.s32 $0x0  }
0xff: {  	[tilespmem:s30], [sflag:$0x1] =	stream.linear.gather [hbm4b:s0+s26], $0x80, $0x38;
	[tilespmem:$0x1F600] =	vst v63  }
0x100: {  	s28 =	sadd.s32 $0x10, s28;
	s30 =	sadd.s32 $0x100, s30  }
0x101: {  	s0 =	simm.s32 $0x1C200  }
0x102: {  	s2 =	simm.s32 $0x10;
	s6 =	sadd.s32 $0x0, s5;
	s4 =	simm.s32 $0x1C300  }
.LBB2_8:
0x103: {  	[tilespmem:s0], [sflag:$0x3] =	stream.linear.gather [hbm4b:s6+s26], $0x80, $0x38;
	[tilespmem:$0x1F600] =	vst v63  }
0x104: {  	s6 =	smov.u32 s2;
	s0 =	smov.u32 s4;
	p0 =	sne.s32 s2, $0x310  }
.Ltmp3:
0x105: {  	s2 =	sadd.s32 $0x10, s2;
	(pc) =	sbr.rel @p0 .LBB2_8-.Ltmp3, $2  }
0x106: {  	_ =	sdelay $0x2  }
0x107: {  	s4 =	sadd.s32 $0x100, s4;
	s6 =	sadd.s32 s6, s5  }
0x108: {  	[tilespmem:s0], [sflag:$0x3] =	stream.linear.gather [hbm4b:s6+s26], $0x80, $0x38;
	[tilespmem:$0x1F600] =	vst v63  }
.LBB2_10:
0x109: {  	_ =	swait.ge [sflag:s20], $0x1900;
	s0 =	smul.u32 $0x3200, s26  }
0x10a: {  	[sflag:s20] =	ssyncset.done $0x0  }
0x10b: {  	[sflag:s20] =	ssyncadd.s32 $0xFFFFE700;
	s28 =	sshrl.u32 s0, $0x3  }
0x10c: {  	s4 =	simm.s32 $0x19080;
	_ =	swait.ge [sflag:s21], $0x1900;
	s0 =	sadd.s32 $0x320, s28  }
0x10d: {  	s6 =	simm.s32 $0x10;
	[sflag:s21] =	ssyncset.done $0x0;
	s2 =	sadd.s32 s1, s0  }
0x10e: {  	s7 =	simm.s32 $0x19180;
	[sflag:s21] =	ssyncadd.s32 $0xFFFFE700;
	s8 =	sadd.s32 $0x0, s2  }
.LBB2_11:
0x10f: {  	[tilespmem:s4], [sflag:$0x2] =	stream.linear.gather [hbm4b:s8+s3], $0x80, $0x38;
	[tilespmem:$0x1F600] =	vst v63  }
0x110: {  	s8 =	smov.u32 s6;
	s4 =	smov.u32 s7;
	p0 =	sne.s32 s6, $0x310  }
.Ltmp4:
0x111: {  	s6 =	sadd.s32 $0x10, s6;
	(pc) =	sbr.rel @p0 .LBB2_11-.Ltmp4, $2  }
0x112: {  	_ =	sdelay $0x2  }
0x113: {  	s7 =	sadd.s32 $0x100, s7;
	s8 =	sadd.s32 s8, s2  }
0x114: {  	[tilespmem:s4], [sflag:$0x2] =	stream.linear.gather [hbm4b:s8+s3], $0x80, $0x38;
	[tilespmem:$0x1F600] =	vst v63  }
0x115: {  	s0 =	sadd.s32 s5, s0;
	s2 =	simm.s32 $0x0;
	s4 =	simm.s32 $0x1C280  }
.LBB2_13:
0x116: {  	p0 =	sne.s32 s2, $0x310  }
.Ltmp5:
0x117: {  	_ = 	snop;
	(pc) =	sbr.rel @p0 .LBB2_13-.Ltmp5, $4  }
0x118: {  	_ = 	snop  }
0x119: {  	s6 =	sadd.s32 s2, s0  }
0x11a: {  	[tilespmem:s4], [sflag:$0x4] =	stream.linear.gather [hbm4b:s6+s3], $0x80, $0x38;
	[tilespmem:$0x1F600] =	vst v63  }
0x11b: {  	s2 =	sadd.s32 $0x10, s2;
	s4 =	sadd.s32 $0x100, s4  }
0x11c: {  	s30 =	simm.s32 $0x19040  }
0x11d: {  	s29 =	simm.s32 $0x1C240;
	v0 =	vld [tilespmem:s30+$0x30]  }
0x11e: {  	v1 =	vld [tilespmem:s29+$0xFFFFFFC0]  }
0x11f: {  	v2 =	vld [tilespmem:s30+$0xFFFFFFC0]  }
0x120: {  	v3 =	vld [tilespmem:s30+$0x20]  }
0x121: {  	v11 =	vld [tilespmem:s30+$0xFFFFFFE0]  }
0x122: {  	v4 =	vld [tilespmem:s30+$0xFFFFFFD0]  }
0x123: {  	v6 =	vld [tilespmem:s30+$0x0];
	v9 =	vand.u32 $0x7F, v1;
	v1 =	vshll.u32 v1, $0x2;
	v8 =	vshll.u32 v0, $0x2  }
0x124: {  	v5 =	vld [tilespmem:s30+$0xFFFFFFF0];
	v10 =	vand.u32 $0x7F, v2;
	v0 =	vand.u32 $0x7F, v0;
	v13 =	vshll.u32 v2, $0x2  }
0x125: {  	v14 =	vshll.u32 v3, $0x2;
	v3 =	vand.u32 $0x7F, v3;
	v8 =	vand.u32 $0xFFFFFE00, v8  }
0x126: {  	v7 =	vld [tilespmem:s29+$0x30];
	v15 =	vshll.u32 v11, $0x2;
	v11 =	vand.u32 $0x7F, v11;
	v2 =	vor.u32 v0, v8  }
0x127: {  	v12 =	vld [tilespmem:s30+$0x10];
	v0 =	vand.u32 $0xFFFFFE00, v13;
	v8 =	vand.u32 $0xFFFFFE00, v14;
	v13 =	vand.u32 $0xFFFFFE00, v1  }
0x128: {  	v16 =	vld [tilespmem:s29+$0xFFFFFFD0];
	v1 =	vor.u32 v10, v0;
	v10 =	vor.u32 v3, v8;
	v0 =	vshll.u32 v6, $0x2  }
0x129: {  	v17 =	vld [tilespmem:s29+$0x0];
	v3 =	vshll.u32 v5, $0x2;
	v8 =	vshll.u32 v4, $0x2;
	v4 =	vand.u32 $0x7F, v4  }
0x12a: {  	v18 =	vld [tilespmem:s29+$0x20];
	v5 =	vand.u32 $0x7F, v5;
	v6 =	vand.u32 $0x7F, v6;
	v8 =	vand.u32 $0xFFFFFE00, v8  }
0x12b: {  	v20 =	vld [tilespmem:s29+$0xFFFFFFF0];
	v3 =	vand.u32 $0xFFFFFE00, v3;
	v0 =	vand.u32 $0xFFFFFE00, v0;
	v4 =	vor.u32 v4, v8  }
0x12c: {  	v14 =	vld [tilespmem:s29+$0xFFFFFFE0];
	v8 =	vor.u32 v5, v3;
	v3 =	vand.u32 $0xFFFFFE00, v15;
	v5 =	vor.u32 v6, v0  }
0x12d: {  	v6 =	vshll.u32 v12, $0x2;
	v3 =	vor.u32 v11, v3;
	v11 =	vand.u32 $0x7F, v12;
	v12 =	vld [tilespmem:s29+$0x10]  }
0x12e: {  	v19 =	vld.idx.msk [tilespmem:v2+s3+$0x0], $0xffff  }
0x12f: {  	v6 =	vand.u32 $0xFFFFFE00, v6;
	v21 =	vld.idx.msk [tilespmem:v10+s3+$0x0], $0xffff  }
0x130: {  	v0 =	vor.u32 v9, v13;
	v13 =	vshll.u32 v18, $0x2;
	v6 =	vor.u32 v11, v6;
	v9 =	vld.idx.msk [tilespmem:v1+s3+$0x0], $0xffff  }
0x131: {  	v13 =	vand.u32 $0xFFFFFE00, v13;
	v11 =	vand.u32 $0x7F, v18;
	v22 =	vld.idx.msk [tilespmem:v4+s3+$0x0], $0xffff  }
0x132: {  	v23 =	vshll.u32 v20, $0x2;
	v24 =	vshll.u32 v7, $0x2;
	v15 =	vor.u32 v11, v13;
	v18 =	vld.idx.msk [tilespmem:v8+s3+$0x0], $0xffff  }
0x133: {  	v11 =	vand.u32 $0x7F, v20;
	v13 =	vand.u32 $0xFFFFFE00, v23;
	v23 =	vor.u32 $0x80, v10;
	v20 =	vld.idx.msk [tilespmem:v5+s3+$0x0], $0xffff  }
0x134: {  	v7 =	vand.u32 $0x7F, v7;
	v13 =	vor.u32 v11, v13;
	v11 =	vand.u32 $0xFFFFFE00, v24;
	v25 =	vld.idx.msk [tilespmem:v3+s3+$0x0], $0xffff  }
0x135: {  	v7 =	vor.u32 v7, v11;
	v26 =	vld.idx.msk [tilespmem:v6+s3+$0x0], $0xffff  }
0x136: {  	v27 =	vor.u32 $0x80, v2;
	v24 =	vor.u32 $0x80, v8;
	v11 =	vshll.u32 v12, $0x2;
	[tilespmem:v0+s22+$0x0] =	vst.idx.add.f32.msk $0xffff, v9  }
0x137: {  	v28 =	vor.u32 $0x80, v15;
	v12 =	vand.u32 $0x7F, v12;
	v11 =	vand.u32 $0xFFFFFE00, v11;
	[tilespmem:v15+s22+$0x0] =	vst.idx.add.f32.msk $0xffff, v21  }
0x138: {  	v9 =	vshll.u32 v14, $0x2;
	v14 =	vand.u32 $0x7F, v14;
	v12 =	vor.u32 v12, v11;
	v23 =	vld.idx.msk [tilespmem:v23+s3+$0x0], $0xffff  }
0x139: {  	v11 =	vshll.u32 v16, $0x2;
	v16 =	vand.u32 $0x7F, v16;
	v9 =	vand.u32 $0xFFFFFE00, v9;
	[tilespmem:v13+s22+$0x0] =	vst.idx.add.f32.msk $0xffff, v18  }
0x13a: {  	v11 =	vand.u32 $0xFFFFFE00, v11;
	v9 =	vor.u32 v14, v9;
	v14 =	vshll.u32 v17, $0x2;
	[tilespmem:v7+s22+$0x0] =	vst.idx.add.f32.msk $0xffff, v19  }
0x13b: {  	v24 =	vld.idx.msk [tilespmem:v24+s3+$0x0], $0xffff;
	v19 =	vand.u32 $0xFFFFFE00, v14;
	v14 =	vor.u32 v16, v11  }
0x13c: {  	v17 =	vand.u32 $0x7F, v17;
	v27 =	vld.idx.msk [tilespmem:v27+s3+$0x0], $0xffff;
	v16 =	vor.u32 $0x80, v6  }
0x13d: {  	v11 =	vor.u32 v17, v19;
	v17 =	vor.u32 $0x80, v4;
	[tilespmem:v12+s22+$0x0] =	vst.idx.add.f32.msk $0xffff, v26  }
0x13e: {  	v18 =	vor.u32 $0x80, v3;
	[tilespmem:v28+s22+$0x0] =	vst.idx.add.f32.msk $0xffff, v23  }
0x13f: {  	[tilespmem:v9+s22+$0x0] =	vst.idx.add.f32.msk $0xffff, v25  }
0x140: {  	[tilespmem:v14+s22+$0x0] =	vst.idx.add.f32.msk $0xffff, v22  }
0x141: {  	v23 =	vor.u32 $0x80, v13;
	v26 =	vld.idx.msk [tilespmem:v16+s3+$0x0], $0xffff  }
0x142: {  	v16 =	vld.idx.msk [tilespmem:v17+s3+$0x0], $0xffff;
	v17 =	vor.u32 $0x100, v10  }
0x143: {  	v21 =	vld.idx.msk [tilespmem:v18+s3+$0x0], $0xffff;
	v18 =	vor.u32 $0x80, v7  }
0x144: {  	v63 =	vor.u32 $0x80, v12  }
0x145: {  	v19 =	vor.u32 $0x100, v2;
	[tilespmem:v11+s22+$0x0] =	vst.idx.add.f32.msk $0xffff, v20  }
0x146: {  	v20 =	vor.u32 $0x80, v5;
	[tilespmem:v23+s22+$0x0] =	vst.idx.add.f32.msk $0xffff, v24  }
0x147: {  	v23 =	vld.idx.msk [tilespmem:v17+s3+$0x0], $0xffff;
	v17 =	vor.u32 $0x80, v14  }
0x148: {  	[tilespmem:v18+s22+$0x0] =	vst.idx.add.f32.msk $0xffff, v27  }
0x149: {  	[tilespmem:v63+s22+$0x0] =	vst.idx.add.f32.msk $0xffff, v26  }
0x14a: {  	v22 =	vld.idx.msk [tilespmem:v19+s3+$0x0], $0xffff  }
0x14b: {  	s31 =	simm.s32 $0x0;
	v24 =	vor.u32 $0x80, v11;
	v25 =	vld.idx.msk [tilespmem:v20+s3+$0x0], $0xffff  }
.LBB2_15:
0x14c: {  	s31 =	sadd.s32 $0x8, s31;
	[tilespmem:v17+s22+$0x0] =	vst.idx.add.f32.msk $0xffff, v16;
	s30 =	sadd.s32 $0x100, s30;
	s29 =	sadd.s32 $0x100, s29  }
0x14d: {  	v16 =	vld [tilespmem:s29+$0x30];
	p0 =	slt.u32 s31, $0x188  }
0x14e: {  	v17 =	vld [tilespmem:s30+$0xFFFFFFD0]  }
0x14f: {  	v19 =	vld [tilespmem:s30+$0xFFFFFFE0]  }
0x150: {  	v26 =	vor.u32 $0x100, v4;
	v20 =	vld [tilespmem:s30+$0xFFFFFFF0]  }
0x151: {  	v18 =	vld [tilespmem:s30+$0x0]  }
0x152: {  	v27 =	vld [tilespmem:s30+$0x10]  }
0x153: {  	v28 =	vld [tilespmem:s30+$0x20]  }
0x154: {  	[tilespmem:v24+s22+$0x0] =	vst.idx.add.f32.msk $0xffff, v25;
	v24 =	vor.u32 $0x100, v7  }
0x155: {  	v25 =	vld.idx.msk [tilespmem:v26+s3+$0x0], $0xffff;
	v26 =	vor.u32 $0x100, v15  }
0x156: {  	v30 =	vor.u32 $0x100, v8;
	v29 =	vld [tilespmem:s30+$0x30]  }
0x157: {  	v32 =	vor.u32 $0x80, v1;
	v31 =	vld [tilespmem:s30+$0xFFFFFFC0]  }
0x158: {  	v10 =	vor.u32 $0x180, v10;
	v33 =	vld [tilespmem:s29+$0xFFFFFFC0]  }
0x159: {  	v34 =	vor.u32 $0x80, v9;
	[tilespmem:v24+s22+$0x0] =	vst.idx.add.f32.msk $0xffff, v22  }
0x15a: {  	v22 =	vor.u32 $0x100, v6;
	[tilespmem:v26+s22+$0x0] =	vst.idx.add.f32.msk $0xffff, v23  }
0x15b: {  	v23 =	vor.u32 $0x100, v3;
	v24 =	vld.idx.msk [tilespmem:v30+s3+$0x0], $0xffff  }
0x15c: {  	v30 =	vor.u32 $0x100, v5;
	v26 =	vld.idx.msk [tilespmem:v32+s3+$0x0], $0xffff  }
0x15d: {  	v32 =	vor.u32 $0x100, v14;
	v10 =	vld.idx.msk [tilespmem:v10+s3+$0x0], $0xffff  }
0x15e: {  	v15 =	vor.u32 $0x180, v15;
	[tilespmem:v34+s22+$0x0] =	vst.idx.add.f32.msk $0xffff, v21  }
0x15f: {  	v21 =	vor.u32 $0x80, v0;
	v22 =	vld.idx.msk [tilespmem:v22+s3+$0x0], $0xffff  }
0x160: {  	v34 =	vor.u32 $0x100, v13;
	v23 =	vld.idx.msk [tilespmem:v23+s3+$0x0], $0xffff  }
0x161: {  	v8 =	vor.u32 $0x180, v8;
	v30 =	vld.idx.msk [tilespmem:v30+s3+$0x0], $0xffff  }
0x162: {  	[tilespmem:v32+s22+$0x0] =	vst.idx.add.f32.msk $0xffff, v25;
	v25 =	vor.u32 $0x100, v11  }
0x163: {  	v2 =	vor.u32 $0x180, v2;
	[tilespmem:v15+s22+$0x0] =	vst.idx.add.f32.msk $0xffff, v10  }
0x164: {  	v10 =	vor.u32 $0x100, v12;
	[tilespmem:v21+s22+$0x0] =	vst.idx.add.f32.msk $0xffff, v26  }
0x165: {  	v15 =	vor.u32 $0x100, v1;
	[tilespmem:v34+s22+$0x0] =	vst.idx.add.f32.msk $0xffff, v24  }
0x166: {  	v4 =	vor.u32 $0x180, v4;
	v8 =	vld.idx.msk [tilespmem:v8+s3+$0x0], $0xffff  }
0x167: {  	v6 =	vor.u32 $0x180, v6;
	[tilespmem:v25+s22+$0x0] =	vst.idx.add.f32.msk $0xffff, v30  }
0x168: {  	v13 =	vor.u32 $0x180, v13;
	v2 =	vld.idx.msk [tilespmem:v2+s3+$0x0], $0xffff  }
0x169: {  	v5 =	vor.u32 $0x180, v5;
	[tilespmem:v10+s22+$0x0] =	vst.idx.add.f32.msk $0xffff, v22  }
0x16a: {  	v10 =	vld.idx.msk [tilespmem:v15+s3+$0x0], $0xffff;
	v15 =	vor.u32 $0x100, v9  }
0x16b: {  	v21 =	vor.u32 $0x100, v0;
	v4 =	vld.idx.msk [tilespmem:v4+s3+$0x0], $0xffff  }
0x16c: {  	v3 =	vor.u32 $0x180, v3;
	v1 =	vor.u32 $0x180, v1;
	v6 =	vld.idx.msk [tilespmem:v6+s3+$0x0], $0xffff  }
0x16d: {  	[tilespmem:v13+s22+$0x0] =	vst.idx.add.f32.msk $0xffff, v8  }
0x16e: {  	v8 =	vor.u32 $0x180, v14;
	v5 =	vld.idx.msk [tilespmem:v5+s3+$0x0], $0xffff  }
0x16f: {  	v12 =	vor.u32 $0x180, v12;
	[tilespmem:v15+s22+$0x0] =	vst.idx.add.f32.msk $0xffff, v23  }
0x170: {  	v7 =	vor.u32 $0x180, v7;
	[tilespmem:v21+s22+$0x0] =	vst.idx.add.f32.msk $0xffff, v10  }
0x171: {  	v11 =	vor.u32 $0x180, v11;
	v13 =	vor.u32 $0x180, v0;
	v10 =	vld.idx.msk [tilespmem:v1+s3+$0x0], $0xffff  }
0x172: {  	v9 =	vor.u32 $0x180, v9;
	v0 =	vand.u32 $0x7F, v33;
	v1 =	vshll.u32 v33, $0x2;
	v3 =	vld.idx.msk [tilespmem:v3+s3+$0x0], $0xffff  }
0x173: {  	v14 =	vand.u32 $0x7F, v31;
	v15 =	vshll.u32 v31, $0x2;
	v1 =	vand.u32 $0xFFFFFE00, v1;
	[tilespmem:v8+s22+$0x0] =	vst.idx.add.f32.msk $0xffff, v4  }
0x174: {  	v4 =	vand.u32 $0xFFFFFE00, v15;
	v0 =	vor.u32 v0, v1;
	v8 =	vshll.u32 v29, $0x2;
	[tilespmem:v12+s22+$0x0] =	vst.idx.add.f32.msk $0xffff, v6  }
0x175: {  	v15 =	vand.u32 $0x7F, v29;
	v6 =	vand.u32 $0x7F, v28;
	v12 =	vshll.u32 v28, $0x2;
	[tilespmem:v7+s22+$0x0] =	vst.idx.add.f32.msk $0xffff, v2  }
0x176: {  	v1 =	vor.u32 v14, v4;
	v2 =	vshll.u32 v27, $0x2;
	v4 =	vand.u32 $0xFFFFFE00, v12;
	[tilespmem:v11+s22+$0x0] =	vst.idx.add.f32.msk $0xffff, v5  }
0x177: {  	v5 =	vshll.u32 v18, $0x2;
	v7 =	vand.u32 $0xFFFFFE00, v2;
	v2 =	vand.u32 $0xFFFFFE00, v8;
	[tilespmem:v13+s22+$0x0] =	vst.idx.add.f32.msk $0xffff, v10  }
0x178: {  	v8 =	vshll.u32 v20, $0x2;
	v11 =	vand.u32 $0x7F, v27;
	v2 =	vor.u32 v15, v2;
	[tilespmem:v9+s22+$0x0] =	vst.idx.add.f32.msk $0xffff, v3  }
0x179: {  	v12 =	vand.u32 $0x7F, v20;
	v8 =	vand.u32 $0xFFFFFE00, v8;
	v3 =	vshll.u32 v19, $0x2;
	v9 =	vld [tilespmem:s29+$0xFFFFFFE0]  }
0x17a: {  	v13 =	vshll.u32 v17, $0x2;
	v10 =	vor.u32 v6, v4;
	v3 =	vand.u32 $0xFFFFFE00, v3;
	v14 =	vld [tilespmem:s29+$0xFFFFFFD0]  }
0x17b: {  	v6 =	vor.u32 v11, v7;
	v4 =	vand.u32 $0xFFFFFE00, v13;
	v13 =	vand.u32 $0x7F, v19;
	v19 =	vld [tilespmem:s29+$0x0]  }
0x17c: {  	v7 =	vand.u32 $0x7F, v17;
	v3 =	vor.u32 v13, v3;
	v13 =	vand.u32 $0x7F, v16;
	v11 =	vld [tilespmem:s29+$0x20]  }
0x17d: {  	v5 =	vand.u32 $0xFFFFFE00, v5;
	v4 =	vor.u32 v7, v4;
	v7 =	vand.u32 $0x7F, v18;
	v17 =	vld.idx.msk [tilespmem:v2+s3+$0x0], $0xffff  }
0x17e: {  	v8 =	vor.u32 v12, v8;
	v5 =	vor.u32 v7, v5;
	v15 =	vshll.u32 v9, $0x2;
	v18 =	vld [tilespmem:s29+$0xFFFFFFF0]  }
0x17f: {  	v7 =	vshll.u32 v16, $0x2;
	v20 =	vshll.u32 v14, $0x2;
	v12 =	vand.u32 $0xFFFFFE00, v15;
	v21 =	vld.idx.msk [tilespmem:v10+s3+$0x0], $0xffff  }
0x180: {  	v7 =	vand.u32 $0xFFFFFE00, v7;
	v16 =	vld.idx.msk [tilespmem:v1+s3+$0x0], $0xffff;
	v15 =	vshll.u32 v19, $0x2  }
0x181: {  	v7 =	vor.u32 v13, v7;
	v22 =	vand.u32 $0xFFFFFE00, v15;
	v23 =	vld [tilespmem:s29+$0x10];
	v15 =	vshll.u32 v11, $0x2  }
0x182: {  	v11 =	vand.u32 $0x7F, v11;
	v24 =	vld.idx.msk [tilespmem:v4+s3+$0x0], $0xffff;
	v13 =	vand.u32 $0xFFFFFE00, v15  }
0x183: {  	v25 =	vld.idx.msk [tilespmem:v8+s3+$0x0], $0xffff;
	v26 =	vshll.u32 v18, $0x2;
	v15 =	vor.u32 v11, v13  }
0x184: {  	v11 =	vand.u32 $0x7F, v18;
	v13 =	vand.u32 $0xFFFFFE00, v26;
	v18 =	vld.idx.msk [tilespmem:v5+s3+$0x0], $0xffff;
	v26 =	vor.u32 $0x80, v10  }
0x185: {  	v27 =	vld.idx.msk [tilespmem:v3+s3+$0x0], $0xffff;
	v13 =	vor.u32 v11, v13  }
0x186: {  	v28 =	vor.u32 $0x80, v8;
	[tilespmem:v0+s22+$0x0] =	vst.idx.add.f32.msk $0xffff, v16;
	v16 =	vor.u32 $0x80, v3;
	v29 =	vand.u32 $0x7F, v23  }
0x187: {  	v30 =	vor.u32 $0x80, v2;
	v11 =	vand.u32 $0x7F, v19;
	v23 =	vshll.u32 v23, $0x2;
	v19 =	vld.idx.msk [tilespmem:v6+s3+$0x0], $0xffff  }
0x188: {  	v9 =	vand.u32 $0x7F, v9;
	v11 =	vor.u32 v11, v22;
	v22 =	vand.u32 $0xFFFFFE00, v23;
	[tilespmem:v15+s22+$0x0] =	vst.idx.add.f32.msk $0xffff, v21  }
0x189: {  	v9 =	vor.u32 v9, v12;
	v12 =	vor.u32 v29, v22;
	v22 =	vld.idx.msk [tilespmem:v26+s3+$0x0], $0xffff  }
0x18a: {  	v23 =	vor.u32 $0x80, v15;
	[tilespmem:v13+s22+$0x0] =	vst.idx.add.f32.msk $0xffff, v25  }
0x18b: {  	v25 =	vld.idx.msk [tilespmem:v28+s3+$0x0], $0xffff  }
0x18c: {  	v14 =	vand.u32 $0x7F, v14;
	v20 =	vand.u32 $0xFFFFFE00, v20;
	v26 =	vor.u32 $0x80, v5;
	[tilespmem:v7+s22+$0x0] =	vst.idx.add.f32.msk $0xffff, v17  }
0x18d: {  	v14 =	vor.u32 v14, v20;
	v17 =	vld.idx.msk [tilespmem:v30+s3+$0x0], $0xffff  }
0x18e: {  	[tilespmem:v12+s22+$0x0] =	vst.idx.add.f32.msk $0xffff, v19  }
0x18f: {  	v19 =	vor.u32 $0x80, v6;
	[tilespmem:v9+s22+$0x0] =	vst.idx.add.f32.msk $0xffff, v27  }
0x190: {  	v20 =	vor.u32 $0x80, v4;
	v21 =	vld.idx.msk [tilespmem:v16+s3+$0x0], $0xffff  }
0x191: {  	[tilespmem:v23+s22+$0x0] =	vst.idx.add.f32.msk $0xffff, v22;
	v22 =	vor.u32 $0x80, v7  }
0x192: {  	v23 =	vor.u32 $0x100, v2;
	[tilespmem:v14+s22+$0x0] =	vst.idx.add.f32.msk $0xffff, v24  }
0x193: {  	v27 =	vor.u32 $0x80, v13;
	[tilespmem:v11+s22+$0x0] =	vst.idx.add.f32.msk $0xffff, v18  }
0x194: {  	v24 =	vor.u32 $0x80, v11;
	v18 =	vld.idx.msk [tilespmem:v19+s3+$0x0], $0xffff  }
0x195: {  	v19 =	vor.u32 $0x100, v10;
	v16 =	vld.idx.msk [tilespmem:v20+s3+$0x0], $0xffff  }
0x196: {  	v20 =	vor.u32 $0x80, v12;
	[tilespmem:v22+s22+$0x0] =	vst.idx.add.f32.msk $0xffff, v17  }
.Ltmp6:
0x197: {  	v17 =	vor.u32 $0x80, v14;
	v22 =	vld.idx.msk [tilespmem:v23+s3+$0x0], $0xffff;
	(pc) =	sbr.rel @p0 .LBB2_15-.Ltmp6, $4  }
0x198: {  	[tilespmem:v27+s22+$0x0] =	vst.idx.add.f32.msk $0xffff, v25  }
0x199: {  	v25 =	vld.idx.msk [tilespmem:v26+s3+$0x0], $0xffff  }
0x19a: {  	v23 =	vld.idx.msk [tilespmem:v19+s3+$0x0], $0xffff  }
0x19b: {  	[tilespmem:v20+s22+$0x0] =	vst.idx.add.f32.msk $0xffff, v18  }
0x19c: {  	_ = 	snop  }
0x19d: {  	v18 =	vor.u32 $0x100, v4  }
0x19e: {  	v19 =	vor.u32 $0x100, v7  }
0x19f: {  	v20 =	vor.u32 $0x100, v15  }
0x1a0: {  	[tilespmem:v17+s22+$0x0] =	vst.idx.add.f32.msk $0xffff, v16;
	v35 =	vor.u32 $0x100, v8  }
0x1a1: {  	v36 =	vor.u32 $0x80, v1;
	[tilespmem:v24+s22+$0x0] =	vst.idx.add.f32.msk $0xffff, v25  }
0x1a2: {  	v37 =	vor.u32 $0x80, v9;
	v18 =	vld.idx.msk [tilespmem:v18+s3+$0x0], $0xffff  }
0x1a3: {  	v38 =	vor.u32 $0x100, v6;
	[tilespmem:v19+s22+$0x0] =	vst.idx.add.f32.msk $0xffff, v22  }
0x1a4: {  	v40 =	vor.u32 $0x100, v5;
	[tilespmem:v20+s22+$0x0] =	vst.idx.add.f32.msk $0xffff, v23  }
0x1a5: {  	v10 =	vor.u32 $0x180, v10;
	v16 =	vld.idx.msk [tilespmem:v35+s3+$0x0], $0xffff  }
0x1a6: {  	v39 =	vor.u32 $0x100, v3;
	v17 =	vld.idx.msk [tilespmem:v36+s3+$0x0], $0xffff  }
0x1a7: {  	v2 =	vor.u32 $0x180, v2;
	[tilespmem:v37+s22+$0x0] =	vst.idx.add.f32.msk $0xffff, v21  }
0x1a8: {  	v41 =	vor.u32 $0x100, v14;
	v19 =	vld.idx.msk [tilespmem:v38+s3+$0x0], $0xffff  }
0x1a9: {  	v43 =	vor.u32 $0x80, v0;
	v22 =	vld.idx.msk [tilespmem:v40+s3+$0x0], $0xffff  }
0x1aa: {  	v44 =	vor.u32 $0x100, v13;
	v10 =	vld.idx.msk [tilespmem:v10+s3+$0x0], $0xffff  }
0x1ab: {  	v46 =	vor.u32 $0x100, v11;
	v20 =	vld.idx.msk [tilespmem:v39+s3+$0x0], $0xffff  }
0x1ac: {  	v47 =	vor.u32 $0x100, v12;
	v2 =	vld.idx.msk [tilespmem:v2+s3+$0x0], $0xffff  }
0x1ad: {  	v42 =	vor.u32 $0x180, v15;
	[tilespmem:v41+s22+$0x0] =	vst.idx.add.f32.msk $0xffff, v18  }
0x1ae: {  	v45 =	vor.u32 $0x180, v8;
	[tilespmem:v43+s22+$0x0] =	vst.idx.add.f32.msk $0xffff, v17  }
0x1af: {  	v48 =	vor.u32 $0x100, v1;
	[tilespmem:v44+s22+$0x0] =	vst.idx.add.f32.msk $0xffff, v16  }
0x1b0: {  	v49 =	vor.u32 $0x180, v4;
	[tilespmem:v46+s22+$0x0] =	vst.idx.add.f32.msk $0xffff, v22  }
0x1b1: {  	v50 =	vor.u32 $0x180, v6;
	[tilespmem:v47+s22+$0x0] =	vst.idx.add.f32.msk $0xffff, v19  }
0x1b2: {  	v52 =	vor.u32 $0x180, v5;
	[tilespmem:v42+s22+$0x0] =	vst.idx.add.f32.msk $0xffff, v10  }
0x1b3: {  	v54 =	vor.u32 $0x100, v9;
	v8 =	vld.idx.msk [tilespmem:v45+s3+$0x0], $0xffff  }
0x1b4: {  	v60 =	vor.u32 $0x180, v7;
	v53 =	vld.idx.msk [tilespmem:v48+s3+$0x0], $0xffff  }
0x1b5: {  	v57 =	vor.u32 $0x180, v3;
	v4 =	vld.idx.msk [tilespmem:v49+s3+$0x0], $0xffff  }
0x1b6: {  	v51 =	vor.u32 $0x180, v13;
	v6 =	vld.idx.msk [tilespmem:v50+s3+$0x0], $0xffff  }
0x1b7: {  	v55 =	vor.u32 $0x100, v0;
	v5 =	vld.idx.msk [tilespmem:v52+s3+$0x0], $0xffff  }
0x1b8: {  	v56 =	vor.u32 $0x180, v1;
	[tilespmem:v54+s22+$0x0] =	vst.idx.add.f32.msk $0xffff, v20  }
0x1b9: {  	v58 =	vor.u32 $0x180, v14;
	[tilespmem:v60+s22+$0x0] =	vst.idx.add.f32.msk $0xffff, v2  }
0x1ba: {  	v59 =	vor.u32 $0x180, v12;
	v3 =	vld.idx.msk [tilespmem:v57+s3+$0x0], $0xffff  }
0x1bb: {  	v61 =	vor.u32 $0x180, v11;
	[tilespmem:v51+s22+$0x0] =	vst.idx.add.f32.msk $0xffff, v8  }
0x1bc: {  	v63 =	vor.u32 $0x180, v9;
	[tilespmem:v55+s22+$0x0] =	vst.idx.add.f32.msk $0xffff, v53  }
0x1bd: {  	v62 =	vor.u32 $0x180, v0;
	v1 =	vld.idx.msk [tilespmem:v56+s3+$0x0], $0xffff  }
0x1be: {  	[tilespmem:v58+s22+$0x0] =	vst.idx.add.f32.msk $0xffff, v4  }
0x1bf: {  	[tilespmem:v59+s22+$0x0] =	vst.idx.add.f32.msk $0xffff, v6  }
0x1c0: {  	[tilespmem:v61+s22+$0x0] =	vst.idx.add.f32.msk $0xffff, v5  }
0x1c1: {  	[tilespmem:v63+s22+$0x0] =	vst.idx.add.f32.msk $0xffff, v3  }
0x1c2: {  	[tilespmem:v62+s22+$0x0] =	vst.idx.add.f32.msk $0xffff, v1  }
0x1c3: {  	p0 =	seq.s32 s26, $0x18;
	_ =	swait.ge [sflag:s23], $0x1900  }
.Ltmp7:
0x1c4: {  	[sflag:s23] =	ssyncset.done $0x0;
	(pc) =	sbr.rel @p0 .LBB2_22-.Ltmp7, $4  }
0x1c5: {  	[sflag:s23] =	ssyncadd.s32 $0xFFFFE700  }
0x1c6: {  	_ =	swait.ge [sflag:s24], $0x1900  }
0x1c7: {  	[sflag:s24] =	ssyncset.done $0x0  }
0x1c8: {  	[sflag:s24] =	ssyncadd.s32 $0xFFFFE700  }
0x1c9: {  	s0 =	sadd.s32 $0x640, s28  }
0x1ca: {  	s4 =	simm.s32 $0x19000;
	s2 =	sadd.s32 s1, s0  }
0x1cb: {  	s6 =	simm.s32 $0x10;
	s7 =	simm.s32 $0x19100;
	s8 =	sadd.s32 $0x0, s2  }
.LBB2_18:
0x1cc: {  	[tilespmem:s4], [sflag:$0x1] =	stream.linear.gather [hbm4b:s8+s3], $0x80, $0x38;
	[tilespmem:$0x1F600] =	vst v63  }
0x1cd: {  	s8 =	smov.u32 s6;
	s4 =	smov.u32 s7;
	p0 =	sne.s32 s6, $0x310  }
.Ltmp8:
0x1ce: {  	s6 =	sadd.s32 $0x10, s6;
	(pc) =	sbr.rel @p0 .LBB2_18-.Ltmp8, $2  }
0x1cf: {  	_ =	sdelay $0x2  }
0x1d0: {  	s7 =	sadd.s32 $0x100, s7;
	s8 =	sadd.s32 s8, s2  }
0x1d1: {  	[tilespmem:s4], [sflag:$0x1] =	stream.linear.gather [hbm4b:s8+s3], $0x80, $0x38;
	[tilespmem:$0x1F600] =	vst v63  }
0x1d2: {  	s0 =	sadd.s32 s5, s0;
	s2 =	simm.s32 $0x1C200  }
0x1d3: {  	s4 =	simm.s32 $0x10;
	s6 =	simm.s32 $0x1C300;
	s7 =	sadd.s32 $0x0, s0  }
.LBB2_20:
0x1d4: {  	[tilespmem:s2], [sflag:$0x3] =	stream.linear.gather [hbm4b:s7+s3], $0x80, $0x38;
	[tilespmem:$0x1F600] =	vst v63  }
0x1d5: {  	s7 =	smov.u32 s4;
	s2 =	smov.u32 s6;
	p0 =	sne.s32 s4, $0x310  }
.Ltmp9:
0x1d6: {  	s4 =	sadd.s32 $0x10, s4;
	(pc) =	sbr.rel @p0 .LBB2_20-.Ltmp9, $2  }
0x1d7: {  	_ =	sdelay $0x2  }
0x1d8: {  	s6 =	sadd.s32 $0x100, s6;
	s7 =	sadd.s32 s7, s0  }
0x1d9: {  	[tilespmem:s2], [sflag:$0x3] =	stream.linear.gather [hbm4b:s7+s3], $0x80, $0x38;
	[tilespmem:$0x1F600] =	vst v63  }
.LBB2_22:
0x1da: {  	s29 =	simm.s32 $0x190F0  }
0x1db: {  	s28 =	simm.s32 $0x1C2F0;
	v0 =	vld [tilespmem:s29+$0x0]  }
0x1dc: {  	v1 =	vld [tilespmem:s28+$0xFFFFFF90]  }
0x1dd: {  	v2 =	vld [tilespmem:s29+$0xFFFFFF90]  }
0x1de: {  	v3 =	vld [tilespmem:s29+$0xFFFFFFF0]  }
0x1df: {  	v11 =	vld [tilespmem:s29+$0xFFFFFFB0]  }
0x1e0: {  	v4 =	vld [tilespmem:s29+$0xFFFFFFA0]  }
0x1e1: {  	v6 =	vld [tilespmem:s29+$0xFFFFFFD0];
	v9 =	vand.u32 $0x7F, v1;
	v1 =	vshll.u32 v1, $0x2;
	v8 =	vshll.u32 v0, $0x2  }
0x1e2: {  	v5 =	vld [tilespmem:s29+$0xFFFFFFC0];
	v10 =	vand.u32 $0x7F, v2;
	v0 =	vand.u32 $0x7F, v0;
	v13 =	vshll.u32 v2, $0x2  }
0x1e3: {  	v14 =	vshll.u32 v3, $0x2;
	v3 =	vand.u32 $0x7F, v3;
	v8 =	vand.u32 $0xFFFFFE00, v8  }
0x1e4: {  	v7 =	vld [tilespmem:s28+$0x0];
	v15 =	vshll.u32 v11, $0x2;
	v11 =	vand.u32 $0x7F, v11;
	v2 =	vor.u32 v0, v8  }
0x1e5: {  	v12 =	vld [tilespmem:s29+$0xFFFFFFE0];
	v0 =	vand.u32 $0xFFFFFE00, v13;
	v8 =	vand.u32 $0xFFFFFE00, v14;
	v13 =	vand.u32 $0xFFFFFE00, v1  }
0x1e6: {  	v16 =	vld [tilespmem:s28+$0xFFFFFFA0];
	v1 =	vor.u32 v10, v0;
	v10 =	vor.u32 v3, v8;
	v0 =	vshll.u32 v6, $0x2  }
0x1e7: {  	v17 =	vld [tilespmem:s28+$0xFFFFFFD0];
	v3 =	vshll.u32 v5, $0x2;
	v8 =	vshll.u32 v4, $0x2;
	v4 =	vand.u32 $0x7F, v4  }
0x1e8: {  	v18 =	vld [tilespmem:s28+$0xFFFFFFF0];
	v5 =	vand.u32 $0x7F, v5;
	v6 =	vand.u32 $0x7F, v6;
	v8 =	vand.u32 $0xFFFFFE00, v8  }
0x1e9: {  	v20 =	vld [tilespmem:s28+$0xFFFFFFC0];
	v3 =	vand.u32 $0xFFFFFE00, v3;
	v0 =	vand.u32 $0xFFFFFE00, v0;
	v4 =	vor.u32 v4, v8  }
0x1ea: {  	v14 =	vld [tilespmem:s28+$0xFFFFFFB0];
	v8 =	vor.u32 v5, v3;
	v3 =	vand.u32 $0xFFFFFE00, v15;
	v5 =	vor.u32 v6, v0  }
0x1eb: {  	v6 =	vshll.u32 v12, $0x2;
	v3 =	vor.u32 v11, v3;
	v11 =	vand.u32 $0x7F, v12;
	v12 =	vld [tilespmem:s28+$0xFFFFFFE0]  }
0x1ec: {  	v19 =	vld.idx.msk [tilespmem:v2+s3+$0x0], $0xffff  }
0x1ed: {  	v6 =	vand.u32 $0xFFFFFE00, v6;
	v21 =	vld.idx.msk [tilespmem:v10+s3+$0x0], $0xffff  }
0x1ee: {  	v0 =	vor.u32 v9, v13;
	v13 =	vshll.u32 v18, $0x2;
	v6 =	vor.u32 v11, v6;
	v9 =	vld.idx.msk [tilespmem:v1+s3+$0x0], $0xffff  }
0x1ef: {  	v13 =	vand.u32 $0xFFFFFE00, v13;
	v11 =	vand.u32 $0x7F, v18;
	v22 =	vld.idx.msk [tilespmem:v4+s3+$0x0], $0xffff  }
0x1f0: {  	v23 =	vshll.u32 v20, $0x2;
	v24 =	vshll.u32 v7, $0x2;
	v15 =	vor.u32 v11, v13;
	v18 =	vld.idx.msk [tilespmem:v8+s3+$0x0], $0xffff  }
0x1f1: {  	v11 =	vand.u32 $0x7F, v20;
	v13 =	vand.u32 $0xFFFFFE00, v23;
	v23 =	vor.u32 $0x80, v10;
	v20 =	vld.idx.msk [tilespmem:v5+s3+$0x0], $0xffff  }
0x1f2: {  	v7 =	vand.u32 $0x7F, v7;
	v13 =	vor.u32 v11, v13;
	v11 =	vand.u32 $0xFFFFFE00, v24;
	v25 =	vld.idx.msk [tilespmem:v3+s3+$0x0], $0xffff  }
0x1f3: {  	v7 =	vor.u32 v7, v11;
	v26 =	vld.idx.msk [tilespmem:v6+s3+$0x0], $0xffff  }
0x1f4: {  	v27 =	vor.u32 $0x80, v2;
	v24 =	vor.u32 $0x80, v8;
	v11 =	vshll.u32 v12, $0x2;
	[tilespmem:v0+s22+$0x0] =	vst.idx.add.f32.msk $0xffff, v9  }
0x1f5: {  	v28 =	vor.u32 $0x80, v15;
	v12 =	vand.u32 $0x7F, v12;
	v11 =	vand.u32 $0xFFFFFE00, v11;
	[tilespmem:v15+s22+$0x0] =	vst.idx.add.f32.msk $0xffff, v21  }
0x1f6: {  	v9 =	vshll.u32 v14, $0x2;
	v14 =	vand.u32 $0x7F, v14;
	v12 =	vor.u32 v12, v11;
	v23 =	vld.idx.msk [tilespmem:v23+s3+$0x0], $0xffff  }
0x1f7: {  	v11 =	vshll.u32 v16, $0x2;
	v16 =	vand.u32 $0x7F, v16;
	v9 =	vand.u32 $0xFFFFFE00, v9;
	[tilespmem:v13+s22+$0x0] =	vst.idx.add.f32.msk $0xffff, v18  }
0x1f8: {  	v11 =	vand.u32 $0xFFFFFE00, v11;
	v9 =	vor.u32 v14, v9;
	v14 =	vshll.u32 v17, $0x2;
	[tilespmem:v7+s22+$0x0] =	vst.idx.add.f32.msk $0xffff, v19  }
0x1f9: {  	v24 =	vld.idx.msk [tilespmem:v24+s3+$0x0], $0xffff;
	v19 =	vand.u32 $0xFFFFFE00, v14;
	v14 =	vor.u32 v16, v11  }
0x1fa: {  	v17 =	vand.u32 $0x7F, v17;
	v27 =	vld.idx.msk [tilespmem:v27+s3+$0x0], $0xffff;
	v16 =	vor.u32 $0x80, v6  }
0x1fb: {  	v11 =	vor.u32 v17, v19;
	v17 =	vor.u32 $0x80, v4;
	[tilespmem:v12+s22+$0x0] =	vst.idx.add.f32.msk $0xffff, v26  }
0x1fc: {  	v18 =	vor.u32 $0x80, v3;
	[tilespmem:v28+s22+$0x0] =	vst.idx.add.f32.msk $0xffff, v23  }
0x1fd: {  	[tilespmem:v9+s22+$0x0] =	vst.idx.add.f32.msk $0xffff, v25  }
0x1fe: {  	[tilespmem:v14+s22+$0x0] =	vst.idx.add.f32.msk $0xffff, v22  }
0x1ff: {  	v23 =	vor.u32 $0x80, v13;
	v26 =	vld.idx.msk [tilespmem:v16+s3+$0x0], $0xffff  }
0x200: {  	v16 =	vld.idx.msk [tilespmem:v17+s3+$0x0], $0xffff;
	v17 =	vor.u32 $0x100, v10  }
0x201: {  	v21 =	vld.idx.msk [tilespmem:v18+s3+$0x0], $0xffff;
	v18 =	vor.u32 $0x80, v7  }
0x202: {  	v63 =	vor.u32 $0x80, v12  }
0x203: {  	v19 =	vor.u32 $0x100, v2;
	[tilespmem:v11+s22+$0x0] =	vst.idx.add.f32.msk $0xffff, v20  }
0x204: {  	v20 =	vor.u32 $0x80, v5;
	[tilespmem:v23+s22+$0x0] =	vst.idx.add.f32.msk $0xffff, v24  }
0x205: {  	v23 =	vld.idx.msk [tilespmem:v17+s3+$0x0], $0xffff;
	v17 =	vor.u32 $0x80, v14  }
0x206: {  	[tilespmem:v18+s22+$0x0] =	vst.idx.add.f32.msk $0xffff, v27  }
0x207: {  	[tilespmem:v63+s22+$0x0] =	vst.idx.add.f32.msk $0xffff, v26  }
0x208: {  	v22 =	vld.idx.msk [tilespmem:v19+s3+$0x0], $0xffff  }
0x209: {  	s30 =	simm.s32 $0x0;
	v24 =	vor.u32 $0x80, v11;
	v25 =	vld.idx.msk [tilespmem:v20+s3+$0x0], $0xffff  }
.LBB2_23:
0x20a: {  	s30 =	sadd.s32 $0x8, s30;
	[tilespmem:v17+s22+$0x0] =	vst.idx.add.f32.msk $0xffff, v16;
	s28 =	sadd.s32 $0x100, s28;
	s29 =	sadd.s32 $0x100, s29  }
0x20b: {  	v16 =	vld [tilespmem:s28+$0x0];
	p0 =	slt.u32 s30, $0x188  }
0x20c: {  	v17 =	vld [tilespmem:s29+$0xFFFFFFA0]  }
0x20d: {  	v19 =	vld [tilespmem:s29+$0xFFFFFFB0]  }
0x20e: {  	v26 =	vor.u32 $0x100, v4;
	v20 =	vld [tilespmem:s29+$0xFFFFFFC0]  }
0x20f: {  	v18 =	vld [tilespmem:s29+$0xFFFFFFD0]  }
0x210: {  	v27 =	vld [tilespmem:s29+$0xFFFFFFE0]  }
0x211: {  	v28 =	vld [tilespmem:s29+$0xFFFFFFF0]  }
0x212: {  	[tilespmem:v24+s22+$0x0] =	vst.idx.add.f32.msk $0xffff, v25;
	v24 =	vor.u32 $0x100, v7  }
0x213: {  	v25 =	vld.idx.msk [tilespmem:v26+s3+$0x0], $0xffff;
	v26 =	vor.u32 $0x100, v15  }
0x214: {  	v30 =	vor.u32 $0x100, v8;
	v29 =	vld [tilespmem:s29+$0x0]  }
0x215: {  	v32 =	vor.u32 $0x80, v1;
	v31 =	vld [tilespmem:s29+$0xFFFFFF90]  }
0x216: {  	v10 =	vor.u32 $0x180, v10;
	v33 =	vld [tilespmem:s28+$0xFFFFFF90]  }
0x217: {  	v34 =	vor.u32 $0x80, v9;
	[tilespmem:v24+s22+$0x0] =	vst.idx.add.f32.msk $0xffff, v22  }
0x218: {  	v22 =	vor.u32 $0x100, v6;
	[tilespmem:v26+s22+$0x0] =	vst.idx.add.f32.msk $0xffff, v23  }
0x219: {  	v23 =	vor.u32 $0x100, v3;
	v24 =	vld.idx.msk [tilespmem:v30+s3+$0x0], $0xffff  }
0x21a: {  	v30 =	vor.u32 $0x100, v5;
	v26 =	vld.idx.msk [tilespmem:v32+s3+$0x0], $0xffff  }
0x21b: {  	v32 =	vor.u32 $0x100, v14;
	v10 =	vld.idx.msk [tilespmem:v10+s3+$0x0], $0xffff  }
0x21c: {  	v15 =	vor.u32 $0x180, v15;
	[tilespmem:v34+s22+$0x0] =	vst.idx.add.f32.msk $0xffff, v21  }
0x21d: {  	v21 =	vor.u32 $0x80, v0;
	v22 =	vld.idx.msk [tilespmem:v22+s3+$0x0], $0xffff  }
0x21e: {  	v34 =	vor.u32 $0x100, v13;
	v23 =	vld.idx.msk [tilespmem:v23+s3+$0x0], $0xffff  }
0x21f: {  	v8 =	vor.u32 $0x180, v8;
	v30 =	vld.idx.msk [tilespmem:v30+s3+$0x0], $0xffff  }
0x220: {  	[tilespmem:v32+s22+$0x0] =	vst.idx.add.f32.msk $0xffff, v25;
	v25 =	vor.u32 $0x100, v11  }
0x221: {  	v2 =	vor.u32 $0x180, v2;
	[tilespmem:v15+s22+$0x0] =	vst.idx.add.f32.msk $0xffff, v10  }
0x222: {  	v10 =	vor.u32 $0x100, v12;
	[tilespmem:v21+s22+$0x0] =	vst.idx.add.f32.msk $0xffff, v26  }
0x223: {  	v15 =	vor.u32 $0x100, v1;
	[tilespmem:v34+s22+$0x0] =	vst.idx.add.f32.msk $0xffff, v24  }
0x224: {  	v4 =	vor.u32 $0x180, v4;
	v8 =	vld.idx.msk [tilespmem:v8+s3+$0x0], $0xffff  }
0x225: {  	v6 =	vor.u32 $0x180, v6;
	[tilespmem:v25+s22+$0x0] =	vst.idx.add.f32.msk $0xffff, v30  }
0x226: {  	v13 =	vor.u32 $0x180, v13;
	v2 =	vld.idx.msk [tilespmem:v2+s3+$0x0], $0xffff  }
0x227: {  	v5 =	vor.u32 $0x180, v5;
	[tilespmem:v10+s22+$0x0] =	vst.idx.add.f32.msk $0xffff, v22  }
0x228: {  	v10 =	vld.idx.msk [tilespmem:v15+s3+$0x0], $0xffff;
	v15 =	vor.u32 $0x100, v9  }
0x229: {  	v21 =	vor.u32 $0x100, v0;
	v4 =	vld.idx.msk [tilespmem:v4+s3+$0x0], $0xffff  }
0x22a: {  	v3 =	vor.u32 $0x180, v3;
	v1 =	vor.u32 $0x180, v1;
	v6 =	vld.idx.msk [tilespmem:v6+s3+$0x0], $0xffff  }
0x22b: {  	[tilespmem:v13+s22+$0x0] =	vst.idx.add.f32.msk $0xffff, v8  }
0x22c: {  	v8 =	vor.u32 $0x180, v14;
	v5 =	vld.idx.msk [tilespmem:v5+s3+$0x0], $0xffff  }
0x22d: {  	v12 =	vor.u32 $0x180, v12;
	[tilespmem:v15+s22+$0x0] =	vst.idx.add.f32.msk $0xffff, v23  }
0x22e: {  	v7 =	vor.u32 $0x180, v7;
	[tilespmem:v21+s22+$0x0] =	vst.idx.add.f32.msk $0xffff, v10  }
0x22f: {  	v11 =	vor.u32 $0x180, v11;
	v13 =	vor.u32 $0x180, v0;
	v10 =	vld.idx.msk [tilespmem:v1+s3+$0x0], $0xffff  }
0x230: {  	v9 =	vor.u32 $0x180, v9;
	v0 =	vand.u32 $0x7F, v33;
	v1 =	vshll.u32 v33, $0x2;
	v3 =	vld.idx.msk [tilespmem:v3+s3+$0x0], $0xffff  }
0x231: {  	v14 =	vand.u32 $0x7F, v31;
	v15 =	vshll.u32 v31, $0x2;
	v1 =	vand.u32 $0xFFFFFE00, v1;
	[tilespmem:v8+s22+$0x0] =	vst.idx.add.f32.msk $0xffff, v4  }
0x232: {  	v4 =	vand.u32 $0xFFFFFE00, v15;
	v0 =	vor.u32 v0, v1;
	v8 =	vshll.u32 v29, $0x2;
	[tilespmem:v12+s22+$0x0] =	vst.idx.add.f32.msk $0xffff, v6  }
0x233: {  	v15 =	vand.u32 $0x7F, v29;
	v6 =	vand.u32 $0x7F, v28;
	v12 =	vshll.u32 v28, $0x2;
	[tilespmem:v7+s22+$0x0] =	vst.idx.add.f32.msk $0xffff, v2  }
0x234: {  	v1 =	vor.u32 v14, v4;
	v2 =	vshll.u32 v27, $0x2;
	v4 =	vand.u32 $0xFFFFFE00, v12;
	[tilespmem:v11+s22+$0x0] =	vst.idx.add.f32.msk $0xffff, v5  }
0x235: {  	v5 =	vshll.u32 v18, $0x2;
	v7 =	vand.u32 $0xFFFFFE00, v2;
	v2 =	vand.u32 $0xFFFFFE00, v8;
	[tilespmem:v13+s22+$0x0] =	vst.idx.add.f32.msk $0xffff, v10  }
0x236: {  	v8 =	vshll.u32 v20, $0x2;
	v11 =	vand.u32 $0x7F, v27;
	v2 =	vor.u32 v15, v2;
	[tilespmem:v9+s22+$0x0] =	vst.idx.add.f32.msk $0xffff, v3  }
0x237: {  	v12 =	vand.u32 $0x7F, v20;
	v8 =	vand.u32 $0xFFFFFE00, v8;
	v3 =	vshll.u32 v19, $0x2;
	v9 =	vld [tilespmem:s28+$0xFFFFFFB0]  }
0x238: {  	v13 =	vshll.u32 v17, $0x2;
	v10 =	vor.u32 v6, v4;
	v3 =	vand.u32 $0xFFFFFE00, v3;
	v14 =	vld [tilespmem:s28+$0xFFFFFFA0]  }
0x239: {  	v6 =	vor.u32 v11, v7;
	v4 =	vand.u32 $0xFFFFFE00, v13;
	v13 =	vand.u32 $0x7F, v19;
	v19 =	vld [tilespmem:s28+$0xFFFFFFD0]  }
0x23a: {  	v7 =	vand.u32 $0x7F, v17;
	v3 =	vor.u32 v13, v3;
	v13 =	vand.u32 $0x7F, v16;
	v11 =	vld [tilespmem:s28+$0xFFFFFFF0]  }
0x23b: {  	v5 =	vand.u32 $0xFFFFFE00, v5;
	v4 =	vor.u32 v7, v4;
	v7 =	vand.u32 $0x7F, v18;
	v17 =	vld.idx.msk [tilespmem:v2+s3+$0x0], $0xffff  }
0x23c: {  	v8 =	vor.u32 v12, v8;
	v5 =	vor.u32 v7, v5;
	v15 =	vshll.u32 v9, $0x2;
	v18 =	vld [tilespmem:s28+$0xFFFFFFC0]  }
0x23d: {  	v7 =	vshll.u32 v16, $0x2;
	v20 =	vshll.u32 v14, $0x2;
	v12 =	vand.u32 $0xFFFFFE00, v15;
	v21 =	vld.idx.msk [tilespmem:v10+s3+$0x0], $0xffff  }
0x23e: {  	v7 =	vand.u32 $0xFFFFFE00, v7;
	v16 =	vld.idx.msk [tilespmem:v1+s3+$0x0], $0xffff;
	v15 =	vshll.u32 v19, $0x2  }
0x23f: {  	v7 =	vor.u32 v13, v7;
	v22 =	vand.u32 $0xFFFFFE00, v15;
	v23 =	vld [tilespmem:s28+$0xFFFFFFE0];
	v15 =	vshll.u32 v11, $0x2  }
0x240: {  	v11 =	vand.u32 $0x7F, v11;
	v24 =	vld.idx.msk [tilespmem:v4+s3+$0x0], $0xffff;
	v13 =	vand.u32 $0xFFFFFE00, v15  }
0x241: {  	v25 =	vld.idx.msk [tilespmem:v8+s3+$0x0], $0xffff;
	v26 =	vshll.u32 v18, $0x2;
	v15 =	vor.u32 v11, v13  }
0x242: {  	v11 =	vand.u32 $0x7F, v18;
	v13 =	vand.u32 $0xFFFFFE00, v26;
	v18 =	vld.idx.msk [tilespmem:v5+s3+$0x0], $0xffff;
	v26 =	vor.u32 $0x80, v10  }
0x243: {  	v27 =	vld.idx.msk [tilespmem:v3+s3+$0x0], $0xffff;
	v13 =	vor.u32 v11, v13  }
0x244: {  	v28 =	vor.u32 $0x80, v8;
	[tilespmem:v0+s22+$0x0] =	vst.idx.add.f32.msk $0xffff, v16;
	v16 =	vor.u32 $0x80, v3;
	v29 =	vand.u32 $0x7F, v23  }
0x245: {  	v30 =	vor.u32 $0x80, v2;
	v11 =	vand.u32 $0x7F, v19;
	v23 =	vshll.u32 v23, $0x2;
	v19 =	vld.idx.msk [tilespmem:v6+s3+$0x0], $0xffff  }
0x246: {  	v9 =	vand.u32 $0x7F, v9;
	v11 =	vor.u32 v11, v22;
	v22 =	vand.u32 $0xFFFFFE00, v23;
	[tilespmem:v15+s22+$0x0] =	vst.idx.add.f32.msk $0xffff, v21  }
0x247: {  	v9 =	vor.u32 v9, v12;
	v12 =	vor.u32 v29, v22;
	v22 =	vld.idx.msk [tilespmem:v26+s3+$0x0], $0xffff  }
0x248: {  	v23 =	vor.u32 $0x80, v15;
	[tilespmem:v13+s22+$0x0] =	vst.idx.add.f32.msk $0xffff, v25  }
0x249: {  	v25 =	vld.idx.msk [tilespmem:v28+s3+$0x0], $0xffff  }
0x24a: {  	v14 =	vand.u32 $0x7F, v14;
	v20 =	vand.u32 $0xFFFFFE00, v20;
	v26 =	vor.u32 $0x80, v5;
	[tilespmem:v7+s22+$0x0] =	vst.idx.add.f32.msk $0xffff, v17  }
0x24b: {  	v14 =	vor.u32 v14, v20;
	v17 =	vld.idx.msk [tilespmem:v30+s3+$0x0], $0xffff  }
0x24c: {  	[tilespmem:v12+s22+$0x0] =	vst.idx.add.f32.msk $0xffff, v19  }
0x24d: {  	v19 =	vor.u32 $0x80, v6;
	[tilespmem:v9+s22+$0x0] =	vst.idx.add.f32.msk $0xffff, v27  }
0x24e: {  	v20 =	vor.u32 $0x80, v4;
	v21 =	vld.idx.msk [tilespmem:v16+s3+$0x0], $0xffff  }
0x24f: {  	[tilespmem:v23+s22+$0x0] =	vst.idx.add.f32.msk $0xffff, v22;
	v22 =	vor.u32 $0x80, v7  }
0x250: {  	v23 =	vor.u32 $0x100, v2;
	[tilespmem:v14+s22+$0x0] =	vst.idx.add.f32.msk $0xffff, v24  }
0x251: {  	v27 =	vor.u32 $0x80, v13;
	[tilespmem:v11+s22+$0x0] =	vst.idx.add.f32.msk $0xffff, v18  }
0x252: {  	v24 =	vor.u32 $0x80, v11;
	v18 =	vld.idx.msk [tilespmem:v19+s3+$0x0], $0xffff  }
0x253: {  	v19 =	vor.u32 $0x100, v10;
	v16 =	vld.idx.msk [tilespmem:v20+s3+$0x0], $0xffff  }
0x254: {  	v20 =	vor.u32 $0x80, v12;
	[tilespmem:v22+s22+$0x0] =	vst.idx.add.f32.msk $0xffff, v17  }
.Ltmp10:
0x255: {  	v17 =	vor.u32 $0x80, v14;
	v22 =	vld.idx.msk [tilespmem:v23+s3+$0x0], $0xffff;
	(pc) =	sbr.rel @p0 .LBB2_23-.Ltmp10, $4  }
0x256: {  	[tilespmem:v27+s22+$0x0] =	vst.idx.add.f32.msk $0xffff, v25  }
0x257: {  	v25 =	vld.idx.msk [tilespmem:v26+s3+$0x0], $0xffff  }
0x258: {  	v23 =	vld.idx.msk [tilespmem:v19+s3+$0x0], $0xffff  }
0x259: {  	[tilespmem:v20+s22+$0x0] =	vst.idx.add.f32.msk $0xffff, v18  }
0x25a: {  	_ = 	snop  }
0x25b: {  	v18 =	vor.u32 $0x100, v4  }
0x25c: {  	v19 =	vor.u32 $0x100, v7  }
0x25d: {  	v20 =	vor.u32 $0x100, v15  }
0x25e: {  	[tilespmem:v17+s22+$0x0] =	vst.idx.add.f32.msk $0xffff, v16;
	v35 =	vor.u32 $0x100, v8  }
0x25f: {  	v36 =	vor.u32 $0x80, v1;
	[tilespmem:v24+s22+$0x0] =	vst.idx.add.f32.msk $0xffff, v25  }
0x260: {  	v37 =	vor.u32 $0x80, v9;
	v18 =	vld.idx.msk [tilespmem:v18+s3+$0x0], $0xffff  }
0x261: {  	v38 =	vor.u32 $0x100, v6;
	[tilespmem:v19+s22+$0x0] =	vst.idx.add.f32.msk $0xffff, v22  }
0x262: {  	v40 =	vor.u32 $0x100, v5;
	[tilespmem:v20+s22+$0x0] =	vst.idx.add.f32.msk $0xffff, v23  }
0x263: {  	v10 =	vor.u32 $0x180, v10;
	v16 =	vld.idx.msk [tilespmem:v35+s3+$0x0], $0xffff  }
0x264: {  	v39 =	vor.u32 $0x100, v3;
	v17 =	vld.idx.msk [tilespmem:v36+s3+$0x0], $0xffff  }
0x265: {  	v2 =	vor.u32 $0x180, v2;
	[tilespmem:v37+s22+$0x0] =	vst.idx.add.f32.msk $0xffff, v21  }
0x266: {  	v41 =	vor.u32 $0x100, v14;
	v19 =	vld.idx.msk [tilespmem:v38+s3+$0x0], $0xffff  }
0x267: {  	v43 =	vor.u32 $0x80, v0;
	v22 =	vld.idx.msk [tilespmem:v40+s3+$0x0], $0xffff  }
0x268: {  	v44 =	vor.u32 $0x100, v13;
	v10 =	vld.idx.msk [tilespmem:v10+s3+$0x0], $0xffff  }
0x269: {  	v46 =	vor.u32 $0x100, v11;
	v20 =	vld.idx.msk [tilespmem:v39+s3+$0x0], $0xffff  }
0x26a: {  	v47 =	vor.u32 $0x100, v12;
	v2 =	vld.idx.msk [tilespmem:v2+s3+$0x0], $0xffff  }
0x26b: {  	v42 =	vor.u32 $0x180, v15;
	[tilespmem:v41+s22+$0x0] =	vst.idx.add.f32.msk $0xffff, v18  }
0x26c: {  	v45 =	vor.u32 $0x180, v8;
	[tilespmem:v43+s22+$0x0] =	vst.idx.add.f32.msk $0xffff, v17  }
0x26d: {  	v48 =	vor.u32 $0x100, v1;
	[tilespmem:v44+s22+$0x0] =	vst.idx.add.f32.msk $0xffff, v16  }
0x26e: {  	v49 =	vor.u32 $0x180, v4;
	[tilespmem:v46+s22+$0x0] =	vst.idx.add.f32.msk $0xffff, v22  }
0x26f: {  	v50 =	vor.u32 $0x180, v6;
	[tilespmem:v47+s22+$0x0] =	vst.idx.add.f32.msk $0xffff, v19  }
0x270: {  	v52 =	vor.u32 $0x180, v5;
	[tilespmem:v42+s22+$0x0] =	vst.idx.add.f32.msk $0xffff, v10  }
0x271: {  	v54 =	vor.u32 $0x100, v9;
	v8 =	vld.idx.msk [tilespmem:v45+s3+$0x0], $0xffff  }
0x272: {  	v60 =	vor.u32 $0x180, v7;
	v53 =	vld.idx.msk [tilespmem:v48+s3+$0x0], $0xffff  }
0x273: {  	v57 =	vor.u32 $0x180, v3;
	v4 =	vld.idx.msk [tilespmem:v49+s3+$0x0], $0xffff  }
0x274: {  	v51 =	vor.u32 $0x180, v13;
	v6 =	vld.idx.msk [tilespmem:v50+s3+$0x0], $0xffff  }
0x275: {  	v55 =	vor.u32 $0x100, v0;
	v5 =	vld.idx.msk [tilespmem:v52+s3+$0x0], $0xffff  }
0x276: {  	v56 =	vor.u32 $0x180, v1;
	[tilespmem:v54+s22+$0x0] =	vst.idx.add.f32.msk $0xffff, v20  }
0x277: {  	v58 =	vor.u32 $0x180, v14;
	[tilespmem:v60+s22+$0x0] =	vst.idx.add.f32.msk $0xffff, v2  }
0x278: {  	v59 =	vor.u32 $0x180, v12;
	v3 =	vld.idx.msk [tilespmem:v57+s3+$0x0], $0xffff  }
0x279: {  	v61 =	vor.u32 $0x180, v11;
	[tilespmem:v51+s22+$0x0] =	vst.idx.add.f32.msk $0xffff, v8  }
0x27a: {  	v63 =	vor.u32 $0x180, v9;
	s26 =	sadd.s32 $0x1, s26;
	[tilespmem:v55+s22+$0x0] =	vst.idx.add.f32.msk $0xffff, v53  }
0x27b: {  	v62 =	vor.u32 $0x180, v0;
	p0 =	sne.s32 s26, $0x19;
	v1 =	vld.idx.msk [tilespmem:v56+s3+$0x0], $0xffff  }
.Ltmp11:
0x27c: {  	[tilespmem:v58+s22+$0x0] =	vst.idx.add.f32.msk $0xffff, v4;
	(pc) =	sbr.rel @p0 .LBB2_10-.Ltmp11, $4  }
0x27d: {  	[tilespmem:v59+s22+$0x0] =	vst.idx.add.f32.msk $0xffff, v6  }
0x27e: {  	[tilespmem:v61+s22+$0x0] =	vst.idx.add.f32.msk $0xffff, v5  }
0x27f: {  	[tilespmem:v63+s22+$0x0] =	vst.idx.add.f32.msk $0xffff, v3  }
0x280: {  	[tilespmem:v62+s22+$0x0] =	vst.idx.add.f32.msk $0xffff, v1  }
0x281: {  	s0 =	simm.s32 $0x0  }
0x282: {  	s2 =	sand.u32 $0x40, s0;
	s4 =	sand.u32 $0x3F80, s0  }
0x283: {  	s0 =	sand.u32 $0xFE00, s0;
	s4 =	sor.u32 $0x14000, s4;
	s6 =	sor.u32 $0x30, s2  }
0x284: {  	s0 =	sadd.s32 $0xA000, s0;
	s7 =	sor.u32 s6, s4  }
0x285: {  	s6 =	sor.u32 s6, s0;
	v5 =	vld [tilespmem:s7+$0x0]  }
0x286: {  	v0 =	vld [tilespmem:s6+$0x0]  }
0x287: {  	v1 =	vld [tilespmem:s6+$0x80];
	_ =	sdelay $0x1  }
0x288: {  	p0 =	por $0x0, $0x0;
	s7 =	simm.s32 $0x1  }
0x289: {  	s8 =	sor.u32 $0x10, s2;
	s7 =	simm.s32 @!p0 $0x0  }
0x28a: {  	s9 =	sor.u32 s8, s4;
	s7 =	sshll.u32 s7, $0x6;
	v0 =	vmul.f32 v0, v5  }
0x28b: {  	s8 =	sor.u32 s8, s0;
	v6 =	vld [tilespmem:s9+$0x0];
	s28 =	sadd.s32 $0x0, s7;
	v1 =	vmul.f32 v1, v5  }
0x28c: {  	v2 =	vld [tilespmem:s8+$0x0];
	s16 =	sadd.s32 $0x30, s28;
	[tilespmem:s6+$0x0] =	vst v0  }
0x28d: {  	s17 =	sor.u32 $0x100, s16;
	v0 =	vld [tilespmem:s8+$0x80];
	[tilespmem:s6+$0x80] =	vst v1  }
0x28e: {  	s7 =	sor.u32 s2, s0;
	v1 =	vld [tilespmem:s17+$0xA000]  }
0x28f: {  	s2 =	sor.u32 $0x20, s2;
	v3 =	vld [tilespmem:s7+$0x0]  }
0x290: {  	s4 =	sor.u32 s2, s4;
	v10 =	vld [tilespmem:s7+$0x80]  }
0x291: {  	s0 =	sor.u32 s2, s0;
	v7 =	vld [tilespmem:s4+$0x0];
	v2 =	vmul.f32 v2, v6  }
0x292: {  	s18 =	simm.s32 $0x0;
	s12 =	simm.s32 $0x100;
	v8 =	vld [tilespmem:s0+$0x80];
	v9 =	vmul.f32 v0, v6  }
0x293: {  	s13 =	simm.s32 $0x40;
	s19 =	sand.u32 $0xFE00, s12;
	v4 =	vld [tilespmem:s0+$0x0];
	s4 =	sadd.s32 $0x10, s28;
	[tilespmem:s8+$0x0] =	vst v2;
	v1 =	vmul.f32 v1, v5  }
0x294: {  	s11 =	sor.u32 $0x100, s4;
	v0 =	vld [tilespmem:s18+$0x14000];
	[tilespmem:s8+$0x80] =	vst v9;
	s8 =	sand.u32 $0x40, s13;
	s13 =	sand.u32 $0x3F80, s13  }
0x295: {  	s2 =	sor.u32 $0x180, s16;
	v9 =	vld [tilespmem:s11+$0xA000];
	[tilespmem:s17+$0xA000] =	vst v1;
	s25 =	sor.u32 $0x14000, s13;
	s26 =	sor.u32 $0x30, s8  }
0x296: {  	s10 =	sadd.s32 $0xA000, s19;
	v11 =	vld [tilespmem:s2+$0xA000];
	s15 =	sor.u32 s26, s25  }
0x297: {  	v2 =	vmul.f32 v8, v7;
	s12 =	sor.u32 s26, s10;
	v12 =	vld [tilespmem:s15+$0x0]  }
0x298: {  	v1 =	vmul.f32 v4, v7;
	v4 =	vld [tilespmem:s12+$0x0]  }
0x299: {  	[tilespmem:s0+$0x80] =	vst v2;
	s16 =	sor.u32 $0x10, s8;
	s6 =	sor.u32 s8, s10;
	v2 =	vld [tilespmem:s12+$0x80]  }
0x29a: {  	p0 =	por !p0, !p0;
	s14 =	sor.u32 s16, s25;
	v13 =	vld [tilespmem:s6+$0x0]  }
0x29b: {  	s18 =	simm.s32 $0x1;
	s26 =	sor.u32 s16, s10;
	s15 =	sadd.s32 $0x20, s28;
	[tilespmem:s0+$0x0] =	vst v1;
	v1 =	vld [tilespmem:s14+$0x0]  }
0x29c: {  	s18 =	simm.s32 @!p0 $0x0;
	v14 =	vld [tilespmem:s26+$0x0];
	v3 =	vmul.f32 v3, v0;
	s17 =	sor.u32 $0x100, s15  }
0x29d: {  	s19 =	sshll.u32 s18, $0x6;
	s8 =	sor.u32 $0x20, s8;
	v8 =	vld [tilespmem:s17+$0xA000];
	v4 =	vmul.f32 v4, v12  }
0x29e: {  	s9 =	sor.u32 s8, s25;
	s0 =	sadd.s32 $0x100, s19;
	v15 =	vld [tilespmem:s26+$0x80];
	[tilespmem:s7+$0x0] =	vst v3;
	v16 =	vmul.f32 v2, v12  }
0x29f: {  	s8 =	sor.u32 s8, s10;
	s25 =	sadd.s32 $0x30, s0;
	v2 =	vld [tilespmem:s9+$0x0];
	[tilespmem:s12+$0x0] =	vst v4  }
0x2a0: {  	s10 =	sor.u32 $0x100, s25;
	v3 =	vmul.f32 v9, v6;
	v4 =	vmul.f32 v10, v0;
	v10 =	vld [tilespmem:s8+$0x0];
	[tilespmem:s12+$0x80] =	vst v16  }
0x2a1: {  	s14 =	simm.s32 $0x40;
	v9 =	vld [tilespmem:s10+$0xA000]  }
0x2a2: {  	[tilespmem:s11+$0xA000] =	vst v3;
	v3 =	vld [tilespmem:s14+$0x14000];
	v8 =	vmul.f32 v8, v7  }
0x2a3: {  	[tilespmem:s7+$0x80] =	vst v4;
	v4 =	vmul.f32 v14, v1;
	v14 =	vld [tilespmem:s8+$0x80]  }
0x2a4: {  	s29 =	sor.u32 $0x100, s28;
	v15 =	vmul.f32 v15, v1;
	v16 =	vld [tilespmem:s6+$0x80];
	[tilespmem:s17+$0xA000] =	vst v8  }
0x2a5: {  	s11 =	sadd.s32 $0x10, s0;
	s14 =	sor.u32 $0x180, s4;
	s4 =	sor.u32 $0x180, s15;
	v17 =	vld [tilespmem:s29+$0xA000];
	[tilespmem:s26+$0x0] =	vst v4;
	v4 =	vmul.f32 v10, v2  }
0x2a6: {  	s19 =	simm.s32 $0x80;
	[tilespmem:s26+$0x80] =	vst v15;
	s7 =	sor.u32 $0x100, s11;
	v15 =	vld [tilespmem:s4+$0xA000];
	v8 =	vmul.f32 v9, v12  }
0x2a7: {  	s16 =	simm.s32 $0x200;
	s30 =	sand.u32 $0x40, s19;
	s17 =	sand.u32 $0x3F80, s19;
	v10 =	vld [tilespmem:s7+$0xA000];
	[tilespmem:s8+$0x0] =	vst v4  }
0x2a8: {  	s9 =	sor.u32 $0x180, s25;
	s25 =	sor.u32 $0x30, s30;
	s17 =	sor.u32 $0x14000, s17;
	v4 =	vmul.f32 v14, v2;
	v14 =	vld [tilespmem:s14+$0xA000];
	[tilespmem:s10+$0xA000] =	vst v8  }
0x2a9: {  	s15 =	sand.u32 $0xFE00, s16;
	s12 =	sadd.s32 $0x20, s0;
	s26 =	sor.u32 s25, s17;
	v18 =	vld [tilespmem:s9+$0xA000]  }
0x2aa: {  	v5 =	vmul.f32 v11, v5;
	s13 =	sor.u32 $0x100, s12;
	[tilespmem:s8+$0x80] =	vst v4;
	s8 =	sadd.s32 $0xA000, s15;
	v4 =	vld [tilespmem:s26+$0x0]  }
0x2ab: {  	v19 =	vld [tilespmem:s13+$0xA000];
	s15 =	sor.u32 s25, s8  }
0x2ac: {  	[tilespmem:s2+$0xA000] =	vst v5;
	v5 =	vmul.f32 v16, v3;
	s10 =	sor.u32 $0x10, s30;
	v11 =	vld [tilespmem:s15+$0x0]  }
0x2ad: {  	v9 =	vmul.f32 v13, v3;
	s16 =	sor.u32 s10, s17;
	v13 =	vld [tilespmem:s15+$0x80]  }
0x2ae: {  	[tilespmem:s6+$0x80] =	vst v5;
	v16 =	vmul.f32 v17, v0;
	s26 =	sor.u32 s30, s8;
	v5 =	vld [tilespmem:s16+$0x0]  }
0x2af: {  	s31 =	simm.s32 $0x1;
	p0 =	por !p0, !p0;
	[tilespmem:s6+$0x0] =	vst v9;
	v15 =	vmul.f32 v15, v7;
	s10 =	sor.u32 s10, s8;
	v8 =	vld [tilespmem:s26+$0x0]  }
0x2b0: {  	s31 =	simm.s32 @!p0 $0x0;
	v10 =	vmul.f32 v10, v1;
	[tilespmem:s29+$0xA000] =	vst v16;
	v17 =	vld [tilespmem:s10+$0x80]  }
0x2b1: {  	s18 =	sor.u32 $0x20, s30;
	s19 =	sshll.u32 s31, $0x6;
	[tilespmem:s4+$0xA000] =	vst v15;
	v16 =	vld [tilespmem:s10+$0x0];
	v11 =	vmul.f32 v11, v4  }
0x2b2: {  	s19 =	sadd.s32 $0x200, s19;
	s25 =	sor.u32 s18, s17;
	v9 =	vld [tilespmem:s26+$0x80];
	[tilespmem:s7+$0xA000] =	vst v10;
	v10 =	vmul.f32 v13, v4  }
0x2b3: {  	s17 =	sor.u32 s18, s8;
	s7 =	sadd.s32 $0x30, s19;
	v13 =	vmul.f32 v14, v6;
	v6 =	vld [tilespmem:s25+$0x0];
	[tilespmem:s15+$0x0] =	vst v11  }
0x2b4: {  	s8 =	sor.u32 $0x100, s7;
	v11 =	vmul.f32 v18, v12;
	[tilespmem:s15+$0x80] =	vst v10;
	v12 =	vld [tilespmem:s17+$0x0]  }
0x2b5: {  	v17 =	vmul.f32 v17, v5;
	[tilespmem:s14+$0xA000] =	vst v13;
	v14 =	vld [tilespmem:s8+$0xA000]  }
0x2b6: {  	s2 =	sor.u32 $0x100, s0;
	s29 =	sor.u32 $0x180, s28;
	v10 =	vmul.f32 v19, v2;
	[tilespmem:s9+$0xA000] =	vst v11;
	v11 =	vmul.f32 v16, v5;
	v16 =	vld [tilespmem:s17+$0x80]  }
0x2b7: {  	s31 =	sor.u32 $0x180, s0;
	s30 =	sor.u32 $0x180, s11;
	v7 =	vld [tilespmem:s29+$0xA000];
	s15 =	simm.s32 $0x80;
	[tilespmem:s10+$0x80] =	vst v17  }
0x2b8: {  	s28 =	sor.u32 $0x180, s12;
	s16 =	sadd.s32 $0x10, s19;
	s18 =	simm.s32 $0x8;
	[tilespmem:s13+$0xA000] =	vst v10;
	v10 =	vld [tilespmem:s15+$0x14000]  }
0x2b9: {  	s4 =	sor.u32 $0x100, s19;
	s6 =	sor.u32 $0x100, s16;
	s25 =	sadd.s32 $0x20, s19;
	v13 =	vld [tilespmem:s2+$0xA000];
	[tilespmem:s10+$0x0] =	vst v11;
	v11 =	vmul.f32 v12, v6  }
0x2ba: {  	s12 =	sor.u32 $0x180, s19;
	s11 =	sor.u32 $0x180, s16;
	s0 =	sor.u32 $0x180, s25;
	v12 =	vld [tilespmem:s6+$0xA000]  }
0x2bb: {  	s14 =	simm.s32 $0xC0;
	s15 =	sor.u32 $0x100, s25;
	s13 =	simm.s32 $0x300;
	v14 =	vmul.f32 v14, v4;
	[tilespmem:s17+$0x0] =	vst v11;
	v15 =	vmul.f32 v16, v6;
	v11 =	vld [tilespmem:s30+$0xA000]  }
.LBB2_26:
0x2bc: {  	s9 =	sand.u32 $0x40, s14  }
0x2bd: {  	s10 =	sand.u32 $0x3F80, s14;
	v8 =	vmul.f32 v8, v10;
	v9 =	vmul.f32 v9, v10;
	[tilespmem:s8+$0xA000] =	vst v14;
	s7 =	sor.u32 $0x180, s7;
	v14 =	vld [tilespmem:s28+$0xA000];
	s8 =	sand.u32 $0xFE00, s13  }
0x2be: {  	s18 =	sadd.s32 $0x4, s18;
	s10 =	sor.u32 $0x14000, s10;
	s19 =	sor.u32 $0x30, s9;
	[tilespmem:s17+$0x80] =	vst v15;
	v15 =	vld [tilespmem:s7+$0xA000];
	v13 =	vmul.f32 v13, v3  }
0x2bf: {  	p0 =	por !p0, !p0;
	s8 =	sadd.s32 $0xA000, s8;
	s17 =	sor.u32 s19, s10;
	[tilespmem:s26+$0x0] =	vst v8;
	v16 =	vld [tilespmem:s15+$0xA000];
	v7 =	vmul.f32 v7, v0;
	v0 =	vmov v3;
	v3 =	vmov v10  }
0x2c0: {  	s16 =	sor.u32 $0x10, s9;
	p1 =	slt.u32 s18, $0x27C;
	s19 =	sor.u32 s19, s8;
	v10 =	vld [tilespmem:s17+$0x0];
	[tilespmem:s26+$0x80] =	vst v9;
	v8 =	vmul.f32 v12, v5  }
0x2c1: {  	s25 =	sor.u32 s16, s10;
	s26 =	sor.u32 s9, s8;
	s17 =	sor.u32 $0x20, s9;
	v12 =	vld [tilespmem:s19+$0x0];
	[tilespmem:s2+$0xA000] =	vst v13;
	v11 =	vmul.f32 v11, v1;
	v1 =	vmov v5  }
0x2c2: {  	s9 =	sor.u32 s16, s8;
	s10 =	sor.u32 s17, s10;
	s17 =	sor.u32 s17, s8;
	v13 =	vld [tilespmem:s19+$0x80];
	[tilespmem:s6+$0xA000] =	vst v8;
	v14 =	vmul.f32 v14, v2;
	v2 =	vmov v6  }
0x2c3: {  	s16 =	sshra.s32 s13, $0x2;
	s2 =	smov.u32 s4;
	v8 =	vld [tilespmem:s26+$0x0];
	v15 =	vmul.f32 v15, v4;
	[tilespmem:s29+$0xA000] =	vst v7;
	s29 =	smov.u32 s31  }
0x2c4: {  	s4 =	simm.s32 $0x1;
	s31 =	smov.u32 s12;
	v9 =	vld [tilespmem:s26+$0x80];
	v6 =	vmul.f32 v16, v2;
	[tilespmem:s30+$0xA000] =	vst v11;
	s30 =	smov.u32 s11  }
0x2c5: {  	s4 =	simm.s32 @!p0 $0x0;
	v5 =	vld [tilespmem:s25+$0x0];
	[tilespmem:s7+$0xA000] =	vst v15;
	v4 =	vmov v10  }
0x2c6: {  	s4 =	sshll.u32 s4, $0x6;
	v7 =	vld [tilespmem:s9+$0x0];
	v10 =	vmul.f32 v12, v4;
	[tilespmem:s15+$0xA000] =	vst v6  }
0x2c7: {  	s12 =	sadd.s32 s4, s13;
	v11 =	vld [tilespmem:s9+$0x80];
	v12 =	vmul.f32 v13, v4;
	[tilespmem:s28+$0xA000] =	vst v14;
	s28 =	smov.u32 s0  }
0x2c8: {  	s7 =	sadd.s32 $0x30, s12;
	s0 =	sadd.s32 $0x10, s12;
	v6 =	vld [tilespmem:s10+$0x0];
	s10 =	sadd.s32 $0x20, s12;
	[tilespmem:s19+$0x0] =	vst v10  }
0x2c9: {  	s8 =	sor.u32 $0x100, s7;
	s6 =	sor.u32 $0x100, s0;
	v14 =	vld [tilespmem:s17+$0x0];
	s15 =	sor.u32 $0x100, s10;
	[tilespmem:s19+$0x80] =	vst v12  }
0x2ca: {  	s4 =	sor.u32 $0x100, s12;
	s11 =	sor.u32 $0x180, s0;
	s0 =	sor.u32 $0x180, s10;
	v15 =	vld [tilespmem:s8+$0xA000]  }
0x2cb: {  	s12 =	sor.u32 $0x180, s12;
	v7 =	vmul.f32 v7, v5;
	v16 =	vld [tilespmem:s17+$0x80]  }
.Ltmp12:
0x2cc: {  	v10 =	vld [tilespmem:s16+$0x14000];
	v11 =	vmul.f32 v11, v5;
	(pc) =	sbr.rel @p1 .LBB2_26-.Ltmp12, $4  }
0x2cd: {  	[tilespmem:s9+$0x0] =	vst v7;
	v13 =	vld [tilespmem:s2+$0xA000]  }
0x2ce: {  	[tilespmem:s9+$0x80] =	vst v11;
	v11 =	vmul.f32 v14, v6;
	v7 =	vld [tilespmem:s29+$0xA000]  }
0x2cf: {  	v12 =	vld [tilespmem:s6+$0xA000];
	v14 =	vmul.f32 v15, v4  }
0x2d0: {  	s14 =	sadd.s32 $0x40, s14;
	s13 =	sadd.s32 $0x100, s13;
	[tilespmem:s17+$0x0] =	vst v11;
	v15 =	vmul.f32 v16, v6;
	v11 =	vld [tilespmem:s30+$0xA000]  }
0x2d1: {  	v8 =	vmul.f32 v8, v10  }
0x2d2: {  	v9 =	vmul.f32 v9, v10;
	[tilespmem:s17+$0x80] =	vst v15  }
0x2d3: {  	[tilespmem:s26+$0x0] =	vst v8  }
0x2d4: {  	v56 =	vld [tilespmem:s15+$0xA000];
	[tilespmem:s26+$0x80] =	vst v9  }
0x2d5: {  	v9 =	vld [tilespmem:s4+$0xA000];
	_ =	sdelay $0x1  }
0x2d6: {  	v13 =	vmul.f32 v13, v3  }
0x2d7: {  	[tilespmem:s8+$0xA000] =	vst v14;
	s7 =	sor.u32 $0x180, s7;
	v57 =	vld [tilespmem:s28+$0xA000];
	v12 =	vmul.f32 v12, v5  }
0x2d8: {  	v14 =	vld [tilespmem:s7+$0xA000];
	[tilespmem:s2+$0xA000] =	vst v13;
	v8 =	vmul.f32 v56, v6  }
0x2d9: {  	v58 =	vld [tilespmem:s31+$0xA000];
	[tilespmem:s6+$0xA000] =	vst v12;
	v9 =	vmul.f32 v9, v10  }
0x2da: {  	v0 =	vmul.f32 v7, v0;
	v59 =	vld [tilespmem:s11+$0xA000];
	[tilespmem:s15+$0xA000] =	vst v8  }
0x2db: {  	v1 =	vmul.f32 v11, v1;
	v8 =	vld [tilespmem:s0+$0xA000];
	[tilespmem:s4+$0xA000] =	vst v9  }
0x2dc: {  	[tilespmem:s29+$0xA000] =	vst v0;
	v2 =	vmul.f32 v57, v2;
	v60 =	vld [tilespmem:s12+$0xA000]  }
0x2dd: {  	v4 =	vmul.f32 v14, v4;
	[tilespmem:s30+$0xA000] =	vst v1  }
0x2de: {  	[tilespmem:s28+$0xA000] =	vst v2;
	v61 =	vmul.f32 v58, v3  }
0x2df: {  	[tilespmem:s7+$0xA000] =	vst v4;
	v62 =	vmul.f32 v59, v5  }
0x2e0: {  	[tilespmem:s31+$0xA000] =	vst v61;
	v63 =	vmul.f32 v8, v6  }
0x2e1: {  	[tilespmem:s11+$0xA000] =	vst v62;
	v0 =	vmul.f32 v60, v10  }
0x2e2: {  	[tilespmem:s0+$0xA000] =	vst v63  }
0x2e3: {  	s2 =	simm.s32 $0x200;
	[tilespmem:s12+$0xA000] =	vst v0  }
0x2e4: {  	s7 =	simm.s32 $0x6;
	s4 =	simm.s32 $0x400;
	s0 =	rddreg [dreg:$0x7]  }
0x2e5: {  	[hbm4b:s0+s2] =	stream.strided.scatter [tilespmem:s22], [sflag:$0x6], $0xA000, s4, s2, $0x38;
	[tilespmem:$0x1F600] =	vst v63  }
0x2e6: {  	_ =	swait.ge [sflag:s7], $0xA000  }
0x2e7: {  	s30 =	rddreg [dreg:$0x9]  }
0x2e8: {  	s31 =	rddreg [dreg:$0x8];
	s6 =	sadd.s32 $0x1, s30  }
0x2e9: {  	p0 =	sne.s32 s6, s31  }
.Ltmp13:
0x2ea: {  	_ = 	snop;
	(pc) =	sbr.rel @p0 .LBB2_1-.Ltmp13, $3  }
0x2eb: {  	_ =	sdelay $0x1  }
0x2ec: {  	[sflag:s7] =	ssyncset.done $0x0  }
0x2ed: {  	[sflag:s7] =	ssyncadd.s32 $0xFFFF6000  }
0x2ee: {  	_ =	sfence.sel $0x180000  }
0x2ef: {  	[bflag:$0x0] =	sbarrier.arrive $0xFFFF  }
0x2f0: {  	_ =	strace $0x9000004A  }
0x2f1: {  	s0 =	stileid.u32;
	[bflag:$0x2] =	sbarrier.arrive $0xFFFF  }
0x2f2: {  	p0 =	sne.s32 s0, $0x0;
	s0 =	rddreg [dreg:$0x2]  }
0x2f3: {  	s0 =	sadd.s32 @!p0 $0x100000, s0  }
0x2f4: {  	[sflag:s0] =	ssyncadd.tile.s32 @!p0 $0x1;
	_ =	shalt  }
.Lfunc_end2:
_tile_overlayer_lowered:
.L_overlay_start_2:
0x2f5: {  	(tag) =	ssettag $0x2  }
0x2f6: {  	s0 =	rddreg [dreg:$0x0];
	s2 =	stileid.u32  }
0x2f7: {  	s1 =	rddreg [dreg:$0x1];
	p0 =	sne.s32 s2, $0x0  }
0x2f8: {  	s3 =	rddreg [dreg:$0x2];
	[bflag:$0x3] =	sbarrier.arrive $0xFFFF;
	s2 =	simm.s32 @!p0 $0x1C06  }
0x2f9: {  	[timem:s3], [sflag:s2] =	dma.local @!p0 [hbm:s0], s1  }
0x2fa: {  	s0 =	simm.s32 @!p0 $0x6  }
0x2fb: {  	_ =	swait.ge @!p0 [sflag:s0], s1  }
0x2fc: {  	s1 =	ssub.s32 @!p0 $0x0, s1;
	[sflag:s0] =	ssyncset.done @!p0 $0x0  }
0x2fd: {  	[sflag:s0] =	ssyncadd.s32 @!p0 s1  }
0x2fe: {  	[bflag:$0x3] =	sbarrier.arrive $0xFFFF  }
0x2ff: {  	_ =	shalt  }

</sc_bundles>
